<compile_context>
chip_gen: v7x
topology: tpu7x:2x2x1
jax: 0.10.2.dev20260603
libtpu: 0.0.44.dev20260713+nightly
codegen_flags: <defaults>
</compile_context>

<pallas_src>
import functools

import jax
import jax.numpy as jnp
import numpy as np
from jax import lax
from jax.experimental import pallas as pl
from jax.experimental.pallas import tpu as pltpu
from jax.experimental.pallas import tpu_sc as plsc

_ANCHORS = np.array([[[116.0, 90.0], [156.0, 198.0], [373.0, 326.0]],
                     [[30.0, 61.0], [62.0, 45.0], [59.0, 119.0]],
                     [[10.0, 13.0], [16.0, 30.0], [33.0, 23.0]]], dtype=np.float32)
_NUM_CLASSES = 25
_GRIDS = (13, 26, 52)
_NCH = 30
_NT = 512
_NC, _NS = 2, 16
_NW = _NC * _NS
_BPW = _NT // _NW

_SCALED = [(_ANCHORS[i] / np.float32(g)).astype(np.float32)
           for i, g in enumerate(_GRIDS)]


def _softplus(x):
    return jnp.log1p(jnp.exp(-jnp.abs(x))) + jnp.maximum(x, 0.0)


def _bce(logits, tgt):
    return tgt * _softplus(-logits) + (1.0 - tgt) * _softplus(logits)



_DENSE_ROWS = 585

_DENSE_MASK = np.zeros((_DENSE_ROWS, 128), np.float32)
_DENSE_MASK.reshape(-1)[4::_NCH] = 0.5


def _dense_body(x_ref, m_ref, o_ref):
    pid = pl.program_id(0)
    part = jnp.sum(_softplus(x_ref[...]) * m_ref[...])

    @pl.when(pid == 0)
    def _():
        o_ref[0, 0] = 0.0

    o_ref[0, 0] += part


def _dense_sum(pred, mask):
    flat = pred.reshape(-1, _DENSE_ROWS, 128)
    g = flat.shape[0]
    return pl.pallas_call(
        _dense_body,
        grid=(g,),
        in_specs=[pl.BlockSpec((1, _DENSE_ROWS, 128), lambda i: (i, 0, 0)),
                  pl.BlockSpec((_DENSE_ROWS, 128), lambda i: (0, 0))],
        out_specs=pl.BlockSpec(memory_space=pltpu.SMEM),
        out_shape=jax.ShapeDtypeStruct((1, 1), jnp.float32),
    )(flat, mask)



def _sc_cells(ts_v, grid, scaled):
    gf = jnp.float32(grid)
    bx = ts_v[0, :].astype(jnp.int32)
    txf = ts_v[2, :] * gf
    tyf = ts_v[3, :] * gf
    twf = ts_v[4, :] * gf
    thf = ts_v[5, :] * gf
    gx = jnp.clip(txf.astype(jnp.int32), 0, grid - 1)
    gy = jnp.clip(tyf.astype(jnp.int32), 0, grid - 1)
    ious = []
    for k in range(3):
        aw = jnp.float32(scaled[k, 0])
        ah = jnp.float32(scaled[k, 1])
        inter = jnp.minimum(twf, aw) * jnp.minimum(thf, ah)
        union = twf * thf + aw * ah - inter + 1e-9
        ious.append(inter / union)
    best = jnp.where(ious[1] > ious[0], 1, 0)
    best = jnp.where(ious[2] > jnp.maximum(ious[0], ious[1]), 2, best)
    return ((bx * 3 + best) * grid + gy) * grid + gx


def _sc_gather(targets_t, p_l, p_m, p_s):
    mesh = plsc.VectorSubcoreMesh(core_axis_name="c", subcore_axis_name="s")
    out_type = [jax.ShapeDtypeStruct((_NW, 2 * _BPW, 128), jnp.float32)
                for _ in range(3)]

    @functools.partial(
        pl.kernel,
        out_type=out_type,
        mesh=mesh,
        scratch_types=[
            pltpu.VMEM((6, _BPW), jnp.float32),
            pltpu.VMEM((2 * _BPW,), jnp.int32),
            pltpu.VMEM((2 * _BPW, 128), jnp.float32),
            pltpu.SemaphoreType.DMA,
        ],
    )
    def k(tt, t_l, t_m, t_s, o_l, o_m, o_s, ts_v, ridx_v, rows_v, sem):
        wid = lax.axis_index("s") * _NC + lax.axis_index("c")
        base = wid * _BPW
        for j in range(6):
            pltpu.sync_copy(tt.at[j, pl.ds(base, _BPW)], ts_v.at[j])
        for grid, scaled, table, out in (
                (_GRIDS[0], _SCALED[0], t_l, o_l),
                (_GRIDS[1], _SCALED[1], t_m, o_m),
                (_GRIDS[2], _SCALED[2], t_s, o_s)):
            elem0 = _sc_cells(ts_v, grid, scaled) * _NCH
            r0 = lax.shift_right_logical(elem0, 7)
            r1 = lax.shift_right_logical(elem0 + (_NCH - 1), 7)
            ridx_v[pl.ds(0, _BPW)] = r0
            ridx_v[pl.ds(_BPW, _BPW)] = r1
            pltpu.async_copy(table.at[ridx_v], rows_v, sem).wait()
            pltpu.sync_copy(rows_v, out.at[wid])

    return k(targets_t, p_l, p_m, p_s)



def _scale_corr(tt, rows, grid, scaled):
    gf = jnp.float32(grid)
    bx = tt[0, :].astype(jnp.int32)
    cls = tt[1, :].astype(jnp.int32)
    txf = tt[2, :] * gf
    tyf = tt[3, :] * gf
    twf = tt[4, :] * gf
    thf = tt[5, :] * gf
    gx = jnp.clip(txf.astype(jnp.int32), 0, grid - 1)
    gy = jnp.clip(tyf.astype(jnp.int32), 0, grid - 1)
    ious = []
    for k in range(3):
        aw = jnp.float32(scaled[k, 0])
        ah = jnp.float32(scaled[k, 1])
        inter = jnp.minimum(twf, aw) * jnp.minimum(thf, ah)
        union = twf * thf + aw * ah - inter + 1e-9
        ious.append(inter / union)
    best = jnp.where(ious[1] > ious[0], 1, 0)
    best = jnp.where(ious[2] > jnp.maximum(ious[0], ious[1]), 2, best)
    aw = jnp.where(best == 0, scaled[0, 0],
                   jnp.where(best == 1, scaled[1, 0], scaled[2, 0]))
    ah = jnp.where(best == 0, scaled[0, 1],
                   jnp.where(best == 1, scaled[1, 1], scaled[2, 1]))
    cell = ((bx * 3 + best) * grid + gy) * grid + gx

    ii = lax.broadcasted_iota(jnp.int32, (_NT, _NT), 0)
    jj = lax.broadcasted_iota(jnp.int32, (_NT, _NT), 1)
    later = jj > ii
    winner = ~jnp.any((cell[:, None] == cell[None, :]) & later, axis=1)
    key2 = cell * 32 + cls
    clsrep = ~jnp.any((key2[:, None] == key2[None, :]) & later, axis=1)

    tx = txf - gx.astype(jnp.float32)
    ty = tyf - gy.astype(jnp.float32)
    tw = jnp.log(twf / aw + 1e-16)
    th = jnp.log(thf / ah + 1e-16)

    off = lax.bitwise_and(cell * _NCH, 127)
    lane = lax.broadcasted_iota(jnp.int32, (_NT, 2 * 128), 1)
    chan = [jnp.sum(jnp.where(lane == (off + ch)[:, None], rows, 0.0), axis=1)
            for ch in range(_NCH)]
    px, py, pw, ph, po = chan[:5]
    cls_dense = jnp.zeros((_NT,), jnp.float32)
    pc = jnp.zeros((_NT,), jnp.float32)
    for c in range(_NUM_CLASSES):
        v = chan[5 + c]
        cls_dense = cls_dense + _softplus(v)
        pc = pc + jnp.where(cls == c, v, 0.0)

    wterm = (5.0 * (_bce(px, tx) + _bce(py, ty) + (pw - tw) ** 2 + (ph - th) ** 2)
             + _softplus(-po) - 0.5 * _softplus(po)
             + cls_dense)
    flip = _softplus(-pc) - _softplus(pc)
    return (jnp.sum(jnp.where(winner, wterm, 0.0))
            + jnp.sum(jnp.where(clsrep, flip, 0.0)))


def _corr_body(tt_ref, gl_ref, gm_ref, gs_ref, o_ref):
    tt = tt_ref[...]
    total = (_scale_corr(tt, gl_ref[...], _GRIDS[0], _SCALED[0])
             + _scale_corr(tt, gm_ref[...], _GRIDS[1], _SCALED[1])
             + _scale_corr(tt, gs_ref[...], _GRIDS[2], _SCALED[2]))
    o_ref[0, 0] = total


def _corr_sum(targets_t, gl_t, gm_t, gs_t):
    return pl.pallas_call(
        _corr_body,
        out_specs=pl.BlockSpec(memory_space=pltpu.SMEM),
        out_shape=jax.ShapeDtypeStruct((1, 1), jnp.float32),
    )(targets_t, gl_t, gm_t, gs_t)



def kernel(pred_large, pred_medium, pred_small, targets):
    p_l = pred_large.reshape(-1, 128)
    p_m = pred_medium.reshape(-1, 128)
    p_s = pred_small.reshape(-1, 128)
    targets_t = targets.T

    mask = jnp.asarray(_DENSE_MASK)
    d_l = _dense_sum(pred_large, mask)
    d_m = _dense_sum(pred_medium, mask)
    d_s = _dense_sum(pred_small, mask)

    g_l, g_m, g_s = _sc_gather(targets_t, p_l, p_m, p_s)
    rows = [jnp.concatenate([g[:, :_BPW, :], g[:, _BPW:, :]], axis=2)
            .reshape(_NT, 256) for g in (g_l, g_m, g_s)]

    corr = _corr_sum(targets_t, *rows)
    return (d_l + d_m + d_s + corr)[0, 0]

# --- scband reference (transcript-rebuilt; emitter-appended) ---
"""Pipeline reference for scband-yolov3-loss-89189290868800 (READ-ONLY COPY).

The authoritative reference and input builder live on the scoring server;
editing this copy changes nothing except your own understanding.
"""

import jax, jax.numpy as jnp
import numpy as np

ANCHORS = np.array([[[116.0, 90.0], [156.0, 198.0], [373.0, 326.0]],
                    [[30.0, 61.0], [62.0, 45.0], [59.0, 119.0]],
                    [[10.0, 13.0], [16.0, 30.0], [33.0, 23.0]]], dtype=np.float32)
NUM_CLASSES = 25
GRID_SIZES = (13, 26, 52)
LAMBDA_COORD = 5.0
LAMBDA_OBJ = 1.0
LAMBDA_NOOBJ = 0.5
LAMBDA_CLASS = 1.0


def _bce_with_logits(logits, targets):
    # elementwise BCEWithLogitsLoss(reduction='none')
    return targets * jax.nn.softplus(-logits) + (1.0 - targets) * jax.nn.softplus(logits)


def _build_targets(targets, anchors, grid, B, C):
    # faithful vectorization of the per-target python loop (scatter-based target assignment)
    scaled = anchors / grid  # [3,2] normalized anchors (matches buggy-but-faithful unit mix in original)
    b = targets[:, 0].astype(jnp.int32)
    cls = targets[:, 1].astype(jnp.int32)
    tx_f = targets[:, 2] * grid
    ty_f = targets[:, 3] * grid
    tw_f = targets[:, 4] * grid
    th_f = targets[:, 5] * grid
    gx = jnp.clip(tx_f.astype(jnp.int32), 0, grid - 1)
    gy = jnp.clip(ty_f.astype(jnp.int32), 0, grid - 1)
    # IoU between (0,0,w,h) gt boxes (grid units) and (0,0,aw,ah) anchors (normalized), as original
    inter = jnp.minimum(tw_f[:, None], scaled[None, :, 0]) * jnp.minimum(th_f[:, None], scaled[None, :, 1])
    union = (tw_f * th_f)[:, None] + (scaled[:, 0] * scaled[:, 1])[None, :] - inter + 1e-9
    best = jnp.argmax(inter / union, axis=1)
    aw = scaled[best, 0]
    ah = scaled[best, 1]
    obj = jnp.zeros((B, 3, grid, grid), jnp.float32).at[b, best, gy, gx].set(1.0)
    noobj = jnp.ones((B, 3, grid, grid), jnp.float32).at[b, best, gy, gx].set(0.0)
    tx = jnp.zeros((B, 3, grid, grid), jnp.float32).at[b, best, gy, gx].set(tx_f - gx.astype(jnp.float32))
    ty = jnp.zeros((B, 3, grid, grid), jnp.float32).at[b, best, gy, gx].set(ty_f - gy.astype(jnp.float32))
    tw = jnp.zeros((B, 3, grid, grid), jnp.float32).at[b, best, gy, gx].set(jnp.log(tw_f / aw + 1e-16))
    th = jnp.zeros((B, 3, grid, grid), jnp.float32).at[b, best, gy, gx].set(jnp.log(th_f / ah + 1e-16))
    tcls = jnp.zeros((B, 3, grid, grid, C), jnp.float32).at[b, best, gy, gx, cls].set(1.0)
    return obj, noobj, tx, ty, tw, th, tcls


def _scale_loss(pred, targets, anchors, grid):
    B = pred.shape[0]
    C = pred.shape[-1] - 5
    obj, noobj, tx, ty, tw, th, tcls = _build_targets(targets, anchors, grid, B, C)
    loss_x = _bce_with_logits(pred[..., 0], tx)
    loss_y = _bce_with_logits(pred[..., 1], ty)
    loss_w = (pred[..., 2] - tw) ** 2
    loss_h = (pred[..., 3] - th) ** 2
    box_loss = (obj * (loss_x + loss_y + loss_w + loss_h)).sum() * LAMBDA_COORD
    lobj = _bce_with_logits(pred[..., 4], obj)
    obj_loss = (obj * lobj).sum() * LAMBDA_OBJ + (noobj * lobj).sum() * LAMBDA_NOOBJ
    cls_loss = (obj * _bce_with_logits(pred[..., 5:], tcls).sum(axis=-1)).sum() * LAMBDA_CLASS
    return box_loss + obj_loss + cls_loss


def setup_inputs(seed: int = 0) -> dict:
    key = jax.random.key(seed)
    k1, k2, k3, k4, k5, k6 = jax.random.split(key, 6)
    pred_large = jax.random.normal(k1, (64, 3, 13, 13, 30), jnp.float32)
    pred_medium = jax.random.normal(k2, (64, 3, 26, 26, 30), jnp.float32)
    pred_small = jax.random.normal(k3, (64, 3, 52, 52, 30), jnp.float32)
    coords = jax.random.uniform(k4, (512, 4), jnp.float32, 0.02, 0.98)
    bidx = jax.random.randint(k5, (512,), 0, 64).astype(jnp.float32)
    cidx = jax.random.randint(k6, (512,), 0, 25).astype(jnp.float32)
    targets = jnp.concatenate([bidx[:, None], cidx[:, None], coords], axis=1)
    return {"pred_large": pred_large, "pred_medium": pred_medium, "pred_small": pred_small, "targets": targets}


def reference(pred_large, pred_medium, pred_small, targets):
    anchors = jnp.asarray(ANCHORS)
    total = 0.0
    for pred, grid, a in zip((pred_large, pred_medium, pred_small), GRID_SIZES, (anchors[0], anchors[1], anchors[2])):
        total = total + _scale_loss(pred, targets, a, grid)
    return total

if __name__ == "__main__":
    import jax
    _d = setup_inputs()
    print(jax.jit(kernel)(*tuple(_d.values())))

</pallas_src>

<mosaic_0001>
#map = affine_map<(d0, d1) -> (0, 0)>
#map1 = affine_map<(d0, d1) -> (0, 0, 0)>
module attributes {stable_mosaic.version = 14 : i64} {
  func.func @k(%arg0: i32, %arg1: i32, %arg2: memref<6x512xf32, #tpu.memory_space<hbm>>, %arg3: memref<7605x128xf32, #tpu.memory_space<hbm>>, %arg4: memref<30420x128xf32, #tpu.memory_space<hbm>>, %arg5: memref<121680x128xf32, #tpu.memory_space<hbm>>, %arg6: memref<32x32x128xf32, #tpu.memory_space<hbm>>, %arg7: memref<32x32x128xf32, #tpu.memory_space<hbm>>, %arg8: memref<32x32x128xf32, #tpu.memory_space<hbm>>, %arg9: memref<6x16xf32, #tpu.memory_space<vmem>>, %arg10: memref<32xi32, #tpu.memory_space<vmem>>, %arg11: memref<32x128xf32, #tpu.memory_space<vmem>>, %arg12: memref<!tpu.dma_semaphore, #tpu.memory_space<semaphore_mem>>) attributes {dimension_semantics = [#tpu.dimension_semantics<core_parallel>, #tpu.dimension_semantics<subcore_parallel>], iteration_bounds = array<i64: 2, 16>, scalar_prefetch = 0 : i64, scratch_operands = 4 : i64, tpu.core_type = #tpu.core_type<sc_vector_subcore>, window_params = [{transform_indices = #map}, {transform_indices = #map}, {transform_indices = #map}, {transform_indices = #map}, {transform_indices = #map1}, {transform_indices = #map1}, {transform_indices = #map1}]} {
    %mul3A = arith.constant 2 : i32
    %mul3A_0 = arith.muli %arg1, %mul3A : i32
    %add3A = arith.addi %mul3A_0, %arg0 : i32
    %mul3A_1 = arith.constant 16 : i32
    %mul3A_2 = arith.muli %add3A, %mul3A_1 : i32
    %run_scoped3A = arith.constant 0 : i32
    %run_scoped3A_3 = arith.constant 0 : i32
    "tpu.region"() ({
      %run_scoped3A_465 = tpu.sem_alloc : memref<!tpu.dma_semaphore, #tpu.memory_space<semaphore_mem>>
      %dma_start3A_466 = arith.constant 0 : i32
      %dma_start3A_467 = tpu.memref_slice %arg9[%run_scoped3A_3, %dma_start3A_466] : memref<6x16xf32, #tpu.memory_space<vmem>> -> memref<1x16xf32, #tpu.memory_space<vmem>>
      %dma_start3A_468 = tpu.memref_squeeze %dma_start3A_467 : memref<1x16xf32, #tpu.memory_space<vmem>> -> memref<16xf32, #tpu.memory_space<vmem>>
      %dma_start3A_469 = tpu.memref_slice %arg2[%run_scoped3A, %mul3A_2] : memref<6x512xf32, #tpu.memory_space<hbm>> -> memref<1x16xf32, #tpu.memory_space<hbm>>
      %dma_start3A_470 = tpu.memref_squeeze %dma_start3A_469 : memref<1x16xf32, #tpu.memory_space<hbm>> -> memref<16xf32, #tpu.memory_space<hbm>>
      %dma_start3A_471 = arith.constant 0 : i32
      %dma_start3A_472 = tpu.memref_slice %arg9[%run_scoped3A_3, %dma_start3A_471] : memref<6x16xf32, #tpu.memory_space<vmem>> -> memref<1x16xf32, #tpu.memory_space<vmem>>
      %dma_start3A_473 = tpu.memref_squeeze %dma_start3A_472 : memref<1x16xf32, #tpu.memory_space<vmem>> -> memref<16xf32, #tpu.memory_space<vmem>>
      %dma_start3A_474 = tpu.memref_slice %arg2[%run_scoped3A, %mul3A_2] : memref<6x512xf32, #tpu.memory_space<hbm>> -> memref<1x16xf32, #tpu.memory_space<hbm>>
      %dma_start3A_475 = tpu.memref_squeeze %dma_start3A_474 : memref<1x16xf32, #tpu.memory_space<hbm>> -> memref<16xf32, #tpu.memory_space<hbm>>
      tpu.enqueue_dma source(%dma_start3A_475 : memref<16xf32, #tpu.memory_space<hbm>>) target(%dma_start3A_473 : memref<16xf32, #tpu.memory_space<vmem>>) target_semaphore(%run_scoped3A_465 : memref<!tpu.dma_semaphore, #tpu.memory_space<semaphore_mem>>)
      %dma_wait3A_476 = arith.constant 0 : i32
      %dma_wait3A_477 = tpu.memref_slice %arg9[%run_scoped3A_3, %dma_wait3A_476] : memref<6x16xf32, #tpu.memory_space<vmem>> -> memref<1x16xf32, #tpu.memory_space<vmem>>
      %dma_wait3A_478 = tpu.memref_squeeze %dma_wait3A_477 : memref<1x16xf32, #tpu.memory_space<vmem>> -> memref<16xf32, #tpu.memory_space<vmem>>
      %dma_wait3A_479 = tpu.memref_slice %arg2[%run_scoped3A, %mul3A_2] : memref<6x512xf32, #tpu.memory_space<hbm>> -> memref<1x16xf32, #tpu.memory_space<hbm>>
      %dma_wait3A_480 = tpu.memref_squeeze %dma_wait3A_479 : memref<1x16xf32, #tpu.memory_space<hbm>> -> memref<16xf32, #tpu.memory_space<hbm>>
      %dma_wait3A_481 = arith.constant 0 : i32
      %dma_wait3A_482 = tpu.memref_slice %arg9[%run_scoped3A_3, %dma_wait3A_481] : memref<6x16xf32, #tpu.memory_space<vmem>> -> memref<1x16xf32, #tpu.memory_space<vmem>>
      %dma_wait3A_483 = tpu.memref_squeeze %dma_wait3A_482 : memref<1x16xf32, #tpu.memory_space<vmem>> -> memref<16xf32, #tpu.memory_space<vmem>>
      %dma_wait3A_484 = tpu.memref_slice %arg2[%run_scoped3A, %mul3A_2] : memref<6x512xf32, #tpu.memory_space<hbm>> -> memref<1x16xf32, #tpu.memory_space<hbm>>
      %dma_wait3A_485 = tpu.memref_squeeze %dma_wait3A_484 : memref<1x16xf32, #tpu.memory_space<hbm>> -> memref<16xf32, #tpu.memory_space<hbm>>
      tpu.wait_dma2 semaphore(%run_scoped3A_465 : memref<!tpu.dma_semaphore, #tpu.memory_space<semaphore_mem>>) src(%dma_wait3A_485 : memref<16xf32, #tpu.memory_space<hbm>>) dst(%dma_wait3A_483 : memref<16xf32, #tpu.memory_space<vmem>>)
      tpu.yield
    }) : () -> ()
    %run_scoped3A_4 = arith.constant 1 : i32
    %run_scoped3A_5 = arith.constant 1 : i32
    "tpu.region"() ({
      %run_scoped3A_465 = tpu.sem_alloc : memref<!tpu.dma_semaphore, #tpu.memory_space<semaphore_mem>>
      %dma_start3A_466 = arith.constant 0 : i32
      %dma_start3A_467 = tpu.memref_slice %arg9[%run_scoped3A_5, %dma_start3A_466] : memref<6x16xf32, #tpu.memory_space<vmem>> -> memref<1x16xf32, #tpu.memory_space<vmem>>
      %dma_start3A_468 = tpu.memref_squeeze %dma_start3A_467 : memref<1x16xf32, #tpu.memory_space<vmem>> -> memref<16xf32, #tpu.memory_space<vmem>>
      %dma_start3A_469 = tpu.memref_slice %arg2[%run_scoped3A_4, %mul3A_2] : memref<6x512xf32, #tpu.memory_space<hbm>> -> memref<1x16xf32, #tpu.memory_space<hbm>>
      %dma_start3A_470 = tpu.memref_squeeze %dma_start3A_469 : memref<1x16xf32, #tpu.memory_space<hbm>> -> memref<16xf32, #tpu.memory_space<hbm>>
      %dma_start3A_471 = arith.constant 0 : i32
      %dma_start3A_472 = tpu.memref_slice %arg9[%run_scoped3A_5, %dma_start3A_471] : memref<6x16xf32, #tpu.memory_space<vmem>> -> memref<1x16xf32, #tpu.memory_space<vmem>>
      %dma_start3A_473 = tpu.memref_squeeze %dma_start3A_472 : memref<1x16xf32, #tpu.memory_space<vmem>> -> memref<16xf32, #tpu.memory_space<vmem>>
      %dma_start3A_474 = tpu.memref_slice %arg2[%run_scoped3A_4, %mul3A_2] : memref<6x512xf32, #tpu.memory_space<hbm>> -> memref<1x16xf32, #tpu.memory_space<hbm>>
      %dma_start3A_475 = tpu.memref_squeeze %dma_start3A_474 : memref<1x16xf32, #tpu.memory_space<hbm>> -> memref<16xf32, #tpu.memory_space<hbm>>
      tpu.enqueue_dma source(%dma_start3A_475 : memref<16xf32, #tpu.memory_space<hbm>>) target(%dma_start3A_473 : memref<16xf32, #tpu.memory_space<vmem>>) target_semaphore(%run_scoped3A_465 : memref<!tpu.dma_semaphore, #tpu.memory_space<semaphore_mem>>)
      %dma_wait3A_476 = arith.constant 0 : i32
      %dma_wait3A_477 = tpu.memref_slice %arg9[%run_scoped3A_5, %dma_wait3A_476] : memref<6x16xf32, #tpu.memory_space<vmem>> -> memref<1x16xf32, #tpu.memory_space<vmem>>
      %dma_wait3A_478 = tpu.memref_squeeze %dma_wait3A_477 : memref<1x16xf32, #tpu.memory_space<vmem>> -> memref<16xf32, #tpu.memory_space<vmem>>
      %dma_wait3A_479 = tpu.memref_slice %arg2[%run_scoped3A_4, %mul3A_2] : memref<6x512xf32, #tpu.memory_space<hbm>> -> memref<1x16xf32, #tpu.memory_space<hbm>>
      %dma_wait3A_480 = tpu.memref_squeeze %dma_wait3A_479 : memref<1x16xf32, #tpu.memory_space<hbm>> -> memref<16xf32, #tpu.memory_space<hbm>>
      %dma_wait3A_481 = arith.constant 0 : i32
      %dma_wait3A_482 = tpu.memref_slice %arg9[%run_scoped3A_5, %dma_wait3A_481] : memref<6x16xf32, #tpu.memory_space<vmem>> -> memref<1x16xf32, #tpu.memory_space<vmem>>
      %dma_wait3A_483 = tpu.memref_squeeze %dma_wait3A_482 : memref<1x16xf32, #tpu.memory_space<vmem>> -> memref<16xf32, #tpu.memory_space<vmem>>
      %dma_wait3A_484 = tpu.memref_slice %arg2[%run_scoped3A_4, %mul3A_2] : memref<6x512xf32, #tpu.memory_space<hbm>> -> memref<1x16xf32, #tpu.memory_space<hbm>>
      %dma_wait3A_485 = tpu.memref_squeeze %dma_wait3A_484 : memref<1x16xf32, #tpu.memory_space<hbm>> -> memref<16xf32, #tpu.memory_space<hbm>>
      tpu.wait_dma2 semaphore(%run_scoped3A_465 : memref<!tpu.dma_semaphore, #tpu.memory_space<semaphore_mem>>) src(%dma_wait3A_485 : memref<16xf32, #tpu.memory_space<hbm>>) dst(%dma_wait3A_483 : memref<16xf32, #tpu.memory_space<vmem>>)
      tpu.yield
    }) : () -> ()
    %run_scoped3A_6 = arith.constant 2 : i32
    %run_scoped3A_7 = arith.constant 2 : i32
    "tpu.region"() ({
      %run_scoped3A_465 = tpu.sem_alloc : memref<!tpu.dma_semaphore, #tpu.memory_space<semaphore_mem>>
      %dma_start3A_466 = arith.constant 0 : i32
      %dma_start3A_467 = tpu.memref_slice %arg9[%run_scoped3A_7, %dma_start3A_466] : memref<6x16xf32, #tpu.memory_space<vmem>> -> memref<1x16xf32, #tpu.memory_space<vmem>>
      %dma_start3A_468 = tpu.memref_squeeze %dma_start3A_467 : memref<1x16xf32, #tpu.memory_space<vmem>> -> memref<16xf32, #tpu.memory_space<vmem>>
      %dma_start3A_469 = tpu.memref_slice %arg2[%run_scoped3A_6, %mul3A_2] : memref<6x512xf32, #tpu.memory_space<hbm>> -> memref<1x16xf32, #tpu.memory_space<hbm>>
      %dma_start3A_470 = tpu.memref_squeeze %dma_start3A_469 : memref<1x16xf32, #tpu.memory_space<hbm>> -> memref<16xf32, #tpu.memory_space<hbm>>
      %dma_start3A_471 = arith.constant 0 : i32
      %dma_start3A_472 = tpu.memref_slice %arg9[%run_scoped3A_7, %dma_start3A_471] : memref<6x16xf32, #tpu.memory_space<vmem>> -> memref<1x16xf32, #tpu.memory_space<vmem>>
      %dma_start3A_473 = tpu.memref_squeeze %dma_start3A_472 : memref<1x16xf32, #tpu.memory_space<vmem>> -> memref<16xf32, #tpu.memory_space<vmem>>
      %dma_start3A_474 = tpu.memref_slice %arg2[%run_scoped3A_6, %mul3A_2] : memref<6x512xf32, #tpu.memory_space<hbm>> -> memref<1x16xf32, #tpu.memory_space<hbm>>
      %dma_start3A_475 = tpu.memref_squeeze %dma_start3A_474 : memref<1x16xf32, #tpu.memory_space<hbm>> -> memref<16xf32, #tpu.memory_space<hbm>>
      tpu.enqueue_dma source(%dma_start3A_475 : memref<16xf32, #tpu.memory_space<hbm>>) target(%dma_start3A_473 : memref<16xf32, #tpu.memory_space<vmem>>) target_semaphore(%run_scoped3A_465 : memref<!tpu.dma_semaphore, #tpu.memory_space<semaphore_mem>>)
      %dma_wait3A_476 = arith.constant 0 : i32
      %dma_wait3A_477 = tpu.memref_slice %arg9[%run_scoped3A_7, %dma_wait3A_476] : memref<6x16xf32, #tpu.memory_space<vmem>> -> memref<1x16xf32, #tpu.memory_space<vmem>>
      %dma_wait3A_478 = tpu.memref_squeeze %dma_wait3A_477 : memref<1x16xf32, #tpu.memory_space<vmem>> -> memref<16xf32, #tpu.memory_space<vmem>>
      %dma_wait3A_479 = tpu.memref_slice %arg2[%run_scoped3A_6, %mul3A_2] : memref<6x512xf32, #tpu.memory_space<hbm>> -> memref<1x16xf32, #tpu.memory_space<hbm>>
      %dma_wait3A_480 = tpu.memref_squeeze %dma_wait3A_479 : memref<1x16xf32, #tpu.memory_space<hbm>> -> memref<16xf32, #tpu.memory_space<hbm>>
      %dma_wait3A_481 = arith.constant 0 : i32
      %dma_wait3A_482 = tpu.memref_slice %arg9[%run_scoped3A_7, %dma_wait3A_481] : memref<6x16xf32, #tpu.memory_space<vmem>> -> memref<1x16xf32, #tpu.memory_space<vmem>>
      %dma_wait3A_483 = tpu.memref_squeeze %dma_wait3A_482 : memref<1x16xf32, #tpu.memory_space<vmem>> -> memref<16xf32, #tpu.memory_space<vmem>>
      %dma_wait3A_484 = tpu.memref_slice %arg2[%run_scoped3A_6, %mul3A_2] : memref<6x512xf32, #tpu.memory_space<hbm>> -> memref<1x16xf32, #tpu.memory_space<hbm>>
      %dma_wait3A_485 = tpu.memref_squeeze %dma_wait3A_484 : memref<1x16xf32, #tpu.memory_space<hbm>> -> memref<16xf32, #tpu.memory_space<hbm>>
      tpu.wait_dma2 semaphore(%run_scoped3A_465 : memref<!tpu.dma_semaphore, #tpu.memory_space<semaphore_mem>>) src(%dma_wait3A_485 : memref<16xf32, #tpu.memory_space<hbm>>) dst(%dma_wait3A_483 : memref<16xf32, #tpu.memory_space<vmem>>)
      tpu.yield
    }) : () -> ()
    %run_scoped3A_8 = arith.constant 3 : i32
    %run_scoped3A_9 = arith.constant 3 : i32
    "tpu.region"() ({
      %run_scoped3A_465 = tpu.sem_alloc : memref<!tpu.dma_semaphore, #tpu.memory_space<semaphore_mem>>
      %dma_start3A_466 = arith.constant 0 : i32
      %dma_start3A_467 = tpu.memref_slice %arg9[%run_scoped3A_9, %dma_start3A_466] : memref<6x16xf32, #tpu.memory_space<vmem>> -> memref<1x16xf32, #tpu.memory_space<vmem>>
      %dma_start3A_468 = tpu.memref_squeeze %dma_start3A_467 : memref<1x16xf32, #tpu.memory_space<vmem>> -> memref<16xf32, #tpu.memory_space<vmem>>
      %dma_start3A_469 = tpu.memref_slice %arg2[%run_scoped3A_8, %mul3A_2] : memref<6x512xf32, #tpu.memory_space<hbm>> -> memref<1x16xf32, #tpu.memory_space<hbm>>
      %dma_start3A_470 = tpu.memref_squeeze %dma_start3A_469 : memref<1x16xf32, #tpu.memory_space<hbm>> -> memref<16xf32, #tpu.memory_space<hbm>>
      %dma_start3A_471 = arith.constant 0 : i32
      %dma_start3A_472 = tpu.memref_slice %arg9[%run_scoped3A_9, %dma_start3A_471] : memref<6x16xf32, #tpu.memory_space<vmem>> -> memref<1x16xf32, #tpu.memory_space<vmem>>
      %dma_start3A_473 = tpu.memref_squeeze %dma_start3A_472 : memref<1x16xf32, #tpu.memory_space<vmem>> -> memref<16xf32, #tpu.memory_space<vmem>>
      %dma_start3A_474 = tpu.memref_slice %arg2[%run_scoped3A_8, %mul3A_2] : memref<6x512xf32, #tpu.memory_space<hbm>> -> memref<1x16xf32, #tpu.memory_space<hbm>>
      %dma_start3A_475 = tpu.memref_squeeze %dma_start3A_474 : memref<1x16xf32, #tpu.memory_space<hbm>> -> memref<16xf32, #tpu.memory_space<hbm>>
      tpu.enqueue_dma source(%dma_start3A_475 : memref<16xf32, #tpu.memory_space<hbm>>) target(%dma_start3A_473 : memref<16xf32, #tpu.memory_space<vmem>>) target_semaphore(%run_scoped3A_465 : memref<!tpu.dma_semaphore, #tpu.memory_space<semaphore_mem>>)
      %dma_wait3A_476 = arith.constant 0 : i32
      %dma_wait3A_477 = tpu.memref_slice %arg9[%run_scoped3A_9, %dma_wait3A_476] : memref<6x16xf32, #tpu.memory_space<vmem>> -> memref<1x16xf32, #tpu.memory_space<vmem>>
      %dma_wait3A_478 = tpu.memref_squeeze %dma_wait3A_477 : memref<1x16xf32, #tpu.memory_space<vmem>> -> memref<16xf32, #tpu.memory_space<vmem>>
      %dma_wait3A_479 = tpu.memref_slice %arg2[%run_scoped3A_8, %mul3A_2] : memref<6x512xf32, #tpu.memory_space<hbm>> -> memref<1x16xf32, #tpu.memory_space<hbm>>
      %dma_wait3A_480 = tpu.memref_squeeze %dma_wait3A_479 : memref<1x16xf32, #tpu.memory_space<hbm>> -> memref<16xf32, #tpu.memory_space<hbm>>
      %dma_wait3A_481 = arith.constant 0 : i32
      %dma_wait3A_482 = tpu.memref_slice %arg9[%run_scoped3A_9, %dma_wait3A_481] : memref<6x16xf32, #tpu.memory_space<vmem>> -> memref<1x16xf32, #tpu.memory_space<vmem>>
      %dma_wait3A_483 = tpu.memref_squeeze %dma_wait3A_482 : memref<1x16xf32, #tpu.memory_space<vmem>> -> memref<16xf32, #tpu.memory_space<vmem>>
      %dma_wait3A_484 = tpu.memref_slice %arg2[%run_scoped3A_8, %mul3A_2] : memref<6x512xf32, #tpu.memory_space<hbm>> -> memref<1x16xf32, #tpu.memory_space<hbm>>
      %dma_wait3A_485 = tpu.memref_squeeze %dma_wait3A_484 : memref<1x16xf32, #tpu.memory_space<hbm>> -> memref<16xf32, #tpu.memory_space<hbm>>
      tpu.wait_dma2 semaphore(%run_scoped3A_465 : memref<!tpu.dma_semaphore, #tpu.memory_space<semaphore_mem>>) src(%dma_wait3A_485 : memref<16xf32, #tpu.memory_space<hbm>>) dst(%dma_wait3A_483 : memref<16xf32, #tpu.memory_space<vmem>>)
      tpu.yield
    }) : () -> ()
    %run_scoped3A_10 = arith.constant 4 : i32
    %run_scoped3A_11 = arith.constant 4 : i32
    "tpu.region"() ({
      %run_scoped3A_465 = tpu.sem_alloc : memref<!tpu.dma_semaphore, #tpu.memory_space<semaphore_mem>>
      %dma_start3A_466 = arith.constant 0 : i32
      %dma_start3A_467 = tpu.memref_slice %arg9[%run_scoped3A_11, %dma_start3A_466] : memref<6x16xf32, #tpu.memory_space<vmem>> -> memref<1x16xf32, #tpu.memory_space<vmem>>
      %dma_start3A_468 = tpu.memref_squeeze %dma_start3A_467 : memref<1x16xf32, #tpu.memory_space<vmem>> -> memref<16xf32, #tpu.memory_space<vmem>>
      %dma_start3A_469 = tpu.memref_slice %arg2[%run_scoped3A_10, %mul3A_2] : memref<6x512xf32, #tpu.memory_space<hbm>> -> memref<1x16xf32, #tpu.memory_space<hbm>>
      %dma_start3A_470 = tpu.memref_squeeze %dma_start3A_469 : memref<1x16xf32, #tpu.memory_space<hbm>> -> memref<16xf32, #tpu.memory_space<hbm>>
      %dma_start3A_471 = arith.constant 0 : i32
      %dma_start3A_472 = tpu.memref_slice %arg9[%run_scoped3A_11, %dma_start3A_471] : memref<6x16xf32, #tpu.memory_space<vmem>> -> memref<1x16xf32, #tpu.memory_space<vmem>>
      %dma_start3A_473 = tpu.memref_squeeze %dma_start3A_472 : memref<1x16xf32, #tpu.memory_space<vmem>> -> memref<16xf32, #tpu.memory_space<vmem>>
      %dma_start3A_474 = tpu.memref_slice %arg2[%run_scoped3A_10, %mul3A_2] : memref<6x512xf32, #tpu.memory_space<hbm>> -> memref<1x16xf32, #tpu.memory_space<hbm>>
      %dma_start3A_475 = tpu.memref_squeeze %dma_start3A_474 : memref<1x16xf32, #tpu.memory_space<hbm>> -> memref<16xf32, #tpu.memory_space<hbm>>
      tpu.enqueue_dma source(%dma_start3A_475 : memref<16xf32, #tpu.memory_space<hbm>>) target(%dma_start3A_473 : memref<16xf32, #tpu.memory_space<vmem>>) target_semaphore(%run_scoped3A_465 : memref<!tpu.dma_semaphore, #tpu.memory_space<semaphore_mem>>)
      %dma_wait3A_476 = arith.constant 0 : i32
      %dma_wait3A_477 = tpu.memref_slice %arg9[%run_scoped3A_11, %dma_wait3A_476] : memref<6x16xf32, #tpu.memory_space<vmem>> -> memref<1x16xf32, #tpu.memory_space<vmem>>
      %dma_wait3A_478 = tpu.memref_squeeze %dma_wait3A_477 : memref<1x16xf32, #tpu.memory_space<vmem>> -> memref<16xf32, #tpu.memory_space<vmem>>
      %dma_wait3A_479 = tpu.memref_slice %arg2[%run_scoped3A_10, %mul3A_2] : memref<6x512xf32, #tpu.memory_space<hbm>> -> memref<1x16xf32, #tpu.memory_space<hbm>>
      %dma_wait3A_480 = tpu.memref_squeeze %dma_wait3A_479 : memref<1x16xf32, #tpu.memory_space<hbm>> -> memref<16xf32, #tpu.memory_space<hbm>>
      %dma_wait3A_481 = arith.constant 0 : i32
      %dma_wait3A_482 = tpu.memref_slice %arg9[%run_scoped3A_11, %dma_wait3A_481] : memref<6x16xf32, #tpu.memory_space<vmem>> -> memref<1x16xf32, #tpu.memory_space<vmem>>
      %dma_wait3A_483 = tpu.memref_squeeze %dma_wait3A_482 : memref<1x16xf32, #tpu.memory_space<vmem>> -> memref<16xf32, #tpu.memory_space<vmem>>
      %dma_wait3A_484 = tpu.memref_slice %arg2[%run_scoped3A_10, %mul3A_2] : memref<6x512xf32, #tpu.memory_space<hbm>> -> memref<1x16xf32, #tpu.memory_space<hbm>>
      %dma_wait3A_485 = tpu.memref_squeeze %dma_wait3A_484 : memref<1x16xf32, #tpu.memory_space<hbm>> -> memref<16xf32, #tpu.memory_space<hbm>>
      tpu.wait_dma2 semaphore(%run_scoped3A_465 : memref<!tpu.dma_semaphore, #tpu.memory_space<semaphore_mem>>) src(%dma_wait3A_485 : memref<16xf32, #tpu.memory_space<hbm>>) dst(%dma_wait3A_483 : memref<16xf32, #tpu.memory_space<vmem>>)
      tpu.yield
    }) : () -> ()
    %run_scoped3A_12 = arith.constant 5 : i32
    %run_scoped3A_13 = arith.constant 5 : i32
    "tpu.region"() ({
      %run_scoped3A_465 = tpu.sem_alloc : memref<!tpu.dma_semaphore, #tpu.memory_space<semaphore_mem>>
      %dma_start3A_466 = arith.constant 0 : i32
      %dma_start3A_467 = tpu.memref_slice %arg9[%run_scoped3A_13, %dma_start3A_466] : memref<6x16xf32, #tpu.memory_space<vmem>> -> memref<1x16xf32, #tpu.memory_space<vmem>>
      %dma_start3A_468 = tpu.memref_squeeze %dma_start3A_467 : memref<1x16xf32, #tpu.memory_space<vmem>> -> memref<16xf32, #tpu.memory_space<vmem>>
      %dma_start3A_469 = tpu.memref_slice %arg2[%run_scoped3A_12, %mul3A_2] : memref<6x512xf32, #tpu.memory_space<hbm>> -> memref<1x16xf32, #tpu.memory_space<hbm>>
      %dma_start3A_470 = tpu.memref_squeeze %dma_start3A_469 : memref<1x16xf32, #tpu.memory_space<hbm>> -> memref<16xf32, #tpu.memory_space<hbm>>
      %dma_start3A_471 = arith.constant 0 : i32
      %dma_start3A_472 = tpu.memref_slice %arg9[%run_scoped3A_13, %dma_start3A_471] : memref<6x16xf32, #tpu.memory_space<vmem>> -> memref<1x16xf32, #tpu.memory_space<vmem>>
      %dma_start3A_473 = tpu.memref_squeeze %dma_start3A_472 : memref<1x16xf32, #tpu.memory_space<vmem>> -> memref<16xf32, #tpu.memory_space<vmem>>
      %dma_start3A_474 = tpu.memref_slice %arg2[%run_scoped3A_12, %mul3A_2] : memref<6x512xf32, #tpu.memory_space<hbm>> -> memref<1x16xf32, #tpu.memory_space<hbm>>
      %dma_start3A_475 = tpu.memref_squeeze %dma_start3A_474 : memref<1x16xf32, #tpu.memory_space<hbm>> -> memref<16xf32, #tpu.memory_space<hbm>>
      tpu.enqueue_dma source(%dma_start3A_475 : memref<16xf32, #tpu.memory_space<hbm>>) target(%dma_start3A_473 : memref<16xf32, #tpu.memory_space<vmem>>) target_semaphore(%run_scoped3A_465 : memref<!tpu.dma_semaphore, #tpu.memory_space<semaphore_mem>>)
      %dma_wait3A_476 = arith.constant 0 : i32
      %dma_wait3A_477 = tpu.memref_slice %arg9[%run_scoped3A_13, %dma_wait3A_476] : memref<6x16xf32, #tpu.memory_space<vmem>> -> memref<1x16xf32, #tpu.memory_space<vmem>>
      %dma_wait3A_478 = tpu.memref_squeeze %dma_wait3A_477 : memref<1x16xf32, #tpu.memory_space<vmem>> -> memref<16xf32, #tpu.memory_space<vmem>>
      %dma_wait3A_479 = tpu.memref_slice %arg2[%run_scoped3A_12, %mul3A_2] : memref<6x512xf32, #tpu.memory_space<hbm>> -> memref<1x16xf32, #tpu.memory_space<hbm>>
      %dma_wait3A_480 = tpu.memref_squeeze %dma_wait3A_479 : memref<1x16xf32, #tpu.memory_space<hbm>> -> memref<16xf32, #tpu.memory_space<hbm>>
      %dma_wait3A_481 = arith.constant 0 : i32
      %dma_wait3A_482 = tpu.memref_slice %arg9[%run_scoped3A_13, %dma_wait3A_481] : memref<6x16xf32, #tpu.memory_space<vmem>> -> memref<1x16xf32, #tpu.memory_space<vmem>>
      %dma_wait3A_483 = tpu.memref_squeeze %dma_wait3A_482 : memref<1x16xf32, #tpu.memory_space<vmem>> -> memref<16xf32, #tpu.memory_space<vmem>>
      %dma_wait3A_484 = tpu.memref_slice %arg2[%run_scoped3A_12, %mul3A_2] : memref<6x512xf32, #tpu.memory_space<hbm>> -> memref<1x16xf32, #tpu.memory_space<hbm>>
      %dma_wait3A_485 = tpu.memref_squeeze %dma_wait3A_484 : memref<1x16xf32, #tpu.memory_space<hbm>> -> memref<16xf32, #tpu.memory_space<hbm>>
      tpu.wait_dma2 semaphore(%run_scoped3A_465 : memref<!tpu.dma_semaphore, #tpu.memory_space<semaphore_mem>>) src(%dma_wait3A_485 : memref<16xf32, #tpu.memory_space<hbm>>) dst(%dma_wait3A_483 : memref<16xf32, #tpu.memory_space<vmem>>)
      tpu.yield
    }) : () -> ()
    %get3A = arith.constant 0 : i32
    %get3A_14 = arith.index_cast %get3A : i32 to index
    %get3A_15 = arith.constant 0 : index
    %get3A_16 = tpu.vector_load %arg9[%get3A_14, %get3A_15] {strides = array<i32>} : memref<6x16xf32, #tpu.memory_space<vmem>>, vector<1x16xf32>,
    %get3A_17 = vector.shape_cast %get3A_16 : vector<1x16xf32> to vector<16xf32>
    %convert_element_type3A = arith.fptosi %get3A_17 : vector<16xf32> to vector<16xi32>
    %get3A_18 = arith.constant 2 : i32
    %get3A_19 = arith.index_cast %get3A_18 : i32 to index
    %get3A_20 = arith.constant 0 : index
    %get3A_21 = tpu.vector_load %arg9[%get3A_19, %get3A_20] {strides = array<i32>} : memref<6x16xf32, #tpu.memory_space<vmem>>, vector<1x16xf32>,
    %get3A_22 = vector.shape_cast %get3A_21 : vector<1x16xf32> to vector<16xf32>
    %mul3A_23 = arith.constant 1.300000e+01 : f32
    %mul3A_24 = vector.broadcast %mul3A_23 : f32 to vector<16xf32>
    %mul3A_25 = arith.mulf %get3A_22, %mul3A_24 : vector<16xf32>
    %get3A_26 = arith.constant 3 : i32
    %get3A_27 = arith.index_cast %get3A_26 : i32 to index
    %get3A_28 = arith.constant 0 : index
    %get3A_29 = tpu.vector_load %arg9[%get3A_27, %get3A_28] {strides = array<i32>} : memref<6x16xf32, #tpu.memory_space<vmem>>, vector<1x16xf32>,
    %get3A_30 = vector.shape_cast %get3A_29 : vector<1x16xf32> to vector<16xf32>
    %mul3A_31 = arith.constant 1.300000e+01 : f32
    %mul3A_32 = vector.broadcast %mul3A_31 : f32 to vector<16xf32>
    %mul3A_33 = arith.mulf %get3A_30, %mul3A_32 : vector<16xf32>
    %get3A_34 = arith.constant 4 : i32
    %get3A_35 = arith.index_cast %get3A_34 : i32 to index
    %get3A_36 = arith.constant 0 : index
    %get3A_37 = tpu.vector_load %arg9[%get3A_35, %get3A_36] {strides = array<i32>} : memref<6x16xf32, #tpu.memory_space<vmem>>, vector<1x16xf32>,
    %get3A_38 = vector.shape_cast %get3A_37 : vector<1x16xf32> to vector<16xf32>
    %mul3A_39 = arith.constant 1.300000e+01 : f32
    %mul3A_40 = vector.broadcast %mul3A_39 : f32 to vector<16xf32>
    %mul3A_41 = arith.mulf %get3A_38, %mul3A_40 : vector<16xf32>
    %get3A_42 = arith.constant 5 : i32
    %get3A_43 = arith.index_cast %get3A_42 : i32 to index
    %get3A_44 = arith.constant 0 : index
    %get3A_45 = tpu.vector_load %arg9[%get3A_43, %get3A_44] {strides = array<i32>} : memref<6x16xf32, #tpu.memory_space<vmem>>, vector<1x16xf32>,
    %get3A_46 = vector.shape_cast %get3A_45 : vector<1x16xf32> to vector<16xf32>
    %mul3A_47 = arith.constant 1.300000e+01 : f32
    %mul3A_48 = vector.broadcast %mul3A_47 : f32 to vector<16xf32>
    %mul3A_49 = arith.mulf %get3A_46, %mul3A_48 : vector<16xf32>
    %convert_element_type3A_50 = arith.fptosi %mul3A_25 : vector<16xf32> to vector<16xi32>
    %jit3A = arith.constant 0 : i32
    %jit3A_51 = arith.constant 12 : i32
    %max3A = vector.broadcast %jit3A : i32 to vector<16xi32>
    %max3A_52 = arith.maxsi %max3A, %convert_element_type3A_50 : vector<16xi32>
    %min3A = vector.broadcast %jit3A_51 : i32 to vector<16xi32>
    %min3A_53 = arith.minsi %min3A, %max3A_52 : vector<16xi32>
    %convert_element_type3A_54 = arith.fptosi %mul3A_33 : vector<16xf32> to vector<16xi32>
    %jit3A_55 = arith.constant 0 : i32
    %jit3A_56 = arith.constant 12 : i32
    %max3A_57 = vector.broadcast %jit3A_55 : i32 to vector<16xi32>
    %max3A_58 = arith.maxsi %max3A_57, %convert_element_type3A_54 : vector<16xi32>
    %min3A_59 = vector.broadcast %jit3A_56 : i32 to vector<16xi32>
    %min3A_60 = arith.minsi %min3A_59, %max3A_58 : vector<16xi32>
    %min3A_61 = arith.constant 8.92307663 : f32
    %min3A_62 = vector.broadcast %min3A_61 : f32 to vector<16xf32>
    %min3A_63 = arith.minimumf %mul3A_41, %min3A_62 : vector<16xf32>
    %min3A_64 = arith.constant 6.92307711 : f32
    %min3A_65 = vector.broadcast %min3A_64 : f32 to vector<16xf32>
    %min3A_66 = arith.minimumf %mul3A_49, %min3A_65 : vector<16xf32>
    %mul3A_67 = arith.mulf %min3A_63, %min3A_66 : vector<16xf32>
    %mul3A_68 = arith.mulf %mul3A_41, %mul3A_49 : vector<16xf32>
    %mul3A_69 = arith.constant 8.92307663 : f32
    %mul3A_70 = arith.constant 6.92307711 : f32
    %mul3A_71 = arith.mulf %mul3A_69, %mul3A_70 : f32
    %add3A_72 = vector.broadcast %mul3A_71 : f32 to vector<16xf32>
    %add3A_73 = arith.addf %mul3A_68, %add3A_72 : vector<16xf32>
    %sub3A = arith.subf %add3A_73, %mul3A_67 : vector<16xf32>
    %add3A_74 = arith.constant 9.99999971E-10 : f32
    %add3A_75 = vector.broadcast %add3A_74 : f32 to vector<16xf32>
    %add3A_76 = arith.addf %sub3A, %add3A_75 : vector<16xf32>
    %div3A = arith.divf %mul3A_67, %add3A_76 : vector<16xf32>
    %min3A_77 = arith.constant 1.200000e+01 : f32
    %min3A_78 = vector.broadcast %min3A_77 : f32 to vector<16xf32>
    %min3A_79 = arith.minimumf %mul3A_41, %min3A_78 : vector<16xf32>
    %min3A_80 = arith.constant 15.2307692 : f32
    %min3A_81 = vector.broadcast %min3A_80 : f32 to vector<16xf32>
    %min3A_82 = arith.minimumf %mul3A_49, %min3A_81 : vector<16xf32>
    %mul3A_83 = arith.mulf %min3A_79, %min3A_82 : vector<16xf32>
    %mul3A_84 = arith.mulf %mul3A_41, %mul3A_49 : vector<16xf32>
    %mul3A_85 = arith.constant 1.200000e+01 : f32
    %mul3A_86 = arith.constant 15.2307692 : f32
    %mul3A_87 = arith.mulf %mul3A_85, %mul3A_86 : f32
    %add3A_88 = vector.broadcast %mul3A_87 : f32 to vector<16xf32>
    %add3A_89 = arith.addf %mul3A_84, %add3A_88 : vector<16xf32>
    %sub3A_90 = arith.subf %add3A_89, %mul3A_83 : vector<16xf32>
    %add3A_91 = arith.constant 9.99999971E-10 : f32
    %add3A_92 = vector.broadcast %add3A_91 : f32 to vector<16xf32>
    %add3A_93 = arith.addf %sub3A_90, %add3A_92 : vector<16xf32>
    %div3A_94 = arith.divf %mul3A_83, %add3A_93 : vector<16xf32>
    %min3A_95 = arith.constant 28.6923084 : f32
    %min3A_96 = vector.broadcast %min3A_95 : f32 to vector<16xf32>
    %min3A_97 = arith.minimumf %mul3A_41, %min3A_96 : vector<16xf32>
    %min3A_98 = arith.constant 25.0769234 : f32
    %min3A_99 = vector.broadcast %min3A_98 : f32 to vector<16xf32>
    %min3A_100 = arith.minimumf %mul3A_49, %min3A_99 : vector<16xf32>
    %mul3A_101 = arith.mulf %min3A_97, %min3A_100 : vector<16xf32>
    %mul3A_102 = arith.mulf %mul3A_41, %mul3A_49 : vector<16xf32>
    %mul3A_103 = arith.constant 28.6923084 : f32
    %mul3A_104 = arith.constant 25.0769234 : f32
    %mul3A_105 = arith.mulf %mul3A_103, %mul3A_104 : f32
    %add3A_106 = vector.broadcast %mul3A_105 : f32 to vector<16xf32>
    %add3A_107 = arith.addf %mul3A_102, %add3A_106 : vector<16xf32>
    %sub3A_108 = arith.subf %add3A_107, %mul3A_101 : vector<16xf32>
    %add3A_109 = arith.constant 9.99999971E-10 : f32
    %add3A_110 = vector.broadcast %add3A_109 : f32 to vector<16xf32>
    %add3A_111 = arith.addf %sub3A_108, %add3A_110 : vector<16xf32>
    %div3A_112 = arith.divf %mul3A_101, %add3A_111 : vector<16xf32>
    %gt3A = arith.cmpf ogt, %div3A_94, %div3A : vector<16xf32>
    %jit3A_113 = arith.constant 1 : i32
    %jit3A_114 = arith.constant 0 : i32
    %broadcast_in_dim3A = vector.broadcast %jit3A_113 : i32 to vector<16xi32>
    %broadcast_in_dim3A_115 = vector.broadcast %jit3A_114 : i32 to vector<16xi32>
    %select_n3A = arith.select %gt3A, %broadcast_in_dim3A, %broadcast_in_dim3A_115 : vector<16xi1>, vector<16xi32>
    %max3A_116 = arith.maximumf %div3A, %div3A_94 : vector<16xf32>
    %gt3A_117 = arith.cmpf ogt, %div3A_112, %max3A_116 : vector<16xf32>
    %jit3A_118 = arith.constant 2 : i32
    %broadcast_in_dim3A_119 = vector.broadcast %jit3A_118 : i32 to vector<16xi32>
    %select_n3A_120 = arith.select %gt3A_117, %broadcast_in_dim3A_119, %select_n3A : vector<16xi1>, vector<16xi32>
    %mul3A_121 = arith.constant 3 : i32
    %mul3A_122 = vector.broadcast %mul3A_121 : i32 to vector<16xi32>
    %mul3A_123 = arith.muli %convert_element_type3A, %mul3A_122 : vector<16xi32>
    %add3A_124 = arith.addi %mul3A_123, %select_n3A_120 : vector<16xi32>
    %mul3A_125 = arith.constant 13 : i32
    %mul3A_126 = vector.broadcast %mul3A_125 : i32 to vector<16xi32>
    %mul3A_127 = arith.muli %add3A_124, %mul3A_126 : vector<16xi32>
    %add3A_128 = arith.addi %mul3A_127, %min3A_60 : vector<16xi32>
    %mul3A_129 = arith.constant 13 : i32
    %mul3A_130 = vector.broadcast %mul3A_129 : i32 to vector<16xi32>
    %mul3A_131 = arith.muli %add3A_128, %mul3A_130 : vector<16xi32>
    %add3A_132 = arith.addi %mul3A_131, %min3A_53 : vector<16xi32>
    %mul3A_133 = arith.constant 30 : i32
    %mul3A_134 = vector.broadcast %mul3A_133 : i32 to vector<16xi32>
    %mul3A_135 = arith.muli %add3A_132, %mul3A_134 : vector<16xi32>
    %shift_right_logical3A = arith.constant 7 : i32
    %shift_right_logical3A_136 = vector.broadcast %shift_right_logical3A : i32 to vector<16xi32>
    %shift_right_logical3A_137 = arith.shrui %mul3A_135, %shift_right_logical3A_136 : vector<16xi32>
    %add3A_138 = arith.constant 29 : i32
    %add3A_139 = vector.broadcast %add3A_138 : i32 to vector<16xi32>
    %add3A_140 = arith.addi %mul3A_135, %add3A_139 : vector<16xi32>
    %shift_right_logical3A_141 = arith.constant 7 : i32
    %shift_right_logical3A_142 = vector.broadcast %shift_right_logical3A_141 : i32 to vector<16xi32>
    %shift_right_logical3A_143 = arith.shrui %add3A_140, %shift_right_logical3A_142 : vector<16xi32>
    %swap3A = arith.constant 0 : index
    %swap3A_144 = tpu.vector_load %arg10[%swap3A] {strides = array<i32>} : memref<32xi32, #tpu.memory_space<vmem>>, vector<16xi32>,
    %swap3A_145 = vector.shape_cast %swap3A_144 : vector<16xi32> to vector<16xi32>
    %swap3A_146 = vector.shape_cast %shift_right_logical3A_137 : vector<16xi32> to vector<16xi32>
    tpu.vector_store %arg10[%swap3A], %swap3A_146 {strides = array<i32>} : memref<32xi32, #tpu.memory_space<vmem>>, vector<16xi32>,
    %swap3A_147 = arith.constant 16 : index
    %swap3A_148 = tpu.vector_load %arg10[%swap3A_147] {strides = array<i32>} : memref<32xi32, #tpu.memory_space<vmem>>, vector<16xi32>,
    %swap3A_149 = vector.shape_cast %swap3A_148 : vector<16xi32> to vector<16xi32>
    %swap3A_150 = vector.shape_cast %shift_right_logical3A_143 : vector<16xi32> to vector<16xi32>
    tpu.vector_store %arg10[%swap3A_147], %swap3A_150 {strides = array<i32>} : memref<32xi32, #tpu.memory_space<vmem>>, vector<16xi32>,
    %dma_start3A = arith.constant 0 : i32
    %dma_start3A_151 = arith.constant 0 : i32
    %dma_start3A_152 = tpu.memref_slice %arg3[%dma_start3A, %dma_start3A_151] : memref<7605x128xf32, #tpu.memory_space<hbm>> -> memref<7605x128xf32, #tpu.memory_space<hbm>>
    tpu.enqueue_indirect_dma source(%dma_start3A_152 : memref<7605x128xf32, #tpu.memory_space<hbm>>) target(%arg11 : memref<32x128xf32, #tpu.memory_space<vmem>>) offsets(%arg10 : memref<32xi32, #tpu.memory_space<vmem>>) semaphore(%arg12 : memref<!tpu.dma_semaphore, #tpu.memory_space<semaphore_mem>>)
    %dma_wait3A = arith.constant 0 : i32
    %dma_wait3A_153 = arith.constant 0 : i32
    %dma_wait3A_154 = tpu.memref_slice %arg3[%dma_wait3A, %dma_wait3A_153] : memref<7605x128xf32, #tpu.memory_space<hbm>> -> memref<7605x128xf32, #tpu.memory_space<hbm>>
    tpu.wait_indirect_dma semaphore(%arg12 : memref<!tpu.dma_semaphore, #tpu.memory_space<semaphore_mem>>) src(%dma_wait3A_154 : memref<7605x128xf32, #tpu.memory_space<hbm>>) dst(%arg11 : memref<32x128xf32, #tpu.memory_space<vmem>>)
    "tpu.region"() ({
      %run_scoped3A_465 = tpu.sem_alloc : memref<!tpu.dma_semaphore, #tpu.memory_space<semaphore_mem>>
      %dma_start3A_466 = arith.constant 0 : i32
      %dma_start3A_467 = arith.constant 0 : i32
      %dma_start3A_468 = tpu.memref_slice %arg6[%add3A, %dma_start3A_466, %dma_start3A_467] : memref<32x32x128xf32, #tpu.memory_space<hbm>> -> memref<1x32x128xf32, #tpu.memory_space<hbm>>
      %dma_start3A_469 = tpu.memref_squeeze %dma_start3A_468 : memref<1x32x128xf32, #tpu.memory_space<hbm>> -> memref<32x128xf32, #tpu.memory_space<hbm>>
      %dma_start3A_470 = arith.constant 0 : i32
      %dma_start3A_471 = arith.constant 0 : i32
      %dma_start3A_472 = tpu.memref_slice %arg6[%add3A, %dma_start3A_470, %dma_start3A_471] : memref<32x32x128xf32, #tpu.memory_space<hbm>> -> memref<1x32x128xf32, #tpu.memory_space<hbm>>
      %dma_start3A_473 = tpu.memref_squeeze %dma_start3A_472 : memref<1x32x128xf32, #tpu.memory_space<hbm>> -> memref<32x128xf32, #tpu.memory_space<hbm>>
      tpu.enqueue_dma source(%arg11 : memref<32x128xf32, #tpu.memory_space<vmem>>) target(%dma_start3A_473 : memref<32x128xf32, #tpu.memory_space<hbm>>) target_semaphore(%run_scoped3A_465 : memref<!tpu.dma_semaphore, #tpu.memory_space<semaphore_mem>>)
      %dma_wait3A_474 = arith.constant 0 : i32
      %dma_wait3A_475 = arith.constant 0 : i32
      %dma_wait3A_476 = tpu.memref_slice %arg6[%add3A, %dma_wait3A_474, %dma_wait3A_475] : memref<32x32x128xf32, #tpu.memory_space<hbm>> -> memref<1x32x128xf32, #tpu.memory_space<hbm>>
      %dma_wait3A_477 = tpu.memref_squeeze %dma_wait3A_476 : memref<1x32x128xf32, #tpu.memory_space<hbm>> -> memref<32x128xf32, #tpu.memory_space<hbm>>
      %dma_wait3A_478 = arith.constant 0 : i32
      %dma_wait3A_479 = arith.constant 0 : i32
      %dma_wait3A_480 = tpu.memref_slice %arg6[%add3A, %dma_wait3A_478, %dma_wait3A_479] : memref<32x32x128xf32, #tpu.memory_space<hbm>> -> memref<1x32x128xf32, #tpu.memory_space<hbm>>
      %dma_wait3A_481 = tpu.memref_squeeze %dma_wait3A_480 : memref<1x32x128xf32, #tpu.memory_space<hbm>> -> memref<32x128xf32, #tpu.memory_space<hbm>>
      tpu.wait_dma2 semaphore(%run_scoped3A_465 : memref<!tpu.dma_semaphore, #tpu.memory_space<semaphore_mem>>) src(%arg11 : memref<32x128xf32, #tpu.memory_space<vmem>>) dst(%dma_wait3A_481 : memref<32x128xf32, #tpu.memory_space<hbm>>)
      tpu.yield
    }) : () -> ()
    %get3A_155 = arith.constant 0 : i32
    %get3A_156 = arith.index_cast %get3A_155 : i32 to index
    %get3A_157 = arith.constant 0 : index
    %get3A_158 = tpu.vector_load %arg9[%get3A_156, %get3A_157] {strides = array<i32>} : memref<6x16xf32, #tpu.memory_space<vmem>>, vector<1x16xf32>,
    %get3A_159 = vector.shape_cast %get3A_158 : vector<1x16xf32> to vector<16xf32>
    %convert_element_type3A_160 = arith.fptosi %get3A_159 : vector<16xf32> to vector<16xi32>
    %get3A_161 = arith.constant 2 : i32
    %get3A_162 = arith.index_cast %get3A_161 : i32 to index
    %get3A_163 = arith.constant 0 : index
    %get3A_164 = tpu.vector_load %arg9[%get3A_162, %get3A_163] {strides = array<i32>} : memref<6x16xf32, #tpu.memory_space<vmem>>, vector<1x16xf32>,
    %get3A_165 = vector.shape_cast %get3A_164 : vector<1x16xf32> to vector<16xf32>
    %mul3A_166 = arith.constant 2.600000e+01 : f32
    %mul3A_167 = vector.broadcast %mul3A_166 : f32 to vector<16xf32>
    %mul3A_168 = arith.mulf %get3A_165, %mul3A_167 : vector<16xf32>
    %get3A_169 = arith.constant 3 : i32
    %get3A_170 = arith.index_cast %get3A_169 : i32 to index
    %get3A_171 = arith.constant 0 : index
    %get3A_172 = tpu.vector_load %arg9[%get3A_170, %get3A_171] {strides = array<i32>} : memref<6x16xf32, #tpu.memory_space<vmem>>, vector<1x16xf32>,
    %get3A_173 = vector.shape_cast %get3A_172 : vector<1x16xf32> to vector<16xf32>
    %mul3A_174 = arith.constant 2.600000e+01 : f32
    %mul3A_175 = vector.broadcast %mul3A_174 : f32 to vector<16xf32>
    %mul3A_176 = arith.mulf %get3A_173, %mul3A_175 : vector<16xf32>
    %get3A_177 = arith.constant 4 : i32
    %get3A_178 = arith.index_cast %get3A_177 : i32 to index
    %get3A_179 = arith.constant 0 : index
    %get3A_180 = tpu.vector_load %arg9[%get3A_178, %get3A_179] {strides = array<i32>} : memref<6x16xf32, #tpu.memory_space<vmem>>, vector<1x16xf32>,
    %get3A_181 = vector.shape_cast %get3A_180 : vector<1x16xf32> to vector<16xf32>
    %mul3A_182 = arith.constant 2.600000e+01 : f32
    %mul3A_183 = vector.broadcast %mul3A_182 : f32 to vector<16xf32>
    %mul3A_184 = arith.mulf %get3A_181, %mul3A_183 : vector<16xf32>
    %get3A_185 = arith.constant 5 : i32
    %get3A_186 = arith.index_cast %get3A_185 : i32 to index
    %get3A_187 = arith.constant 0 : index
    %get3A_188 = tpu.vector_load %arg9[%get3A_186, %get3A_187] {strides = array<i32>} : memref<6x16xf32, #tpu.memory_space<vmem>>, vector<1x16xf32>,
    %get3A_189 = vector.shape_cast %get3A_188 : vector<1x16xf32> to vector<16xf32>
    %mul3A_190 = arith.constant 2.600000e+01 : f32
    %mul3A_191 = vector.broadcast %mul3A_190 : f32 to vector<16xf32>
    %mul3A_192 = arith.mulf %get3A_189, %mul3A_191 : vector<16xf32>
    %convert_element_type3A_193 = arith.fptosi %mul3A_168 : vector<16xf32> to vector<16xi32>
    %jit3A_194 = arith.constant 0 : i32
    %jit3A_195 = arith.constant 25 : i32
    %max3A_196 = vector.broadcast %jit3A_194 : i32 to vector<16xi32>
    %max3A_197 = arith.maxsi %max3A_196, %convert_element_type3A_193 : vector<16xi32>
    %min3A_198 = vector.broadcast %jit3A_195 : i32 to vector<16xi32>
    %min3A_199 = arith.minsi %min3A_198, %max3A_197 : vector<16xi32>
    %convert_element_type3A_200 = arith.fptosi %mul3A_176 : vector<16xf32> to vector<16xi32>
    %jit3A_201 = arith.constant 0 : i32
    %jit3A_202 = arith.constant 25 : i32
    %max3A_203 = vector.broadcast %jit3A_201 : i32 to vector<16xi32>
    %max3A_204 = arith.maxsi %max3A_203, %convert_element_type3A_200 : vector<16xi32>
    %min3A_205 = vector.broadcast %jit3A_202 : i32 to vector<16xi32>
    %min3A_206 = arith.minsi %min3A_205, %max3A_204 : vector<16xi32>
    %min3A_207 = arith.constant 1.15384614 : f32
    %min3A_208 = vector.broadcast %min3A_207 : f32 to vector<16xf32>
    %min3A_209 = arith.minimumf %mul3A_184, %min3A_208 : vector<16xf32>
    %min3A_210 = arith.constant 2.34615374 : f32
    %min3A_211 = vector.broadcast %min3A_210 : f32 to vector<16xf32>
    %min3A_212 = arith.minimumf %mul3A_192, %min3A_211 : vector<16xf32>
    %mul3A_213 = arith.mulf %min3A_209, %min3A_212 : vector<16xf32>
    %mul3A_214 = arith.mulf %mul3A_184, %mul3A_192 : vector<16xf32>
    %mul3A_215 = arith.constant 1.15384614 : f32
    %mul3A_216 = arith.constant 2.34615374 : f32
    %mul3A_217 = arith.mulf %mul3A_215, %mul3A_216 : f32
    %add3A_218 = vector.broadcast %mul3A_217 : f32 to vector<16xf32>
    %add3A_219 = arith.addf %mul3A_214, %add3A_218 : vector<16xf32>
    %sub3A_220 = arith.subf %add3A_219, %mul3A_213 : vector<16xf32>
    %add3A_221 = arith.constant 9.99999971E-10 : f32
    %add3A_222 = vector.broadcast %add3A_221 : f32 to vector<16xf32>
    %add3A_223 = arith.addf %sub3A_220, %add3A_222 : vector<16xf32>
    %div3A_224 = arith.divf %mul3A_213, %add3A_223 : vector<16xf32>
    %min3A_225 = arith.constant 2.38461542 : f32
    %min3A_226 = vector.broadcast %min3A_225 : f32 to vector<16xf32>
    %min3A_227 = arith.minimumf %mul3A_184, %min3A_226 : vector<16xf32>
    %min3A_228 = arith.constant 1.73076928 : f32
    %min3A_229 = vector.broadcast %min3A_228 : f32 to vector<16xf32>
    %min3A_230 = arith.minimumf %mul3A_192, %min3A_229 : vector<16xf32>
    %mul3A_231 = arith.mulf %min3A_227, %min3A_230 : vector<16xf32>
    %mul3A_232 = arith.mulf %mul3A_184, %mul3A_192 : vector<16xf32>
    %mul3A_233 = arith.constant 2.38461542 : f32
    %mul3A_234 = arith.constant 1.73076928 : f32
    %mul3A_235 = arith.mulf %mul3A_233, %mul3A_234 : f32
    %add3A_236 = vector.broadcast %mul3A_235 : f32 to vector<16xf32>
    %add3A_237 = arith.addf %mul3A_232, %add3A_236 : vector<16xf32>
    %sub3A_238 = arith.subf %add3A_237, %mul3A_231 : vector<16xf32>
    %add3A_239 = arith.constant 9.99999971E-10 : f32
    %add3A_240 = vector.broadcast %add3A_239 : f32 to vector<16xf32>
    %add3A_241 = arith.addf %sub3A_238, %add3A_240 : vector<16xf32>
    %div3A_242 = arith.divf %mul3A_231, %add3A_241 : vector<16xf32>
    %min3A_243 = arith.constant 2.26923084 : f32
    %min3A_244 = vector.broadcast %min3A_243 : f32 to vector<16xf32>
    %min3A_245 = arith.minimumf %mul3A_184, %min3A_244 : vector<16xf32>
    %min3A_246 = arith.constant 4.57692289 : f32
    %min3A_247 = vector.broadcast %min3A_246 : f32 to vector<16xf32>
    %min3A_248 = arith.minimumf %mul3A_192, %min3A_247 : vector<16xf32>
    %mul3A_249 = arith.mulf %min3A_245, %min3A_248 : vector<16xf32>
    %mul3A_250 = arith.mulf %mul3A_184, %mul3A_192 : vector<16xf32>
    %mul3A_251 = arith.constant 2.26923084 : f32
    %mul3A_252 = arith.constant 4.57692289 : f32
    %mul3A_253 = arith.mulf %mul3A_251, %mul3A_252 : f32
    %add3A_254 = vector.broadcast %mul3A_253 : f32 to vector<16xf32>
    %add3A_255 = arith.addf %mul3A_250, %add3A_254 : vector<16xf32>
    %sub3A_256 = arith.subf %add3A_255, %mul3A_249 : vector<16xf32>
    %add3A_257 = arith.constant 9.99999971E-10 : f32
    %add3A_258 = vector.broadcast %add3A_257 : f32 to vector<16xf32>
    %add3A_259 = arith.addf %sub3A_256, %add3A_258 : vector<16xf32>
    %div3A_260 = arith.divf %mul3A_249, %add3A_259 : vector<16xf32>
    %gt3A_261 = arith.cmpf ogt, %div3A_242, %div3A_224 : vector<16xf32>
    %jit3A_262 = arith.constant 1 : i32
    %jit3A_263 = arith.constant 0 : i32
    %broadcast_in_dim3A_264 = vector.broadcast %jit3A_262 : i32 to vector<16xi32>
    %broadcast_in_dim3A_265 = vector.broadcast %jit3A_263 : i32 to vector<16xi32>
    %select_n3A_266 = arith.select %gt3A_261, %broadcast_in_dim3A_264, %broadcast_in_dim3A_265 : vector<16xi1>, vector<16xi32>
    %max3A_267 = arith.maximumf %div3A_224, %div3A_242 : vector<16xf32>
    %gt3A_268 = arith.cmpf ogt, %div3A_260, %max3A_267 : vector<16xf32>
    %jit3A_269 = arith.constant 2 : i32
    %broadcast_in_dim3A_270 = vector.broadcast %jit3A_269 : i32 to vector<16xi32>
    %select_n3A_271 = arith.select %gt3A_268, %broadcast_in_dim3A_270, %select_n3A_266 : vector<16xi1>, vector<16xi32>
    %mul3A_272 = arith.constant 3 : i32
    %mul3A_273 = vector.broadcast %mul3A_272 : i32 to vector<16xi32>
    %mul3A_274 = arith.muli %convert_element_type3A_160, %mul3A_273 : vector<16xi32>
    %add3A_275 = arith.addi %mul3A_274, %select_n3A_271 : vector<16xi32>
    %mul3A_276 = arith.constant 26 : i32
    %mul3A_277 = vector.broadcast %mul3A_276 : i32 to vector<16xi32>
    %mul3A_278 = arith.muli %add3A_275, %mul3A_277 : vector<16xi32>
    %add3A_279 = arith.addi %mul3A_278, %min3A_206 : vector<16xi32>
    %mul3A_280 = arith.constant 26 : i32
    %mul3A_281 = vector.broadcast %mul3A_280 : i32 to vector<16xi32>
    %mul3A_282 = arith.muli %add3A_279, %mul3A_281 : vector<16xi32>
    %add3A_283 = arith.addi %mul3A_282, %min3A_199 : vector<16xi32>
    %mul3A_284 = arith.constant 30 : i32
    %mul3A_285 = vector.broadcast %mul3A_284 : i32 to vector<16xi32>
    %mul3A_286 = arith.muli %add3A_283, %mul3A_285 : vector<16xi32>
    %shift_right_logical3A_287 = arith.constant 7 : i32
    %shift_right_logical3A_288 = vector.broadcast %shift_right_logical3A_287 : i32 to vector<16xi32>
    %shift_right_logical3A_289 = arith.shrui %mul3A_286, %shift_right_logical3A_288 : vector<16xi32>
    %add3A_290 = arith.constant 29 : i32
    %add3A_291 = vector.broadcast %add3A_290 : i32 to vector<16xi32>
    %add3A_292 = arith.addi %mul3A_286, %add3A_291 : vector<16xi32>
    %shift_right_logical3A_293 = arith.constant 7 : i32
    %shift_right_logical3A_294 = vector.broadcast %shift_right_logical3A_293 : i32 to vector<16xi32>
    %shift_right_logical3A_295 = arith.shrui %add3A_292, %shift_right_logical3A_294 : vector<16xi32>
    %swap3A_296 = arith.constant 0 : index
    %swap3A_297 = tpu.vector_load %arg10[%swap3A_296] {strides = array<i32>} : memref<32xi32, #tpu.memory_space<vmem>>, vector<16xi32>,
    %swap3A_298 = vector.shape_cast %swap3A_297 : vector<16xi32> to vector<16xi32>
    %swap3A_299 = vector.shape_cast %shift_right_logical3A_289 : vector<16xi32> to vector<16xi32>
    tpu.vector_store %arg10[%swap3A_296], %swap3A_299 {strides = array<i32>} : memref<32xi32, #tpu.memory_space<vmem>>, vector<16xi32>,
    %swap3A_300 = arith.constant 16 : index
    %swap3A_301 = tpu.vector_load %arg10[%swap3A_300] {strides = array<i32>} : memref<32xi32, #tpu.memory_space<vmem>>, vector<16xi32>,
    %swap3A_302 = vector.shape_cast %swap3A_301 : vector<16xi32> to vector<16xi32>
    %swap3A_303 = vector.shape_cast %shift_right_logical3A_295 : vector<16xi32> to vector<16xi32>
    tpu.vector_store %arg10[%swap3A_300], %swap3A_303 {strides = array<i32>} : memref<32xi32, #tpu.memory_space<vmem>>, vector<16xi32>,
    %dma_start3A_304 = arith.constant 0 : i32
    %dma_start3A_305 = arith.constant 0 : i32
    %dma_start3A_306 = tpu.memref_slice %arg4[%dma_start3A_304, %dma_start3A_305] : memref<30420x128xf32, #tpu.memory_space<hbm>> -> memref<30420x128xf32, #tpu.memory_space<hbm>>
    tpu.enqueue_indirect_dma source(%dma_start3A_306 : memref<30420x128xf32, #tpu.memory_space<hbm>>) target(%arg11 : memref<32x128xf32, #tpu.memory_space<vmem>>) offsets(%arg10 : memref<32xi32, #tpu.memory_space<vmem>>) semaphore(%arg12 : memref<!tpu.dma_semaphore, #tpu.memory_space<semaphore_mem>>)
    %dma_wait3A_307 = arith.constant 0 : i32
    %dma_wait3A_308 = arith.constant 0 : i32
    %dma_wait3A_309 = tpu.memref_slice %arg4[%dma_wait3A_307, %dma_wait3A_308] : memref<30420x128xf32, #tpu.memory_space<hbm>> -> memref<30420x128xf32, #tpu.memory_space<hbm>>
    tpu.wait_indirect_dma semaphore(%arg12 : memref<!tpu.dma_semaphore, #tpu.memory_space<semaphore_mem>>) src(%dma_wait3A_309 : memref<30420x128xf32, #tpu.memory_space<hbm>>) dst(%arg11 : memref<32x128xf32, #tpu.memory_space<vmem>>)
    "tpu.region"() ({
      %run_scoped3A_465 = tpu.sem_alloc : memref<!tpu.dma_semaphore, #tpu.memory_space<semaphore_mem>>
      %dma_start3A_466 = arith.constant 0 : i32
      %dma_start3A_467 = arith.constant 0 : i32
      %dma_start3A_468 = tpu.memref_slice %arg7[%add3A, %dma_start3A_466, %dma_start3A_467] : memref<32x32x128xf32, #tpu.memory_space<hbm>> -> memref<1x32x128xf32, #tpu.memory_space<hbm>>
      %dma_start3A_469 = tpu.memref_squeeze %dma_start3A_468 : memref<1x32x128xf32, #tpu.memory_space<hbm>> -> memref<32x128xf32, #tpu.memory_space<hbm>>
      %dma_start3A_470 = arith.constant 0 : i32
      %dma_start3A_471 = arith.constant 0 : i32
      %dma_start3A_472 = tpu.memref_slice %arg7[%add3A, %dma_start3A_470, %dma_start3A_471] : memref<32x32x128xf32, #tpu.memory_space<hbm>> -> memref<1x32x128xf32, #tpu.memory_space<hbm>>
      %dma_start3A_473 = tpu.memref_squeeze %dma_start3A_472 : memref<1x32x128xf32, #tpu.memory_space<hbm>> -> memref<32x128xf32, #tpu.memory_space<hbm>>
      tpu.enqueue_dma source(%arg11 : memref<32x128xf32, #tpu.memory_space<vmem>>) target(%dma_start3A_473 : memref<32x128xf32, #tpu.memory_space<hbm>>) target_semaphore(%run_scoped3A_465 : memref<!tpu.dma_semaphore, #tpu.memory_space<semaphore_mem>>)
      %dma_wait3A_474 = arith.constant 0 : i32
      %dma_wait3A_475 = arith.constant 0 : i32
      %dma_wait3A_476 = tpu.memref_slice %arg7[%add3A, %dma_wait3A_474, %dma_wait3A_475] : memref<32x32x128xf32, #tpu.memory_space<hbm>> -> memref<1x32x128xf32, #tpu.memory_space<hbm>>
      %dma_wait3A_477 = tpu.memref_squeeze %dma_wait3A_476 : memref<1x32x128xf32, #tpu.memory_space<hbm>> -> memref<32x128xf32, #tpu.memory_space<hbm>>
      %dma_wait3A_478 = arith.constant 0 : i32
      %dma_wait3A_479 = arith.constant 0 : i32
      %dma_wait3A_480 = tpu.memref_slice %arg7[%add3A, %dma_wait3A_478, %dma_wait3A_479] : memref<32x32x128xf32, #tpu.memory_space<hbm>> -> memref<1x32x128xf32, #tpu.memory_space<hbm>>
      %dma_wait3A_481 = tpu.memref_squeeze %dma_wait3A_480 : memref<1x32x128xf32, #tpu.memory_space<hbm>> -> memref<32x128xf32, #tpu.memory_space<hbm>>
      tpu.wait_dma2 semaphore(%run_scoped3A_465 : memref<!tpu.dma_semaphore, #tpu.memory_space<semaphore_mem>>) src(%arg11 : memref<32x128xf32, #tpu.memory_space<vmem>>) dst(%dma_wait3A_481 : memref<32x128xf32, #tpu.memory_space<hbm>>)
      tpu.yield
    }) : () -> ()
    %get3A_310 = arith.constant 0 : i32
    %get3A_311 = arith.index_cast %get3A_310 : i32 to index
    %get3A_312 = arith.constant 0 : index
    %get3A_313 = tpu.vector_load %arg9[%get3A_311, %get3A_312] {strides = array<i32>} : memref<6x16xf32, #tpu.memory_space<vmem>>, vector<1x16xf32>,
    %get3A_314 = vector.shape_cast %get3A_313 : vector<1x16xf32> to vector<16xf32>
    %convert_element_type3A_315 = arith.fptosi %get3A_314 : vector<16xf32> to vector<16xi32>
    %get3A_316 = arith.constant 2 : i32
    %get3A_317 = arith.index_cast %get3A_316 : i32 to index
    %get3A_318 = arith.constant 0 : index
    %get3A_319 = tpu.vector_load %arg9[%get3A_317, %get3A_318] {strides = array<i32>} : memref<6x16xf32, #tpu.memory_space<vmem>>, vector<1x16xf32>,
    %get3A_320 = vector.shape_cast %get3A_319 : vector<1x16xf32> to vector<16xf32>
    %mul3A_321 = arith.constant 5.200000e+01 : f32
    %mul3A_322 = vector.broadcast %mul3A_321 : f32 to vector<16xf32>
    %mul3A_323 = arith.mulf %get3A_320, %mul3A_322 : vector<16xf32>
    %get3A_324 = arith.constant 3 : i32
    %get3A_325 = arith.index_cast %get3A_324 : i32 to index
    %get3A_326 = arith.constant 0 : index
    %get3A_327 = tpu.vector_load %arg9[%get3A_325, %get3A_326] {strides = array<i32>} : memref<6x16xf32, #tpu.memory_space<vmem>>, vector<1x16xf32>,
    %get3A_328 = vector.shape_cast %get3A_327 : vector<1x16xf32> to vector<16xf32>
    %mul3A_329 = arith.constant 5.200000e+01 : f32
    %mul3A_330 = vector.broadcast %mul3A_329 : f32 to vector<16xf32>
    %mul3A_331 = arith.mulf %get3A_328, %mul3A_330 : vector<16xf32>
    %get3A_332 = arith.constant 4 : i32
    %get3A_333 = arith.index_cast %get3A_332 : i32 to index
    %get3A_334 = arith.constant 0 : index
    %get3A_335 = tpu.vector_load %arg9[%get3A_333, %get3A_334] {strides = array<i32>} : memref<6x16xf32, #tpu.memory_space<vmem>>, vector<1x16xf32>,
    %get3A_336 = vector.shape_cast %get3A_335 : vector<1x16xf32> to vector<16xf32>
    %mul3A_337 = arith.constant 5.200000e+01 : f32
    %mul3A_338 = vector.broadcast %mul3A_337 : f32 to vector<16xf32>
    %mul3A_339 = arith.mulf %get3A_336, %mul3A_338 : vector<16xf32>
    %get3A_340 = arith.constant 5 : i32
    %get3A_341 = arith.index_cast %get3A_340 : i32 to index
    %get3A_342 = arith.constant 0 : index
    %get3A_343 = tpu.vector_load %arg9[%get3A_341, %get3A_342] {strides = array<i32>} : memref<6x16xf32, #tpu.memory_space<vmem>>, vector<1x16xf32>,
    %get3A_344 = vector.shape_cast %get3A_343 : vector<1x16xf32> to vector<16xf32>
    %mul3A_345 = arith.constant 5.200000e+01 : f32
    %mul3A_346 = vector.broadcast %mul3A_345 : f32 to vector<16xf32>
    %mul3A_347 = arith.mulf %get3A_344, %mul3A_346 : vector<16xf32>
    %convert_element_type3A_348 = arith.fptosi %mul3A_323 : vector<16xf32> to vector<16xi32>
    %jit3A_349 = arith.constant 0 : i32
    %jit3A_350 = arith.constant 51 : i32
    %max3A_351 = vector.broadcast %jit3A_349 : i32 to vector<16xi32>
    %max3A_352 = arith.maxsi %max3A_351, %convert_element_type3A_348 : vector<16xi32>
    %min3A_353 = vector.broadcast %jit3A_350 : i32 to vector<16xi32>
    %min3A_354 = arith.minsi %min3A_353, %max3A_352 : vector<16xi32>
    %convert_element_type3A_355 = arith.fptosi %mul3A_331 : vector<16xf32> to vector<16xi32>
    %jit3A_356 = arith.constant 0 : i32
    %jit3A_357 = arith.constant 51 : i32
    %max3A_358 = vector.broadcast %jit3A_356 : i32 to vector<16xi32>
    %max3A_359 = arith.maxsi %max3A_358, %convert_element_type3A_355 : vector<16xi32>
    %min3A_360 = vector.broadcast %jit3A_357 : i32 to vector<16xi32>
    %min3A_361 = arith.minsi %min3A_360, %max3A_359 : vector<16xi32>
    %min3A_362 = arith.constant 0.192307696 : f32
    %min3A_363 = vector.broadcast %min3A_362 : f32 to vector<16xf32>
    %min3A_364 = arith.minimumf %mul3A_339, %min3A_363 : vector<16xf32>
    %min3A_365 = arith.constant 2.500000e-01 : f32
    %min3A_366 = vector.broadcast %min3A_365 : f32 to vector<16xf32>
    %min3A_367 = arith.minimumf %mul3A_347, %min3A_366 : vector<16xf32>
    %mul3A_368 = arith.mulf %min3A_364, %min3A_367 : vector<16xf32>
    %mul3A_369 = arith.mulf %mul3A_339, %mul3A_347 : vector<16xf32>
    %mul3A_370 = arith.constant 0.192307696 : f32
    %mul3A_371 = arith.constant 2.500000e-01 : f32
    %mul3A_372 = arith.mulf %mul3A_370, %mul3A_371 : f32
    %add3A_373 = vector.broadcast %mul3A_372 : f32 to vector<16xf32>
    %add3A_374 = arith.addf %mul3A_369, %add3A_373 : vector<16xf32>
    %sub3A_375 = arith.subf %add3A_374, %mul3A_368 : vector<16xf32>
    %add3A_376 = arith.constant 9.99999971E-10 : f32
    %add3A_377 = vector.broadcast %add3A_376 : f32 to vector<16xf32>
    %add3A_378 = arith.addf %sub3A_375, %add3A_377 : vector<16xf32>
    %div3A_379 = arith.divf %mul3A_368, %add3A_378 : vector<16xf32>
    %min3A_380 = arith.constant 0.307692319 : f32
    %min3A_381 = vector.broadcast %min3A_380 : f32 to vector<16xf32>
    %min3A_382 = arith.minimumf %mul3A_339, %min3A_381 : vector<16xf32>
    %min3A_383 = arith.constant 0.576923072 : f32
    %min3A_384 = vector.broadcast %min3A_383 : f32 to vector<16xf32>
    %min3A_385 = arith.minimumf %mul3A_347, %min3A_384 : vector<16xf32>
    %mul3A_386 = arith.mulf %min3A_382, %min3A_385 : vector<16xf32>
    %mul3A_387 = arith.mulf %mul3A_339, %mul3A_347 : vector<16xf32>
    %mul3A_388 = arith.constant 0.307692319 : f32
    %mul3A_389 = arith.constant 0.576923072 : f32
    %mul3A_390 = arith.mulf %mul3A_388, %mul3A_389 : f32
    %add3A_391 = vector.broadcast %mul3A_390 : f32 to vector<16xf32>
    %add3A_392 = arith.addf %mul3A_387, %add3A_391 : vector<16xf32>
    %sub3A_393 = arith.subf %add3A_392, %mul3A_386 : vector<16xf32>
    %add3A_394 = arith.constant 9.99999971E-10 : f32
    %add3A_395 = vector.broadcast %add3A_394 : f32 to vector<16xf32>
    %add3A_396 = arith.addf %sub3A_393, %add3A_395 : vector<16xf32>
    %div3A_397 = arith.divf %mul3A_386, %add3A_396 : vector<16xf32>
    %min3A_398 = arith.constant 0.634615361 : f32
    %min3A_399 = vector.broadcast %min3A_398 : f32 to vector<16xf32>
    %min3A_400 = arith.minimumf %mul3A_339, %min3A_399 : vector<16xf32>
    %min3A_401 = arith.constant 0.442307681 : f32
    %min3A_402 = vector.broadcast %min3A_401 : f32 to vector<16xf32>
    %min3A_403 = arith.minimumf %mul3A_347, %min3A_402 : vector<16xf32>
    %mul3A_404 = arith.mulf %min3A_400, %min3A_403 : vector<16xf32>
    %mul3A_405 = arith.mulf %mul3A_339, %mul3A_347 : vector<16xf32>
    %mul3A_406 = arith.constant 0.634615361 : f32
    %mul3A_407 = arith.constant 0.442307681 : f32
    %mul3A_408 = arith.mulf %mul3A_406, %mul3A_407 : f32
    %add3A_409 = vector.broadcast %mul3A_408 : f32 to vector<16xf32>
    %add3A_410 = arith.addf %mul3A_405, %add3A_409 : vector<16xf32>
    %sub3A_411 = arith.subf %add3A_410, %mul3A_404 : vector<16xf32>
    %add3A_412 = arith.constant 9.99999971E-10 : f32
    %add3A_413 = vector.broadcast %add3A_412 : f32 to vector<16xf32>
    %add3A_414 = arith.addf %sub3A_411, %add3A_413 : vector<16xf32>
    %div3A_415 = arith.divf %mul3A_404, %add3A_414 : vector<16xf32>
    %gt3A_416 = arith.cmpf ogt, %div3A_397, %div3A_379 : vector<16xf32>
    %jit3A_417 = arith.constant 1 : i32
    %jit3A_418 = arith.constant 0 : i32
    %broadcast_in_dim3A_419 = vector.broadcast %jit3A_417 : i32 to vector<16xi32>
    %broadcast_in_dim3A_420 = vector.broadcast %jit3A_418 : i32 to vector<16xi32>
    %select_n3A_421 = arith.select %gt3A_416, %broadcast_in_dim3A_419, %broadcast_in_dim3A_420 : vector<16xi1>, vector<16xi32>
    %max3A_422 = arith.maximumf %div3A_379, %div3A_397 : vector<16xf32>
    %gt3A_423 = arith.cmpf ogt, %div3A_415, %max3A_422 : vector<16xf32>
    %jit3A_424 = arith.constant 2 : i32
    %broadcast_in_dim3A_425 = vector.broadcast %jit3A_424 : i32 to vector<16xi32>
    %select_n3A_426 = arith.select %gt3A_423, %broadcast_in_dim3A_425, %select_n3A_421 : vector<16xi1>, vector<16xi32>
    %mul3A_427 = arith.constant 3 : i32
    %mul3A_428 = vector.broadcast %mul3A_427 : i32 to vector<16xi32>
    %mul3A_429 = arith.muli %convert_element_type3A_315, %mul3A_428 : vector<16xi32>
    %add3A_430 = arith.addi %mul3A_429, %select_n3A_426 : vector<16xi32>
    %mul3A_431 = arith.constant 52 : i32
    %mul3A_432 = vector.broadcast %mul3A_431 : i32 to vector<16xi32>
    %mul3A_433 = arith.muli %add3A_430, %mul3A_432 : vector<16xi32>
    %add3A_434 = arith.addi %mul3A_433, %min3A_361 : vector<16xi32>
    %mul3A_435 = arith.constant 52 : i32
    %mul3A_436 = vector.broadcast %mul3A_435 : i32 to vector<16xi32>
    %mul3A_437 = arith.muli %add3A_434, %mul3A_436 : vector<16xi32>
    %add3A_438 = arith.addi %mul3A_437, %min3A_354 : vector<16xi32>
    %mul3A_439 = arith.constant 30 : i32
    %mul3A_440 = vector.broadcast %mul3A_439 : i32 to vector<16xi32>
    %mul3A_441 = arith.muli %add3A_438, %mul3A_440 : vector<16xi32>
    %shift_right_logical3A_442 = arith.constant 7 : i32
    %shift_right_logical3A_443 = vector.broadcast %shift_right_logical3A_442 : i32 to vector<16xi32>
    %shift_right_logical3A_444 = arith.shrui %mul3A_441, %shift_right_logical3A_443 : vector<16xi32>
    %add3A_445 = arith.constant 29 : i32
    %add3A_446 = vector.broadcast %add3A_445 : i32 to vector<16xi32>
    %add3A_447 = arith.addi %mul3A_441, %add3A_446 : vector<16xi32>
    %shift_right_logical3A_448 = arith.constant 7 : i32
    %shift_right_logical3A_449 = vector.broadcast %shift_right_logical3A_448 : i32 to vector<16xi32>
    %shift_right_logical3A_450 = arith.shrui %add3A_447, %shift_right_logical3A_449 : vector<16xi32>
    %swap3A_451 = arith.constant 0 : index
    %swap3A_452 = tpu.vector_load %arg10[%swap3A_451] {strides = array<i32>} : memref<32xi32, #tpu.memory_space<vmem>>, vector<16xi32>,
    %swap3A_453 = vector.shape_cast %swap3A_452 : vector<16xi32> to vector<16xi32>
    %swap3A_454 = vector.shape_cast %shift_right_logical3A_444 : vector<16xi32> to vector<16xi32>
    tpu.vector_store %arg10[%swap3A_451], %swap3A_454 {strides = array<i32>} : memref<32xi32, #tpu.memory_space<vmem>>, vector<16xi32>,
    %swap3A_455 = arith.constant 16 : index
    %swap3A_456 = tpu.vector_load %arg10[%swap3A_455] {strides = array<i32>} : memref<32xi32, #tpu.memory_space<vmem>>, vector<16xi32>,
    %swap3A_457 = vector.shape_cast %swap3A_456 : vector<16xi32> to vector<16xi32>
    %swap3A_458 = vector.shape_cast %shift_right_logical3A_450 : vector<16xi32> to vector<16xi32>
    tpu.vector_store %arg10[%swap3A_455], %swap3A_458 {strides = array<i32>} : memref<32xi32, #tpu.memory_space<vmem>>, vector<16xi32>,
    %dma_start3A_459 = arith.constant 0 : i32
    %dma_start3A_460 = arith.constant 0 : i32
    %dma_start3A_461 = tpu.memref_slice %arg5[%dma_start3A_459, %dma_start3A_460] : memref<121680x128xf32, #tpu.memory_space<hbm>> -> memref<121680x128xf32, #tpu.memory_space<hbm>>
    tpu.enqueue_indirect_dma source(%dma_start3A_461 : memref<121680x128xf32, #tpu.memory_space<hbm>>) target(%arg11 : memref<32x128xf32, #tpu.memory_space<vmem>>) offsets(%arg10 : memref<32xi32, #tpu.memory_space<vmem>>) semaphore(%arg12 : memref<!tpu.dma_semaphore, #tpu.memory_space<semaphore_mem>>)
    %dma_wait3A_462 = arith.constant 0 : i32
    %dma_wait3A_463 = arith.constant 0 : i32
    %dma_wait3A_464 = tpu.memref_slice %arg5[%dma_wait3A_462, %dma_wait3A_463] : memref<121680x128xf32, #tpu.memory_space<hbm>> -> memref<121680x128xf32, #tpu.memory_space<hbm>>
    tpu.wait_indirect_dma semaphore(%arg12 : memref<!tpu.dma_semaphore, #tpu.memory_space<semaphore_mem>>) src(%dma_wait3A_464 : memref<121680x128xf32, #tpu.memory_space<hbm>>) dst(%arg11 : memref<32x128xf32, #tpu.memory_space<vmem>>)
    "tpu.region"() ({
      %run_scoped3A_465 = tpu.sem_alloc : memref<!tpu.dma_semaphore, #tpu.memory_space<semaphore_mem>>
      %dma_start3A_466 = arith.constant 0 : i32
      %dma_start3A_467 = arith.constant 0 : i32
      %dma_start3A_468 = tpu.memref_slice %arg8[%add3A, %dma_start3A_466, %dma_start3A_467] : memref<32x32x128xf32, #tpu.memory_space<hbm>> -> memref<1x32x128xf32, #tpu.memory_space<hbm>>
      %dma_start3A_469 = tpu.memref_squeeze %dma_start3A_468 : memref<1x32x128xf32, #tpu.memory_space<hbm>> -> memref<32x128xf32, #tpu.memory_space<hbm>>
      %dma_start3A_470 = arith.constant 0 : i32
      %dma_start3A_471 = arith.constant 0 : i32
      %dma_start3A_472 = tpu.memref_slice %arg8[%add3A, %dma_start3A_470, %dma_start3A_471] : memref<32x32x128xf32, #tpu.memory_space<hbm>> -> memref<1x32x128xf32, #tpu.memory_space<hbm>>
      %dma_start3A_473 = tpu.memref_squeeze %dma_start3A_472 : memref<1x32x128xf32, #tpu.memory_space<hbm>> -> memref<32x128xf32, #tpu.memory_space<hbm>>
      tpu.enqueue_dma source(%arg11 : memref<32x128xf32, #tpu.memory_space<vmem>>) target(%dma_start3A_473 : memref<32x128xf32, #tpu.memory_space<hbm>>) target_semaphore(%run_scoped3A_465 : memref<!tpu.dma_semaphore, #tpu.memory_space<semaphore_mem>>)
      %dma_wait3A_474 = arith.constant 0 : i32
      %dma_wait3A_475 = arith.constant 0 : i32
      %dma_wait3A_476 = tpu.memref_slice %arg8[%add3A, %dma_wait3A_474, %dma_wait3A_475] : memref<32x32x128xf32, #tpu.memory_space<hbm>> -> memref<1x32x128xf32, #tpu.memory_space<hbm>>
      %dma_wait3A_477 = tpu.memref_squeeze %dma_wait3A_476 : memref<1x32x128xf32, #tpu.memory_space<hbm>> -> memref<32x128xf32, #tpu.memory_space<hbm>>
      %dma_wait3A_478 = arith.constant 0 : i32
      %dma_wait3A_479 = arith.constant 0 : i32
      %dma_wait3A_480 = tpu.memref_slice %arg8[%add3A, %dma_wait3A_478, %dma_wait3A_479] : memref<32x32x128xf32, #tpu.memory_space<hbm>> -> memref<1x32x128xf32, #tpu.memory_space<hbm>>
      %dma_wait3A_481 = tpu.memref_squeeze %dma_wait3A_480 : memref<1x32x128xf32, #tpu.memory_space<hbm>> -> memref<32x128xf32, #tpu.memory_space<hbm>>
      tpu.wait_dma2 semaphore(%run_scoped3A_465 : memref<!tpu.dma_semaphore, #tpu.memory_space<semaphore_mem>>) src(%arg11 : memref<32x128xf32, #tpu.memory_space<vmem>>) dst(%dma_wait3A_481 : memref<32x128xf32, #tpu.memory_space<hbm>>)
      tpu.yield
    }) : () -> ()
    return
  }
}

module attributes {stable_mosaic.version = 14 : i64} {
  func.func @_dense_body(%arg0: i32, %arg1: memref<1x585x128xf32, #tpu.memory_space<vmem>>, %arg2: memref<585x128xf32, #tpu.memory_space<vmem>>, %arg3: memref<1x1xf32, #tpu.memory_space<smem>>) attributes {dimension_semantics = [#tpu.dimension_semantics<arbitrary>], iteration_bounds = array<i64: 13>, scalar_prefetch = 0 : i64, scratch_operands = 0 : i64, tpu.core_type = #tpu.core_type<tc>, window_params = [{transform_indices = @transform_0, window_bounds = array<i64: 1, 585, 128>}, {pipeline_mode = #tpu.pipeline_mode<synchronous>, transform_indices = @transform_1, window_bounds = array<i64: 585, 128>}, {transform_indices = @transform_2, window_bounds = array<i64: 1, 1>}]} {
    %get3A = arith.constant 0 : index
    %get3A_0 = arith.constant 0 : index
    %get3A_1 = arith.constant 0 : index
    %get3A_2 = vector.load %arg1[%get3A, %get3A_0, %get3A_1] : memref<1x585x128xf32, #tpu.memory_space<vmem>>, vector<1x585x128xf32>
    %abs3A = math.absf %get3A_2 : vector<1x585x128xf32>
    %neg3A = arith.constant 0.000000e+00 : f32
    %neg3A_3 = vector.broadcast %neg3A : f32 to vector<1x585x128xf32>
    %neg3A_4 = arith.subf %neg3A_3, %abs3A : vector<1x585x128xf32>
    %exp3A = math.exp %neg3A_4 : vector<1x585x128xf32>
    %log1p3A = math.log1p %exp3A : vector<1x585x128xf32>
    %max3A = arith.constant 0.000000e+00 : f32
    %max3A_5 = vector.broadcast %max3A : f32 to vector<1x585x128xf32>
    %max3A_6 = arith.maximumf %get3A_2, %max3A_5 : vector<1x585x128xf32>
    %add3A = arith.addf %log1p3A, %max3A_6 : vector<1x585x128xf32>
    %get3A_7 = arith.constant 0 : index
    %get3A_8 = arith.constant 0 : index
    %get3A_9 = vector.load %arg2[%get3A_7, %get3A_8] : memref<585x128xf32, #tpu.memory_space<vmem>>, vector<585x128xf32>
    %broadcast_in_dim3A = vector.shape_cast %get3A_9 : vector<585x128xf32> to vector<1x585x128xf32>
    %mul3A = arith.mulf %add3A, %broadcast_in_dim3A : vector<1x585x128xf32>
    %reduce_sum3A = vector.shape_cast %mul3A : vector<1x585x128xf32> to vector<1x1x585x128xf32>
    %reduce_sum3A_10 = arith.constant dense<0.000000e+00> : vector<1xf32>
    %reduce_sum3A_11 = vector.multi_reduction <add>, %reduce_sum3A, %reduce_sum3A_10 [1, 2, 3] : vector<1x1x585x128xf32> to vector<1xf32>
    %reduce_sum3A_12 = vector.shape_cast %reduce_sum3A_11 : vector<1xf32> to vector<1x1x1x1xf32>
    %reduce_sum3A_13 = vector.extract %reduce_sum3A_12[0, 0, 0, 0] : f32 from vector<1x1x1x1xf32>
    %eq3A = arith.constant 0 : i32
    %eq3A_14 = arith.cmpi eq, %arg0, %eq3A : i32
    %convert_element_type3A = arith.extui %eq3A_14 : i1 to i32
    %cond3A = arith.constant 0 : i32
    %cond3A_15 = arith.cmpi ne, %convert_element_type3A, %cond3A : i32
    scf.if %cond3A_15 {
      %swap3A_22 = arith.constant 0.000000e+00 : f32
      %swap3A_23 = arith.constant 0 : index
      %swap3A_24 = arith.constant 0 : index
      %swap3A_25 = memref.load %arg3[%swap3A_23, %swap3A_24] : memref<1x1xf32, #tpu.memory_space<smem>>
      memref.store %swap3A_22, %arg3[%swap3A_23, %swap3A_24] : memref<1x1xf32, #tpu.memory_space<smem>>
    } else {
    }
    %get3A_16 = arith.constant 0 : index
    %get3A_17 = arith.constant 0 : index
    %get3A_18 = memref.load %arg3[%get3A_16, %get3A_17] : memref<1x1xf32, #tpu.memory_space<smem>>
    %add3A_19 = arith.addf %get3A_18, %reduce_sum3A_13 : f32
    %swap3A = arith.constant 0 : index
    %swap3A_20 = arith.constant 0 : index
    %swap3A_21 = memref.load %arg3[%swap3A, %swap3A_20] : memref<1x1xf32, #tpu.memory_space<smem>>
    memref.store %add3A_19, %arg3[%swap3A, %swap3A_20] : memref<1x1xf32, #tpu.memory_space<smem>>
    return
  }
  func.func @transform_0(%arg0: i32) -> (i32, i32, i32) {
    %c0_i32 = arith.constant 0 : i32
    %c0_i32_0 = arith.constant 0 : i32
    %c0_i32_1 = arith.constant 0 : i32
    return %arg0, %c0_i32, %c0_i32_0 : i32, i32, i32
  }
  func.func @transform_1(%arg0: i32) -> (i32, i32) {
    %c0_i32 = arith.constant 0 : i32
    %c0_i32_0 = arith.constant 0 : i32
    %c0_i32_1 = arith.constant 0 : i32
    return %c0_i32, %c0_i32_0 : i32, i32
  }
  func.func @transform_2(%arg0: i32) -> (i32, i32) {
    %c0_i32 = arith.constant 0 : i32
    %c0_i32_0 = arith.constant 0 : i32
    %c0_i32_1 = arith.constant 0 : i32
    return %c0_i32, %c0_i32_0 : i32, i32
  }
}

module attributes {stable_mosaic.version = 14 : i64} {
  func.func @_dense_body(%arg0: i32, %arg1: memref<1x585x128xf32, #tpu.memory_space<vmem>>, %arg2: memref<585x128xf32, #tpu.memory_space<vmem>>, %arg3: memref<1x1xf32, #tpu.memory_space<smem>>) attributes {dimension_semantics = [#tpu.dimension_semantics<arbitrary>], iteration_bounds = array<i64: 52>, scalar_prefetch = 0 : i64, scratch_operands = 0 : i64, tpu.core_type = #tpu.core_type<tc>, window_params = [{transform_indices = @transform_0, window_bounds = array<i64: 1, 585, 128>}, {pipeline_mode = #tpu.pipeline_mode<synchronous>, transform_indices = @transform_1, window_bounds = array<i64: 585, 128>}, {transform_indices = @transform_2, window_bounds = array<i64: 1, 1>}]} {
    %get3A = arith.constant 0 : index
    %get3A_0 = arith.constant 0 : index
    %get3A_1 = arith.constant 0 : index
    %get3A_2 = vector.load %arg1[%get3A, %get3A_0, %get3A_1] : memref<1x585x128xf32, #tpu.memory_space<vmem>>, vector<1x585x128xf32>
    %abs3A = math.absf %get3A_2 : vector<1x585x128xf32>
    %neg3A = arith.constant 0.000000e+00 : f32
    %neg3A_3 = vector.broadcast %neg3A : f32 to vector<1x585x128xf32>
    %neg3A_4 = arith.subf %neg3A_3, %abs3A : vector<1x585x128xf32>
    %exp3A = math.exp %neg3A_4 : vector<1x585x128xf32>
    %log1p3A = math.log1p %exp3A : vector<1x585x128xf32>
    %max3A = arith.constant 0.000000e+00 : f32
    %max3A_5 = vector.broadcast %max3A : f32 to vector<1x585x128xf32>
    %max3A_6 = arith.maximumf %get3A_2, %max3A_5 : vector<1x585x128xf32>
    %add3A = arith.addf %log1p3A, %max3A_6 : vector<1x585x128xf32>
    %get3A_7 = arith.constant 0 : index
    %get3A_8 = arith.constant 0 : index
    %get3A_9 = vector.load %arg2[%get3A_7, %get3A_8] : memref<585x128xf32, #tpu.memory_space<vmem>>, vector<585x128xf32>
    %broadcast_in_dim3A = vector.shape_cast %get3A_9 : vector<585x128xf32> to vector<1x585x128xf32>
    %mul3A = arith.mulf %add3A, %broadcast_in_dim3A : vector<1x585x128xf32>
    %reduce_sum3A = vector.shape_cast %mul3A : vector<1x585x128xf32> to vector<1x1x585x128xf32>
    %reduce_sum3A_10 = arith.constant dense<0.000000e+00> : vector<1xf32>
    %reduce_sum3A_11 = vector.multi_reduction <add>, %reduce_sum3A, %reduce_sum3A_10 [1, 2, 3] : vector<1x1x585x128xf32> to vector<1xf32>
    %reduce_sum3A_12 = vector.shape_cast %reduce_sum3A_11 : vector<1xf32> to vector<1x1x1x1xf32>
    %reduce_sum3A_13 = vector.extract %reduce_sum3A_12[0, 0, 0, 0] : f32 from vector<1x1x1x1xf32>
    %eq3A = arith.constant 0 : i32
    %eq3A_14 = arith.cmpi eq, %arg0, %eq3A : i32
    %convert_element_type3A = arith.extui %eq3A_14 : i1 to i32
    %cond3A = arith.constant 0 : i32
    %cond3A_15 = arith.cmpi ne, %convert_element_type3A, %cond3A : i32
    scf.if %cond3A_15 {
      %swap3A_22 = arith.constant 0.000000e+00 : f32
      %swap3A_23 = arith.constant 0 : index
      %swap3A_24 = arith.constant 0 : index
      %swap3A_25 = memref.load %arg3[%swap3A_23, %swap3A_24] : memref<1x1xf32, #tpu.memory_space<smem>>
      memref.store %swap3A_22, %arg3[%swap3A_23, %swap3A_24] : memref<1x1xf32, #tpu.memory_space<smem>>
    } else {
    }
    %get3A_16 = arith.constant 0 : index
    %get3A_17 = arith.constant 0 : index
    %get3A_18 = memref.load %arg3[%get3A_16, %get3A_17] : memref<1x1xf32, #tpu.memory_space<smem>>
    %add3A_19 = arith.addf %get3A_18, %reduce_sum3A_13 : f32
    %swap3A = arith.constant 0 : index
    %swap3A_20 = arith.constant 0 : index
    %swap3A_21 = memref.load %arg3[%swap3A, %swap3A_20] : memref<1x1xf32, #tpu.memory_space<smem>>
    memref.store %add3A_19, %arg3[%swap3A, %swap3A_20] : memref<1x1xf32, #tpu.memory_space<smem>>
    return
  }
  func.func @transform_0(%arg0: i32) -> (i32, i32, i32) {
    %c0_i32 = arith.constant 0 : i32
    %c0_i32_0 = arith.constant 0 : i32
    %c0_i32_1 = arith.constant 0 : i32
    return %arg0, %c0_i32, %c0_i32_0 : i32, i32, i32
  }
  func.func @transform_1(%arg0: i32) -> (i32, i32) {
    %c0_i32 = arith.constant 0 : i32
    %c0_i32_0 = arith.constant 0 : i32
    %c0_i32_1 = arith.constant 0 : i32
    return %c0_i32, %c0_i32_0 : i32, i32
  }
  func.func @transform_2(%arg0: i32) -> (i32, i32) {
    %c0_i32 = arith.constant 0 : i32
    %c0_i32_0 = arith.constant 0 : i32
    %c0_i32_1 = arith.constant 0 : i32
    return %c0_i32, %c0_i32_0 : i32, i32
  }
}

module attributes {stable_mosaic.version = 14 : i64} {
  func.func @_dense_body(%arg0: i32, %arg1: memref<1x585x128xf32, #tpu.memory_space<vmem>>, %arg2: memref<585x128xf32, #tpu.memory_space<vmem>>, %arg3: memref<1x1xf32, #tpu.memory_space<smem>>) attributes {dimension_semantics = [#tpu.dimension_semantics<arbitrary>], iteration_bounds = array<i64: 208>, scalar_prefetch = 0 : i64, scratch_operands = 0 : i64, tpu.core_type = #tpu.core_type<tc>, window_params = [{transform_indices = @transform_0, window_bounds = array<i64: 1, 585, 128>}, {pipeline_mode = #tpu.pipeline_mode<synchronous>, transform_indices = @transform_1, window_bounds = array<i64: 585, 128>}, {transform_indices = @transform_2, window_bounds = array<i64: 1, 1>}]} {
    %get3A = arith.constant 0 : index
    %get3A_0 = arith.constant 0 : index
    %get3A_1 = arith.constant 0 : index
    %get3A_2 = vector.load %arg1[%get3A, %get3A_0, %get3A_1] : memref<1x585x128xf32, #tpu.memory_space<vmem>>, vector<1x585x128xf32>
    %abs3A = math.absf %get3A_2 : vector<1x585x128xf32>
    %neg3A = arith.constant 0.000000e+00 : f32
    %neg3A_3 = vector.broadcast %neg3A : f32 to vector<1x585x128xf32>
    %neg3A_4 = arith.subf %neg3A_3, %abs3A : vector<1x585x128xf32>
    %exp3A = math.exp %neg3A_4 : vector<1x585x128xf32>
    %log1p3A = math.log1p %exp3A : vector<1x585x128xf32>
    %max3A = arith.constant 0.000000e+00 : f32
    %max3A_5 = vector.broadcast %max3A : f32 to vector<1x585x128xf32>
    %max3A_6 = arith.maximumf %get3A_2, %max3A_5 : vector<1x585x128xf32>
    %add3A = arith.addf %log1p3A, %max3A_6 : vector<1x585x128xf32>
    %get3A_7 = arith.constant 0 : index
    %get3A_8 = arith.constant 0 : index
    %get3A_9 = vector.load %arg2[%get3A_7, %get3A_8] : memref<585x128xf32, #tpu.memory_space<vmem>>, vector<585x128xf32>
    %broadcast_in_dim3A = vector.shape_cast %get3A_9 : vector<585x128xf32> to vector<1x585x128xf32>
    %mul3A = arith.mulf %add3A, %broadcast_in_dim3A : vector<1x585x128xf32>
    %reduce_sum3A = vector.shape_cast %mul3A : vector<1x585x128xf32> to vector<1x1x585x128xf32>
    %reduce_sum3A_10 = arith.constant dense<0.000000e+00> : vector<1xf32>
    %reduce_sum3A_11 = vector.multi_reduction <add>, %reduce_sum3A, %reduce_sum3A_10 [1, 2, 3] : vector<1x1x585x128xf32> to vector<1xf32>
    %reduce_sum3A_12 = vector.shape_cast %reduce_sum3A_11 : vector<1xf32> to vector<1x1x1x1xf32>
    %reduce_sum3A_13 = vector.extract %reduce_sum3A_12[0, 0, 0, 0] : f32 from vector<1x1x1x1xf32>
    %eq3A = arith.constant 0 : i32
    %eq3A_14 = arith.cmpi eq, %arg0, %eq3A : i32
    %convert_element_type3A = arith.extui %eq3A_14 : i1 to i32
    %cond3A = arith.constant 0 : i32
    %cond3A_15 = arith.cmpi ne, %convert_element_type3A, %cond3A : i32
    scf.if %cond3A_15 {
      %swap3A_22 = arith.constant 0.000000e+00 : f32
      %swap3A_23 = arith.constant 0 : index
      %swap3A_24 = arith.constant 0 : index
      %swap3A_25 = memref.load %arg3[%swap3A_23, %swap3A_24] : memref<1x1xf32, #tpu.memory_space<smem>>
      memref.store %swap3A_22, %arg3[%swap3A_23, %swap3A_24] : memref<1x1xf32, #tpu.memory_space<smem>>
    } else {
    }
    %get3A_16 = arith.constant 0 : index
    %get3A_17 = arith.constant 0 : index
    %get3A_18 = memref.load %arg3[%get3A_16, %get3A_17] : memref<1x1xf32, #tpu.memory_space<smem>>
    %add3A_19 = arith.addf %get3A_18, %reduce_sum3A_13 : f32
    %swap3A = arith.constant 0 : index
    %swap3A_20 = arith.constant 0 : index
    %swap3A_21 = memref.load %arg3[%swap3A, %swap3A_20] : memref<1x1xf32, #tpu.memory_space<smem>>
    memref.store %add3A_19, %arg3[%swap3A, %swap3A_20] : memref<1x1xf32, #tpu.memory_space<smem>>
    return
  }
  func.func @transform_0(%arg0: i32) -> (i32, i32, i32) {
    %c0_i32 = arith.constant 0 : i32
    %c0_i32_0 = arith.constant 0 : i32
    %c0_i32_1 = arith.constant 0 : i32
    return %arg0, %c0_i32, %c0_i32_0 : i32, i32, i32
  }
  func.func @transform_1(%arg0: i32) -> (i32, i32) {
    %c0_i32 = arith.constant 0 : i32
    %c0_i32_0 = arith.constant 0 : i32
    %c0_i32_1 = arith.constant 0 : i32
    return %c0_i32, %c0_i32_0 : i32, i32
  }
  func.func @transform_2(%arg0: i32) -> (i32, i32) {
    %c0_i32 = arith.constant 0 : i32
    %c0_i32_0 = arith.constant 0 : i32
    %c0_i32_1 = arith.constant 0 : i32
    return %c0_i32, %c0_i32_0 : i32, i32
  }
}

module attributes {stable_mosaic.version = 14 : i64} {
  func.func @_corr_body(%arg0: memref<6x512xf32, #tpu.memory_space<vmem>>, %arg1: memref<512x256xf32, #tpu.memory_space<vmem>>, %arg2: memref<512x256xf32, #tpu.memory_space<vmem>>, %arg3: memref<512x256xf32, #tpu.memory_space<vmem>>, %arg4: memref<1x1xf32, #tpu.memory_space<smem>>) attributes {dimension_semantics = [], scalar_prefetch = 0 : i64, scratch_operands = 0 : i64, tpu.core_type = #tpu.core_type<tc>} {
    %get3A = arith.constant 0 : index
    %get3A_0 = arith.constant 0 : index
    %get3A_1 = vector.load %arg0[%get3A, %get3A_0] : memref<6x512xf32, #tpu.memory_space<vmem>>, vector<6x512xf32>
    %get3A_2 = arith.constant 0 : index
    %get3A_3 = arith.constant 0 : index
    %get3A_4 = vector.load %arg1[%get3A_2, %get3A_3] : memref<512x256xf32, #tpu.memory_space<vmem>>, vector<512x256xf32>
    %slice3A = vector.extract_strided_slice %get3A_1 {offsets = [0, 0], sizes = [1, 512], strides = [1, 1]} : vector<6x512xf32> to vector<1x512xf32>
    %squeeze3A = vector.shape_cast %slice3A : vector<1x512xf32> to vector<512xf32>
    %convert_element_type3A = arith.fptosi %squeeze3A : vector<512xf32> to vector<512xi32>
    %slice3A_5 = vector.extract_strided_slice %get3A_1 {offsets = [1, 0], sizes = [1, 512], strides = [1, 1]} : vector<6x512xf32> to vector<1x512xf32>
    %squeeze3A_6 = vector.shape_cast %slice3A_5 : vector<1x512xf32> to vector<512xf32>
    %convert_element_type3A_7 = arith.fptosi %squeeze3A_6 : vector<512xf32> to vector<512xi32>
    %slice3A_8 = vector.extract_strided_slice %get3A_1 {offsets = [2, 0], sizes = [1, 512], strides = [1, 1]} : vector<6x512xf32> to vector<1x512xf32>
    %squeeze3A_9 = vector.shape_cast %slice3A_8 : vector<1x512xf32> to vector<512xf32>
    %mul3A = arith.constant 1.300000e+01 : f32
    %mul3A_10 = vector.broadcast %mul3A : f32 to vector<512xf32>
    %mul3A_11 = arith.mulf %squeeze3A_9, %mul3A_10 : vector<512xf32>
    %slice3A_12 = vector.extract_strided_slice %get3A_1 {offsets = [3, 0], sizes = [1, 512], strides = [1, 1]} : vector<6x512xf32> to vector<1x512xf32>
    %squeeze3A_13 = vector.shape_cast %slice3A_12 : vector<1x512xf32> to vector<512xf32>
    %mul3A_14 = arith.constant 1.300000e+01 : f32
    %mul3A_15 = vector.broadcast %mul3A_14 : f32 to vector<512xf32>
    %mul3A_16 = arith.mulf %squeeze3A_13, %mul3A_15 : vector<512xf32>
    %slice3A_17 = vector.extract_strided_slice %get3A_1 {offsets = [4, 0], sizes = [1, 512], strides = [1, 1]} : vector<6x512xf32> to vector<1x512xf32>
    %squeeze3A_18 = vector.shape_cast %slice3A_17 : vector<1x512xf32> to vector<512xf32>
    %mul3A_19 = arith.constant 1.300000e+01 : f32
    %mul3A_20 = vector.broadcast %mul3A_19 : f32 to vector<512xf32>
    %mul3A_21 = arith.mulf %squeeze3A_18, %mul3A_20 : vector<512xf32>
    %slice3A_22 = vector.extract_strided_slice %get3A_1 {offsets = [5, 0], sizes = [1, 512], strides = [1, 1]} : vector<6x512xf32> to vector<1x512xf32>
    %squeeze3A_23 = vector.shape_cast %slice3A_22 : vector<1x512xf32> to vector<512xf32>
    %mul3A_24 = arith.constant 1.300000e+01 : f32
    %mul3A_25 = vector.broadcast %mul3A_24 : f32 to vector<512xf32>
    %mul3A_26 = arith.mulf %squeeze3A_23, %mul3A_25 : vector<512xf32>
    %convert_element_type3A_27 = arith.fptosi %mul3A_11 : vector<512xf32> to vector<512xi32>
    %jit3A = arith.constant 0 : i32
    %jit3A_28 = arith.constant 12 : i32
    %max3A = vector.broadcast %jit3A : i32 to vector<512xi32>
    %max3A_29 = arith.maxsi %max3A, %convert_element_type3A_27 : vector<512xi32>
    %min3A = vector.broadcast %jit3A_28 : i32 to vector<512xi32>
    %min3A_30 = arith.minsi %min3A, %max3A_29 : vector<512xi32>
    %convert_element_type3A_31 = arith.fptosi %mul3A_16 : vector<512xf32> to vector<512xi32>
    %jit3A_32 = arith.constant 0 : i32
    %jit3A_33 = arith.constant 12 : i32
    %max3A_34 = vector.broadcast %jit3A_32 : i32 to vector<512xi32>
    %max3A_35 = arith.maxsi %max3A_34, %convert_element_type3A_31 : vector<512xi32>
    %min3A_36 = vector.broadcast %jit3A_33 : i32 to vector<512xi32>
    %min3A_37 = arith.minsi %min3A_36, %max3A_35 : vector<512xi32>
    %min3A_38 = arith.constant 8.92307663 : f32
    %min3A_39 = vector.broadcast %min3A_38 : f32 to vector<512xf32>
    %min3A_40 = arith.minimumf %mul3A_21, %min3A_39 : vector<512xf32>
    %min3A_41 = arith.constant 6.92307711 : f32
    %min3A_42 = vector.broadcast %min3A_41 : f32 to vector<512xf32>
    %min3A_43 = arith.minimumf %mul3A_26, %min3A_42 : vector<512xf32>
    %mul3A_44 = arith.mulf %min3A_40, %min3A_43 : vector<512xf32>
    %mul3A_45 = arith.mulf %mul3A_21, %mul3A_26 : vector<512xf32>
    %mul3A_46 = arith.constant 8.92307663 : f32
    %mul3A_47 = arith.constant 6.92307711 : f32
    %mul3A_48 = arith.mulf %mul3A_46, %mul3A_47 : f32
    %add3A = vector.broadcast %mul3A_48 : f32 to vector<512xf32>
    %add3A_49 = arith.addf %mul3A_45, %add3A : vector<512xf32>
    %sub3A = arith.subf %add3A_49, %mul3A_44 : vector<512xf32>
    %add3A_50 = arith.constant 9.99999971E-10 : f32
    %add3A_51 = vector.broadcast %add3A_50 : f32 to vector<512xf32>
    %add3A_52 = arith.addf %sub3A, %add3A_51 : vector<512xf32>
    %div3A = arith.divf %mul3A_44, %add3A_52 : vector<512xf32>
    %min3A_53 = arith.constant 1.200000e+01 : f32
    %min3A_54 = vector.broadcast %min3A_53 : f32 to vector<512xf32>
    %min3A_55 = arith.minimumf %mul3A_21, %min3A_54 : vector<512xf32>
    %min3A_56 = arith.constant 15.2307692 : f32
    %min3A_57 = vector.broadcast %min3A_56 : f32 to vector<512xf32>
    %min3A_58 = arith.minimumf %mul3A_26, %min3A_57 : vector<512xf32>
    %mul3A_59 = arith.mulf %min3A_55, %min3A_58 : vector<512xf32>
    %mul3A_60 = arith.mulf %mul3A_21, %mul3A_26 : vector<512xf32>
    %mul3A_61 = arith.constant 1.200000e+01 : f32
    %mul3A_62 = arith.constant 15.2307692 : f32
    %mul3A_63 = arith.mulf %mul3A_61, %mul3A_62 : f32
    %add3A_64 = vector.broadcast %mul3A_63 : f32 to vector<512xf32>
    %add3A_65 = arith.addf %mul3A_60, %add3A_64 : vector<512xf32>
    %sub3A_66 = arith.subf %add3A_65, %mul3A_59 : vector<512xf32>
    %add3A_67 = arith.constant 9.99999971E-10 : f32
    %add3A_68 = vector.broadcast %add3A_67 : f32 to vector<512xf32>
    %add3A_69 = arith.addf %sub3A_66, %add3A_68 : vector<512xf32>
    %div3A_70 = arith.divf %mul3A_59, %add3A_69 : vector<512xf32>
    %min3A_71 = arith.constant 28.6923084 : f32
    %min3A_72 = vector.broadcast %min3A_71 : f32 to vector<512xf32>
    %min3A_73 = arith.minimumf %mul3A_21, %min3A_72 : vector<512xf32>
    %min3A_74 = arith.constant 25.0769234 : f32
    %min3A_75 = vector.broadcast %min3A_74 : f32 to vector<512xf32>
    %min3A_76 = arith.minimumf %mul3A_26, %min3A_75 : vector<512xf32>
    %mul3A_77 = arith.mulf %min3A_73, %min3A_76 : vector<512xf32>
    %mul3A_78 = arith.mulf %mul3A_21, %mul3A_26 : vector<512xf32>
    %mul3A_79 = arith.constant 28.6923084 : f32
    %mul3A_80 = arith.constant 25.0769234 : f32
    %mul3A_81 = arith.mulf %mul3A_79, %mul3A_80 : f32
    %add3A_82 = vector.broadcast %mul3A_81 : f32 to vector<512xf32>
    %add3A_83 = arith.addf %mul3A_78, %add3A_82 : vector<512xf32>
    %sub3A_84 = arith.subf %add3A_83, %mul3A_77 : vector<512xf32>
    %add3A_85 = arith.constant 9.99999971E-10 : f32
    %add3A_86 = vector.broadcast %add3A_85 : f32 to vector<512xf32>
    %add3A_87 = arith.addf %sub3A_84, %add3A_86 : vector<512xf32>
    %div3A_88 = arith.divf %mul3A_77, %add3A_87 : vector<512xf32>
    %gt3A = arith.cmpf ogt, %div3A_70, %div3A : vector<512xf32>
    %jit3A_89 = arith.constant 1 : i32
    %jit3A_90 = arith.constant 0 : i32
    %broadcast_in_dim3A = vector.broadcast %jit3A_89 : i32 to vector<512xi32>
    %broadcast_in_dim3A_91 = vector.broadcast %jit3A_90 : i32 to vector<512xi32>
    %select_n3A = arith.select %gt3A, %broadcast_in_dim3A, %broadcast_in_dim3A_91 : vector<512xi1>, vector<512xi32>
    %max3A_92 = arith.maximumf %div3A, %div3A_70 : vector<512xf32>
    %gt3A_93 = arith.cmpf ogt, %div3A_88, %max3A_92 : vector<512xf32>
    %jit3A_94 = arith.constant 2 : i32
    %broadcast_in_dim3A_95 = vector.broadcast %jit3A_94 : i32 to vector<512xi32>
    %select_n3A_96 = arith.select %gt3A_93, %broadcast_in_dim3A_95, %select_n3A : vector<512xi1>, vector<512xi32>
    %eq3A = arith.constant 0 : i32
    %eq3A_97 = vector.broadcast %eq3A : i32 to vector<512xi32>
    %eq3A_98 = arith.cmpi eq, %select_n3A_96, %eq3A_97 : vector<512xi32>
    %eq3A_99 = arith.constant 1 : i32
    %eq3A_100 = vector.broadcast %eq3A_99 : i32 to vector<512xi32>
    %eq3A_101 = arith.cmpi eq, %select_n3A_96, %eq3A_100 : vector<512xi32>
    %jit3A_102 = arith.constant 1.200000e+01 : f32
    %jit3A_103 = arith.constant 28.6923084 : f32
    %broadcast_in_dim3A_104 = vector.broadcast %jit3A_102 : f32 to vector<512xf32>
    %broadcast_in_dim3A_105 = vector.broadcast %jit3A_103 : f32 to vector<512xf32>
    %select_n3A_106 = arith.select %eq3A_101, %broadcast_in_dim3A_104, %broadcast_in_dim3A_105 : vector<512xi1>, vector<512xf32>
    %jit3A_107 = arith.constant 8.92307663 : f32
    %broadcast_in_dim3A_108 = vector.broadcast %jit3A_107 : f32 to vector<512xf32>
    %select_n3A_109 = arith.select %eq3A_98, %broadcast_in_dim3A_108, %select_n3A_106 : vector<512xi1>, vector<512xf32>
    %eq3A_110 = arith.constant 0 : i32
    %eq3A_111 = vector.broadcast %eq3A_110 : i32 to vector<512xi32>
    %eq3A_112 = arith.cmpi eq, %select_n3A_96, %eq3A_111 : vector<512xi32>
    %eq3A_113 = arith.constant 1 : i32
    %eq3A_114 = vector.broadcast %eq3A_113 : i32 to vector<512xi32>
    %eq3A_115 = arith.cmpi eq, %select_n3A_96, %eq3A_114 : vector<512xi32>
    %jit3A_116 = arith.constant 15.2307692 : f32
    %jit3A_117 = arith.constant 25.0769234 : f32
    %broadcast_in_dim3A_118 = vector.broadcast %jit3A_116 : f32 to vector<512xf32>
    %broadcast_in_dim3A_119 = vector.broadcast %jit3A_117 : f32 to vector<512xf32>
    %select_n3A_120 = arith.select %eq3A_115, %broadcast_in_dim3A_118, %broadcast_in_dim3A_119 : vector<512xi1>, vector<512xf32>
    %jit3A_121 = arith.constant 6.92307711 : f32
    %broadcast_in_dim3A_122 = vector.broadcast %jit3A_121 : f32 to vector<512xf32>
    %select_n3A_123 = arith.select %eq3A_112, %broadcast_in_dim3A_122, %select_n3A_120 : vector<512xi1>, vector<512xf32>
    %mul3A_124 = arith.constant 3 : i32
    %mul3A_125 = vector.broadcast %mul3A_124 : i32 to vector<512xi32>
    %mul3A_126 = arith.muli %convert_element_type3A, %mul3A_125 : vector<512xi32>
    %add3A_127 = arith.addi %mul3A_126, %select_n3A_96 : vector<512xi32>
    %mul3A_128 = arith.constant 13 : i32
    %mul3A_129 = vector.broadcast %mul3A_128 : i32 to vector<512xi32>
    %mul3A_130 = arith.muli %add3A_127, %mul3A_129 : vector<512xi32>
    %add3A_131 = arith.addi %mul3A_130, %min3A_37 : vector<512xi32>
    %mul3A_132 = arith.constant 13 : i32
    %mul3A_133 = vector.broadcast %mul3A_132 : i32 to vector<512xi32>
    %mul3A_134 = arith.muli %add3A_131, %mul3A_133 : vector<512xi32>
    %add3A_135 = arith.addi %mul3A_134, %min3A_30 : vector<512xi32>
    %iota3A = tpu.iota {dimensions = array<i32: 0>} : vector<512x512xi32>
    %iota3A_136 = tpu.iota {dimensions = array<i32: 1>} : vector<512x512xi32>
    %gt3A_137 = arith.cmpi sgt, %iota3A_136, %iota3A : vector<512x512xi32>
    %broadcast_in_dim3A_138 = vector.shape_cast %add3A_135 : vector<512xi32> to vector<512x1xi32>
    %broadcast_in_dim3A_139 = vector.shape_cast %add3A_135 : vector<512xi32> to vector<1x512xi32>
    %eq3A_140 = vector.broadcast %broadcast_in_dim3A_138 : vector<512x1xi32> to vector<512x512xi32>
    %eq3A_141 = vector.broadcast %broadcast_in_dim3A_139 : vector<1x512xi32> to vector<512x512xi32>
    %eq3A_142 = arith.cmpi eq, %eq3A_140, %eq3A_141 : vector<512x512xi32>
    %and3A = arith.andi %eq3A_142, %gt3A_137 : vector<512x512xi1>
    %reduce_or3A = arith.constant 1.000000e+00 : f32
    %reduce_or3A_143 = arith.constant 0.000000e+00 : f32
    %reduce_or3A_144 = vector.broadcast %reduce_or3A : f32 to vector<512x512xf32>
    %reduce_or3A_145 = vector.broadcast %reduce_or3A_143 : f32 to vector<512x512xf32>
    %reduce_or3A_146 = arith.select %and3A, %reduce_or3A_144, %reduce_or3A_145 : vector<512x512xi1>, vector<512x512xf32>
    %reduce_or3A_147 = arith.constant dense<0xFF800000> : vector<512xf32>
    %reduce_or3A_148 = vector.multi_reduction <maximumf>, %reduce_or3A_146, %reduce_or3A_147 [1] : vector<512x512xf32> to vector<512xf32>
    %reduce_or3A_149 = arith.constant 0.000000e+00 : f32
    %reduce_or3A_150 = vector.broadcast %reduce_or3A_149 : f32 to vector<512xf32>
    %reduce_or3A_151 = arith.cmpf ogt, %reduce_or3A_148, %reduce_or3A_150 : vector<512xf32>
    %not3A = arith.constant dense<true> : vector<512xi1>
    %not3A_152 = arith.xori %reduce_or3A_151, %not3A : vector<512xi1>
    %mul3A_153 = arith.constant 32 : i32
    %mul3A_154 = vector.broadcast %mul3A_153 : i32 to vector<512xi32>
    %mul3A_155 = arith.muli %add3A_135, %mul3A_154 : vector<512xi32>
    %add3A_156 = arith.addi %mul3A_155, %convert_element_type3A_7 : vector<512xi32>
    %broadcast_in_dim3A_157 = vector.shape_cast %add3A_156 : vector<512xi32> to vector<512x1xi32>
    %broadcast_in_dim3A_158 = vector.shape_cast %add3A_156 : vector<512xi32> to vector<1x512xi32>
    %eq3A_159 = vector.broadcast %broadcast_in_dim3A_157 : vector<512x1xi32> to vector<512x512xi32>
    %eq3A_160 = vector.broadcast %broadcast_in_dim3A_158 : vector<1x512xi32> to vector<512x512xi32>
    %eq3A_161 = arith.cmpi eq, %eq3A_159, %eq3A_160 : vector<512x512xi32>
    %and3A_162 = arith.andi %eq3A_161, %gt3A_137 : vector<512x512xi1>
    %reduce_or3A_163 = arith.constant 1.000000e+00 : f32
    %reduce_or3A_164 = arith.constant 0.000000e+00 : f32
    %reduce_or3A_165 = vector.broadcast %reduce_or3A_163 : f32 to vector<512x512xf32>
    %reduce_or3A_166 = vector.broadcast %reduce_or3A_164 : f32 to vector<512x512xf32>
    %reduce_or3A_167 = arith.select %and3A_162, %reduce_or3A_165, %reduce_or3A_166 : vector<512x512xi1>, vector<512x512xf32>
    %reduce_or3A_168 = arith.constant dense<0xFF800000> : vector<512xf32>
    %reduce_or3A_169 = vector.multi_reduction <maximumf>, %reduce_or3A_167, %reduce_or3A_168 [1] : vector<512x512xf32> to vector<512xf32>
    %reduce_or3A_170 = arith.constant 0.000000e+00 : f32
    %reduce_or3A_171 = vector.broadcast %reduce_or3A_170 : f32 to vector<512xf32>
    %reduce_or3A_172 = arith.cmpf ogt, %reduce_or3A_169, %reduce_or3A_171 : vector<512xf32>
    %not3A_173 = arith.constant dense<true> : vector<512xi1>
    %not3A_174 = arith.xori %reduce_or3A_172, %not3A_173 : vector<512xi1>
    %convert_element_type3A_175 = arith.sitofp %min3A_30 : vector<512xi32> to vector<512xf32>
    %sub3A_176 = arith.subf %mul3A_11, %convert_element_type3A_175 : vector<512xf32>
    %convert_element_type3A_177 = arith.sitofp %min3A_37 : vector<512xi32> to vector<512xf32>
    %sub3A_178 = arith.subf %mul3A_16, %convert_element_type3A_177 : vector<512xf32>
    %div3A_179 = arith.divf %mul3A_21, %select_n3A_109 : vector<512xf32>
    %add3A_180 = arith.constant 1.000000e-16 : f32
    %add3A_181 = vector.broadcast %add3A_180 : f32 to vector<512xf32>
    %add3A_182 = arith.addf %div3A_179, %add3A_181 : vector<512xf32>
    %log3A = math.log %add3A_182 : vector<512xf32>
    %div3A_183 = arith.divf %mul3A_26, %select_n3A_123 : vector<512xf32>
    %add3A_184 = arith.constant 1.000000e-16 : f32
    %add3A_185 = vector.broadcast %add3A_184 : f32 to vector<512xf32>
    %add3A_186 = arith.addf %div3A_183, %add3A_185 : vector<512xf32>
    %log3A_187 = math.log %add3A_186 : vector<512xf32>
    %mul3A_188 = arith.constant 30 : i32
    %mul3A_189 = vector.broadcast %mul3A_188 : i32 to vector<512xi32>
    %mul3A_190 = arith.muli %add3A_135, %mul3A_189 : vector<512xi32>
    %and3A_191 = arith.constant 127 : i32
    %and3A_192 = vector.broadcast %and3A_191 : i32 to vector<512xi32>
    %and3A_193 = arith.andi %mul3A_190, %and3A_192 : vector<512xi32>
    %iota3A_194 = tpu.iota {dimensions = array<i32: 1>} : vector<512x256xi32>
    %add3A_195 = arith.constant 0 : i32
    %add3A_196 = vector.broadcast %add3A_195 : i32 to vector<512xi32>
    %add3A_197 = arith.addi %and3A_193, %add3A_196 : vector<512xi32>
    %broadcast_in_dim3A_198 = vector.shape_cast %add3A_197 : vector<512xi32> to vector<512x1xi32>
    %eq3A_199 = vector.broadcast %broadcast_in_dim3A_198 : vector<512x1xi32> to vector<512x256xi32>
    %eq3A_200 = arith.cmpi eq, %iota3A_194, %eq3A_199 : vector<512x256xi32>
    %jit3A_201 = arith.constant 0.000000e+00 : f32
    %broadcast_in_dim3A_202 = vector.broadcast %jit3A_201 : f32 to vector<512x256xf32>
    %select_n3A_203 = arith.select %eq3A_200, %get3A_4, %broadcast_in_dim3A_202 : vector<512x256xi1>, vector<512x256xf32>
    %reduce_sum3A = arith.constant dense<0.000000e+00> : vector<512xf32>
    %reduce_sum3A_204 = vector.multi_reduction <add>, %select_n3A_203, %reduce_sum3A [1] : vector<512x256xf32> to vector<512xf32>
    %add3A_205 = arith.constant 1 : i32
    %add3A_206 = vector.broadcast %add3A_205 : i32 to vector<512xi32>
    %add3A_207 = arith.addi %and3A_193, %add3A_206 : vector<512xi32>
    %broadcast_in_dim3A_208 = vector.shape_cast %add3A_207 : vector<512xi32> to vector<512x1xi32>
    %eq3A_209 = vector.broadcast %broadcast_in_dim3A_208 : vector<512x1xi32> to vector<512x256xi32>
    %eq3A_210 = arith.cmpi eq, %iota3A_194, %eq3A_209 : vector<512x256xi32>
    %jit3A_211 = arith.constant 0.000000e+00 : f32
    %broadcast_in_dim3A_212 = vector.broadcast %jit3A_211 : f32 to vector<512x256xf32>
    %select_n3A_213 = arith.select %eq3A_210, %get3A_4, %broadcast_in_dim3A_212 : vector<512x256xi1>, vector<512x256xf32>
    %reduce_sum3A_214 = arith.constant dense<0.000000e+00> : vector<512xf32>
    %reduce_sum3A_215 = vector.multi_reduction <add>, %select_n3A_213, %reduce_sum3A_214 [1] : vector<512x256xf32> to vector<512xf32>
    %add3A_216 = arith.constant 2 : i32
    %add3A_217 = vector.broadcast %add3A_216 : i32 to vector<512xi32>
    %add3A_218 = arith.addi %and3A_193, %add3A_217 : vector<512xi32>
    %broadcast_in_dim3A_219 = vector.shape_cast %add3A_218 : vector<512xi32> to vector<512x1xi32>
    %eq3A_220 = vector.broadcast %broadcast_in_dim3A_219 : vector<512x1xi32> to vector<512x256xi32>
    %eq3A_221 = arith.cmpi eq, %iota3A_194, %eq3A_220 : vector<512x256xi32>
    %jit3A_222 = arith.constant 0.000000e+00 : f32
    %broadcast_in_dim3A_223 = vector.broadcast %jit3A_222 : f32 to vector<512x256xf32>
    %select_n3A_224 = arith.select %eq3A_221, %get3A_4, %broadcast_in_dim3A_223 : vector<512x256xi1>, vector<512x256xf32>
    %reduce_sum3A_225 = arith.constant dense<0.000000e+00> : vector<512xf32>
    %reduce_sum3A_226 = vector.multi_reduction <add>, %select_n3A_224, %reduce_sum3A_225 [1] : vector<512x256xf32> to vector<512xf32>
    %add3A_227 = arith.constant 3 : i32
    %add3A_228 = vector.broadcast %add3A_227 : i32 to vector<512xi32>
    %add3A_229 = arith.addi %and3A_193, %add3A_228 : vector<512xi32>
    %broadcast_in_dim3A_230 = vector.shape_cast %add3A_229 : vector<512xi32> to vector<512x1xi32>
    %eq3A_231 = vector.broadcast %broadcast_in_dim3A_230 : vector<512x1xi32> to vector<512x256xi32>
    %eq3A_232 = arith.cmpi eq, %iota3A_194, %eq3A_231 : vector<512x256xi32>
    %jit3A_233 = arith.constant 0.000000e+00 : f32
    %broadcast_in_dim3A_234 = vector.broadcast %jit3A_233 : f32 to vector<512x256xf32>
    %select_n3A_235 = arith.select %eq3A_232, %get3A_4, %broadcast_in_dim3A_234 : vector<512x256xi1>, vector<512x256xf32>
    %reduce_sum3A_236 = arith.constant dense<0.000000e+00> : vector<512xf32>
    %reduce_sum3A_237 = vector.multi_reduction <add>, %select_n3A_235, %reduce_sum3A_236 [1] : vector<512x256xf32> to vector<512xf32>
    %add3A_238 = arith.constant 4 : i32
    %add3A_239 = vector.broadcast %add3A_238 : i32 to vector<512xi32>
    %add3A_240 = arith.addi %and3A_193, %add3A_239 : vector<512xi32>
    %broadcast_in_dim3A_241 = vector.shape_cast %add3A_240 : vector<512xi32> to vector<512x1xi32>
    %eq3A_242 = vector.broadcast %broadcast_in_dim3A_241 : vector<512x1xi32> to vector<512x256xi32>
    %eq3A_243 = arith.cmpi eq, %iota3A_194, %eq3A_242 : vector<512x256xi32>
    %jit3A_244 = arith.constant 0.000000e+00 : f32
    %broadcast_in_dim3A_245 = vector.broadcast %jit3A_244 : f32 to vector<512x256xf32>
    %select_n3A_246 = arith.select %eq3A_243, %get3A_4, %broadcast_in_dim3A_245 : vector<512x256xi1>, vector<512x256xf32>
    %reduce_sum3A_247 = arith.constant dense<0.000000e+00> : vector<512xf32>
    %reduce_sum3A_248 = vector.multi_reduction <add>, %select_n3A_246, %reduce_sum3A_247 [1] : vector<512x256xf32> to vector<512xf32>
    %add3A_249 = arith.constant 5 : i32
    %add3A_250 = vector.broadcast %add3A_249 : i32 to vector<512xi32>
    %add3A_251 = arith.addi %and3A_193, %add3A_250 : vector<512xi32>
    %broadcast_in_dim3A_252 = vector.shape_cast %add3A_251 : vector<512xi32> to vector<512x1xi32>
    %eq3A_253 = vector.broadcast %broadcast_in_dim3A_252 : vector<512x1xi32> to vector<512x256xi32>
    %eq3A_254 = arith.cmpi eq, %iota3A_194, %eq3A_253 : vector<512x256xi32>
    %jit3A_255 = arith.constant 0.000000e+00 : f32
    %broadcast_in_dim3A_256 = vector.broadcast %jit3A_255 : f32 to vector<512x256xf32>
    %select_n3A_257 = arith.select %eq3A_254, %get3A_4, %broadcast_in_dim3A_256 : vector<512x256xi1>, vector<512x256xf32>
    %reduce_sum3A_258 = arith.constant dense<0.000000e+00> : vector<512xf32>
    %reduce_sum3A_259 = vector.multi_reduction <add>, %select_n3A_257, %reduce_sum3A_258 [1] : vector<512x256xf32> to vector<512xf32>
    %add3A_260 = arith.constant 6 : i32
    %add3A_261 = vector.broadcast %add3A_260 : i32 to vector<512xi32>
    %add3A_262 = arith.addi %and3A_193, %add3A_261 : vector<512xi32>
    %broadcast_in_dim3A_263 = vector.shape_cast %add3A_262 : vector<512xi32> to vector<512x1xi32>
    %eq3A_264 = vector.broadcast %broadcast_in_dim3A_263 : vector<512x1xi32> to vector<512x256xi32>
    %eq3A_265 = arith.cmpi eq, %iota3A_194, %eq3A_264 : vector<512x256xi32>
    %jit3A_266 = arith.constant 0.000000e+00 : f32
    %broadcast_in_dim3A_267 = vector.broadcast %jit3A_266 : f32 to vector<512x256xf32>
    %select_n3A_268 = arith.select %eq3A_265, %get3A_4, %broadcast_in_dim3A_267 : vector<512x256xi1>, vector<512x256xf32>
    %reduce_sum3A_269 = arith.constant dense<0.000000e+00> : vector<512xf32>
    %reduce_sum3A_270 = vector.multi_reduction <add>, %select_n3A_268, %reduce_sum3A_269 [1] : vector<512x256xf32> to vector<512xf32>
    %add3A_271 = arith.constant 7 : i32
    %add3A_272 = vector.broadcast %add3A_271 : i32 to vector<512xi32>
    %add3A_273 = arith.addi %and3A_193, %add3A_272 : vector<512xi32>
    %broadcast_in_dim3A_274 = vector.shape_cast %add3A_273 : vector<512xi32> to vector<512x1xi32>
    %eq3A_275 = vector.broadcast %broadcast_in_dim3A_274 : vector<512x1xi32> to vector<512x256xi32>
    %eq3A_276 = arith.cmpi eq, %iota3A_194, %eq3A_275 : vector<512x256xi32>
    %jit3A_277 = arith.constant 0.000000e+00 : f32
    %broadcast_in_dim3A_278 = vector.broadcast %jit3A_277 : f32 to vector<512x256xf32>
    %select_n3A_279 = arith.select %eq3A_276, %get3A_4, %broadcast_in_dim3A_278 : vector<512x256xi1>, vector<512x256xf32>
    %reduce_sum3A_280 = arith.constant dense<0.000000e+00> : vector<512xf32>
    %reduce_sum3A_281 = vector.multi_reduction <add>, %select_n3A_279, %reduce_sum3A_280 [1] : vector<512x256xf32> to vector<512xf32>
    %add3A_282 = arith.constant 8 : i32
    %add3A_283 = vector.broadcast %add3A_282 : i32 to vector<512xi32>
    %add3A_284 = arith.addi %and3A_193, %add3A_283 : vector<512xi32>
    %broadcast_in_dim3A_285 = vector.shape_cast %add3A_284 : vector<512xi32> to vector<512x1xi32>
    %eq3A_286 = vector.broadcast %broadcast_in_dim3A_285 : vector<512x1xi32> to vector<512x256xi32>
    %eq3A_287 = arith.cmpi eq, %iota3A_194, %eq3A_286 : vector<512x256xi32>
    %jit3A_288 = arith.constant 0.000000e+00 : f32
    %broadcast_in_dim3A_289 = vector.broadcast %jit3A_288 : f32 to vector<512x256xf32>
    %select_n3A_290 = arith.select %eq3A_287, %get3A_4, %broadcast_in_dim3A_289 : vector<512x256xi1>, vector<512x256xf32>
    %reduce_sum3A_291 = arith.constant dense<0.000000e+00> : vector<512xf32>
    %reduce_sum3A_292 = vector.multi_reduction <add>, %select_n3A_290, %reduce_sum3A_291 [1] : vector<512x256xf32> to vector<512xf32>
    %add3A_293 = arith.constant 9 : i32
    %add3A_294 = vector.broadcast %add3A_293 : i32 to vector<512xi32>
    %add3A_295 = arith.addi %and3A_193, %add3A_294 : vector<512xi32>
    %broadcast_in_dim3A_296 = vector.shape_cast %add3A_295 : vector<512xi32> to vector<512x1xi32>
    %eq3A_297 = vector.broadcast %broadcast_in_dim3A_296 : vector<512x1xi32> to vector<512x256xi32>
    %eq3A_298 = arith.cmpi eq, %iota3A_194, %eq3A_297 : vector<512x256xi32>
    %jit3A_299 = arith.constant 0.000000e+00 : f32
    %broadcast_in_dim3A_300 = vector.broadcast %jit3A_299 : f32 to vector<512x256xf32>
    %select_n3A_301 = arith.select %eq3A_298, %get3A_4, %broadcast_in_dim3A_300 : vector<512x256xi1>, vector<512x256xf32>
    %reduce_sum3A_302 = arith.constant dense<0.000000e+00> : vector<512xf32>
    %reduce_sum3A_303 = vector.multi_reduction <add>, %select_n3A_301, %reduce_sum3A_302 [1] : vector<512x256xf32> to vector<512xf32>
    %add3A_304 = arith.constant 10 : i32
    %add3A_305 = vector.broadcast %add3A_304 : i32 to vector<512xi32>
    %add3A_306 = arith.addi %and3A_193, %add3A_305 : vector<512xi32>
    %broadcast_in_dim3A_307 = vector.shape_cast %add3A_306 : vector<512xi32> to vector<512x1xi32>
    %eq3A_308 = vector.broadcast %broadcast_in_dim3A_307 : vector<512x1xi32> to vector<512x256xi32>
    %eq3A_309 = arith.cmpi eq, %iota3A_194, %eq3A_308 : vector<512x256xi32>
    %jit3A_310 = arith.constant 0.000000e+00 : f32
    %broadcast_in_dim3A_311 = vector.broadcast %jit3A_310 : f32 to vector<512x256xf32>
    %select_n3A_312 = arith.select %eq3A_309, %get3A_4, %broadcast_in_dim3A_311 : vector<512x256xi1>, vector<512x256xf32>
    %reduce_sum3A_313 = arith.constant dense<0.000000e+00> : vector<512xf32>
    %reduce_sum3A_314 = vector.multi_reduction <add>, %select_n3A_312, %reduce_sum3A_313 [1] : vector<512x256xf32> to vector<512xf32>
    %add3A_315 = arith.constant 11 : i32
    %add3A_316 = vector.broadcast %add3A_315 : i32 to vector<512xi32>
    %add3A_317 = arith.addi %and3A_193, %add3A_316 : vector<512xi32>
    %broadcast_in_dim3A_318 = vector.shape_cast %add3A_317 : vector<512xi32> to vector<512x1xi32>
    %eq3A_319 = vector.broadcast %broadcast_in_dim3A_318 : vector<512x1xi32> to vector<512x256xi32>
    %eq3A_320 = arith.cmpi eq, %iota3A_194, %eq3A_319 : vector<512x256xi32>
    %jit3A_321 = arith.constant 0.000000e+00 : f32
    %broadcast_in_dim3A_322 = vector.broadcast %jit3A_321 : f32 to vector<512x256xf32>
    %select_n3A_323 = arith.select %eq3A_320, %get3A_4, %broadcast_in_dim3A_322 : vector<512x256xi1>, vector<512x256xf32>
    %reduce_sum3A_324 = arith.constant dense<0.000000e+00> : vector<512xf32>
    %reduce_sum3A_325 = vector.multi_reduction <add>, %select_n3A_323, %reduce_sum3A_324 [1] : vector<512x256xf32> to vector<512xf32>
    %add3A_326 = arith.constant 12 : i32
    %add3A_327 = vector.broadcast %add3A_326 : i32 to vector<512xi32>
    %add3A_328 = arith.addi %and3A_193, %add3A_327 : vector<512xi32>
    %broadcast_in_dim3A_329 = vector.shape_cast %add3A_328 : vector<512xi32> to vector<512x1xi32>
    %eq3A_330 = vector.broadcast %broadcast_in_dim3A_329 : vector<512x1xi32> to vector<512x256xi32>
    %eq3A_331 = arith.cmpi eq, %iota3A_194, %eq3A_330 : vector<512x256xi32>
    %jit3A_332 = arith.constant 0.000000e+00 : f32
    %broadcast_in_dim3A_333 = vector.broadcast %jit3A_332 : f32 to vector<512x256xf32>
    %select_n3A_334 = arith.select %eq3A_331, %get3A_4, %broadcast_in_dim3A_333 : vector<512x256xi1>, vector<512x256xf32>
    %reduce_sum3A_335 = arith.constant dense<0.000000e+00> : vector<512xf32>
    %reduce_sum3A_336 = vector.multi_reduction <add>, %select_n3A_334, %reduce_sum3A_335 [1] : vector<512x256xf32> to vector<512xf32>
    %add3A_337 = arith.constant 13 : i32
    %add3A_338 = vector.broadcast %add3A_337 : i32 to vector<512xi32>
    %add3A_339 = arith.addi %and3A_193, %add3A_338 : vector<512xi32>
    %broadcast_in_dim3A_340 = vector.shape_cast %add3A_339 : vector<512xi32> to vector<512x1xi32>
    %eq3A_341 = vector.broadcast %broadcast_in_dim3A_340 : vector<512x1xi32> to vector<512x256xi32>
    %eq3A_342 = arith.cmpi eq, %iota3A_194, %eq3A_341 : vector<512x256xi32>
    %jit3A_343 = arith.constant 0.000000e+00 : f32
    %broadcast_in_dim3A_344 = vector.broadcast %jit3A_343 : f32 to vector<512x256xf32>
    %select_n3A_345 = arith.select %eq3A_342, %get3A_4, %broadcast_in_dim3A_344 : vector<512x256xi1>, vector<512x256xf32>
    %reduce_sum3A_346 = arith.constant dense<0.000000e+00> : vector<512xf32>
    %reduce_sum3A_347 = vector.multi_reduction <add>, %select_n3A_345, %reduce_sum3A_346 [1] : vector<512x256xf32> to vector<512xf32>
    %add3A_348 = arith.constant 14 : i32
    %add3A_349 = vector.broadcast %add3A_348 : i32 to vector<512xi32>
    %add3A_350 = arith.addi %and3A_193, %add3A_349 : vector<512xi32>
    %broadcast_in_dim3A_351 = vector.shape_cast %add3A_350 : vector<512xi32> to vector<512x1xi32>
    %eq3A_352 = vector.broadcast %broadcast_in_dim3A_351 : vector<512x1xi32> to vector<512x256xi32>
    %eq3A_353 = arith.cmpi eq, %iota3A_194, %eq3A_352 : vector<512x256xi32>
    %jit3A_354 = arith.constant 0.000000e+00 : f32
    %broadcast_in_dim3A_355 = vector.broadcast %jit3A_354 : f32 to vector<512x256xf32>
    %select_n3A_356 = arith.select %eq3A_353, %get3A_4, %broadcast_in_dim3A_355 : vector<512x256xi1>, vector<512x256xf32>
    %reduce_sum3A_357 = arith.constant dense<0.000000e+00> : vector<512xf32>
    %reduce_sum3A_358 = vector.multi_reduction <add>, %select_n3A_356, %reduce_sum3A_357 [1] : vector<512x256xf32> to vector<512xf32>
    %add3A_359 = arith.constant 15 : i32
    %add3A_360 = vector.broadcast %add3A_359 : i32 to vector<512xi32>
    %add3A_361 = arith.addi %and3A_193, %add3A_360 : vector<512xi32>
    %broadcast_in_dim3A_362 = vector.shape_cast %add3A_361 : vector<512xi32> to vector<512x1xi32>
    %eq3A_363 = vector.broadcast %broadcast_in_dim3A_362 : vector<512x1xi32> to vector<512x256xi32>
    %eq3A_364 = arith.cmpi eq, %iota3A_194, %eq3A_363 : vector<512x256xi32>
    %jit3A_365 = arith.constant 0.000000e+00 : f32
    %broadcast_in_dim3A_366 = vector.broadcast %jit3A_365 : f32 to vector<512x256xf32>
    %select_n3A_367 = arith.select %eq3A_364, %get3A_4, %broadcast_in_dim3A_366 : vector<512x256xi1>, vector<512x256xf32>
    %reduce_sum3A_368 = arith.constant dense<0.000000e+00> : vector<512xf32>
    %reduce_sum3A_369 = vector.multi_reduction <add>, %select_n3A_367, %reduce_sum3A_368 [1] : vector<512x256xf32> to vector<512xf32>
    %add3A_370 = arith.constant 16 : i32
    %add3A_371 = vector.broadcast %add3A_370 : i32 to vector<512xi32>
    %add3A_372 = arith.addi %and3A_193, %add3A_371 : vector<512xi32>
    %broadcast_in_dim3A_373 = vector.shape_cast %add3A_372 : vector<512xi32> to vector<512x1xi32>
    %eq3A_374 = vector.broadcast %broadcast_in_dim3A_373 : vector<512x1xi32> to vector<512x256xi32>
    %eq3A_375 = arith.cmpi eq, %iota3A_194, %eq3A_374 : vector<512x256xi32>
    %jit3A_376 = arith.constant 0.000000e+00 : f32
    %broadcast_in_dim3A_377 = vector.broadcast %jit3A_376 : f32 to vector<512x256xf32>
    %select_n3A_378 = arith.select %eq3A_375, %get3A_4, %broadcast_in_dim3A_377 : vector<512x256xi1>, vector<512x256xf32>
    %reduce_sum3A_379 = arith.constant dense<0.000000e+00> : vector<512xf32>
    %reduce_sum3A_380 = vector.multi_reduction <add>, %select_n3A_378, %reduce_sum3A_379 [1] : vector<512x256xf32> to vector<512xf32>
    %add3A_381 = arith.constant 17 : i32
    %add3A_382 = vector.broadcast %add3A_381 : i32 to vector<512xi32>
    %add3A_383 = arith.addi %and3A_193, %add3A_382 : vector<512xi32>
    %broadcast_in_dim3A_384 = vector.shape_cast %add3A_383 : vector<512xi32> to vector<512x1xi32>
    %eq3A_385 = vector.broadcast %broadcast_in_dim3A_384 : vector<512x1xi32> to vector<512x256xi32>
    %eq3A_386 = arith.cmpi eq, %iota3A_194, %eq3A_385 : vector<512x256xi32>
    %jit3A_387 = arith.constant 0.000000e+00 : f32
    %broadcast_in_dim3A_388 = vector.broadcast %jit3A_387 : f32 to vector<512x256xf32>
    %select_n3A_389 = arith.select %eq3A_386, %get3A_4, %broadcast_in_dim3A_388 : vector<512x256xi1>, vector<512x256xf32>
    %reduce_sum3A_390 = arith.constant dense<0.000000e+00> : vector<512xf32>
    %reduce_sum3A_391 = vector.multi_reduction <add>, %select_n3A_389, %reduce_sum3A_390 [1] : vector<512x256xf32> to vector<512xf32>
    %add3A_392 = arith.constant 18 : i32
    %add3A_393 = vector.broadcast %add3A_392 : i32 to vector<512xi32>
    %add3A_394 = arith.addi %and3A_193, %add3A_393 : vector<512xi32>
    %broadcast_in_dim3A_395 = vector.shape_cast %add3A_394 : vector<512xi32> to vector<512x1xi32>
    %eq3A_396 = vector.broadcast %broadcast_in_dim3A_395 : vector<512x1xi32> to vector<512x256xi32>
    %eq3A_397 = arith.cmpi eq, %iota3A_194, %eq3A_396 : vector<512x256xi32>
    %jit3A_398 = arith.constant 0.000000e+00 : f32
    %broadcast_in_dim3A_399 = vector.broadcast %jit3A_398 : f32 to vector<512x256xf32>
    %select_n3A_400 = arith.select %eq3A_397, %get3A_4, %broadcast_in_dim3A_399 : vector<512x256xi1>, vector<512x256xf32>
    %reduce_sum3A_401 = arith.constant dense<0.000000e+00> : vector<512xf32>
    %reduce_sum3A_402 = vector.multi_reduction <add>, %select_n3A_400, %reduce_sum3A_401 [1] : vector<512x256xf32> to vector<512xf32>
    %add3A_403 = arith.constant 19 : i32
    %add3A_404 = vector.broadcast %add3A_403 : i32 to vector<512xi32>
    %add3A_405 = arith.addi %and3A_193, %add3A_404 : vector<512xi32>
    %broadcast_in_dim3A_406 = vector.shape_cast %add3A_405 : vector<512xi32> to vector<512x1xi32>
    %eq3A_407 = vector.broadcast %broadcast_in_dim3A_406 : vector<512x1xi32> to vector<512x256xi32>
    %eq3A_408 = arith.cmpi eq, %iota3A_194, %eq3A_407 : vector<512x256xi32>
    %jit3A_409 = arith.constant 0.000000e+00 : f32
    %broadcast_in_dim3A_410 = vector.broadcast %jit3A_409 : f32 to vector<512x256xf32>
    %select_n3A_411 = arith.select %eq3A_408, %get3A_4, %broadcast_in_dim3A_410 : vector<512x256xi1>, vector<512x256xf32>
    %reduce_sum3A_412 = arith.constant dense<0.000000e+00> : vector<512xf32>
    %reduce_sum3A_413 = vector.multi_reduction <add>, %select_n3A_411, %reduce_sum3A_412 [1] : vector<512x256xf32> to vector<512xf32>
    %add3A_414 = arith.constant 20 : i32
    %add3A_415 = vector.broadcast %add3A_414 : i32 to vector<512xi32>
    %add3A_416 = arith.addi %and3A_193, %add3A_415 : vector<512xi32>
    %broadcast_in_dim3A_417 = vector.shape_cast %add3A_416 : vector<512xi32> to vector<512x1xi32>
    %eq3A_418 = vector.broadcast %broadcast_in_dim3A_417 : vector<512x1xi32> to vector<512x256xi32>
    %eq3A_419 = arith.cmpi eq, %iota3A_194, %eq3A_418 : vector<512x256xi32>
    %jit3A_420 = arith.constant 0.000000e+00 : f32
    %broadcast_in_dim3A_421 = vector.broadcast %jit3A_420 : f32 to vector<512x256xf32>
    %select_n3A_422 = arith.select %eq3A_419, %get3A_4, %broadcast_in_dim3A_421 : vector<512x256xi1>, vector<512x256xf32>
    %reduce_sum3A_423 = arith.constant dense<0.000000e+00> : vector<512xf32>
    %reduce_sum3A_424 = vector.multi_reduction <add>, %select_n3A_422, %reduce_sum3A_423 [1] : vector<512x256xf32> to vector<512xf32>
    %add3A_425 = arith.constant 21 : i32
    %add3A_426 = vector.broadcast %add3A_425 : i32 to vector<512xi32>
    %add3A_427 = arith.addi %and3A_193, %add3A_426 : vector<512xi32>
    %broadcast_in_dim3A_428 = vector.shape_cast %add3A_427 : vector<512xi32> to vector<512x1xi32>
    %eq3A_429 = vector.broadcast %broadcast_in_dim3A_428 : vector<512x1xi32> to vector<512x256xi32>
    %eq3A_430 = arith.cmpi eq, %iota3A_194, %eq3A_429 : vector<512x256xi32>
    %jit3A_431 = arith.constant 0.000000e+00 : f32
    %broadcast_in_dim3A_432 = vector.broadcast %jit3A_431 : f32 to vector<512x256xf32>
    %select_n3A_433 = arith.select %eq3A_430, %get3A_4, %broadcast_in_dim3A_432 : vector<512x256xi1>, vector<512x256xf32>
    %reduce_sum3A_434 = arith.constant dense<0.000000e+00> : vector<512xf32>
    %reduce_sum3A_435 = vector.multi_reduction <add>, %select_n3A_433, %reduce_sum3A_434 [1] : vector<512x256xf32> to vector<512xf32>
    %add3A_436 = arith.constant 22 : i32
    %add3A_437 = vector.broadcast %add3A_436 : i32 to vector<512xi32>
    %add3A_438 = arith.addi %and3A_193, %add3A_437 : vector<512xi32>
    %broadcast_in_dim3A_439 = vector.shape_cast %add3A_438 : vector<512xi32> to vector<512x1xi32>
    %eq3A_440 = vector.broadcast %broadcast_in_dim3A_439 : vector<512x1xi32> to vector<512x256xi32>
    %eq3A_441 = arith.cmpi eq, %iota3A_194, %eq3A_440 : vector<512x256xi32>
    %jit3A_442 = arith.constant 0.000000e+00 : f32
    %broadcast_in_dim3A_443 = vector.broadcast %jit3A_442 : f32 to vector<512x256xf32>
    %select_n3A_444 = arith.select %eq3A_441, %get3A_4, %broadcast_in_dim3A_443 : vector<512x256xi1>, vector<512x256xf32>
    %reduce_sum3A_445 = arith.constant dense<0.000000e+00> : vector<512xf32>
    %reduce_sum3A_446 = vector.multi_reduction <add>, %select_n3A_444, %reduce_sum3A_445 [1] : vector<512x256xf32> to vector<512xf32>
    %add3A_447 = arith.constant 23 : i32
    %add3A_448 = vector.broadcast %add3A_447 : i32 to vector<512xi32>
    %add3A_449 = arith.addi %and3A_193, %add3A_448 : vector<512xi32>
    %broadcast_in_dim3A_450 = vector.shape_cast %add3A_449 : vector<512xi32> to vector<512x1xi32>
    %eq3A_451 = vector.broadcast %broadcast_in_dim3A_450 : vector<512x1xi32> to vector<512x256xi32>
    %eq3A_452 = arith.cmpi eq, %iota3A_194, %eq3A_451 : vector<512x256xi32>
    %jit3A_453 = arith.constant 0.000000e+00 : f32
    %broadcast_in_dim3A_454 = vector.broadcast %jit3A_453 : f32 to vector<512x256xf32>
    %select_n3A_455 = arith.select %eq3A_452, %get3A_4, %broadcast_in_dim3A_454 : vector<512x256xi1>, vector<512x256xf32>
    %reduce_sum3A_456 = arith.constant dense<0.000000e+00> : vector<512xf32>
    %reduce_sum3A_457 = vector.multi_reduction <add>, %select_n3A_455, %reduce_sum3A_456 [1] : vector<512x256xf32> to vector<512xf32>
    %add3A_458 = arith.constant 24 : i32
    %add3A_459 = vector.broadcast %add3A_458 : i32 to vector<512xi32>
    %add3A_460 = arith.addi %and3A_193, %add3A_459 : vector<512xi32>
    %broadcast_in_dim3A_461 = vector.shape_cast %add3A_460 : vector<512xi32> to vector<512x1xi32>
    %eq3A_462 = vector.broadcast %broadcast_in_dim3A_461 : vector<512x1xi32> to vector<512x256xi32>
    %eq3A_463 = arith.cmpi eq, %iota3A_194, %eq3A_462 : vector<512x256xi32>
    %jit3A_464 = arith.constant 0.000000e+00 : f32
    %broadcast_in_dim3A_465 = vector.broadcast %jit3A_464 : f32 to vector<512x256xf32>
    %select_n3A_466 = arith.select %eq3A_463, %get3A_4, %broadcast_in_dim3A_465 : vector<512x256xi1>, vector<512x256xf32>
    %reduce_sum3A_467 = arith.constant dense<0.000000e+00> : vector<512xf32>
    %reduce_sum3A_468 = vector.multi_reduction <add>, %select_n3A_466, %reduce_sum3A_467 [1] : vector<512x256xf32> to vector<512xf32>
    %add3A_469 = arith.constant 25 : i32
    %add3A_470 = vector.broadcast %add3A_469 : i32 to vector<512xi32>
    %add3A_471 = arith.addi %and3A_193, %add3A_470 : vector<512xi32>
    %broadcast_in_dim3A_472 = vector.shape_cast %add3A_471 : vector<512xi32> to vector<512x1xi32>
    %eq3A_473 = vector.broadcast %broadcast_in_dim3A_472 : vector<512x1xi32> to vector<512x256xi32>
    %eq3A_474 = arith.cmpi eq, %iota3A_194, %eq3A_473 : vector<512x256xi32>
    %jit3A_475 = arith.constant 0.000000e+00 : f32
    %broadcast_in_dim3A_476 = vector.broadcast %jit3A_475 : f32 to vector<512x256xf32>
    %select_n3A_477 = arith.select %eq3A_474, %get3A_4, %broadcast_in_dim3A_476 : vector<512x256xi1>, vector<512x256xf32>
    %reduce_sum3A_478 = arith.constant dense<0.000000e+00> : vector<512xf32>
    %reduce_sum3A_479 = vector.multi_reduction <add>, %select_n3A_477, %reduce_sum3A_478 [1] : vector<512x256xf32> to vector<512xf32>
    %add3A_480 = arith.constant 26 : i32
    %add3A_481 = vector.broadcast %add3A_480 : i32 to vector<512xi32>
    %add3A_482 = arith.addi %and3A_193, %add3A_481 : vector<512xi32>
    %broadcast_in_dim3A_483 = vector.shape_cast %add3A_482 : vector<512xi32> to vector<512x1xi32>
    %eq3A_484 = vector.broadcast %broadcast_in_dim3A_483 : vector<512x1xi32> to vector<512x256xi32>
    %eq3A_485 = arith.cmpi eq, %iota3A_194, %eq3A_484 : vector<512x256xi32>
    %jit3A_486 = arith.constant 0.000000e+00 : f32
    %broadcast_in_dim3A_487 = vector.broadcast %jit3A_486 : f32 to vector<512x256xf32>
    %select_n3A_488 = arith.select %eq3A_485, %get3A_4, %broadcast_in_dim3A_487 : vector<512x256xi1>, vector<512x256xf32>
    %reduce_sum3A_489 = arith.constant dense<0.000000e+00> : vector<512xf32>
    %reduce_sum3A_490 = vector.multi_reduction <add>, %select_n3A_488, %reduce_sum3A_489 [1] : vector<512x256xf32> to vector<512xf32>
    %add3A_491 = arith.constant 27 : i32
    %add3A_492 = vector.broadcast %add3A_491 : i32 to vector<512xi32>
    %add3A_493 = arith.addi %and3A_193, %add3A_492 : vector<512xi32>
    %broadcast_in_dim3A_494 = vector.shape_cast %add3A_493 : vector<512xi32> to vector<512x1xi32>
    %eq3A_495 = vector.broadcast %broadcast_in_dim3A_494 : vector<512x1xi32> to vector<512x256xi32>
    %eq3A_496 = arith.cmpi eq, %iota3A_194, %eq3A_495 : vector<512x256xi32>
    %jit3A_497 = arith.constant 0.000000e+00 : f32
    %broadcast_in_dim3A_498 = vector.broadcast %jit3A_497 : f32 to vector<512x256xf32>
    %select_n3A_499 = arith.select %eq3A_496, %get3A_4, %broadcast_in_dim3A_498 : vector<512x256xi1>, vector<512x256xf32>
    %reduce_sum3A_500 = arith.constant dense<0.000000e+00> : vector<512xf32>
    %reduce_sum3A_501 = vector.multi_reduction <add>, %select_n3A_499, %reduce_sum3A_500 [1] : vector<512x256xf32> to vector<512xf32>
    %add3A_502 = arith.constant 28 : i32
    %add3A_503 = vector.broadcast %add3A_502 : i32 to vector<512xi32>
    %add3A_504 = arith.addi %and3A_193, %add3A_503 : vector<512xi32>
    %broadcast_in_dim3A_505 = vector.shape_cast %add3A_504 : vector<512xi32> to vector<512x1xi32>
    %eq3A_506 = vector.broadcast %broadcast_in_dim3A_505 : vector<512x1xi32> to vector<512x256xi32>
    %eq3A_507 = arith.cmpi eq, %iota3A_194, %eq3A_506 : vector<512x256xi32>
    %jit3A_508 = arith.constant 0.000000e+00 : f32
    %broadcast_in_dim3A_509 = vector.broadcast %jit3A_508 : f32 to vector<512x256xf32>
    %select_n3A_510 = arith.select %eq3A_507, %get3A_4, %broadcast_in_dim3A_509 : vector<512x256xi1>, vector<512x256xf32>
    %reduce_sum3A_511 = arith.constant dense<0.000000e+00> : vector<512xf32>
    %reduce_sum3A_512 = vector.multi_reduction <add>, %select_n3A_510, %reduce_sum3A_511 [1] : vector<512x256xf32> to vector<512xf32>
    %add3A_513 = arith.constant 29 : i32
    %add3A_514 = vector.broadcast %add3A_513 : i32 to vector<512xi32>
    %add3A_515 = arith.addi %and3A_193, %add3A_514 : vector<512xi32>
    %broadcast_in_dim3A_516 = vector.shape_cast %add3A_515 : vector<512xi32> to vector<512x1xi32>
    %eq3A_517 = vector.broadcast %broadcast_in_dim3A_516 : vector<512x1xi32> to vector<512x256xi32>
    %eq3A_518 = arith.cmpi eq, %iota3A_194, %eq3A_517 : vector<512x256xi32>
    %jit3A_519 = arith.constant 0.000000e+00 : f32
    %broadcast_in_dim3A_520 = vector.broadcast %jit3A_519 : f32 to vector<512x256xf32>
    %select_n3A_521 = arith.select %eq3A_518, %get3A_4, %broadcast_in_dim3A_520 : vector<512x256xi1>, vector<512x256xf32>
    %reduce_sum3A_522 = arith.constant dense<0.000000e+00> : vector<512xf32>
    %reduce_sum3A_523 = vector.multi_reduction <add>, %select_n3A_521, %reduce_sum3A_522 [1] : vector<512x256xf32> to vector<512xf32>
    %broadcast_in_dim3A_524 = arith.constant 0.000000e+00 : f32
    %broadcast_in_dim3A_525 = vector.broadcast %broadcast_in_dim3A_524 : f32 to vector<512xf32>
    %broadcast_in_dim3A_526 = arith.constant 0.000000e+00 : f32
    %broadcast_in_dim3A_527 = vector.broadcast %broadcast_in_dim3A_526 : f32 to vector<512xf32>
    %abs3A = math.absf %reduce_sum3A_259 : vector<512xf32>
    %neg3A = arith.constant 0.000000e+00 : f32
    %neg3A_528 = vector.broadcast %neg3A : f32 to vector<512xf32>
    %neg3A_529 = arith.subf %neg3A_528, %abs3A : vector<512xf32>
    %exp3A = math.exp %neg3A_529 : vector<512xf32>
    %log1p3A = math.log1p %exp3A : vector<512xf32>
    %max3A_530 = arith.constant 0.000000e+00 : f32
    %max3A_531 = vector.broadcast %max3A_530 : f32 to vector<512xf32>
    %max3A_532 = arith.maximumf %reduce_sum3A_259, %max3A_531 : vector<512xf32>
    %add3A_533 = arith.addf %log1p3A, %max3A_532 : vector<512xf32>
    %add3A_534 = arith.addf %broadcast_in_dim3A_525, %add3A_533 : vector<512xf32>
    %eq3A_535 = arith.constant 0 : i32
    %eq3A_536 = vector.broadcast %eq3A_535 : i32 to vector<512xi32>
    %eq3A_537 = arith.cmpi eq, %convert_element_type3A_7, %eq3A_536 : vector<512xi32>
    %jit3A_538 = arith.constant 0.000000e+00 : f32
    %broadcast_in_dim3A_539 = vector.broadcast %jit3A_538 : f32 to vector<512xf32>
    %select_n3A_540 = arith.select %eq3A_537, %reduce_sum3A_259, %broadcast_in_dim3A_539 : vector<512xi1>, vector<512xf32>
    %add3A_541 = arith.addf %broadcast_in_dim3A_527, %select_n3A_540 : vector<512xf32>
    %abs3A_542 = math.absf %reduce_sum3A_270 : vector<512xf32>
    %neg3A_543 = arith.constant 0.000000e+00 : f32
    %neg3A_544 = vector.broadcast %neg3A_543 : f32 to vector<512xf32>
    %neg3A_545 = arith.subf %neg3A_544, %abs3A_542 : vector<512xf32>
    %exp3A_546 = math.exp %neg3A_545 : vector<512xf32>
    %log1p3A_547 = math.log1p %exp3A_546 : vector<512xf32>
    %max3A_548 = arith.constant 0.000000e+00 : f32
    %max3A_549 = vector.broadcast %max3A_548 : f32 to vector<512xf32>
    %max3A_550 = arith.maximumf %reduce_sum3A_270, %max3A_549 : vector<512xf32>
    %add3A_551 = arith.addf %log1p3A_547, %max3A_550 : vector<512xf32>
    %add3A_552 = arith.addf %add3A_534, %add3A_551 : vector<512xf32>
    %eq3A_553 = arith.constant 1 : i32
    %eq3A_554 = vector.broadcast %eq3A_553 : i32 to vector<512xi32>
    %eq3A_555 = arith.cmpi eq, %convert_element_type3A_7, %eq3A_554 : vector<512xi32>
    %jit3A_556 = arith.constant 0.000000e+00 : f32
    %broadcast_in_dim3A_557 = vector.broadcast %jit3A_556 : f32 to vector<512xf32>
    %select_n3A_558 = arith.select %eq3A_555, %reduce_sum3A_270, %broadcast_in_dim3A_557 : vector<512xi1>, vector<512xf32>
    %add3A_559 = arith.addf %add3A_541, %select_n3A_558 : vector<512xf32>
    %abs3A_560 = math.absf %reduce_sum3A_281 : vector<512xf32>
    %neg3A_561 = arith.constant 0.000000e+00 : f32
    %neg3A_562 = vector.broadcast %neg3A_561 : f32 to vector<512xf32>
    %neg3A_563 = arith.subf %neg3A_562, %abs3A_560 : vector<512xf32>
    %exp3A_564 = math.exp %neg3A_563 : vector<512xf32>
    %log1p3A_565 = math.log1p %exp3A_564 : vector<512xf32>
    %max3A_566 = arith.constant 0.000000e+00 : f32
    %max3A_567 = vector.broadcast %max3A_566 : f32 to vector<512xf32>
    %max3A_568 = arith.maximumf %reduce_sum3A_281, %max3A_567 : vector<512xf32>
    %add3A_569 = arith.addf %log1p3A_565, %max3A_568 : vector<512xf32>
    %add3A_570 = arith.addf %add3A_552, %add3A_569 : vector<512xf32>
    %eq3A_571 = arith.constant 2 : i32
    %eq3A_572 = vector.broadcast %eq3A_571 : i32 to vector<512xi32>
    %eq3A_573 = arith.cmpi eq, %convert_element_type3A_7, %eq3A_572 : vector<512xi32>
    %jit3A_574 = arith.constant 0.000000e+00 : f32
    %broadcast_in_dim3A_575 = vector.broadcast %jit3A_574 : f32 to vector<512xf32>
    %select_n3A_576 = arith.select %eq3A_573, %reduce_sum3A_281, %broadcast_in_dim3A_575 : vector<512xi1>, vector<512xf32>
    %add3A_577 = arith.addf %add3A_559, %select_n3A_576 : vector<512xf32>
    %abs3A_578 = math.absf %reduce_sum3A_292 : vector<512xf32>
    %neg3A_579 = arith.constant 0.000000e+00 : f32
    %neg3A_580 = vector.broadcast %neg3A_579 : f32 to vector<512xf32>
    %neg3A_581 = arith.subf %neg3A_580, %abs3A_578 : vector<512xf32>
    %exp3A_582 = math.exp %neg3A_581 : vector<512xf32>
    %log1p3A_583 = math.log1p %exp3A_582 : vector<512xf32>
    %max3A_584 = arith.constant 0.000000e+00 : f32
    %max3A_585 = vector.broadcast %max3A_584 : f32 to vector<512xf32>
    %max3A_586 = arith.maximumf %reduce_sum3A_292, %max3A_585 : vector<512xf32>
    %add3A_587 = arith.addf %log1p3A_583, %max3A_586 : vector<512xf32>
    %add3A_588 = arith.addf %add3A_570, %add3A_587 : vector<512xf32>
    %eq3A_589 = arith.constant 3 : i32
    %eq3A_590 = vector.broadcast %eq3A_589 : i32 to vector<512xi32>
    %eq3A_591 = arith.cmpi eq, %convert_element_type3A_7, %eq3A_590 : vector<512xi32>
    %jit3A_592 = arith.constant 0.000000e+00 : f32
    %broadcast_in_dim3A_593 = vector.broadcast %jit3A_592 : f32 to vector<512xf32>
    %select_n3A_594 = arith.select %eq3A_591, %reduce_sum3A_292, %broadcast_in_dim3A_593 : vector<512xi1>, vector<512xf32>
    %add3A_595 = arith.addf %add3A_577, %select_n3A_594 : vector<512xf32>
    %abs3A_596 = math.absf %reduce_sum3A_303 : vector<512xf32>
    %neg3A_597 = arith.constant 0.000000e+00 : f32
    %neg3A_598 = vector.broadcast %neg3A_597 : f32 to vector<512xf32>
    %neg3A_599 = arith.subf %neg3A_598, %abs3A_596 : vector<512xf32>
    %exp3A_600 = math.exp %neg3A_599 : vector<512xf32>
    %log1p3A_601 = math.log1p %exp3A_600 : vector<512xf32>
    %max3A_602 = arith.constant 0.000000e+00 : f32
    %max3A_603 = vector.broadcast %max3A_602 : f32 to vector<512xf32>
    %max3A_604 = arith.maximumf %reduce_sum3A_303, %max3A_603 : vector<512xf32>
    %add3A_605 = arith.addf %log1p3A_601, %max3A_604 : vector<512xf32>
    %add3A_606 = arith.addf %add3A_588, %add3A_605 : vector<512xf32>
    %eq3A_607 = arith.constant 4 : i32
    %eq3A_608 = vector.broadcast %eq3A_607 : i32 to vector<512xi32>
    %eq3A_609 = arith.cmpi eq, %convert_element_type3A_7, %eq3A_608 : vector<512xi32>
    %jit3A_610 = arith.constant 0.000000e+00 : f32
    %broadcast_in_dim3A_611 = vector.broadcast %jit3A_610 : f32 to vector<512xf32>
    %select_n3A_612 = arith.select %eq3A_609, %reduce_sum3A_303, %broadcast_in_dim3A_611 : vector<512xi1>, vector<512xf32>
    %add3A_613 = arith.addf %add3A_595, %select_n3A_612 : vector<512xf32>
    %abs3A_614 = math.absf %reduce_sum3A_314 : vector<512xf32>
    %neg3A_615 = arith.constant 0.000000e+00 : f32
    %neg3A_616 = vector.broadcast %neg3A_615 : f32 to vector<512xf32>
    %neg3A_617 = arith.subf %neg3A_616, %abs3A_614 : vector<512xf32>
    %exp3A_618 = math.exp %neg3A_617 : vector<512xf32>
    %log1p3A_619 = math.log1p %exp3A_618 : vector<512xf32>
    %max3A_620 = arith.constant 0.000000e+00 : f32
    %max3A_621 = vector.broadcast %max3A_620 : f32 to vector<512xf32>
    %max3A_622 = arith.maximumf %reduce_sum3A_314, %max3A_621 : vector<512xf32>
    %add3A_623 = arith.addf %log1p3A_619, %max3A_622 : vector<512xf32>
    %add3A_624 = arith.addf %add3A_606, %add3A_623 : vector<512xf32>
    %eq3A_625 = arith.constant 5 : i32
    %eq3A_626 = vector.broadcast %eq3A_625 : i32 to vector<512xi32>
    %eq3A_627 = arith.cmpi eq, %convert_element_type3A_7, %eq3A_626 : vector<512xi32>
    %jit3A_628 = arith.constant 0.000000e+00 : f32
    %broadcast_in_dim3A_629 = vector.broadcast %jit3A_628 : f32 to vector<512xf32>
    %select_n3A_630 = arith.select %eq3A_627, %reduce_sum3A_314, %broadcast_in_dim3A_629 : vector<512xi1>, vector<512xf32>
    %add3A_631 = arith.addf %add3A_613, %select_n3A_630 : vector<512xf32>
    %abs3A_632 = math.absf %reduce_sum3A_325 : vector<512xf32>
    %neg3A_633 = arith.constant 0.000000e+00 : f32
    %neg3A_634 = vector.broadcast %neg3A_633 : f32 to vector<512xf32>
    %neg3A_635 = arith.subf %neg3A_634, %abs3A_632 : vector<512xf32>
    %exp3A_636 = math.exp %neg3A_635 : vector<512xf32>
    %log1p3A_637 = math.log1p %exp3A_636 : vector<512xf32>
    %max3A_638 = arith.constant 0.000000e+00 : f32
    %max3A_639 = vector.broadcast %max3A_638 : f32 to vector<512xf32>
    %max3A_640 = arith.maximumf %reduce_sum3A_325, %max3A_639 : vector<512xf32>
    %add3A_641 = arith.addf %log1p3A_637, %max3A_640 : vector<512xf32>
    %add3A_642 = arith.addf %add3A_624, %add3A_641 : vector<512xf32>
    %eq3A_643 = arith.constant 6 : i32
    %eq3A_644 = vector.broadcast %eq3A_643 : i32 to vector<512xi32>
    %eq3A_645 = arith.cmpi eq, %convert_element_type3A_7, %eq3A_644 : vector<512xi32>
    %jit3A_646 = arith.constant 0.000000e+00 : f32
    %broadcast_in_dim3A_647 = vector.broadcast %jit3A_646 : f32 to vector<512xf32>
    %select_n3A_648 = arith.select %eq3A_645, %reduce_sum3A_325, %broadcast_in_dim3A_647 : vector<512xi1>, vector<512xf32>
    %add3A_649 = arith.addf %add3A_631, %select_n3A_648 : vector<512xf32>
    %abs3A_650 = math.absf %reduce_sum3A_336 : vector<512xf32>
    %neg3A_651 = arith.constant 0.000000e+00 : f32
    %neg3A_652 = vector.broadcast %neg3A_651 : f32 to vector<512xf32>
    %neg3A_653 = arith.subf %neg3A_652, %abs3A_650 : vector<512xf32>
    %exp3A_654 = math.exp %neg3A_653 : vector<512xf32>
    %log1p3A_655 = math.log1p %exp3A_654 : vector<512xf32>
    %max3A_656 = arith.constant 0.000000e+00 : f32
    %max3A_657 = vector.broadcast %max3A_656 : f32 to vector<512xf32>
    %max3A_658 = arith.maximumf %reduce_sum3A_336, %max3A_657 : vector<512xf32>
    %add3A_659 = arith.addf %log1p3A_655, %max3A_658 : vector<512xf32>
    %add3A_660 = arith.addf %add3A_642, %add3A_659 : vector<512xf32>
    %eq3A_661 = arith.constant 7 : i32
    %eq3A_662 = vector.broadcast %eq3A_661 : i32 to vector<512xi32>
    %eq3A_663 = arith.cmpi eq, %convert_element_type3A_7, %eq3A_662 : vector<512xi32>
    %jit3A_664 = arith.constant 0.000000e+00 : f32
    %broadcast_in_dim3A_665 = vector.broadcast %jit3A_664 : f32 to vector<512xf32>
    %select_n3A_666 = arith.select %eq3A_663, %reduce_sum3A_336, %broadcast_in_dim3A_665 : vector<512xi1>, vector<512xf32>
    %add3A_667 = arith.addf %add3A_649, %select_n3A_666 : vector<512xf32>
    %abs3A_668 = math.absf %reduce_sum3A_347 : vector<512xf32>
    %neg3A_669 = arith.constant 0.000000e+00 : f32
    %neg3A_670 = vector.broadcast %neg3A_669 : f32 to vector<512xf32>
    %neg3A_671 = arith.subf %neg3A_670, %abs3A_668 : vector<512xf32>
    %exp3A_672 = math.exp %neg3A_671 : vector<512xf32>
    %log1p3A_673 = math.log1p %exp3A_672 : vector<512xf32>
    %max3A_674 = arith.constant 0.000000e+00 : f32
    %max3A_675 = vector.broadcast %max3A_674 : f32 to vector<512xf32>
    %max3A_676 = arith.maximumf %reduce_sum3A_347, %max3A_675 : vector<512xf32>
    %add3A_677 = arith.addf %log1p3A_673, %max3A_676 : vector<512xf32>
    %add3A_678 = arith.addf %add3A_660, %add3A_677 : vector<512xf32>
    %eq3A_679 = arith.constant 8 : i32
    %eq3A_680 = vector.broadcast %eq3A_679 : i32 to vector<512xi32>
    %eq3A_681 = arith.cmpi eq, %convert_element_type3A_7, %eq3A_680 : vector<512xi32>
    %jit3A_682 = arith.constant 0.000000e+00 : f32
    %broadcast_in_dim3A_683 = vector.broadcast %jit3A_682 : f32 to vector<512xf32>
    %select_n3A_684 = arith.select %eq3A_681, %reduce_sum3A_347, %broadcast_in_dim3A_683 : vector<512xi1>, vector<512xf32>
    %add3A_685 = arith.addf %add3A_667, %select_n3A_684 : vector<512xf32>
    %abs3A_686 = math.absf %reduce_sum3A_358 : vector<512xf32>
    %neg3A_687 = arith.constant 0.000000e+00 : f32
    %neg3A_688 = vector.broadcast %neg3A_687 : f32 to vector<512xf32>
    %neg3A_689 = arith.subf %neg3A_688, %abs3A_686 : vector<512xf32>
    %exp3A_690 = math.exp %neg3A_689 : vector<512xf32>
    %log1p3A_691 = math.log1p %exp3A_690 : vector<512xf32>
    %max3A_692 = arith.constant 0.000000e+00 : f32
    %max3A_693 = vector.broadcast %max3A_692 : f32 to vector<512xf32>
    %max3A_694 = arith.maximumf %reduce_sum3A_358, %max3A_693 : vector<512xf32>
    %add3A_695 = arith.addf %log1p3A_691, %max3A_694 : vector<512xf32>
    %add3A_696 = arith.addf %add3A_678, %add3A_695 : vector<512xf32>
    %eq3A_697 = arith.constant 9 : i32
    %eq3A_698 = vector.broadcast %eq3A_697 : i32 to vector<512xi32>
    %eq3A_699 = arith.cmpi eq, %convert_element_type3A_7, %eq3A_698 : vector<512xi32>
    %jit3A_700 = arith.constant 0.000000e+00 : f32
    %broadcast_in_dim3A_701 = vector.broadcast %jit3A_700 : f32 to vector<512xf32>
    %select_n3A_702 = arith.select %eq3A_699, %reduce_sum3A_358, %broadcast_in_dim3A_701 : vector<512xi1>, vector<512xf32>
    %add3A_703 = arith.addf %add3A_685, %select_n3A_702 : vector<512xf32>
    %abs3A_704 = math.absf %reduce_sum3A_369 : vector<512xf32>
    %neg3A_705 = arith.constant 0.000000e+00 : f32
    %neg3A_706 = vector.broadcast %neg3A_705 : f32 to vector<512xf32>
    %neg3A_707 = arith.subf %neg3A_706, %abs3A_704 : vector<512xf32>
    %exp3A_708 = math.exp %neg3A_707 : vector<512xf32>
    %log1p3A_709 = math.log1p %exp3A_708 : vector<512xf32>
    %max3A_710 = arith.constant 0.000000e+00 : f32
    %max3A_711 = vector.broadcast %max3A_710 : f32 to vector<512xf32>
    %max3A_712 = arith.maximumf %reduce_sum3A_369, %max3A_711 : vector<512xf32>
    %add3A_713 = arith.addf %log1p3A_709, %max3A_712 : vector<512xf32>
    %add3A_714 = arith.addf %add3A_696, %add3A_713 : vector<512xf32>
    %eq3A_715 = arith.constant 10 : i32
    %eq3A_716 = vector.broadcast %eq3A_715 : i32 to vector<512xi32>
    %eq3A_717 = arith.cmpi eq, %convert_element_type3A_7, %eq3A_716 : vector<512xi32>
    %jit3A_718 = arith.constant 0.000000e+00 : f32
    %broadcast_in_dim3A_719 = vector.broadcast %jit3A_718 : f32 to vector<512xf32>
    %select_n3A_720 = arith.select %eq3A_717, %reduce_sum3A_369, %broadcast_in_dim3A_719 : vector<512xi1>, vector<512xf32>
    %add3A_721 = arith.addf %add3A_703, %select_n3A_720 : vector<512xf32>
    %abs3A_722 = math.absf %reduce_sum3A_380 : vector<512xf32>
    %neg3A_723 = arith.constant 0.000000e+00 : f32
    %neg3A_724 = vector.broadcast %neg3A_723 : f32 to vector<512xf32>
    %neg3A_725 = arith.subf %neg3A_724, %abs3A_722 : vector<512xf32>
    %exp3A_726 = math.exp %neg3A_725 : vector<512xf32>
    %log1p3A_727 = math.log1p %exp3A_726 : vector<512xf32>
    %max3A_728 = arith.constant 0.000000e+00 : f32
    %max3A_729 = vector.broadcast %max3A_728 : f32 to vector<512xf32>
    %max3A_730 = arith.maximumf %reduce_sum3A_380, %max3A_729 : vector<512xf32>
    %add3A_731 = arith.addf %log1p3A_727, %max3A_730 : vector<512xf32>
    %add3A_732 = arith.addf %add3A_714, %add3A_731 : vector<512xf32>
    %eq3A_733 = arith.constant 11 : i32
    %eq3A_734 = vector.broadcast %eq3A_733 : i32 to vector<512xi32>
    %eq3A_735 = arith.cmpi eq, %convert_element_type3A_7, %eq3A_734 : vector<512xi32>
    %jit3A_736 = arith.constant 0.000000e+00 : f32
    %broadcast_in_dim3A_737 = vector.broadcast %jit3A_736 : f32 to vector<512xf32>
    %select_n3A_738 = arith.select %eq3A_735, %reduce_sum3A_380, %broadcast_in_dim3A_737 : vector<512xi1>, vector<512xf32>
    %add3A_739 = arith.addf %add3A_721, %select_n3A_738 : vector<512xf32>
    %abs3A_740 = math.absf %reduce_sum3A_391 : vector<512xf32>
    %neg3A_741 = arith.constant 0.000000e+00 : f32
    %neg3A_742 = vector.broadcast %neg3A_741 : f32 to vector<512xf32>
    %neg3A_743 = arith.subf %neg3A_742, %abs3A_740 : vector<512xf32>
    %exp3A_744 = math.exp %neg3A_743 : vector<512xf32>
    %log1p3A_745 = math.log1p %exp3A_744 : vector<512xf32>
    %max3A_746 = arith.constant 0.000000e+00 : f32
    %max3A_747 = vector.broadcast %max3A_746 : f32 to vector<512xf32>
    %max3A_748 = arith.maximumf %reduce_sum3A_391, %max3A_747 : vector<512xf32>
    %add3A_749 = arith.addf %log1p3A_745, %max3A_748 : vector<512xf32>
    %add3A_750 = arith.addf %add3A_732, %add3A_749 : vector<512xf32>
    %eq3A_751 = arith.constant 12 : i32
    %eq3A_752 = vector.broadcast %eq3A_751 : i32 to vector<512xi32>
    %eq3A_753 = arith.cmpi eq, %convert_element_type3A_7, %eq3A_752 : vector<512xi32>
    %jit3A_754 = arith.constant 0.000000e+00 : f32
    %broadcast_in_dim3A_755 = vector.broadcast %jit3A_754 : f32 to vector<512xf32>
    %select_n3A_756 = arith.select %eq3A_753, %reduce_sum3A_391, %broadcast_in_dim3A_755 : vector<512xi1>, vector<512xf32>
    %add3A_757 = arith.addf %add3A_739, %select_n3A_756 : vector<512xf32>
    %abs3A_758 = math.absf %reduce_sum3A_402 : vector<512xf32>
    %neg3A_759 = arith.constant 0.000000e+00 : f32
    %neg3A_760 = vector.broadcast %neg3A_759 : f32 to vector<512xf32>
    %neg3A_761 = arith.subf %neg3A_760, %abs3A_758 : vector<512xf32>
    %exp3A_762 = math.exp %neg3A_761 : vector<512xf32>
    %log1p3A_763 = math.log1p %exp3A_762 : vector<512xf32>
    %max3A_764 = arith.constant 0.000000e+00 : f32
    %max3A_765 = vector.broadcast %max3A_764 : f32 to vector<512xf32>
    %max3A_766 = arith.maximumf %reduce_sum3A_402, %max3A_765 : vector<512xf32>
    %add3A_767 = arith.addf %log1p3A_763, %max3A_766 : vector<512xf32>
    %add3A_768 = arith.addf %add3A_750, %add3A_767 : vector<512xf32>
    %eq3A_769 = arith.constant 13 : i32
    %eq3A_770 = vector.broadcast %eq3A_769 : i32 to vector<512xi32>
    %eq3A_771 = arith.cmpi eq, %convert_element_type3A_7, %eq3A_770 : vector<512xi32>
    %jit3A_772 = arith.constant 0.000000e+00 : f32
    %broadcast_in_dim3A_773 = vector.broadcast %jit3A_772 : f32 to vector<512xf32>
    %select_n3A_774 = arith.select %eq3A_771, %reduce_sum3A_402, %broadcast_in_dim3A_773 : vector<512xi1>, vector<512xf32>
    %add3A_775 = arith.addf %add3A_757, %select_n3A_774 : vector<512xf32>
    %abs3A_776 = math.absf %reduce_sum3A_413 : vector<512xf32>
    %neg3A_777 = arith.constant 0.000000e+00 : f32
    %neg3A_778 = vector.broadcast %neg3A_777 : f32 to vector<512xf32>
    %neg3A_779 = arith.subf %neg3A_778, %abs3A_776 : vector<512xf32>
    %exp3A_780 = math.exp %neg3A_779 : vector<512xf32>
    %log1p3A_781 = math.log1p %exp3A_780 : vector<512xf32>
    %max3A_782 = arith.constant 0.000000e+00 : f32
    %max3A_783 = vector.broadcast %max3A_782 : f32 to vector<512xf32>
    %max3A_784 = arith.maximumf %reduce_sum3A_413, %max3A_783 : vector<512xf32>
    %add3A_785 = arith.addf %log1p3A_781, %max3A_784 : vector<512xf32>
    %add3A_786 = arith.addf %add3A_768, %add3A_785 : vector<512xf32>
    %eq3A_787 = arith.constant 14 : i32
    %eq3A_788 = vector.broadcast %eq3A_787 : i32 to vector<512xi32>
    %eq3A_789 = arith.cmpi eq, %convert_element_type3A_7, %eq3A_788 : vector<512xi32>
    %jit3A_790 = arith.constant 0.000000e+00 : f32
    %broadcast_in_dim3A_791 = vector.broadcast %jit3A_790 : f32 to vector<512xf32>
    %select_n3A_792 = arith.select %eq3A_789, %reduce_sum3A_413, %broadcast_in_dim3A_791 : vector<512xi1>, vector<512xf32>
    %add3A_793 = arith.addf %add3A_775, %select_n3A_792 : vector<512xf32>
    %abs3A_794 = math.absf %reduce_sum3A_424 : vector<512xf32>
    %neg3A_795 = arith.constant 0.000000e+00 : f32
    %neg3A_796 = vector.broadcast %neg3A_795 : f32 to vector<512xf32>
    %neg3A_797 = arith.subf %neg3A_796, %abs3A_794 : vector<512xf32>
    %exp3A_798 = math.exp %neg3A_797 : vector<512xf32>
    %log1p3A_799 = math.log1p %exp3A_798 : vector<512xf32>
    %max3A_800 = arith.constant 0.000000e+00 : f32
    %max3A_801 = vector.broadcast %max3A_800 : f32 to vector<512xf32>
    %max3A_802 = arith.maximumf %reduce_sum3A_424, %max3A_801 : vector<512xf32>
    %add3A_803 = arith.addf %log1p3A_799, %max3A_802 : vector<512xf32>
    %add3A_804 = arith.addf %add3A_786, %add3A_803 : vector<512xf32>
    %eq3A_805 = arith.constant 15 : i32
    %eq3A_806 = vector.broadcast %eq3A_805 : i32 to vector<512xi32>
    %eq3A_807 = arith.cmpi eq, %convert_element_type3A_7, %eq3A_806 : vector<512xi32>
    %jit3A_808 = arith.constant 0.000000e+00 : f32
    %broadcast_in_dim3A_809 = vector.broadcast %jit3A_808 : f32 to vector<512xf32>
    %select_n3A_810 = arith.select %eq3A_807, %reduce_sum3A_424, %broadcast_in_dim3A_809 : vector<512xi1>, vector<512xf32>
    %add3A_811 = arith.addf %add3A_793, %select_n3A_810 : vector<512xf32>
    %abs3A_812 = math.absf %reduce_sum3A_435 : vector<512xf32>
    %neg3A_813 = arith.constant 0.000000e+00 : f32
    %neg3A_814 = vector.broadcast %neg3A_813 : f32 to vector<512xf32>
    %neg3A_815 = arith.subf %neg3A_814, %abs3A_812 : vector<512xf32>
    %exp3A_816 = math.exp %neg3A_815 : vector<512xf32>
    %log1p3A_817 = math.log1p %exp3A_816 : vector<512xf32>
    %max3A_818 = arith.constant 0.000000e+00 : f32
    %max3A_819 = vector.broadcast %max3A_818 : f32 to vector<512xf32>
    %max3A_820 = arith.maximumf %reduce_sum3A_435, %max3A_819 : vector<512xf32>
    %add3A_821 = arith.addf %log1p3A_817, %max3A_820 : vector<512xf32>
    %add3A_822 = arith.addf %add3A_804, %add3A_821 : vector<512xf32>
    %eq3A_823 = arith.constant 16 : i32
    %eq3A_824 = vector.broadcast %eq3A_823 : i32 to vector<512xi32>
    %eq3A_825 = arith.cmpi eq, %convert_element_type3A_7, %eq3A_824 : vector<512xi32>
    %jit3A_826 = arith.constant 0.000000e+00 : f32
    %broadcast_in_dim3A_827 = vector.broadcast %jit3A_826 : f32 to vector<512xf32>
    %select_n3A_828 = arith.select %eq3A_825, %reduce_sum3A_435, %broadcast_in_dim3A_827 : vector<512xi1>, vector<512xf32>
    %add3A_829 = arith.addf %add3A_811, %select_n3A_828 : vector<512xf32>
    %abs3A_830 = math.absf %reduce_sum3A_446 : vector<512xf32>
    %neg3A_831 = arith.constant 0.000000e+00 : f32
    %neg3A_832 = vector.broadcast %neg3A_831 : f32 to vector<512xf32>
    %neg3A_833 = arith.subf %neg3A_832, %abs3A_830 : vector<512xf32>
    %exp3A_834 = math.exp %neg3A_833 : vector<512xf32>
    %log1p3A_835 = math.log1p %exp3A_834 : vector<512xf32>
    %max3A_836 = arith.constant 0.000000e+00 : f32
    %max3A_837 = vector.broadcast %max3A_836 : f32 to vector<512xf32>
    %max3A_838 = arith.maximumf %reduce_sum3A_446, %max3A_837 : vector<512xf32>
    %add3A_839 = arith.addf %log1p3A_835, %max3A_838 : vector<512xf32>
    %add3A_840 = arith.addf %add3A_822, %add3A_839 : vector<512xf32>
    %eq3A_841 = arith.constant 17 : i32
    %eq3A_842 = vector.broadcast %eq3A_841 : i32 to vector<512xi32>
    %eq3A_843 = arith.cmpi eq, %convert_element_type3A_7, %eq3A_842 : vector<512xi32>
    %jit3A_844 = arith.constant 0.000000e+00 : f32
    %broadcast_in_dim3A_845 = vector.broadcast %jit3A_844 : f32 to vector<512xf32>
    %select_n3A_846 = arith.select %eq3A_843, %reduce_sum3A_446, %broadcast_in_dim3A_845 : vector<512xi1>, vector<512xf32>
    %add3A_847 = arith.addf %add3A_829, %select_n3A_846 : vector<512xf32>
    %abs3A_848 = math.absf %reduce_sum3A_457 : vector<512xf32>
    %neg3A_849 = arith.constant 0.000000e+00 : f32
    %neg3A_850 = vector.broadcast %neg3A_849 : f32 to vector<512xf32>
    %neg3A_851 = arith.subf %neg3A_850, %abs3A_848 : vector<512xf32>
    %exp3A_852 = math.exp %neg3A_851 : vector<512xf32>
    %log1p3A_853 = math.log1p %exp3A_852 : vector<512xf32>
    %max3A_854 = arith.constant 0.000000e+00 : f32
    %max3A_855 = vector.broadcast %max3A_854 : f32 to vector<512xf32>
    %max3A_856 = arith.maximumf %reduce_sum3A_457, %max3A_855 : vector<512xf32>
    %add3A_857 = arith.addf %log1p3A_853, %max3A_856 : vector<512xf32>
    %add3A_858 = arith.addf %add3A_840, %add3A_857 : vector<512xf32>
    %eq3A_859 = arith.constant 18 : i32
    %eq3A_860 = vector.broadcast %eq3A_859 : i32 to vector<512xi32>
    %eq3A_861 = arith.cmpi eq, %convert_element_type3A_7, %eq3A_860 : vector<512xi32>
    %jit3A_862 = arith.constant 0.000000e+00 : f32
    %broadcast_in_dim3A_863 = vector.broadcast %jit3A_862 : f32 to vector<512xf32>
    %select_n3A_864 = arith.select %eq3A_861, %reduce_sum3A_457, %broadcast_in_dim3A_863 : vector<512xi1>, vector<512xf32>
    %add3A_865 = arith.addf %add3A_847, %select_n3A_864 : vector<512xf32>
    %abs3A_866 = math.absf %reduce_sum3A_468 : vector<512xf32>
    %neg3A_867 = arith.constant 0.000000e+00 : f32
    %neg3A_868 = vector.broadcast %neg3A_867 : f32 to vector<512xf32>
    %neg3A_869 = arith.subf %neg3A_868, %abs3A_866 : vector<512xf32>
    %exp3A_870 = math.exp %neg3A_869 : vector<512xf32>
    %log1p3A_871 = math.log1p %exp3A_870 : vector<512xf32>
    %max3A_872 = arith.constant 0.000000e+00 : f32
    %max3A_873 = vector.broadcast %max3A_872 : f32 to vector<512xf32>
    %max3A_874 = arith.maximumf %reduce_sum3A_468, %max3A_873 : vector<512xf32>
    %add3A_875 = arith.addf %log1p3A_871, %max3A_874 : vector<512xf32>
    %add3A_876 = arith.addf %add3A_858, %add3A_875 : vector<512xf32>
    %eq3A_877 = arith.constant 19 : i32
    %eq3A_878 = vector.broadcast %eq3A_877 : i32 to vector<512xi32>
    %eq3A_879 = arith.cmpi eq, %convert_element_type3A_7, %eq3A_878 : vector<512xi32>
    %jit3A_880 = arith.constant 0.000000e+00 : f32
    %broadcast_in_dim3A_881 = vector.broadcast %jit3A_880 : f32 to vector<512xf32>
    %select_n3A_882 = arith.select %eq3A_879, %reduce_sum3A_468, %broadcast_in_dim3A_881 : vector<512xi1>, vector<512xf32>
    %add3A_883 = arith.addf %add3A_865, %select_n3A_882 : vector<512xf32>
    %abs3A_884 = math.absf %reduce_sum3A_479 : vector<512xf32>
    %neg3A_885 = arith.constant 0.000000e+00 : f32
    %neg3A_886 = vector.broadcast %neg3A_885 : f32 to vector<512xf32>
    %neg3A_887 = arith.subf %neg3A_886, %abs3A_884 : vector<512xf32>
    %exp3A_888 = math.exp %neg3A_887 : vector<512xf32>
    %log1p3A_889 = math.log1p %exp3A_888 : vector<512xf32>
    %max3A_890 = arith.constant 0.000000e+00 : f32
    %max3A_891 = vector.broadcast %max3A_890 : f32 to vector<512xf32>
    %max3A_892 = arith.maximumf %reduce_sum3A_479, %max3A_891 : vector<512xf32>
    %add3A_893 = arith.addf %log1p3A_889, %max3A_892 : vector<512xf32>
    %add3A_894 = arith.addf %add3A_876, %add3A_893 : vector<512xf32>
    %eq3A_895 = arith.constant 20 : i32
    %eq3A_896 = vector.broadcast %eq3A_895 : i32 to vector<512xi32>
    %eq3A_897 = arith.cmpi eq, %convert_element_type3A_7, %eq3A_896 : vector<512xi32>
    %jit3A_898 = arith.constant 0.000000e+00 : f32
    %broadcast_in_dim3A_899 = vector.broadcast %jit3A_898 : f32 to vector<512xf32>
    %select_n3A_900 = arith.select %eq3A_897, %reduce_sum3A_479, %broadcast_in_dim3A_899 : vector<512xi1>, vector<512xf32>
    %add3A_901 = arith.addf %add3A_883, %select_n3A_900 : vector<512xf32>
    %abs3A_902 = math.absf %reduce_sum3A_490 : vector<512xf32>
    %neg3A_903 = arith.constant 0.000000e+00 : f32
    %neg3A_904 = vector.broadcast %neg3A_903 : f32 to vector<512xf32>
    %neg3A_905 = arith.subf %neg3A_904, %abs3A_902 : vector<512xf32>
    %exp3A_906 = math.exp %neg3A_905 : vector<512xf32>
    %log1p3A_907 = math.log1p %exp3A_906 : vector<512xf32>
    %max3A_908 = arith.constant 0.000000e+00 : f32
    %max3A_909 = vector.broadcast %max3A_908 : f32 to vector<512xf32>
    %max3A_910 = arith.maximumf %reduce_sum3A_490, %max3A_909 : vector<512xf32>
    %add3A_911 = arith.addf %log1p3A_907, %max3A_910 : vector<512xf32>
    %add3A_912 = arith.addf %add3A_894, %add3A_911 : vector<512xf32>
    %eq3A_913 = arith.constant 21 : i32
    %eq3A_914 = vector.broadcast %eq3A_913 : i32 to vector<512xi32>
    %eq3A_915 = arith.cmpi eq, %convert_element_type3A_7, %eq3A_914 : vector<512xi32>
    %jit3A_916 = arith.constant 0.000000e+00 : f32
    %broadcast_in_dim3A_917 = vector.broadcast %jit3A_916 : f32 to vector<512xf32>
    %select_n3A_918 = arith.select %eq3A_915, %reduce_sum3A_490, %broadcast_in_dim3A_917 : vector<512xi1>, vector<512xf32>
    %add3A_919 = arith.addf %add3A_901, %select_n3A_918 : vector<512xf32>
    %abs3A_920 = math.absf %reduce_sum3A_501 : vector<512xf32>
    %neg3A_921 = arith.constant 0.000000e+00 : f32
    %neg3A_922 = vector.broadcast %neg3A_921 : f32 to vector<512xf32>
    %neg3A_923 = arith.subf %neg3A_922, %abs3A_920 : vector<512xf32>
    %exp3A_924 = math.exp %neg3A_923 : vector<512xf32>
    %log1p3A_925 = math.log1p %exp3A_924 : vector<512xf32>
    %max3A_926 = arith.constant 0.000000e+00 : f32
    %max3A_927 = vector.broadcast %max3A_926 : f32 to vector<512xf32>
    %max3A_928 = arith.maximumf %reduce_sum3A_501, %max3A_927 : vector<512xf32>
    %add3A_929 = arith.addf %log1p3A_925, %max3A_928 : vector<512xf32>
    %add3A_930 = arith.addf %add3A_912, %add3A_929 : vector<512xf32>
    %eq3A_931 = arith.constant 22 : i32
    %eq3A_932 = vector.broadcast %eq3A_931 : i32 to vector<512xi32>
    %eq3A_933 = arith.cmpi eq, %convert_element_type3A_7, %eq3A_932 : vector<512xi32>
    %jit3A_934 = arith.constant 0.000000e+00 : f32
    %broadcast_in_dim3A_935 = vector.broadcast %jit3A_934 : f32 to vector<512xf32>
    %select_n3A_936 = arith.select %eq3A_933, %reduce_sum3A_501, %broadcast_in_dim3A_935 : vector<512xi1>, vector<512xf32>
    %add3A_937 = arith.addf %add3A_919, %select_n3A_936 : vector<512xf32>
    %abs3A_938 = math.absf %reduce_sum3A_512 : vector<512xf32>
    %neg3A_939 = arith.constant 0.000000e+00 : f32
    %neg3A_940 = vector.broadcast %neg3A_939 : f32 to vector<512xf32>
    %neg3A_941 = arith.subf %neg3A_940, %abs3A_938 : vector<512xf32>
    %exp3A_942 = math.exp %neg3A_941 : vector<512xf32>
    %log1p3A_943 = math.log1p %exp3A_942 : vector<512xf32>
    %max3A_944 = arith.constant 0.000000e+00 : f32
    %max3A_945 = vector.broadcast %max3A_944 : f32 to vector<512xf32>
    %max3A_946 = arith.maximumf %reduce_sum3A_512, %max3A_945 : vector<512xf32>
    %add3A_947 = arith.addf %log1p3A_943, %max3A_946 : vector<512xf32>
    %add3A_948 = arith.addf %add3A_930, %add3A_947 : vector<512xf32>
    %eq3A_949 = arith.constant 23 : i32
    %eq3A_950 = vector.broadcast %eq3A_949 : i32 to vector<512xi32>
    %eq3A_951 = arith.cmpi eq, %convert_element_type3A_7, %eq3A_950 : vector<512xi32>
    %jit3A_952 = arith.constant 0.000000e+00 : f32
    %broadcast_in_dim3A_953 = vector.broadcast %jit3A_952 : f32 to vector<512xf32>
    %select_n3A_954 = arith.select %eq3A_951, %reduce_sum3A_512, %broadcast_in_dim3A_953 : vector<512xi1>, vector<512xf32>
    %add3A_955 = arith.addf %add3A_937, %select_n3A_954 : vector<512xf32>
    %abs3A_956 = math.absf %reduce_sum3A_523 : vector<512xf32>
    %neg3A_957 = arith.constant 0.000000e+00 : f32
    %neg3A_958 = vector.broadcast %neg3A_957 : f32 to vector<512xf32>
    %neg3A_959 = arith.subf %neg3A_958, %abs3A_956 : vector<512xf32>
    %exp3A_960 = math.exp %neg3A_959 : vector<512xf32>
    %log1p3A_961 = math.log1p %exp3A_960 : vector<512xf32>
    %max3A_962 = arith.constant 0.000000e+00 : f32
    %max3A_963 = vector.broadcast %max3A_962 : f32 to vector<512xf32>
    %max3A_964 = arith.maximumf %reduce_sum3A_523, %max3A_963 : vector<512xf32>
    %add3A_965 = arith.addf %log1p3A_961, %max3A_964 : vector<512xf32>
    %add3A_966 = arith.addf %add3A_948, %add3A_965 : vector<512xf32>
    %eq3A_967 = arith.constant 24 : i32
    %eq3A_968 = vector.broadcast %eq3A_967 : i32 to vector<512xi32>
    %eq3A_969 = arith.cmpi eq, %convert_element_type3A_7, %eq3A_968 : vector<512xi32>
    %jit3A_970 = arith.constant 0.000000e+00 : f32
    %broadcast_in_dim3A_971 = vector.broadcast %jit3A_970 : f32 to vector<512xf32>
    %select_n3A_972 = arith.select %eq3A_969, %reduce_sum3A_523, %broadcast_in_dim3A_971 : vector<512xi1>, vector<512xf32>
    %add3A_973 = arith.addf %add3A_955, %select_n3A_972 : vector<512xf32>
    %neg3A_974 = arith.constant 0.000000e+00 : f32
    %neg3A_975 = vector.broadcast %neg3A_974 : f32 to vector<512xf32>
    %neg3A_976 = arith.subf %neg3A_975, %reduce_sum3A_204 : vector<512xf32>
    %abs3A_977 = math.absf %neg3A_976 : vector<512xf32>
    %neg3A_978 = arith.constant 0.000000e+00 : f32
    %neg3A_979 = vector.broadcast %neg3A_978 : f32 to vector<512xf32>
    %neg3A_980 = arith.subf %neg3A_979, %abs3A_977 : vector<512xf32>
    %exp3A_981 = math.exp %neg3A_980 : vector<512xf32>
    %log1p3A_982 = math.log1p %exp3A_981 : vector<512xf32>
    %max3A_983 = arith.constant 0.000000e+00 : f32
    %max3A_984 = vector.broadcast %max3A_983 : f32 to vector<512xf32>
    %max3A_985 = arith.maximumf %neg3A_976, %max3A_984 : vector<512xf32>
    %add3A_986 = arith.addf %log1p3A_982, %max3A_985 : vector<512xf32>
    %mul3A_987 = arith.mulf %sub3A_176, %add3A_986 : vector<512xf32>
    %sub3A_988 = arith.constant 1.000000e+00 : f32
    %sub3A_989 = vector.broadcast %sub3A_988 : f32 to vector<512xf32>
    %sub3A_990 = arith.subf %sub3A_989, %sub3A_176 : vector<512xf32>
    %abs3A_991 = math.absf %reduce_sum3A_204 : vector<512xf32>
    %neg3A_992 = arith.constant 0.000000e+00 : f32
    %neg3A_993 = vector.broadcast %neg3A_992 : f32 to vector<512xf32>
    %neg3A_994 = arith.subf %neg3A_993, %abs3A_991 : vector<512xf32>
    %exp3A_995 = math.exp %neg3A_994 : vector<512xf32>
    %log1p3A_996 = math.log1p %exp3A_995 : vector<512xf32>
    %max3A_997 = arith.constant 0.000000e+00 : f32
    %max3A_998 = vector.broadcast %max3A_997 : f32 to vector<512xf32>
    %max3A_999 = arith.maximumf %reduce_sum3A_204, %max3A_998 : vector<512xf32>
    %add3A_1000 = arith.addf %log1p3A_996, %max3A_999 : vector<512xf32>
    %mul3A_1001 = arith.mulf %sub3A_990, %add3A_1000 : vector<512xf32>
    %add3A_1002 = arith.addf %mul3A_987, %mul3A_1001 : vector<512xf32>
    %neg3A_1003 = arith.constant 0.000000e+00 : f32
    %neg3A_1004 = vector.broadcast %neg3A_1003 : f32 to vector<512xf32>
    %neg3A_1005 = arith.subf %neg3A_1004, %reduce_sum3A_215 : vector<512xf32>
    %abs3A_1006 = math.absf %neg3A_1005 : vector<512xf32>
    %neg3A_1007 = arith.constant 0.000000e+00 : f32
    %neg3A_1008 = vector.broadcast %neg3A_1007 : f32 to vector<512xf32>
    %neg3A_1009 = arith.subf %neg3A_1008, %abs3A_1006 : vector<512xf32>
    %exp3A_1010 = math.exp %neg3A_1009 : vector<512xf32>
    %log1p3A_1011 = math.log1p %exp3A_1010 : vector<512xf32>
    %max3A_1012 = arith.constant 0.000000e+00 : f32
    %max3A_1013 = vector.broadcast %max3A_1012 : f32 to vector<512xf32>
    %max3A_1014 = arith.maximumf %neg3A_1005, %max3A_1013 : vector<512xf32>
    %add3A_1015 = arith.addf %log1p3A_1011, %max3A_1014 : vector<512xf32>
    %mul3A_1016 = arith.mulf %sub3A_178, %add3A_1015 : vector<512xf32>
    %sub3A_1017 = arith.constant 1.000000e+00 : f32
    %sub3A_1018 = vector.broadcast %sub3A_1017 : f32 to vector<512xf32>
    %sub3A_1019 = arith.subf %sub3A_1018, %sub3A_178 : vector<512xf32>
    %abs3A_1020 = math.absf %reduce_sum3A_215 : vector<512xf32>
    %neg3A_1021 = arith.constant 0.000000e+00 : f32
    %neg3A_1022 = vector.broadcast %neg3A_1021 : f32 to vector<512xf32>
    %neg3A_1023 = arith.subf %neg3A_1022, %abs3A_1020 : vector<512xf32>
    %exp3A_1024 = math.exp %neg3A_1023 : vector<512xf32>
    %log1p3A_1025 = math.log1p %exp3A_1024 : vector<512xf32>
    %max3A_1026 = arith.constant 0.000000e+00 : f32
    %max3A_1027 = vector.broadcast %max3A_1026 : f32 to vector<512xf32>
    %max3A_1028 = arith.maximumf %reduce_sum3A_215, %max3A_1027 : vector<512xf32>
    %add3A_1029 = arith.addf %log1p3A_1025, %max3A_1028 : vector<512xf32>
    %mul3A_1030 = arith.mulf %sub3A_1019, %add3A_1029 : vector<512xf32>
    %add3A_1031 = arith.addf %mul3A_1016, %mul3A_1030 : vector<512xf32>
    %add3A_1032 = arith.addf %add3A_1002, %add3A_1031 : vector<512xf32>
    %sub3A_1033 = arith.subf %reduce_sum3A_226, %log3A : vector<512xf32>
    %integer_pow3A = arith.mulf %sub3A_1033, %sub3A_1033 : vector<512xf32>
    %add3A_1034 = arith.addf %add3A_1032, %integer_pow3A : vector<512xf32>
    %sub3A_1035 = arith.subf %reduce_sum3A_237, %log3A_187 : vector<512xf32>
    %integer_pow3A_1036 = arith.mulf %sub3A_1035, %sub3A_1035 : vector<512xf32>
    %add3A_1037 = arith.addf %add3A_1034, %integer_pow3A_1036 : vector<512xf32>
    %mul3A_1038 = arith.constant 5.000000e+00 : f32
    %mul3A_1039 = vector.broadcast %mul3A_1038 : f32 to vector<512xf32>
    %mul3A_1040 = arith.mulf %mul3A_1039, %add3A_1037 : vector<512xf32>
    %neg3A_1041 = arith.constant 0.000000e+00 : f32
    %neg3A_1042 = vector.broadcast %neg3A_1041 : f32 to vector<512xf32>
    %neg3A_1043 = arith.subf %neg3A_1042, %reduce_sum3A_248 : vector<512xf32>
    %abs3A_1044 = math.absf %neg3A_1043 : vector<512xf32>
    %neg3A_1045 = arith.constant 0.000000e+00 : f32
    %neg3A_1046 = vector.broadcast %neg3A_1045 : f32 to vector<512xf32>
    %neg3A_1047 = arith.subf %neg3A_1046, %abs3A_1044 : vector<512xf32>
    %exp3A_1048 = math.exp %neg3A_1047 : vector<512xf32>
    %log1p3A_1049 = math.log1p %exp3A_1048 : vector<512xf32>
    %max3A_1050 = arith.constant 0.000000e+00 : f32
    %max3A_1051 = vector.broadcast %max3A_1050 : f32 to vector<512xf32>
    %max3A_1052 = arith.maximumf %neg3A_1043, %max3A_1051 : vector<512xf32>
    %add3A_1053 = arith.addf %log1p3A_1049, %max3A_1052 : vector<512xf32>
    %add3A_1054 = arith.addf %mul3A_1040, %add3A_1053 : vector<512xf32>
    %abs3A_1055 = math.absf %reduce_sum3A_248 : vector<512xf32>
    %neg3A_1056 = arith.constant 0.000000e+00 : f32
    %neg3A_1057 = vector.broadcast %neg3A_1056 : f32 to vector<512xf32>
    %neg3A_1058 = arith.subf %neg3A_1057, %abs3A_1055 : vector<512xf32>
    %exp3A_1059 = math.exp %neg3A_1058 : vector<512xf32>
    %log1p3A_1060 = math.log1p %exp3A_1059 : vector<512xf32>
    %max3A_1061 = arith.constant 0.000000e+00 : f32
    %max3A_1062 = vector.broadcast %max3A_1061 : f32 to vector<512xf32>
    %max3A_1063 = arith.maximumf %reduce_sum3A_248, %max3A_1062 : vector<512xf32>
    %add3A_1064 = arith.addf %log1p3A_1060, %max3A_1063 : vector<512xf32>
    %mul3A_1065 = arith.constant 5.000000e-01 : f32
    %mul3A_1066 = vector.broadcast %mul3A_1065 : f32 to vector<512xf32>
    %mul3A_1067 = arith.mulf %mul3A_1066, %add3A_1064 : vector<512xf32>
    %sub3A_1068 = arith.subf %add3A_1054, %mul3A_1067 : vector<512xf32>
    %add3A_1069 = arith.addf %sub3A_1068, %add3A_966 : vector<512xf32>
    %neg3A_1070 = arith.constant 0.000000e+00 : f32
    %neg3A_1071 = vector.broadcast %neg3A_1070 : f32 to vector<512xf32>
    %neg3A_1072 = arith.subf %neg3A_1071, %add3A_973 : vector<512xf32>
    %abs3A_1073 = math.absf %neg3A_1072 : vector<512xf32>
    %neg3A_1074 = arith.constant 0.000000e+00 : f32
    %neg3A_1075 = vector.broadcast %neg3A_1074 : f32 to vector<512xf32>
    %neg3A_1076 = arith.subf %neg3A_1075, %abs3A_1073 : vector<512xf32>
    %exp3A_1077 = math.exp %neg3A_1076 : vector<512xf32>
    %log1p3A_1078 = math.log1p %exp3A_1077 : vector<512xf32>
    %max3A_1079 = arith.constant 0.000000e+00 : f32
    %max3A_1080 = vector.broadcast %max3A_1079 : f32 to vector<512xf32>
    %max3A_1081 = arith.maximumf %neg3A_1072, %max3A_1080 : vector<512xf32>
    %add3A_1082 = arith.addf %log1p3A_1078, %max3A_1081 : vector<512xf32>
    %abs3A_1083 = math.absf %add3A_973 : vector<512xf32>
    %neg3A_1084 = arith.constant 0.000000e+00 : f32
    %neg3A_1085 = vector.broadcast %neg3A_1084 : f32 to vector<512xf32>
    %neg3A_1086 = arith.subf %neg3A_1085, %abs3A_1083 : vector<512xf32>
    %exp3A_1087 = math.exp %neg3A_1086 : vector<512xf32>
    %log1p3A_1088 = math.log1p %exp3A_1087 : vector<512xf32>
    %max3A_1089 = arith.constant 0.000000e+00 : f32
    %max3A_1090 = vector.broadcast %max3A_1089 : f32 to vector<512xf32>
    %max3A_1091 = arith.maximumf %add3A_973, %max3A_1090 : vector<512xf32>
    %add3A_1092 = arith.addf %log1p3A_1088, %max3A_1091 : vector<512xf32>
    %sub3A_1093 = arith.subf %add3A_1082, %add3A_1092 : vector<512xf32>
    %jit3A_1094 = arith.constant 0.000000e+00 : f32
    %broadcast_in_dim3A_1095 = vector.broadcast %jit3A_1094 : f32 to vector<512xf32>
    %select_n3A_1096 = arith.select %not3A_152, %add3A_1069, %broadcast_in_dim3A_1095 : vector<512xi1>, vector<512xf32>
    %reduce_sum3A_1097 = vector.shape_cast %select_n3A_1096 : vector<512xf32> to vector<1x512xf32>
    %reduce_sum3A_1098 = arith.constant dense<0.000000e+00> : vector<1xf32>
    %reduce_sum3A_1099 = vector.multi_reduction <add>, %reduce_sum3A_1097, %reduce_sum3A_1098 [1] : vector<1x512xf32> to vector<1xf32>
    %reduce_sum3A_1100 = vector.shape_cast %reduce_sum3A_1099 : vector<1xf32> to vector<1x1xf32>
    %reduce_sum3A_1101 = vector.extract %reduce_sum3A_1100[0, 0] : f32 from vector<1x1xf32>
    %jit3A_1102 = arith.constant 0.000000e+00 : f32
    %broadcast_in_dim3A_1103 = vector.broadcast %jit3A_1102 : f32 to vector<512xf32>
    %select_n3A_1104 = arith.select %not3A_174, %sub3A_1093, %broadcast_in_dim3A_1103 : vector<512xi1>, vector<512xf32>
    %reduce_sum3A_1105 = vector.shape_cast %select_n3A_1104 : vector<512xf32> to vector<1x512xf32>
    %reduce_sum3A_1106 = arith.constant dense<0.000000e+00> : vector<1xf32>
    %reduce_sum3A_1107 = vector.multi_reduction <add>, %reduce_sum3A_1105, %reduce_sum3A_1106 [1] : vector<1x512xf32> to vector<1xf32>
    %reduce_sum3A_1108 = vector.shape_cast %reduce_sum3A_1107 : vector<1xf32> to vector<1x1xf32>
    %reduce_sum3A_1109 = vector.extract %reduce_sum3A_1108[0, 0] : f32 from vector<1x1xf32>
    %add3A_1110 = arith.addf %reduce_sum3A_1101, %reduce_sum3A_1109 : f32
    %get3A_1111 = arith.constant 0 : index
    %get3A_1112 = arith.constant 0 : index
    %get3A_1113 = vector.load %arg2[%get3A_1111, %get3A_1112] : memref<512x256xf32, #tpu.memory_space<vmem>>, vector<512x256xf32>
    %slice3A_1114 = vector.extract_strided_slice %get3A_1 {offsets = [0, 0], sizes = [1, 512], strides = [1, 1]} : vector<6x512xf32> to vector<1x512xf32>
    %squeeze3A_1115 = vector.shape_cast %slice3A_1114 : vector<1x512xf32> to vector<512xf32>
    %convert_element_type3A_1116 = arith.fptosi %squeeze3A_1115 : vector<512xf32> to vector<512xi32>
    %slice3A_1117 = vector.extract_strided_slice %get3A_1 {offsets = [1, 0], sizes = [1, 512], strides = [1, 1]} : vector<6x512xf32> to vector<1x512xf32>
    %squeeze3A_1118 = vector.shape_cast %slice3A_1117 : vector<1x512xf32> to vector<512xf32>
    %convert_element_type3A_1119 = arith.fptosi %squeeze3A_1118 : vector<512xf32> to vector<512xi32>
    %slice3A_1120 = vector.extract_strided_slice %get3A_1 {offsets = [2, 0], sizes = [1, 512], strides = [1, 1]} : vector<6x512xf32> to vector<1x512xf32>
    %squeeze3A_1121 = vector.shape_cast %slice3A_1120 : vector<1x512xf32> to vector<512xf32>
    %mul3A_1122 = arith.constant 2.600000e+01 : f32
    %mul3A_1123 = vector.broadcast %mul3A_1122 : f32 to vector<512xf32>
    %mul3A_1124 = arith.mulf %squeeze3A_1121, %mul3A_1123 : vector<512xf32>
    %slice3A_1125 = vector.extract_strided_slice %get3A_1 {offsets = [3, 0], sizes = [1, 512], strides = [1, 1]} : vector<6x512xf32> to vector<1x512xf32>
    %squeeze3A_1126 = vector.shape_cast %slice3A_1125 : vector<1x512xf32> to vector<512xf32>
    %mul3A_1127 = arith.constant 2.600000e+01 : f32
    %mul3A_1128 = vector.broadcast %mul3A_1127 : f32 to vector<512xf32>
    %mul3A_1129 = arith.mulf %squeeze3A_1126, %mul3A_1128 : vector<512xf32>
    %slice3A_1130 = vector.extract_strided_slice %get3A_1 {offsets = [4, 0], sizes = [1, 512], strides = [1, 1]} : vector<6x512xf32> to vector<1x512xf32>
    %squeeze3A_1131 = vector.shape_cast %slice3A_1130 : vector<1x512xf32> to vector<512xf32>
    %mul3A_1132 = arith.constant 2.600000e+01 : f32
    %mul3A_1133 = vector.broadcast %mul3A_1132 : f32 to vector<512xf32>
    %mul3A_1134 = arith.mulf %squeeze3A_1131, %mul3A_1133 : vector<512xf32>
    %slice3A_1135 = vector.extract_strided_slice %get3A_1 {offsets = [5, 0], sizes = [1, 512], strides = [1, 1]} : vector<6x512xf32> to vector<1x512xf32>
    %squeeze3A_1136 = vector.shape_cast %slice3A_1135 : vector<1x512xf32> to vector<512xf32>
    %mul3A_1137 = arith.constant 2.600000e+01 : f32
    %mul3A_1138 = vector.broadcast %mul3A_1137 : f32 to vector<512xf32>
    %mul3A_1139 = arith.mulf %squeeze3A_1136, %mul3A_1138 : vector<512xf32>
    %convert_element_type3A_1140 = arith.fptosi %mul3A_1124 : vector<512xf32> to vector<512xi32>
    %jit3A_1141 = arith.constant 0 : i32
    %jit3A_1142 = arith.constant 25 : i32
    %max3A_1143 = vector.broadcast %jit3A_1141 : i32 to vector<512xi32>
    %max3A_1144 = arith.maxsi %max3A_1143, %convert_element_type3A_1140 : vector<512xi32>
    %min3A_1145 = vector.broadcast %jit3A_1142 : i32 to vector<512xi32>
    %min3A_1146 = arith.minsi %min3A_1145, %max3A_1144 : vector<512xi32>
    %convert_element_type3A_1147 = arith.fptosi %mul3A_1129 : vector<512xf32> to vector<512xi32>
    %jit3A_1148 = arith.constant 0 : i32
    %jit3A_1149 = arith.constant 25 : i32
    %max3A_1150 = vector.broadcast %jit3A_1148 : i32 to vector<512xi32>
    %max3A_1151 = arith.maxsi %max3A_1150, %convert_element_type3A_1147 : vector<512xi32>
    %min3A_1152 = vector.broadcast %jit3A_1149 : i32 to vector<512xi32>
    %min3A_1153 = arith.minsi %min3A_1152, %max3A_1151 : vector<512xi32>
    %min3A_1154 = arith.constant 1.15384614 : f32
    %min3A_1155 = vector.broadcast %min3A_1154 : f32 to vector<512xf32>
    %min3A_1156 = arith.minimumf %mul3A_1134, %min3A_1155 : vector<512xf32>
    %min3A_1157 = arith.constant 2.34615374 : f32
    %min3A_1158 = vector.broadcast %min3A_1157 : f32 to vector<512xf32>
    %min3A_1159 = arith.minimumf %mul3A_1139, %min3A_1158 : vector<512xf32>
    %mul3A_1160 = arith.mulf %min3A_1156, %min3A_1159 : vector<512xf32>
    %mul3A_1161 = arith.mulf %mul3A_1134, %mul3A_1139 : vector<512xf32>
    %mul3A_1162 = arith.constant 1.15384614 : f32
    %mul3A_1163 = arith.constant 2.34615374 : f32
    %mul3A_1164 = arith.mulf %mul3A_1162, %mul3A_1163 : f32
    %add3A_1165 = vector.broadcast %mul3A_1164 : f32 to vector<512xf32>
    %add3A_1166 = arith.addf %mul3A_1161, %add3A_1165 : vector<512xf32>
    %sub3A_1167 = arith.subf %add3A_1166, %mul3A_1160 : vector<512xf32>
    %add3A_1168 = arith.constant 9.99999971E-10 : f32
    %add3A_1169 = vector.broadcast %add3A_1168 : f32 to vector<512xf32>
    %add3A_1170 = arith.addf %sub3A_1167, %add3A_1169 : vector<512xf32>
    %div3A_1171 = arith.divf %mul3A_1160, %add3A_1170 : vector<512xf32>
    %min3A_1172 = arith.constant 2.38461542 : f32
    %min3A_1173 = vector.broadcast %min3A_1172 : f32 to vector<512xf32>
    %min3A_1174 = arith.minimumf %mul3A_1134, %min3A_1173 : vector<512xf32>
    %min3A_1175 = arith.constant 1.73076928 : f32
    %min3A_1176 = vector.broadcast %min3A_1175 : f32 to vector<512xf32>
    %min3A_1177 = arith.minimumf %mul3A_1139, %min3A_1176 : vector<512xf32>
    %mul3A_1178 = arith.mulf %min3A_1174, %min3A_1177 : vector<512xf32>
    %mul3A_1179 = arith.mulf %mul3A_1134, %mul3A_1139 : vector<512xf32>
    %mul3A_1180 = arith.constant 2.38461542 : f32
    %mul3A_1181 = arith.constant 1.73076928 : f32
    %mul3A_1182 = arith.mulf %mul3A_1180, %mul3A_1181 : f32
    %add3A_1183 = vector.broadcast %mul3A_1182 : f32 to vector<512xf32>
    %add3A_1184 = arith.addf %mul3A_1179, %add3A_1183 : vector<512xf32>
    %sub3A_1185 = arith.subf %add3A_1184, %mul3A_1178 : vector<512xf32>
    %add3A_1186 = arith.constant 9.99999971E-10 : f32
    %add3A_1187 = vector.broadcast %add3A_1186 : f32 to vector<512xf32>
    %add3A_1188 = arith.addf %sub3A_1185, %add3A_1187 : vector<512xf32>
    %div3A_1189 = arith.divf %mul3A_1178, %add3A_1188 : vector<512xf32>
    %min3A_1190 = arith.constant 2.26923084 : f32
    %min3A_1191 = vector.broadcast %min3A_1190 : f32 to vector<512xf32>
    %min3A_1192 = arith.minimumf %mul3A_1134, %min3A_1191 : vector<512xf32>
    %min3A_1193 = arith.constant 4.57692289 : f32
    %min3A_1194 = vector.broadcast %min3A_1193 : f32 to vector<512xf32>
    %min3A_1195 = arith.minimumf %mul3A_1139, %min3A_1194 : vector<512xf32>
    %mul3A_1196 = arith.mulf %min3A_1192, %min3A_1195 : vector<512xf32>
    %mul3A_1197 = arith.mulf %mul3A_1134, %mul3A_1139 : vector<512xf32>
    %mul3A_1198 = arith.constant 2.26923084 : f32
    %mul3A_1199 = arith.constant 4.57692289 : f32
    %mul3A_1200 = arith.mulf %mul3A_1198, %mul3A_1199 : f32
    %add3A_1201 = vector.broadcast %mul3A_1200 : f32 to vector<512xf32>
    %add3A_1202 = arith.addf %mul3A_1197, %add3A_1201 : vector<512xf32>
    %sub3A_1203 = arith.subf %add3A_1202, %mul3A_1196 : vector<512xf32>
    %add3A_1204 = arith.constant 9.99999971E-10 : f32
    %add3A_1205 = vector.broadcast %add3A_1204 : f32 to vector<512xf32>
    %add3A_1206 = arith.addf %sub3A_1203, %add3A_1205 : vector<512xf32>
    %div3A_1207 = arith.divf %mul3A_1196, %add3A_1206 : vector<512xf32>
    %gt3A_1208 = arith.cmpf ogt, %div3A_1189, %div3A_1171 : vector<512xf32>
    %jit3A_1209 = arith.constant 1 : i32
    %jit3A_1210 = arith.constant 0 : i32
    %broadcast_in_dim3A_1211 = vector.broadcast %jit3A_1209 : i32 to vector<512xi32>
    %broadcast_in_dim3A_1212 = vector.broadcast %jit3A_1210 : i32 to vector<512xi32>
    %select_n3A_1213 = arith.select %gt3A_1208, %broadcast_in_dim3A_1211, %broadcast_in_dim3A_1212 : vector<512xi1>, vector<512xi32>
    %max3A_1214 = arith.maximumf %div3A_1171, %div3A_1189 : vector<512xf32>
    %gt3A_1215 = arith.cmpf ogt, %div3A_1207, %max3A_1214 : vector<512xf32>
    %jit3A_1216 = arith.constant 2 : i32
    %broadcast_in_dim3A_1217 = vector.broadcast %jit3A_1216 : i32 to vector<512xi32>
    %select_n3A_1218 = arith.select %gt3A_1215, %broadcast_in_dim3A_1217, %select_n3A_1213 : vector<512xi1>, vector<512xi32>
    %eq3A_1219 = arith.constant 0 : i32
    %eq3A_1220 = vector.broadcast %eq3A_1219 : i32 to vector<512xi32>
    %eq3A_1221 = arith.cmpi eq, %select_n3A_1218, %eq3A_1220 : vector<512xi32>
    %eq3A_1222 = arith.constant 1 : i32
    %eq3A_1223 = vector.broadcast %eq3A_1222 : i32 to vector<512xi32>
    %eq3A_1224 = arith.cmpi eq, %select_n3A_1218, %eq3A_1223 : vector<512xi32>
    %jit3A_1225 = arith.constant 2.38461542 : f32
    %jit3A_1226 = arith.constant 2.26923084 : f32
    %broadcast_in_dim3A_1227 = vector.broadcast %jit3A_1225 : f32 to vector<512xf32>
    %broadcast_in_dim3A_1228 = vector.broadcast %jit3A_1226 : f32 to vector<512xf32>
    %select_n3A_1229 = arith.select %eq3A_1224, %broadcast_in_dim3A_1227, %broadcast_in_dim3A_1228 : vector<512xi1>, vector<512xf32>
    %jit3A_1230 = arith.constant 1.15384614 : f32
    %broadcast_in_dim3A_1231 = vector.broadcast %jit3A_1230 : f32 to vector<512xf32>
    %select_n3A_1232 = arith.select %eq3A_1221, %broadcast_in_dim3A_1231, %select_n3A_1229 : vector<512xi1>, vector<512xf32>
    %eq3A_1233 = arith.constant 0 : i32
    %eq3A_1234 = vector.broadcast %eq3A_1233 : i32 to vector<512xi32>
    %eq3A_1235 = arith.cmpi eq, %select_n3A_1218, %eq3A_1234 : vector<512xi32>
    %eq3A_1236 = arith.constant 1 : i32
    %eq3A_1237 = vector.broadcast %eq3A_1236 : i32 to vector<512xi32>
    %eq3A_1238 = arith.cmpi eq, %select_n3A_1218, %eq3A_1237 : vector<512xi32>
    %jit3A_1239 = arith.constant 1.73076928 : f32
    %jit3A_1240 = arith.constant 4.57692289 : f32
    %broadcast_in_dim3A_1241 = vector.broadcast %jit3A_1239 : f32 to vector<512xf32>
    %broadcast_in_dim3A_1242 = vector.broadcast %jit3A_1240 : f32 to vector<512xf32>
    %select_n3A_1243 = arith.select %eq3A_1238, %broadcast_in_dim3A_1241, %broadcast_in_dim3A_1242 : vector<512xi1>, vector<512xf32>
    %jit3A_1244 = arith.constant 2.34615374 : f32
    %broadcast_in_dim3A_1245 = vector.broadcast %jit3A_1244 : f32 to vector<512xf32>
    %select_n3A_1246 = arith.select %eq3A_1235, %broadcast_in_dim3A_1245, %select_n3A_1243 : vector<512xi1>, vector<512xf32>
    %mul3A_1247 = arith.constant 3 : i32
    %mul3A_1248 = vector.broadcast %mul3A_1247 : i32 to vector<512xi32>
    %mul3A_1249 = arith.muli %convert_element_type3A_1116, %mul3A_1248 : vector<512xi32>
    %add3A_1250 = arith.addi %mul3A_1249, %select_n3A_1218 : vector<512xi32>
    %mul3A_1251 = arith.constant 26 : i32
    %mul3A_1252 = vector.broadcast %mul3A_1251 : i32 to vector<512xi32>
    %mul3A_1253 = arith.muli %add3A_1250, %mul3A_1252 : vector<512xi32>
    %add3A_1254 = arith.addi %mul3A_1253, %min3A_1153 : vector<512xi32>
    %mul3A_1255 = arith.constant 26 : i32
    %mul3A_1256 = vector.broadcast %mul3A_1255 : i32 to vector<512xi32>
    %mul3A_1257 = arith.muli %add3A_1254, %mul3A_1256 : vector<512xi32>
    %add3A_1258 = arith.addi %mul3A_1257, %min3A_1146 : vector<512xi32>
    %iota3A_1259 = tpu.iota {dimensions = array<i32: 0>} : vector<512x512xi32>
    %iota3A_1260 = tpu.iota {dimensions = array<i32: 1>} : vector<512x512xi32>
    %gt3A_1261 = arith.cmpi sgt, %iota3A_1260, %iota3A_1259 : vector<512x512xi32>
    %broadcast_in_dim3A_1262 = vector.shape_cast %add3A_1258 : vector<512xi32> to vector<512x1xi32>
    %broadcast_in_dim3A_1263 = vector.shape_cast %add3A_1258 : vector<512xi32> to vector<1x512xi32>
    %eq3A_1264 = vector.broadcast %broadcast_in_dim3A_1262 : vector<512x1xi32> to vector<512x512xi32>
    %eq3A_1265 = vector.broadcast %broadcast_in_dim3A_1263 : vector<1x512xi32> to vector<512x512xi32>
    %eq3A_1266 = arith.cmpi eq, %eq3A_1264, %eq3A_1265 : vector<512x512xi32>
    %and3A_1267 = arith.andi %eq3A_1266, %gt3A_1261 : vector<512x512xi1>
    %reduce_or3A_1268 = arith.constant 1.000000e+00 : f32
    %reduce_or3A_1269 = arith.constant 0.000000e+00 : f32
    %reduce_or3A_1270 = vector.broadcast %reduce_or3A_1268 : f32 to vector<512x512xf32>
    %reduce_or3A_1271 = vector.broadcast %reduce_or3A_1269 : f32 to vector<512x512xf32>
    %reduce_or3A_1272 = arith.select %and3A_1267, %reduce_or3A_1270, %reduce_or3A_1271 : vector<512x512xi1>, vector<512x512xf32>
    %reduce_or3A_1273 = arith.constant dense<0xFF800000> : vector<512xf32>
    %reduce_or3A_1274 = vector.multi_reduction <maximumf>, %reduce_or3A_1272, %reduce_or3A_1273 [1] : vector<512x512xf32> to vector<512xf32>
    %reduce_or3A_1275 = arith.constant 0.000000e+00 : f32
    %reduce_or3A_1276 = vector.broadcast %reduce_or3A_1275 : f32 to vector<512xf32>
    %reduce_or3A_1277 = arith.cmpf ogt, %reduce_or3A_1274, %reduce_or3A_1276 : vector<512xf32>
    %not3A_1278 = arith.constant dense<true> : vector<512xi1>
    %not3A_1279 = arith.xori %reduce_or3A_1277, %not3A_1278 : vector<512xi1>
    %mul3A_1280 = arith.constant 32 : i32
    %mul3A_1281 = vector.broadcast %mul3A_1280 : i32 to vector<512xi32>
    %mul3A_1282 = arith.muli %add3A_1258, %mul3A_1281 : vector<512xi32>
    %add3A_1283 = arith.addi %mul3A_1282, %convert_element_type3A_1119 : vector<512xi32>
    %broadcast_in_dim3A_1284 = vector.shape_cast %add3A_1283 : vector<512xi32> to vector<512x1xi32>
    %broadcast_in_dim3A_1285 = vector.shape_cast %add3A_1283 : vector<512xi32> to vector<1x512xi32>
    %eq3A_1286 = vector.broadcast %broadcast_in_dim3A_1284 : vector<512x1xi32> to vector<512x512xi32>
    %eq3A_1287 = vector.broadcast %broadcast_in_dim3A_1285 : vector<1x512xi32> to vector<512x512xi32>
    %eq3A_1288 = arith.cmpi eq, %eq3A_1286, %eq3A_1287 : vector<512x512xi32>
    %and3A_1289 = arith.andi %eq3A_1288, %gt3A_1261 : vector<512x512xi1>
    %reduce_or3A_1290 = arith.constant 1.000000e+00 : f32
    %reduce_or3A_1291 = arith.constant 0.000000e+00 : f32
    %reduce_or3A_1292 = vector.broadcast %reduce_or3A_1290 : f32 to vector<512x512xf32>
    %reduce_or3A_1293 = vector.broadcast %reduce_or3A_1291 : f32 to vector<512x512xf32>
    %reduce_or3A_1294 = arith.select %and3A_1289, %reduce_or3A_1292, %reduce_or3A_1293 : vector<512x512xi1>, vector<512x512xf32>
    %reduce_or3A_1295 = arith.constant dense<0xFF800000> : vector<512xf32>
    %reduce_or3A_1296 = vector.multi_reduction <maximumf>, %reduce_or3A_1294, %reduce_or3A_1295 [1] : vector<512x512xf32> to vector<512xf32>
    %reduce_or3A_1297 = arith.constant 0.000000e+00 : f32
    %reduce_or3A_1298 = vector.broadcast %reduce_or3A_1297 : f32 to vector<512xf32>
    %reduce_or3A_1299 = arith.cmpf ogt, %reduce_or3A_1296, %reduce_or3A_1298 : vector<512xf32>
    %not3A_1300 = arith.constant dense<true> : vector<512xi1>
    %not3A_1301 = arith.xori %reduce_or3A_1299, %not3A_1300 : vector<512xi1>
    %convert_element_type3A_1302 = arith.sitofp %min3A_1146 : vector<512xi32> to vector<512xf32>
    %sub3A_1303 = arith.subf %mul3A_1124, %convert_element_type3A_1302 : vector<512xf32>
    %convert_element_type3A_1304 = arith.sitofp %min3A_1153 : vector<512xi32> to vector<512xf32>
    %sub3A_1305 = arith.subf %mul3A_1129, %convert_element_type3A_1304 : vector<512xf32>
    %div3A_1306 = arith.divf %mul3A_1134, %select_n3A_1232 : vector<512xf32>
    %add3A_1307 = arith.constant 1.000000e-16 : f32
    %add3A_1308 = vector.broadcast %add3A_1307 : f32 to vector<512xf32>
    %add3A_1309 = arith.addf %div3A_1306, %add3A_1308 : vector<512xf32>
    %log3A_1310 = math.log %add3A_1309 : vector<512xf32>
    %div3A_1311 = arith.divf %mul3A_1139, %select_n3A_1246 : vector<512xf32>
    %add3A_1312 = arith.constant 1.000000e-16 : f32
    %add3A_1313 = vector.broadcast %add3A_1312 : f32 to vector<512xf32>
    %add3A_1314 = arith.addf %div3A_1311, %add3A_1313 : vector<512xf32>
    %log3A_1315 = math.log %add3A_1314 : vector<512xf32>
    %mul3A_1316 = arith.constant 30 : i32
    %mul3A_1317 = vector.broadcast %mul3A_1316 : i32 to vector<512xi32>
    %mul3A_1318 = arith.muli %add3A_1258, %mul3A_1317 : vector<512xi32>
    %and3A_1319 = arith.constant 127 : i32
    %and3A_1320 = vector.broadcast %and3A_1319 : i32 to vector<512xi32>
    %and3A_1321 = arith.andi %mul3A_1318, %and3A_1320 : vector<512xi32>
    %iota3A_1322 = tpu.iota {dimensions = array<i32: 1>} : vector<512x256xi32>
    %add3A_1323 = arith.constant 0 : i32
    %add3A_1324 = vector.broadcast %add3A_1323 : i32 to vector<512xi32>
    %add3A_1325 = arith.addi %and3A_1321, %add3A_1324 : vector<512xi32>
    %broadcast_in_dim3A_1326 = vector.shape_cast %add3A_1325 : vector<512xi32> to vector<512x1xi32>
    %eq3A_1327 = vector.broadcast %broadcast_in_dim3A_1326 : vector<512x1xi32> to vector<512x256xi32>
    %eq3A_1328 = arith.cmpi eq, %iota3A_1322, %eq3A_1327 : vector<512x256xi32>
    %jit3A_1329 = arith.constant 0.000000e+00 : f32
    %broadcast_in_dim3A_1330 = vector.broadcast %jit3A_1329 : f32 to vector<512x256xf32>
    %select_n3A_1331 = arith.select %eq3A_1328, %get3A_1113, %broadcast_in_dim3A_1330 : vector<512x256xi1>, vector<512x256xf32>
    %reduce_sum3A_1332 = arith.constant dense<0.000000e+00> : vector<512xf32>
    %reduce_sum3A_1333 = vector.multi_reduction <add>, %select_n3A_1331, %reduce_sum3A_1332 [1] : vector<512x256xf32> to vector<512xf32>
    %add3A_1334 = arith.constant 1 : i32
    %add3A_1335 = vector.broadcast %add3A_1334 : i32 to vector<512xi32>
    %add3A_1336 = arith.addi %and3A_1321, %add3A_1335 : vector<512xi32>
    %broadcast_in_dim3A_1337 = vector.shape_cast %add3A_1336 : vector<512xi32> to vector<512x1xi32>
    %eq3A_1338 = vector.broadcast %broadcast_in_dim3A_1337 : vector<512x1xi32> to vector<512x256xi32>
    %eq3A_1339 = arith.cmpi eq, %iota3A_1322, %eq3A_1338 : vector<512x256xi32>
    %jit3A_1340 = arith.constant 0.000000e+00 : f32
    %broadcast_in_dim3A_1341 = vector.broadcast %jit3A_1340 : f32 to vector<512x256xf32>
    %select_n3A_1342 = arith.select %eq3A_1339, %get3A_1113, %broadcast_in_dim3A_1341 : vector<512x256xi1>, vector<512x256xf32>
    %reduce_sum3A_1343 = arith.constant dense<0.000000e+00> : vector<512xf32>
    %reduce_sum3A_1344 = vector.multi_reduction <add>, %select_n3A_1342, %reduce_sum3A_1343 [1] : vector<512x256xf32> to vector<512xf32>
    %add3A_1345 = arith.constant 2 : i32
    %add3A_1346 = vector.broadcast %add3A_1345 : i32 to vector<512xi32>
    %add3A_1347 = arith.addi %and3A_1321, %add3A_1346 : vector<512xi32>
    %broadcast_in_dim3A_1348 = vector.shape_cast %add3A_1347 : vector<512xi32> to vector<512x1xi32>
    %eq3A_1349 = vector.broadcast %broadcast_in_dim3A_1348 : vector<512x1xi32> to vector<512x256xi32>
    %eq3A_1350 = arith.cmpi eq, %iota3A_1322, %eq3A_1349 : vector<512x256xi32>
    %jit3A_1351 = arith.constant 0.000000e+00 : f32
    %broadcast_in_dim3A_1352 = vector.broadcast %jit3A_1351 : f32 to vector<512x256xf32>
    %select_n3A_1353 = arith.select %eq3A_1350, %get3A_1113, %broadcast_in_dim3A_1352 : vector<512x256xi1>, vector<512x256xf32>
    %reduce_sum3A_1354 = arith.constant dense<0.000000e+00> : vector<512xf32>
    %reduce_sum3A_1355 = vector.multi_reduction <add>, %select_n3A_1353, %reduce_sum3A_1354 [1] : vector<512x256xf32> to vector<512xf32>
    %add3A_1356 = arith.constant 3 : i32
    %add3A_1357 = vector.broadcast %add3A_1356 : i32 to vector<512xi32>
    %add3A_1358 = arith.addi %and3A_1321, %add3A_1357 : vector<512xi32>
    %broadcast_in_dim3A_1359 = vector.shape_cast %add3A_1358 : vector<512xi32> to vector<512x1xi32>
    %eq3A_1360 = vector.broadcast %broadcast_in_dim3A_1359 : vector<512x1xi32> to vector<512x256xi32>
    %eq3A_1361 = arith.cmpi eq, %iota3A_1322, %eq3A_1360 : vector<512x256xi32>
    %jit3A_1362 = arith.constant 0.000000e+00 : f32
    %broadcast_in_dim3A_1363 = vector.broadcast %jit3A_1362 : f32 to vector<512x256xf32>
    %select_n3A_1364 = arith.select %eq3A_1361, %get3A_1113, %broadcast_in_dim3A_1363 : vector<512x256xi1>, vector<512x256xf32>
    %reduce_sum3A_1365 = arith.constant dense<0.000000e+00> : vector<512xf32>
    %reduce_sum3A_1366 = vector.multi_reduction <add>, %select_n3A_1364, %reduce_sum3A_1365 [1] : vector<512x256xf32> to vector<512xf32>
    %add3A_1367 = arith.constant 4 : i32
    %add3A_1368 = vector.broadcast %add3A_1367 : i32 to vector<512xi32>
    %add3A_1369 = arith.addi %and3A_1321, %add3A_1368 : vector<512xi32>
    %broadcast_in_dim3A_1370 = vector.shape_cast %add3A_1369 : vector<512xi32> to vector<512x1xi32>
    %eq3A_1371 = vector.broadcast %broadcast_in_dim3A_1370 : vector<512x1xi32> to vector<512x256xi32>
    %eq3A_1372 = arith.cmpi eq, %iota3A_1322, %eq3A_1371 : vector<512x256xi32>
    %jit3A_1373 = arith.constant 0.000000e+00 : f32
    %broadcast_in_dim3A_1374 = vector.broadcast %jit3A_1373 : f32 to vector<512x256xf32>
    %select_n3A_1375 = arith.select %eq3A_1372, %get3A_1113, %broadcast_in_dim3A_1374 : vector<512x256xi1>, vector<512x256xf32>
    %reduce_sum3A_1376 = arith.constant dense<0.000000e+00> : vector<512xf32>
    %reduce_sum3A_1377 = vector.multi_reduction <add>, %select_n3A_1375, %reduce_sum3A_1376 [1] : vector<512x256xf32> to vector<512xf32>
    %add3A_1378 = arith.constant 5 : i32
    %add3A_1379 = vector.broadcast %add3A_1378 : i32 to vector<512xi32>
    %add3A_1380 = arith.addi %and3A_1321, %add3A_1379 : vector<512xi32>
    %broadcast_in_dim3A_1381 = vector.shape_cast %add3A_1380 : vector<512xi32> to vector<512x1xi32>
    %eq3A_1382 = vector.broadcast %broadcast_in_dim3A_1381 : vector<512x1xi32> to vector<512x256xi32>
    %eq3A_1383 = arith.cmpi eq, %iota3A_1322, %eq3A_1382 : vector<512x256xi32>
    %jit3A_1384 = arith.constant 0.000000e+00 : f32
    %broadcast_in_dim3A_1385 = vector.broadcast %jit3A_1384 : f32 to vector<512x256xf32>
    %select_n3A_1386 = arith.select %eq3A_1383, %get3A_1113, %broadcast_in_dim3A_1385 : vector<512x256xi1>, vector<512x256xf32>
    %reduce_sum3A_1387 = arith.constant dense<0.000000e+00> : vector<512xf32>
    %reduce_sum3A_1388 = vector.multi_reduction <add>, %select_n3A_1386, %reduce_sum3A_1387 [1] : vector<512x256xf32> to vector<512xf32>
    %add3A_1389 = arith.constant 6 : i32
    %add3A_1390 = vector.broadcast %add3A_1389 : i32 to vector<512xi32>
    %add3A_1391 = arith.addi %and3A_1321, %add3A_1390 : vector<512xi32>
    %broadcast_in_dim3A_1392 = vector.shape_cast %add3A_1391 : vector<512xi32> to vector<512x1xi32>
    %eq3A_1393 = vector.broadcast %broadcast_in_dim3A_1392 : vector<512x1xi32> to vector<512x256xi32>
    %eq3A_1394 = arith.cmpi eq, %iota3A_1322, %eq3A_1393 : vector<512x256xi32>
    %jit3A_1395 = arith.constant 0.000000e+00 : f32
    %broadcast_in_dim3A_1396 = vector.broadcast %jit3A_1395 : f32 to vector<512x256xf32>
    %select_n3A_1397 = arith.select %eq3A_1394, %get3A_1113, %broadcast_in_dim3A_1396 : vector<512x256xi1>, vector<512x256xf32>
    %reduce_sum3A_1398 = arith.constant dense<0.000000e+00> : vector<512xf32>
    %reduce_sum3A_1399 = vector.multi_reduction <add>, %select_n3A_1397, %reduce_sum3A_1398 [1] : vector<512x256xf32> to vector<512xf32>
    %add3A_1400 = arith.constant 7 : i32
    %add3A_1401 = vector.broadcast %add3A_1400 : i32 to vector<512xi32>
    %add3A_1402 = arith.addi %and3A_1321, %add3A_1401 : vector<512xi32>
    %broadcast_in_dim3A_1403 = vector.shape_cast %add3A_1402 : vector<512xi32> to vector<512x1xi32>
    %eq3A_1404 = vector.broadcast %broadcast_in_dim3A_1403 : vector<512x1xi32> to vector<512x256xi32>
    %eq3A_1405 = arith.cmpi eq, %iota3A_1322, %eq3A_1404 : vector<512x256xi32>
    %jit3A_1406 = arith.constant 0.000000e+00 : f32
    %broadcast_in_dim3A_1407 = vector.broadcast %jit3A_1406 : f32 to vector<512x256xf32>
    %select_n3A_1408 = arith.select %eq3A_1405, %get3A_1113, %broadcast_in_dim3A_1407 : vector<512x256xi1>, vector<512x256xf32>
    %reduce_sum3A_1409 = arith.constant dense<0.000000e+00> : vector<512xf32>
    %reduce_sum3A_1410 = vector.multi_reduction <add>, %select_n3A_1408, %reduce_sum3A_1409 [1] : vector<512x256xf32> to vector<512xf32>
    %add3A_1411 = arith.constant 8 : i32
    %add3A_1412 = vector.broadcast %add3A_1411 : i32 to vector<512xi32>
    %add3A_1413 = arith.addi %and3A_1321, %add3A_1412 : vector<512xi32>
    %broadcast_in_dim3A_1414 = vector.shape_cast %add3A_1413 : vector<512xi32> to vector<512x1xi32>
    %eq3A_1415 = vector.broadcast %broadcast_in_dim3A_1414 : vector<512x1xi32> to vector<512x256xi32>
    %eq3A_1416 = arith.cmpi eq, %iota3A_1322, %eq3A_1415 : vector<512x256xi32>
    %jit3A_1417 = arith.constant 0.000000e+00 : f32
    %broadcast_in_dim3A_1418 = vector.broadcast %jit3A_1417 : f32 to vector<512x256xf32>
    %select_n3A_1419 = arith.select %eq3A_1416, %get3A_1113, %broadcast_in_dim3A_1418 : vector<512x256xi1>, vector<512x256xf32>
    %reduce_sum3A_1420 = arith.constant dense<0.000000e+00> : vector<512xf32>
    %reduce_sum3A_1421 = vector.multi_reduction <add>, %select_n3A_1419, %reduce_sum3A_1420 [1] : vector<512x256xf32> to vector<512xf32>
    %add3A_1422 = arith.constant 9 : i32
    %add3A_1423 = vector.broadcast %add3A_1422 : i32 to vector<512xi32>
    %add3A_1424 = arith.addi %and3A_1321, %add3A_1423 : vector<512xi32>
    %broadcast_in_dim3A_1425 = vector.shape_cast %add3A_1424 : vector<512xi32> to vector<512x1xi32>
    %eq3A_1426 = vector.broadcast %broadcast_in_dim3A_1425 : vector<512x1xi32> to vector<512x256xi32>
    %eq3A_1427 = arith.cmpi eq, %iota3A_1322, %eq3A_1426 : vector<512x256xi32>
    %jit3A_1428 = arith.constant 0.000000e+00 : f32
    %broadcast_in_dim3A_1429 = vector.broadcast %jit3A_1428 : f32 to vector<512x256xf32>
    %select_n3A_1430 = arith.select %eq3A_1427, %get3A_1113, %broadcast_in_dim3A_1429 : vector<512x256xi1>, vector<512x256xf32>
    %reduce_sum3A_1431 = arith.constant dense<0.000000e+00> : vector<512xf32>
    %reduce_sum3A_1432 = vector.multi_reduction <add>, %select_n3A_1430, %reduce_sum3A_1431 [1] : vector<512x256xf32> to vector<512xf32>
    %add3A_1433 = arith.constant 10 : i32
    %add3A_1434 = vector.broadcast %add3A_1433 : i32 to vector<512xi32>
    %add3A_1435 = arith.addi %and3A_1321, %add3A_1434 : vector<512xi32>
    %broadcast_in_dim3A_1436 = vector.shape_cast %add3A_1435 : vector<512xi32> to vector<512x1xi32>
    %eq3A_1437 = vector.broadcast %broadcast_in_dim3A_1436 : vector<512x1xi32> to vector<512x256xi32>
    %eq3A_1438 = arith.cmpi eq, %iota3A_1322, %eq3A_1437 : vector<512x256xi32>
    %jit3A_1439 = arith.constant 0.000000e+00 : f32
    %broadcast_in_dim3A_1440 = vector.broadcast %jit3A_1439 : f32 to vector<512x256xf32>
    %select_n3A_1441 = arith.select %eq3A_1438, %get3A_1113, %broadcast_in_dim3A_1440 : vector<512x256xi1>, vector<512x256xf32>
    %reduce_sum3A_1442 = arith.constant dense<0.000000e+00> : vector<512xf32>
    %reduce_sum3A_1443 = vector.multi_reduction <add>, %select_n3A_1441, %reduce_sum3A_1442 [1] : vector<512x256xf32> to vector<512xf32>
    %add3A_1444 = arith.constant 11 : i32
    %add3A_1445 = vector.broadcast %add3A_1444 : i32 to vector<512xi32>
    %add3A_1446 = arith.addi %and3A_1321, %add3A_1445 : vector<512xi32>
    %broadcast_in_dim3A_1447 = vector.shape_cast %add3A_1446 : vector<512xi32> to vector<512x1xi32>
    %eq3A_1448 = vector.broadcast %broadcast_in_dim3A_1447 : vector<512x1xi32> to vector<512x256xi32>
    %eq3A_1449 = arith.cmpi eq, %iota3A_1322, %eq3A_1448 : vector<512x256xi32>
    %jit3A_1450 = arith.constant 0.000000e+00 : f32
    %broadcast_in_dim3A_1451 = vector.broadcast %jit3A_1450 : f32 to vector<512x256xf32>
    %select_n3A_1452 = arith.select %eq3A_1449, %get3A_1113, %broadcast_in_dim3A_1451 : vector<512x256xi1>, vector<512x256xf32>
    %reduce_sum3A_1453 = arith.constant dense<0.000000e+00> : vector<512xf32>
    %reduce_sum3A_1454 = vector.multi_reduction <add>, %select_n3A_1452, %reduce_sum3A_1453 [1] : vector<512x256xf32> to vector<512xf32>
    %add3A_1455 = arith.constant 12 : i32
    %add3A_1456 = vector.broadcast %add3A_1455 : i32 to vector<512xi32>
    %add3A_1457 = arith.addi %and3A_1321, %add3A_1456 : vector<512xi32>
    %broadcast_in_dim3A_1458 = vector.shape_cast %add3A_1457 : vector<512xi32> to vector<512x1xi32>
    %eq3A_1459 = vector.broadcast %broadcast_in_dim3A_1458 : vector<512x1xi32> to vector<512x256xi32>
    %eq3A_1460 = arith.cmpi eq, %iota3A_1322, %eq3A_1459 : vector<512x256xi32>
    %jit3A_1461 = arith.constant 0.000000e+00 : f32
    %broadcast_in_dim3A_1462 = vector.broadcast %jit3A_1461 : f32 to vector<512x256xf32>
    %select_n3A_1463 = arith.select %eq3A_1460, %get3A_1113, %broadcast_in_dim3A_1462 : vector<512x256xi1>, vector<512x256xf32>
    %reduce_sum3A_1464 = arith.constant dense<0.000000e+00> : vector<512xf32>
    %reduce_sum3A_1465 = vector.multi_reduction <add>, %select_n3A_1463, %reduce_sum3A_1464 [1] : vector<512x256xf32> to vector<512xf32>
    %add3A_1466 = arith.constant 13 : i32
    %add3A_1467 = vector.broadcast %add3A_1466 : i32 to vector<512xi32>
    %add3A_1468 = arith.addi %and3A_1321, %add3A_1467 : vector<512xi32>
    %broadcast_in_dim3A_1469 = vector.shape_cast %add3A_1468 : vector<512xi32> to vector<512x1xi32>
    %eq3A_1470 = vector.broadcast %broadcast_in_dim3A_1469 : vector<512x1xi32> to vector<512x256xi32>
    %eq3A_1471 = arith.cmpi eq, %iota3A_1322, %eq3A_1470 : vector<512x256xi32>
    %jit3A_1472 = arith.constant 0.000000e+00 : f32
    %broadcast_in_dim3A_1473 = vector.broadcast %jit3A_1472 : f32 to vector<512x256xf32>
    %select_n3A_1474 = arith.select %eq3A_1471, %get3A_1113, %broadcast_in_dim3A_1473 : vector<512x256xi1>, vector<512x256xf32>
    %reduce_sum3A_1475 = arith.constant dense<0.000000e+00> : vector<512xf32>
    %reduce_sum3A_1476 = vector.multi_reduction <add>, %select_n3A_1474, %reduce_sum3A_1475 [1] : vector<512x256xf32> to vector<512xf32>
    %add3A_1477 = arith.constant 14 : i32
    %add3A_1478 = vector.broadcast %add3A_1477 : i32 to vector<512xi32>
    %add3A_1479 = arith.addi %and3A_1321, %add3A_1478 : vector<512xi32>
    %broadcast_in_dim3A_1480 = vector.shape_cast %add3A_1479 : vector<512xi32> to vector<512x1xi32>
    %eq3A_1481 = vector.broadcast %broadcast_in_dim3A_1480 : vector<512x1xi32> to vector<512x256xi32>
    %eq3A_1482 = arith.cmpi eq, %iota3A_1322, %eq3A_1481 : vector<512x256xi32>
    %jit3A_1483 = arith.constant 0.000000e+00 : f32
    %broadcast_in_dim3A_1484 = vector.broadcast %jit3A_1483 : f32 to vector<512x256xf32>
    %select_n3A_1485 = arith.select %eq3A_1482, %get3A_1113, %broadcast_in_dim3A_1484 : vector<512x256xi1>, vector<512x256xf32>
    %reduce_sum3A_1486 = arith.constant dense<0.000000e+00> : vector<512xf32>
    %reduce_sum3A_1487 = vector.multi_reduction <add>, %select_n3A_1485, %reduce_sum3A_1486 [1] : vector<512x256xf32> to vector<512xf32>
    %add3A_1488 = arith.constant 15 : i32
    %add3A_1489 = vector.broadcast %add3A_1488 : i32 to vector<512xi32>
    %add3A_1490 = arith.addi %and3A_1321, %add3A_1489 : vector<512xi32>
    %broadcast_in_dim3A_1491 = vector.shape_cast %add3A_1490 : vector<512xi32> to vector<512x1xi32>
    %eq3A_1492 = vector.broadcast %broadcast_in_dim3A_1491 : vector<512x1xi32> to vector<512x256xi32>
    %eq3A_1493 = arith.cmpi eq, %iota3A_1322, %eq3A_1492 : vector<512x256xi32>
    %jit3A_1494 = arith.constant 0.000000e+00 : f32
    %broadcast_in_dim3A_1495 = vector.broadcast %jit3A_1494 : f32 to vector<512x256xf32>
    %select_n3A_1496 = arith.select %eq3A_1493, %get3A_1113, %broadcast_in_dim3A_1495 : vector<512x256xi1>, vector<512x256xf32>
    %reduce_sum3A_1497 = arith.constant dense<0.000000e+00> : vector<512xf32>
    %reduce_sum3A_1498 = vector.multi_reduction <add>, %select_n3A_1496, %reduce_sum3A_1497 [1] : vector<512x256xf32> to vector<512xf32>
    %add3A_1499 = arith.constant 16 : i32
    %add3A_1500 = vector.broadcast %add3A_1499 : i32 to vector<512xi32>
    %add3A_1501 = arith.addi %and3A_1321, %add3A_1500 : vector<512xi32>
    %broadcast_in_dim3A_1502 = vector.shape_cast %add3A_1501 : vector<512xi32> to vector<512x1xi32>
    %eq3A_1503 = vector.broadcast %broadcast_in_dim3A_1502 : vector<512x1xi32> to vector<512x256xi32>
    %eq3A_1504 = arith.cmpi eq, %iota3A_1322, %eq3A_1503 : vector<512x256xi32>
    %jit3A_1505 = arith.constant 0.000000e+00 : f32
    %broadcast_in_dim3A_1506 = vector.broadcast %jit3A_1505 : f32 to vector<512x256xf32>
    %select_n3A_1507 = arith.select %eq3A_1504, %get3A_1113, %broadcast_in_dim3A_1506 : vector<512x256xi1>, vector<512x256xf32>
    %reduce_sum3A_1508 = arith.constant dense<0.000000e+00> : vector<512xf32>
    %reduce_sum3A_1509 = vector.multi_reduction <add>, %select_n3A_1507, %reduce_sum3A_1508 [1] : vector<512x256xf32> to vector<512xf32>
    %add3A_1510 = arith.constant 17 : i32
    %add3A_1511 = vector.broadcast %add3A_1510 : i32 to vector<512xi32>
    %add3A_1512 = arith.addi %and3A_1321, %add3A_1511 : vector<512xi32>
    %broadcast_in_dim3A_1513 = vector.shape_cast %add3A_1512 : vector<512xi32> to vector<512x1xi32>
    %eq3A_1514 = vector.broadcast %broadcast_in_dim3A_1513 : vector<512x1xi32> to vector<512x256xi32>
    %eq3A_1515 = arith.cmpi eq, %iota3A_1322, %eq3A_1514 : vector<512x256xi32>
    %jit3A_1516 = arith.constant 0.000000e+00 : f32
    %broadcast_in_dim3A_1517 = vector.broadcast %jit3A_1516 : f32 to vector<512x256xf32>
    %select_n3A_1518 = arith.select %eq3A_1515, %get3A_1113, %broadcast_in_dim3A_1517 : vector<512x256xi1>, vector<512x256xf32>
    %reduce_sum3A_1519 = arith.constant dense<0.000000e+00> : vector<512xf32>
    %reduce_sum3A_1520 = vector.multi_reduction <add>, %select_n3A_1518, %reduce_sum3A_1519 [1] : vector<512x256xf32> to vector<512xf32>
    %add3A_1521 = arith.constant 18 : i32
    %add3A_1522 = vector.broadcast %add3A_1521 : i32 to vector<512xi32>
    %add3A_1523 = arith.addi %and3A_1321, %add3A_1522 : vector<512xi32>
    %broadcast_in_dim3A_1524 = vector.shape_cast %add3A_1523 : vector<512xi32> to vector<512x1xi32>
    %eq3A_1525 = vector.broadcast %broadcast_in_dim3A_1524 : vector<512x1xi32> to vector<512x256xi32>
    %eq3A_1526 = arith.cmpi eq, %iota3A_1322, %eq3A_1525 : vector<512x256xi32>
    %jit3A_1527 = arith.constant 0.000000e+00 : f32
    %broadcast_in_dim3A_1528 = vector.broadcast %jit3A_1527 : f32 to vector<512x256xf32>
    %select_n3A_1529 = arith.select %eq3A_1526, %get3A_1113, %broadcast_in_dim3A_1528 : vector<512x256xi1>, vector<512x256xf32>
    %reduce_sum3A_1530 = arith.constant dense<0.000000e+00> : vector<512xf32>
    %reduce_sum3A_1531 = vector.multi_reduction <add>, %select_n3A_1529, %reduce_sum3A_1530 [1] : vector<512x256xf32> to vector<512xf32>
    %add3A_1532 = arith.constant 19 : i32
    %add3A_1533 = vector.broadcast %add3A_1532 : i32 to vector<512xi32>
    %add3A_1534 = arith.addi %and3A_1321, %add3A_1533 : vector<512xi32>
    %broadcast_in_dim3A_1535 = vector.shape_cast %add3A_1534 : vector<512xi32> to vector<512x1xi32>
    %eq3A_1536 = vector.broadcast %broadcast_in_dim3A_1535 : vector<512x1xi32> to vector<512x256xi32>
    %eq3A_1537 = arith.cmpi eq, %iota3A_1322, %eq3A_1536 : vector<512x256xi32>
    %jit3A_1538 = arith.constant 0.000000e+00 : f32
    %broadcast_in_dim3A_1539 = vector.broadcast %jit3A_1538 : f32 to vector<512x256xf32>
    %select_n3A_1540 = arith.select %eq3A_1537, %get3A_1113, %broadcast_in_dim3A_1539 : vector<512x256xi1>, vector<512x256xf32>
    %reduce_sum3A_1541 = arith.constant dense<0.000000e+00> : vector<512xf32>
    %reduce_sum3A_1542 = vector.multi_reduction <add>, %select_n3A_1540, %reduce_sum3A_1541 [1] : vector<512x256xf32> to vector<512xf32>
    %add3A_1543 = arith.constant 20 : i32
    %add3A_1544 = vector.broadcast %add3A_1543 : i32 to vector<512xi32>
    %add3A_1545 = arith.addi %and3A_1321, %add3A_1544 : vector<512xi32>
    %broadcast_in_dim3A_1546 = vector.shape_cast %add3A_1545 : vector<512xi32> to vector<512x1xi32>
    %eq3A_1547 = vector.broadcast %broadcast_in_dim3A_1546 : vector<512x1xi32> to vector<512x256xi32>
    %eq3A_1548 = arith.cmpi eq, %iota3A_1322, %eq3A_1547 : vector<512x256xi32>
    %jit3A_1549 = arith.constant 0.000000e+00 : f32
    %broadcast_in_dim3A_1550 = vector.broadcast %jit3A_1549 : f32 to vector<512x256xf32>
    %select_n3A_1551 = arith.select %eq3A_1548, %get3A_1113, %broadcast_in_dim3A_1550 : vector<512x256xi1>, vector<512x256xf32>
    %reduce_sum3A_1552 = arith.constant dense<0.000000e+00> : vector<512xf32>
    %reduce_sum3A_1553 = vector.multi_reduction <add>, %select_n3A_1551, %reduce_sum3A_1552 [1] : vector<512x256xf32> to vector<512xf32>
    %add3A_1554 = arith.constant 21 : i32
    %add3A_1555 = vector.broadcast %add3A_1554 : i32 to vector<512xi32>
    %add3A_1556 = arith.addi %and3A_1321, %add3A_1555 : vector<512xi32>
    %broadcast_in_dim3A_1557 = vector.shape_cast %add3A_1556 : vector<512xi32> to vector<512x1xi32>
    %eq3A_1558 = vector.broadcast %broadcast_in_dim3A_1557 : vector<512x1xi32> to vector<512x256xi32>
    %eq3A_1559 = arith.cmpi eq, %iota3A_1322, %eq3A_1558 : vector<512x256xi32>
    %jit3A_1560 = arith.constant 0.000000e+00 : f32
    %broadcast_in_dim3A_1561 = vector.broadcast %jit3A_1560 : f32 to vector<512x256xf32>
    %select_n3A_1562 = arith.select %eq3A_1559, %get3A_1113, %broadcast_in_dim3A_1561 : vector<512x256xi1>, vector<512x256xf32>
    %reduce_sum3A_1563 = arith.constant dense<0.000000e+00> : vector<512xf32>
    %reduce_sum3A_1564 = vector.multi_reduction <add>, %select_n3A_1562, %reduce_sum3A_1563 [1] : vector<512x256xf32> to vector<512xf32>
    %add3A_1565 = arith.constant 22 : i32
    %add3A_1566 = vector.broadcast %add3A_1565 : i32 to vector<512xi32>
    %add3A_1567 = arith.addi %and3A_1321, %add3A_1566 : vector<512xi32>
    %broadcast_in_dim3A_1568 = vector.shape_cast %add3A_1567 : vector<512xi32> to vector<512x1xi32>
    %eq3A_1569 = vector.broadcast %broadcast_in_dim3A_1568 : vector<512x1xi32> to vector<512x256xi32>
    %eq3A_1570 = arith.cmpi eq, %iota3A_1322, %eq3A_1569 : vector<512x256xi32>
    %jit3A_1571 = arith.constant 0.000000e+00 : f32
    %broadcast_in_dim3A_1572 = vector.broadcast %jit3A_1571 : f32 to vector<512x256xf32>
    %select_n3A_1573 = arith.select %eq3A_1570, %get3A_1113, %broadcast_in_dim3A_1572 : vector<512x256xi1>, vector<512x256xf32>
    %reduce_sum3A_1574 = arith.constant dense<0.000000e+00> : vector<512xf32>
    %reduce_sum3A_1575 = vector.multi_reduction <add>, %select_n3A_1573, %reduce_sum3A_1574 [1] : vector<512x256xf32> to vector<512xf32>
    %add3A_1576 = arith.constant 23 : i32
    %add3A_1577 = vector.broadcast %add3A_1576 : i32 to vector<512xi32>
    %add3A_1578 = arith.addi %and3A_1321, %add3A_1577 : vector<512xi32>
    %broadcast_in_dim3A_1579 = vector.shape_cast %add3A_1578 : vector<512xi32> to vector<512x1xi32>
    %eq3A_1580 = vector.broadcast %broadcast_in_dim3A_1579 : vector<512x1xi32> to vector<512x256xi32>
    %eq3A_1581 = arith.cmpi eq, %iota3A_1322, %eq3A_1580 : vector<512x256xi32>
    %jit3A_1582 = arith.constant 0.000000e+00 : f32
    %broadcast_in_dim3A_1583 = vector.broadcast %jit3A_1582 : f32 to vector<512x256xf32>
    %select_n3A_1584 = arith.select %eq3A_1581, %get3A_1113, %broadcast_in_dim3A_1583 : vector<512x256xi1>, vector<512x256xf32>
    %reduce_sum3A_1585 = arith.constant dense<0.000000e+00> : vector<512xf32>
    %reduce_sum3A_1586 = vector.multi_reduction <add>, %select_n3A_1584, %reduce_sum3A_1585 [1] : vector<512x256xf32> to vector<512xf32>
    %add3A_1587 = arith.constant 24 : i32
    %add3A_1588 = vector.broadcast %add3A_1587 : i32 to vector<512xi32>
    %add3A_1589 = arith.addi %and3A_1321, %add3A_1588 : vector<512xi32>
    %broadcast_in_dim3A_1590 = vector.shape_cast %add3A_1589 : vector<512xi32> to vector<512x1xi32>
    %eq3A_1591 = vector.broadcast %broadcast_in_dim3A_1590 : vector<512x1xi32> to vector<512x256xi32>
    %eq3A_1592 = arith.cmpi eq, %iota3A_1322, %eq3A_1591 : vector<512x256xi32>
    %jit3A_1593 = arith.constant 0.000000e+00 : f32
    %broadcast_in_dim3A_1594 = vector.broadcast %jit3A_1593 : f32 to vector<512x256xf32>
    %select_n3A_1595 = arith.select %eq3A_1592, %get3A_1113, %broadcast_in_dim3A_1594 : vector<512x256xi1>, vector<512x256xf32>
    %reduce_sum3A_1596 = arith.constant dense<0.000000e+00> : vector<512xf32>
    %reduce_sum3A_1597 = vector.multi_reduction <add>, %select_n3A_1595, %reduce_sum3A_1596 [1] : vector<512x256xf32> to vector<512xf32>
    %add3A_1598 = arith.constant 25 : i32
    %add3A_1599 = vector.broadcast %add3A_1598 : i32 to vector<512xi32>
    %add3A_1600 = arith.addi %and3A_1321, %add3A_1599 : vector<512xi32>
    %broadcast_in_dim3A_1601 = vector.shape_cast %add3A_1600 : vector<512xi32> to vector<512x1xi32>
    %eq3A_1602 = vector.broadcast %broadcast_in_dim3A_1601 : vector<512x1xi32> to vector<512x256xi32>
    %eq3A_1603 = arith.cmpi eq, %iota3A_1322, %eq3A_1602 : vector<512x256xi32>
    %jit3A_1604 = arith.constant 0.000000e+00 : f32
    %broadcast_in_dim3A_1605 = vector.broadcast %jit3A_1604 : f32 to vector<512x256xf32>
    %select_n3A_1606 = arith.select %eq3A_1603, %get3A_1113, %broadcast_in_dim3A_1605 : vector<512x256xi1>, vector<512x256xf32>
    %reduce_sum3A_1607 = arith.constant dense<0.000000e+00> : vector<512xf32>
    %reduce_sum3A_1608 = vector.multi_reduction <add>, %select_n3A_1606, %reduce_sum3A_1607 [1] : vector<512x256xf32> to vector<512xf32>
    %add3A_1609 = arith.constant 26 : i32
    %add3A_1610 = vector.broadcast %add3A_1609 : i32 to vector<512xi32>
    %add3A_1611 = arith.addi %and3A_1321, %add3A_1610 : vector<512xi32>
    %broadcast_in_dim3A_1612 = vector.shape_cast %add3A_1611 : vector<512xi32> to vector<512x1xi32>
    %eq3A_1613 = vector.broadcast %broadcast_in_dim3A_1612 : vector<512x1xi32> to vector<512x256xi32>
    %eq3A_1614 = arith.cmpi eq, %iota3A_1322, %eq3A_1613 : vector<512x256xi32>
    %jit3A_1615 = arith.constant 0.000000e+00 : f32
    %broadcast_in_dim3A_1616 = vector.broadcast %jit3A_1615 : f32 to vector<512x256xf32>
    %select_n3A_1617 = arith.select %eq3A_1614, %get3A_1113, %broadcast_in_dim3A_1616 : vector<512x256xi1>, vector<512x256xf32>
    %reduce_sum3A_1618 = arith.constant dense<0.000000e+00> : vector<512xf32>
    %reduce_sum3A_1619 = vector.multi_reduction <add>, %select_n3A_1617, %reduce_sum3A_1618 [1] : vector<512x256xf32> to vector<512xf32>
    %add3A_1620 = arith.constant 27 : i32
    %add3A_1621 = vector.broadcast %add3A_1620 : i32 to vector<512xi32>
    %add3A_1622 = arith.addi %and3A_1321, %add3A_1621 : vector<512xi32>
    %broadcast_in_dim3A_1623 = vector.shape_cast %add3A_1622 : vector<512xi32> to vector<512x1xi32>
    %eq3A_1624 = vector.broadcast %broadcast_in_dim3A_1623 : vector<512x1xi32> to vector<512x256xi32>
    %eq3A_1625 = arith.cmpi eq, %iota3A_1322, %eq3A_1624 : vector<512x256xi32>
    %jit3A_1626 = arith.constant 0.000000e+00 : f32
    %broadcast_in_dim3A_1627 = vector.broadcast %jit3A_1626 : f32 to vector<512x256xf32>
    %select_n3A_1628 = arith.select %eq3A_1625, %get3A_1113, %broadcast_in_dim3A_1627 : vector<512x256xi1>, vector<512x256xf32>
    %reduce_sum3A_1629 = arith.constant dense<0.000000e+00> : vector<512xf32>
    %reduce_sum3A_1630 = vector.multi_reduction <add>, %select_n3A_1628, %reduce_sum3A_1629 [1] : vector<512x256xf32> to vector<512xf32>
    %add3A_1631 = arith.constant 28 : i32
    %add3A_1632 = vector.broadcast %add3A_1631 : i32 to vector<512xi32>
    %add3A_1633 = arith.addi %and3A_1321, %add3A_1632 : vector<512xi32>
    %broadcast_in_dim3A_1634 = vector.shape_cast %add3A_1633 : vector<512xi32> to vector<512x1xi32>
    %eq3A_1635 = vector.broadcast %broadcast_in_dim3A_1634 : vector<512x1xi32> to vector<512x256xi32>
    %eq3A_1636 = arith.cmpi eq, %iota3A_1322, %eq3A_1635 : vector<512x256xi32>
    %jit3A_1637 = arith.constant 0.000000e+00 : f32
    %broadcast_in_dim3A_1638 = vector.broadcast %jit3A_1637 : f32 to vector<512x256xf32>
    %select_n3A_1639 = arith.select %eq3A_1636, %get3A_1113, %broadcast_in_dim3A_1638 : vector<512x256xi1>, vector<512x256xf32>
    %reduce_sum3A_1640 = arith.constant dense<0.000000e+00> : vector<512xf32>
    %reduce_sum3A_1641 = vector.multi_reduction <add>, %select_n3A_1639, %reduce_sum3A_1640 [1] : vector<512x256xf32> to vector<512xf32>
    %add3A_1642 = arith.constant 29 : i32
    %add3A_1643 = vector.broadcast %add3A_1642 : i32 to vector<512xi32>
    %add3A_1644 = arith.addi %and3A_1321, %add3A_1643 : vector<512xi32>
    %broadcast_in_dim3A_1645 = vector.shape_cast %add3A_1644 : vector<512xi32> to vector<512x1xi32>
    %eq3A_1646 = vector.broadcast %broadcast_in_dim3A_1645 : vector<512x1xi32> to vector<512x256xi32>
    %eq3A_1647 = arith.cmpi eq, %iota3A_1322, %eq3A_1646 : vector<512x256xi32>
    %jit3A_1648 = arith.constant 0.000000e+00 : f32
    %broadcast_in_dim3A_1649 = vector.broadcast %jit3A_1648 : f32 to vector<512x256xf32>
    %select_n3A_1650 = arith.select %eq3A_1647, %get3A_1113, %broadcast_in_dim3A_1649 : vector<512x256xi1>, vector<512x256xf32>
    %reduce_sum3A_1651 = arith.constant dense<0.000000e+00> : vector<512xf32>
    %reduce_sum3A_1652 = vector.multi_reduction <add>, %select_n3A_1650, %reduce_sum3A_1651 [1] : vector<512x256xf32> to vector<512xf32>
    %broadcast_in_dim3A_1653 = arith.constant 0.000000e+00 : f32
    %broadcast_in_dim3A_1654 = vector.broadcast %broadcast_in_dim3A_1653 : f32 to vector<512xf32>
    %broadcast_in_dim3A_1655 = arith.constant 0.000000e+00 : f32
    %broadcast_in_dim3A_1656 = vector.broadcast %broadcast_in_dim3A_1655 : f32 to vector<512xf32>
    %abs3A_1657 = math.absf %reduce_sum3A_1388 : vector<512xf32>
    %neg3A_1658 = arith.constant 0.000000e+00 : f32
    %neg3A_1659 = vector.broadcast %neg3A_1658 : f32 to vector<512xf32>
    %neg3A_1660 = arith.subf %neg3A_1659, %abs3A_1657 : vector<512xf32>
    %exp3A_1661 = math.exp %neg3A_1660 : vector<512xf32>
    %log1p3A_1662 = math.log1p %exp3A_1661 : vector<512xf32>
    %max3A_1663 = arith.constant 0.000000e+00 : f32
    %max3A_1664 = vector.broadcast %max3A_1663 : f32 to vector<512xf32>
    %max3A_1665 = arith.maximumf %reduce_sum3A_1388, %max3A_1664 : vector<512xf32>
    %add3A_1666 = arith.addf %log1p3A_1662, %max3A_1665 : vector<512xf32>
    %add3A_1667 = arith.addf %broadcast_in_dim3A_1654, %add3A_1666 : vector<512xf32>
    %eq3A_1668 = arith.constant 0 : i32
    %eq3A_1669 = vector.broadcast %eq3A_1668 : i32 to vector<512xi32>
    %eq3A_1670 = arith.cmpi eq, %convert_element_type3A_1119, %eq3A_1669 : vector<512xi32>
    %jit3A_1671 = arith.constant 0.000000e+00 : f32
    %broadcast_in_dim3A_1672 = vector.broadcast %jit3A_1671 : f32 to vector<512xf32>
    %select_n3A_1673 = arith.select %eq3A_1670, %reduce_sum3A_1388, %broadcast_in_dim3A_1672 : vector<512xi1>, vector<512xf32>
    %add3A_1674 = arith.addf %broadcast_in_dim3A_1656, %select_n3A_1673 : vector<512xf32>
    %abs3A_1675 = math.absf %reduce_sum3A_1399 : vector<512xf32>
    %neg3A_1676 = arith.constant 0.000000e+00 : f32
    %neg3A_1677 = vector.broadcast %neg3A_1676 : f32 to vector<512xf32>
    %neg3A_1678 = arith.subf %neg3A_1677, %abs3A_1675 : vector<512xf32>
    %exp3A_1679 = math.exp %neg3A_1678 : vector<512xf32>
    %log1p3A_1680 = math.log1p %exp3A_1679 : vector<512xf32>
    %max3A_1681 = arith.constant 0.000000e+00 : f32
    %max3A_1682 = vector.broadcast %max3A_1681 : f32 to vector<512xf32>
    %max3A_1683 = arith.maximumf %reduce_sum3A_1399, %max3A_1682 : vector<512xf32>
    %add3A_1684 = arith.addf %log1p3A_1680, %max3A_1683 : vector<512xf32>
    %add3A_1685 = arith.addf %add3A_1667, %add3A_1684 : vector<512xf32>
    %eq3A_1686 = arith.constant 1 : i32
    %eq3A_1687 = vector.broadcast %eq3A_1686 : i32 to vector<512xi32>
    %eq3A_1688 = arith.cmpi eq, %convert_element_type3A_1119, %eq3A_1687 : vector<512xi32>
    %jit3A_1689 = arith.constant 0.000000e+00 : f32
    %broadcast_in_dim3A_1690 = vector.broadcast %jit3A_1689 : f32 to vector<512xf32>
    %select_n3A_1691 = arith.select %eq3A_1688, %reduce_sum3A_1399, %broadcast_in_dim3A_1690 : vector<512xi1>, vector<512xf32>
    %add3A_1692 = arith.addf %add3A_1674, %select_n3A_1691 : vector<512xf32>
    %abs3A_1693 = math.absf %reduce_sum3A_1410 : vector<512xf32>
    %neg3A_1694 = arith.constant 0.000000e+00 : f32
    %neg3A_1695 = vector.broadcast %neg3A_1694 : f32 to vector<512xf32>
    %neg3A_1696 = arith.subf %neg3A_1695, %abs3A_1693 : vector<512xf32>
    %exp3A_1697 = math.exp %neg3A_1696 : vector<512xf32>
    %log1p3A_1698 = math.log1p %exp3A_1697 : vector<512xf32>
    %max3A_1699 = arith.constant 0.000000e+00 : f32
    %max3A_1700 = vector.broadcast %max3A_1699 : f32 to vector<512xf32>
    %max3A_1701 = arith.maximumf %reduce_sum3A_1410, %max3A_1700 : vector<512xf32>
    %add3A_1702 = arith.addf %log1p3A_1698, %max3A_1701 : vector<512xf32>
    %add3A_1703 = arith.addf %add3A_1685, %add3A_1702 : vector<512xf32>
    %eq3A_1704 = arith.constant 2 : i32
    %eq3A_1705 = vector.broadcast %eq3A_1704 : i32 to vector<512xi32>
    %eq3A_1706 = arith.cmpi eq, %convert_element_type3A_1119, %eq3A_1705 : vector<512xi32>
    %jit3A_1707 = arith.constant 0.000000e+00 : f32
    %broadcast_in_dim3A_1708 = vector.broadcast %jit3A_1707 : f32 to vector<512xf32>
    %select_n3A_1709 = arith.select %eq3A_1706, %reduce_sum3A_1410, %broadcast_in_dim3A_1708 : vector<512xi1>, vector<512xf32>
    %add3A_1710 = arith.addf %add3A_1692, %select_n3A_1709 : vector<512xf32>
    %abs3A_1711 = math.absf %reduce_sum3A_1421 : vector<512xf32>
    %neg3A_1712 = arith.constant 0.000000e+00 : f32
    %neg3A_1713 = vector.broadcast %neg3A_1712 : f32 to vector<512xf32>
    %neg3A_1714 = arith.subf %neg3A_1713, %abs3A_1711 : vector<512xf32>
    %exp3A_1715 = math.exp %neg3A_1714 : vector<512xf32>
    %log1p3A_1716 = math.log1p %exp3A_1715 : vector<512xf32>
    %max3A_1717 = arith.constant 0.000000e+00 : f32
    %max3A_1718 = vector.broadcast %max3A_1717 : f32 to vector<512xf32>
    %max3A_1719 = arith.maximumf %reduce_sum3A_1421, %max3A_1718 : vector<512xf32>
    %add3A_1720 = arith.addf %log1p3A_1716, %max3A_1719 : vector<512xf32>
    %add3A_1721 = arith.addf %add3A_1703, %add3A_1720 : vector<512xf32>
    %eq3A_1722 = arith.constant 3 : i32
    %eq3A_1723 = vector.broadcast %eq3A_1722 : i32 to vector<512xi32>
    %eq3A_1724 = arith.cmpi eq, %convert_element_type3A_1119, %eq3A_1723 : vector<512xi32>
    %jit3A_1725 = arith.constant 0.000000e+00 : f32
    %broadcast_in_dim3A_1726 = vector.broadcast %jit3A_1725 : f32 to vector<512xf32>
    %select_n3A_1727 = arith.select %eq3A_1724, %reduce_sum3A_1421, %broadcast_in_dim3A_1726 : vector<512xi1>, vector<512xf32>
    %add3A_1728 = arith.addf %add3A_1710, %select_n3A_1727 : vector<512xf32>
    %abs3A_1729 = math.absf %reduce_sum3A_1432 : vector<512xf32>
    %neg3A_1730 = arith.constant 0.000000e+00 : f32
    %neg3A_1731 = vector.broadcast %neg3A_1730 : f32 to vector<512xf32>
    %neg3A_1732 = arith.subf %neg3A_1731, %abs3A_1729 : vector<512xf32>
    %exp3A_1733 = math.exp %neg3A_1732 : vector<512xf32>
    %log1p3A_1734 = math.log1p %exp3A_1733 : vector<512xf32>
    %max3A_1735 = arith.constant 0.000000e+00 : f32
    %max3A_1736 = vector.broadcast %max3A_1735 : f32 to vector<512xf32>
    %max3A_1737 = arith.maximumf %reduce_sum3A_1432, %max3A_1736 : vector<512xf32>
    %add3A_1738 = arith.addf %log1p3A_1734, %max3A_1737 : vector<512xf32>
    %add3A_1739 = arith.addf %add3A_1721, %add3A_1738 : vector<512xf32>
    %eq3A_1740 = arith.constant 4 : i32
    %eq3A_1741 = vector.broadcast %eq3A_1740 : i32 to vector<512xi32>
    %eq3A_1742 = arith.cmpi eq, %convert_element_type3A_1119, %eq3A_1741 : vector<512xi32>
    %jit3A_1743 = arith.constant 0.000000e+00 : f32
    %broadcast_in_dim3A_1744 = vector.broadcast %jit3A_1743 : f32 to vector<512xf32>
    %select_n3A_1745 = arith.select %eq3A_1742, %reduce_sum3A_1432, %broadcast_in_dim3A_1744 : vector<512xi1>, vector<512xf32>
    %add3A_1746 = arith.addf %add3A_1728, %select_n3A_1745 : vector<512xf32>
    %abs3A_1747 = math.absf %reduce_sum3A_1443 : vector<512xf32>
    %neg3A_1748 = arith.constant 0.000000e+00 : f32
    %neg3A_1749 = vector.broadcast %neg3A_1748 : f32 to vector<512xf32>
    %neg3A_1750 = arith.subf %neg3A_1749, %abs3A_1747 : vector<512xf32>
    %exp3A_1751 = math.exp %neg3A_1750 : vector<512xf32>
    %log1p3A_1752 = math.log1p %exp3A_1751 : vector<512xf32>
    %max3A_1753 = arith.constant 0.000000e+00 : f32
    %max3A_1754 = vector.broadcast %max3A_1753 : f32 to vector<512xf32>
    %max3A_1755 = arith.maximumf %reduce_sum3A_1443, %max3A_1754 : vector<512xf32>
    %add3A_1756 = arith.addf %log1p3A_1752, %max3A_1755 : vector<512xf32>
    %add3A_1757 = arith.addf %add3A_1739, %add3A_1756 : vector<512xf32>
    %eq3A_1758 = arith.constant 5 : i32
    %eq3A_1759 = vector.broadcast %eq3A_1758 : i32 to vector<512xi32>
    %eq3A_1760 = arith.cmpi eq, %convert_element_type3A_1119, %eq3A_1759 : vector<512xi32>
    %jit3A_1761 = arith.constant 0.000000e+00 : f32
    %broadcast_in_dim3A_1762 = vector.broadcast %jit3A_1761 : f32 to vector<512xf32>
    %select_n3A_1763 = arith.select %eq3A_1760, %reduce_sum3A_1443, %broadcast_in_dim3A_1762 : vector<512xi1>, vector<512xf32>
    %add3A_1764 = arith.addf %add3A_1746, %select_n3A_1763 : vector<512xf32>
    %abs3A_1765 = math.absf %reduce_sum3A_1454 : vector<512xf32>
    %neg3A_1766 = arith.constant 0.000000e+00 : f32
    %neg3A_1767 = vector.broadcast %neg3A_1766 : f32 to vector<512xf32>
    %neg3A_1768 = arith.subf %neg3A_1767, %abs3A_1765 : vector<512xf32>
    %exp3A_1769 = math.exp %neg3A_1768 : vector<512xf32>
    %log1p3A_1770 = math.log1p %exp3A_1769 : vector<512xf32>
    %max3A_1771 = arith.constant 0.000000e+00 : f32
    %max3A_1772 = vector.broadcast %max3A_1771 : f32 to vector<512xf32>
    %max3A_1773 = arith.maximumf %reduce_sum3A_1454, %max3A_1772 : vector<512xf32>
    %add3A_1774 = arith.addf %log1p3A_1770, %max3A_1773 : vector<512xf32>
    %add3A_1775 = arith.addf %add3A_1757, %add3A_1774 : vector<512xf32>
    %eq3A_1776 = arith.constant 6 : i32
    %eq3A_1777 = vector.broadcast %eq3A_1776 : i32 to vector<512xi32>
    %eq3A_1778 = arith.cmpi eq, %convert_element_type3A_1119, %eq3A_1777 : vector<512xi32>
    %jit3A_1779 = arith.constant 0.000000e+00 : f32
    %broadcast_in_dim3A_1780 = vector.broadcast %jit3A_1779 : f32 to vector<512xf32>
    %select_n3A_1781 = arith.select %eq3A_1778, %reduce_sum3A_1454, %broadcast_in_dim3A_1780 : vector<512xi1>, vector<512xf32>
    %add3A_1782 = arith.addf %add3A_1764, %select_n3A_1781 : vector<512xf32>
    %abs3A_1783 = math.absf %reduce_sum3A_1465 : vector<512xf32>
    %neg3A_1784 = arith.constant 0.000000e+00 : f32
    %neg3A_1785 = vector.broadcast %neg3A_1784 : f32 to vector<512xf32>
    %neg3A_1786 = arith.subf %neg3A_1785, %abs3A_1783 : vector<512xf32>
    %exp3A_1787 = math.exp %neg3A_1786 : vector<512xf32>
    %log1p3A_1788 = math.log1p %exp3A_1787 : vector<512xf32>
    %max3A_1789 = arith.constant 0.000000e+00 : f32
    %max3A_1790 = vector.broadcast %max3A_1789 : f32 to vector<512xf32>
    %max3A_1791 = arith.maximumf %reduce_sum3A_1465, %max3A_1790 : vector<512xf32>
    %add3A_1792 = arith.addf %log1p3A_1788, %max3A_1791 : vector<512xf32>
    %add3A_1793 = arith.addf %add3A_1775, %add3A_1792 : vector<512xf32>
    %eq3A_1794 = arith.constant 7 : i32
    %eq3A_1795 = vector.broadcast %eq3A_1794 : i32 to vector<512xi32>
    %eq3A_1796 = arith.cmpi eq, %convert_element_type3A_1119, %eq3A_1795 : vector<512xi32>
    %jit3A_1797 = arith.constant 0.000000e+00 : f32
    %broadcast_in_dim3A_1798 = vector.broadcast %jit3A_1797 : f32 to vector<512xf32>
    %select_n3A_1799 = arith.select %eq3A_1796, %reduce_sum3A_1465, %broadcast_in_dim3A_1798 : vector<512xi1>, vector<512xf32>
    %add3A_1800 = arith.addf %add3A_1782, %select_n3A_1799 : vector<512xf32>
    %abs3A_1801 = math.absf %reduce_sum3A_1476 : vector<512xf32>
    %neg3A_1802 = arith.constant 0.000000e+00 : f32
    %neg3A_1803 = vector.broadcast %neg3A_1802 : f32 to vector<512xf32>
    %neg3A_1804 = arith.subf %neg3A_1803, %abs3A_1801 : vector<512xf32>
    %exp3A_1805 = math.exp %neg3A_1804 : vector<512xf32>
    %log1p3A_1806 = math.log1p %exp3A_1805 : vector<512xf32>
    %max3A_1807 = arith.constant 0.000000e+00 : f32
    %max3A_1808 = vector.broadcast %max3A_1807 : f32 to vector<512xf32>
    %max3A_1809 = arith.maximumf %reduce_sum3A_1476, %max3A_1808 : vector<512xf32>
    %add3A_1810 = arith.addf %log1p3A_1806, %max3A_1809 : vector<512xf32>
    %add3A_1811 = arith.addf %add3A_1793, %add3A_1810 : vector<512xf32>
    %eq3A_1812 = arith.constant 8 : i32
    %eq3A_1813 = vector.broadcast %eq3A_1812 : i32 to vector<512xi32>
    %eq3A_1814 = arith.cmpi eq, %convert_element_type3A_1119, %eq3A_1813 : vector<512xi32>
    %jit3A_1815 = arith.constant 0.000000e+00 : f32
    %broadcast_in_dim3A_1816 = vector.broadcast %jit3A_1815 : f32 to vector<512xf32>
    %select_n3A_1817 = arith.select %eq3A_1814, %reduce_sum3A_1476, %broadcast_in_dim3A_1816 : vector<512xi1>, vector<512xf32>
    %add3A_1818 = arith.addf %add3A_1800, %select_n3A_1817 : vector<512xf32>
    %abs3A_1819 = math.absf %reduce_sum3A_1487 : vector<512xf32>
    %neg3A_1820 = arith.constant 0.000000e+00 : f32
    %neg3A_1821 = vector.broadcast %neg3A_1820 : f32 to vector<512xf32>
    %neg3A_1822 = arith.subf %neg3A_1821, %abs3A_1819 : vector<512xf32>
    %exp3A_1823 = math.exp %neg3A_1822 : vector<512xf32>
    %log1p3A_1824 = math.log1p %exp3A_1823 : vector<512xf32>
    %max3A_1825 = arith.constant 0.000000e+00 : f32
    %max3A_1826 = vector.broadcast %max3A_1825 : f32 to vector<512xf32>
    %max3A_1827 = arith.maximumf %reduce_sum3A_1487, %max3A_1826 : vector<512xf32>
    %add3A_1828 = arith.addf %log1p3A_1824, %max3A_1827 : vector<512xf32>
    %add3A_1829 = arith.addf %add3A_1811, %add3A_1828 : vector<512xf32>
    %eq3A_1830 = arith.constant 9 : i32
    %eq3A_1831 = vector.broadcast %eq3A_1830 : i32 to vector<512xi32>
    %eq3A_1832 = arith.cmpi eq, %convert_element_type3A_1119, %eq3A_1831 : vector<512xi32>
    %jit3A_1833 = arith.constant 0.000000e+00 : f32
    %broadcast_in_dim3A_1834 = vector.broadcast %jit3A_1833 : f32 to vector<512xf32>
    %select_n3A_1835 = arith.select %eq3A_1832, %reduce_sum3A_1487, %broadcast_in_dim3A_1834 : vector<512xi1>, vector<512xf32>
    %add3A_1836 = arith.addf %add3A_1818, %select_n3A_1835 : vector<512xf32>
    %abs3A_1837 = math.absf %reduce_sum3A_1498 : vector<512xf32>
    %neg3A_1838 = arith.constant 0.000000e+00 : f32
    %neg3A_1839 = vector.broadcast %neg3A_1838 : f32 to vector<512xf32>
    %neg3A_1840 = arith.subf %neg3A_1839, %abs3A_1837 : vector<512xf32>
    %exp3A_1841 = math.exp %neg3A_1840 : vector<512xf32>
    %log1p3A_1842 = math.log1p %exp3A_1841 : vector<512xf32>
    %max3A_1843 = arith.constant 0.000000e+00 : f32
    %max3A_1844 = vector.broadcast %max3A_1843 : f32 to vector<512xf32>
    %max3A_1845 = arith.maximumf %reduce_sum3A_1498, %max3A_1844 : vector<512xf32>
    %add3A_1846 = arith.addf %log1p3A_1842, %max3A_1845 : vector<512xf32>
    %add3A_1847 = arith.addf %add3A_1829, %add3A_1846 : vector<512xf32>
    %eq3A_1848 = arith.constant 10 : i32
    %eq3A_1849 = vector.broadcast %eq3A_1848 : i32 to vector<512xi32>
    %eq3A_1850 = arith.cmpi eq, %convert_element_type3A_1119, %eq3A_1849 : vector<512xi32>
    %jit3A_1851 = arith.constant 0.000000e+00 : f32
    %broadcast_in_dim3A_1852 = vector.broadcast %jit3A_1851 : f32 to vector<512xf32>
    %select_n3A_1853 = arith.select %eq3A_1850, %reduce_sum3A_1498, %broadcast_in_dim3A_1852 : vector<512xi1>, vector<512xf32>
    %add3A_1854 = arith.addf %add3A_1836, %select_n3A_1853 : vector<512xf32>
    %abs3A_1855 = math.absf %reduce_sum3A_1509 : vector<512xf32>
    %neg3A_1856 = arith.constant 0.000000e+00 : f32
    %neg3A_1857 = vector.broadcast %neg3A_1856 : f32 to vector<512xf32>
    %neg3A_1858 = arith.subf %neg3A_1857, %abs3A_1855 : vector<512xf32>
    %exp3A_1859 = math.exp %neg3A_1858 : vector<512xf32>
    %log1p3A_1860 = math.log1p %exp3A_1859 : vector<512xf32>
    %max3A_1861 = arith.constant 0.000000e+00 : f32
    %max3A_1862 = vector.broadcast %max3A_1861 : f32 to vector<512xf32>
    %max3A_1863 = arith.maximumf %reduce_sum3A_1509, %max3A_1862 : vector<512xf32>
    %add3A_1864 = arith.addf %log1p3A_1860, %max3A_1863 : vector<512xf32>
    %add3A_1865 = arith.addf %add3A_1847, %add3A_1864 : vector<512xf32>
    %eq3A_1866 = arith.constant 11 : i32
    %eq3A_1867 = vector.broadcast %eq3A_1866 : i32 to vector<512xi32>
    %eq3A_1868 = arith.cmpi eq, %convert_element_type3A_1119, %eq3A_1867 : vector<512xi32>
    %jit3A_1869 = arith.constant 0.000000e+00 : f32
    %broadcast_in_dim3A_1870 = vector.broadcast %jit3A_1869 : f32 to vector<512xf32>
    %select_n3A_1871 = arith.select %eq3A_1868, %reduce_sum3A_1509, %broadcast_in_dim3A_1870 : vector<512xi1>, vector<512xf32>
    %add3A_1872 = arith.addf %add3A_1854, %select_n3A_1871 : vector<512xf32>
    %abs3A_1873 = math.absf %reduce_sum3A_1520 : vector<512xf32>
    %neg3A_1874 = arith.constant 0.000000e+00 : f32
    %neg3A_1875 = vector.broadcast %neg3A_1874 : f32 to vector<512xf32>
    %neg3A_1876 = arith.subf %neg3A_1875, %abs3A_1873 : vector<512xf32>
    %exp3A_1877 = math.exp %neg3A_1876 : vector<512xf32>
    %log1p3A_1878 = math.log1p %exp3A_1877 : vector<512xf32>
    %max3A_1879 = arith.constant 0.000000e+00 : f32
    %max3A_1880 = vector.broadcast %max3A_1879 : f32 to vector<512xf32>
    %max3A_1881 = arith.maximumf %reduce_sum3A_1520, %max3A_1880 : vector<512xf32>
    %add3A_1882 = arith.addf %log1p3A_1878, %max3A_1881 : vector<512xf32>
    %add3A_1883 = arith.addf %add3A_1865, %add3A_1882 : vector<512xf32>
    %eq3A_1884 = arith.constant 12 : i32
    %eq3A_1885 = vector.broadcast %eq3A_1884 : i32 to vector<512xi32>
    %eq3A_1886 = arith.cmpi eq, %convert_element_type3A_1119, %eq3A_1885 : vector<512xi32>
    %jit3A_1887 = arith.constant 0.000000e+00 : f32
    %broadcast_in_dim3A_1888 = vector.broadcast %jit3A_1887 : f32 to vector<512xf32>
    %select_n3A_1889 = arith.select %eq3A_1886, %reduce_sum3A_1520, %broadcast_in_dim3A_1888 : vector<512xi1>, vector<512xf32>
    %add3A_1890 = arith.addf %add3A_1872, %select_n3A_1889 : vector<512xf32>
    %abs3A_1891 = math.absf %reduce_sum3A_1531 : vector<512xf32>
    %neg3A_1892 = arith.constant 0.000000e+00 : f32
    %neg3A_1893 = vector.broadcast %neg3A_1892 : f32 to vector<512xf32>
    %neg3A_1894 = arith.subf %neg3A_1893, %abs3A_1891 : vector<512xf32>
    %exp3A_1895 = math.exp %neg3A_1894 : vector<512xf32>
    %log1p3A_1896 = math.log1p %exp3A_1895 : vector<512xf32>
    %max3A_1897 = arith.constant 0.000000e+00 : f32
    %max3A_1898 = vector.broadcast %max3A_1897 : f32 to vector<512xf32>
    %max3A_1899 = arith.maximumf %reduce_sum3A_1531, %max3A_1898 : vector<512xf32>
    %add3A_1900 = arith.addf %log1p3A_1896, %max3A_1899 : vector<512xf32>
    %add3A_1901 = arith.addf %add3A_1883, %add3A_1900 : vector<512xf32>
    %eq3A_1902 = arith.constant 13 : i32
    %eq3A_1903 = vector.broadcast %eq3A_1902 : i32 to vector<512xi32>
    %eq3A_1904 = arith.cmpi eq, %convert_element_type3A_1119, %eq3A_1903 : vector<512xi32>
    %jit3A_1905 = arith.constant 0.000000e+00 : f32
    %broadcast_in_dim3A_1906 = vector.broadcast %jit3A_1905 : f32 to vector<512xf32>
    %select_n3A_1907 = arith.select %eq3A_1904, %reduce_sum3A_1531, %broadcast_in_dim3A_1906 : vector<512xi1>, vector<512xf32>
    %add3A_1908 = arith.addf %add3A_1890, %select_n3A_1907 : vector<512xf32>
    %abs3A_1909 = math.absf %reduce_sum3A_1542 : vector<512xf32>
    %neg3A_1910 = arith.constant 0.000000e+00 : f32
    %neg3A_1911 = vector.broadcast %neg3A_1910 : f32 to vector<512xf32>
    %neg3A_1912 = arith.subf %neg3A_1911, %abs3A_1909 : vector<512xf32>
    %exp3A_1913 = math.exp %neg3A_1912 : vector<512xf32>
    %log1p3A_1914 = math.log1p %exp3A_1913 : vector<512xf32>
    %max3A_1915 = arith.constant 0.000000e+00 : f32
    %max3A_1916 = vector.broadcast %max3A_1915 : f32 to vector<512xf32>
    %max3A_1917 = arith.maximumf %reduce_sum3A_1542, %max3A_1916 : vector<512xf32>
    %add3A_1918 = arith.addf %log1p3A_1914, %max3A_1917 : vector<512xf32>
    %add3A_1919 = arith.addf %add3A_1901, %add3A_1918 : vector<512xf32>
    %eq3A_1920 = arith.constant 14 : i32
    %eq3A_1921 = vector.broadcast %eq3A_1920 : i32 to vector<512xi32>
    %eq3A_1922 = arith.cmpi eq, %convert_element_type3A_1119, %eq3A_1921 : vector<512xi32>
    %jit3A_1923 = arith.constant 0.000000e+00 : f32
    %broadcast_in_dim3A_1924 = vector.broadcast %jit3A_1923 : f32 to vector<512xf32>
    %select_n3A_1925 = arith.select %eq3A_1922, %reduce_sum3A_1542, %broadcast_in_dim3A_1924 : vector<512xi1>, vector<512xf32>
    %add3A_1926 = arith.addf %add3A_1908, %select_n3A_1925 : vector<512xf32>
    %abs3A_1927 = math.absf %reduce_sum3A_1553 : vector<512xf32>
    %neg3A_1928 = arith.constant 0.000000e+00 : f32
    %neg3A_1929 = vector.broadcast %neg3A_1928 : f32 to vector<512xf32>
    %neg3A_1930 = arith.subf %neg3A_1929, %abs3A_1927 : vector<512xf32>
    %exp3A_1931 = math.exp %neg3A_1930 : vector<512xf32>
    %log1p3A_1932 = math.log1p %exp3A_1931 : vector<512xf32>
    %max3A_1933 = arith.constant 0.000000e+00 : f32
    %max3A_1934 = vector.broadcast %max3A_1933 : f32 to vector<512xf32>
    %max3A_1935 = arith.maximumf %reduce_sum3A_1553, %max3A_1934 : vector<512xf32>
    %add3A_1936 = arith.addf %log1p3A_1932, %max3A_1935 : vector<512xf32>
    %add3A_1937 = arith.addf %add3A_1919, %add3A_1936 : vector<512xf32>
    %eq3A_1938 = arith.constant 15 : i32
    %eq3A_1939 = vector.broadcast %eq3A_1938 : i32 to vector<512xi32>
    %eq3A_1940 = arith.cmpi eq, %convert_element_type3A_1119, %eq3A_1939 : vector<512xi32>
    %jit3A_1941 = arith.constant 0.000000e+00 : f32
    %broadcast_in_dim3A_1942 = vector.broadcast %jit3A_1941 : f32 to vector<512xf32>
    %select_n3A_1943 = arith.select %eq3A_1940, %reduce_sum3A_1553, %broadcast_in_dim3A_1942 : vector<512xi1>, vector<512xf32>
    %add3A_1944 = arith.addf %add3A_1926, %select_n3A_1943 : vector<512xf32>
    %abs3A_1945 = math.absf %reduce_sum3A_1564 : vector<512xf32>
    %neg3A_1946 = arith.constant 0.000000e+00 : f32
    %neg3A_1947 = vector.broadcast %neg3A_1946 : f32 to vector<512xf32>
    %neg3A_1948 = arith.subf %neg3A_1947, %abs3A_1945 : vector<512xf32>
    %exp3A_1949 = math.exp %neg3A_1948 : vector<512xf32>
    %log1p3A_1950 = math.log1p %exp3A_1949 : vector<512xf32>
    %max3A_1951 = arith.constant 0.000000e+00 : f32
    %max3A_1952 = vector.broadcast %max3A_1951 : f32 to vector<512xf32>
    %max3A_1953 = arith.maximumf %reduce_sum3A_1564, %max3A_1952 : vector<512xf32>
    %add3A_1954 = arith.addf %log1p3A_1950, %max3A_1953 : vector<512xf32>
    %add3A_1955 = arith.addf %add3A_1937, %add3A_1954 : vector<512xf32>
    %eq3A_1956 = arith.constant 16 : i32
    %eq3A_1957 = vector.broadcast %eq3A_1956 : i32 to vector<512xi32>
    %eq3A_1958 = arith.cmpi eq, %convert_element_type3A_1119, %eq3A_1957 : vector<512xi32>
    %jit3A_1959 = arith.constant 0.000000e+00 : f32
    %broadcast_in_dim3A_1960 = vector.broadcast %jit3A_1959 : f32 to vector<512xf32>
    %select_n3A_1961 = arith.select %eq3A_1958, %reduce_sum3A_1564, %broadcast_in_dim3A_1960 : vector<512xi1>, vector<512xf32>
    %add3A_1962 = arith.addf %add3A_1944, %select_n3A_1961 : vector<512xf32>
    %abs3A_1963 = math.absf %reduce_sum3A_1575 : vector<512xf32>
    %neg3A_1964 = arith.constant 0.000000e+00 : f32
    %neg3A_1965 = vector.broadcast %neg3A_1964 : f32 to vector<512xf32>
    %neg3A_1966 = arith.subf %neg3A_1965, %abs3A_1963 : vector<512xf32>
    %exp3A_1967 = math.exp %neg3A_1966 : vector<512xf32>
    %log1p3A_1968 = math.log1p %exp3A_1967 : vector<512xf32>
    %max3A_1969 = arith.constant 0.000000e+00 : f32
    %max3A_1970 = vector.broadcast %max3A_1969 : f32 to vector<512xf32>
    %max3A_1971 = arith.maximumf %reduce_sum3A_1575, %max3A_1970 : vector<512xf32>
    %add3A_1972 = arith.addf %log1p3A_1968, %max3A_1971 : vector<512xf32>
    %add3A_1973 = arith.addf %add3A_1955, %add3A_1972 : vector<512xf32>
    %eq3A_1974 = arith.constant 17 : i32
    %eq3A_1975 = vector.broadcast %eq3A_1974 : i32 to vector<512xi32>
    %eq3A_1976 = arith.cmpi eq, %convert_element_type3A_1119, %eq3A_1975 : vector<512xi32>
    %jit3A_1977 = arith.constant 0.000000e+00 : f32
    %broadcast_in_dim3A_1978 = vector.broadcast %jit3A_1977 : f32 to vector<512xf32>
    %select_n3A_1979 = arith.select %eq3A_1976, %reduce_sum3A_1575, %broadcast_in_dim3A_1978 : vector<512xi1>, vector<512xf32>
    %add3A_1980 = arith.addf %add3A_1962, %select_n3A_1979 : vector<512xf32>
    %abs3A_1981 = math.absf %reduce_sum3A_1586 : vector<512xf32>
    %neg3A_1982 = arith.constant 0.000000e+00 : f32
    %neg3A_1983 = vector.broadcast %neg3A_1982 : f32 to vector<512xf32>
    %neg3A_1984 = arith.subf %neg3A_1983, %abs3A_1981 : vector<512xf32>
    %exp3A_1985 = math.exp %neg3A_1984 : vector<512xf32>
    %log1p3A_1986 = math.log1p %exp3A_1985 : vector<512xf32>
    %max3A_1987 = arith.constant 0.000000e+00 : f32
    %max3A_1988 = vector.broadcast %max3A_1987 : f32 to vector<512xf32>
    %max3A_1989 = arith.maximumf %reduce_sum3A_1586, %max3A_1988 : vector<512xf32>
    %add3A_1990 = arith.addf %log1p3A_1986, %max3A_1989 : vector<512xf32>
    %add3A_1991 = arith.addf %add3A_1973, %add3A_1990 : vector<512xf32>
    %eq3A_1992 = arith.constant 18 : i32
    %eq3A_1993 = vector.broadcast %eq3A_1992 : i32 to vector<512xi32>
    %eq3A_1994 = arith.cmpi eq, %convert_element_type3A_1119, %eq3A_1993 : vector<512xi32>
    %jit3A_1995 = arith.constant 0.000000e+00 : f32
    %broadcast_in_dim3A_1996 = vector.broadcast %jit3A_1995 : f32 to vector<512xf32>
    %select_n3A_1997 = arith.select %eq3A_1994, %reduce_sum3A_1586, %broadcast_in_dim3A_1996 : vector<512xi1>, vector<512xf32>
    %add3A_1998 = arith.addf %add3A_1980, %select_n3A_1997 : vector<512xf32>
    %abs3A_1999 = math.absf %reduce_sum3A_1597 : vector<512xf32>
    %neg3A_2000 = arith.constant 0.000000e+00 : f32
    %neg3A_2001 = vector.broadcast %neg3A_2000 : f32 to vector<512xf32>
    %neg3A_2002 = arith.subf %neg3A_2001, %abs3A_1999 : vector<512xf32>
    %exp3A_2003 = math.exp %neg3A_2002 : vector<512xf32>
    %log1p3A_2004 = math.log1p %exp3A_2003 : vector<512xf32>
    %max3A_2005 = arith.constant 0.000000e+00 : f32
    %max3A_2006 = vector.broadcast %max3A_2005 : f32 to vector<512xf32>
    %max3A_2007 = arith.maximumf %reduce_sum3A_1597, %max3A_2006 : vector<512xf32>
    %add3A_2008 = arith.addf %log1p3A_2004, %max3A_2007 : vector<512xf32>
    %add3A_2009 = arith.addf %add3A_1991, %add3A_2008 : vector<512xf32>
    %eq3A_2010 = arith.constant 19 : i32
    %eq3A_2011 = vector.broadcast %eq3A_2010 : i32 to vector<512xi32>
    %eq3A_2012 = arith.cmpi eq, %convert_element_type3A_1119, %eq3A_2011 : vector<512xi32>
    %jit3A_2013 = arith.constant 0.000000e+00 : f32
    %broadcast_in_dim3A_2014 = vector.broadcast %jit3A_2013 : f32 to vector<512xf32>
    %select_n3A_2015 = arith.select %eq3A_2012, %reduce_sum3A_1597, %broadcast_in_dim3A_2014 : vector<512xi1>, vector<512xf32>
    %add3A_2016 = arith.addf %add3A_1998, %select_n3A_2015 : vector<512xf32>
    %abs3A_2017 = math.absf %reduce_sum3A_1608 : vector<512xf32>
    %neg3A_2018 = arith.constant 0.000000e+00 : f32
    %neg3A_2019 = vector.broadcast %neg3A_2018 : f32 to vector<512xf32>
    %neg3A_2020 = arith.subf %neg3A_2019, %abs3A_2017 : vector<512xf32>
    %exp3A_2021 = math.exp %neg3A_2020 : vector<512xf32>
    %log1p3A_2022 = math.log1p %exp3A_2021 : vector<512xf32>
    %max3A_2023 = arith.constant 0.000000e+00 : f32
    %max3A_2024 = vector.broadcast %max3A_2023 : f32 to vector<512xf32>
    %max3A_2025 = arith.maximumf %reduce_sum3A_1608, %max3A_2024 : vector<512xf32>
    %add3A_2026 = arith.addf %log1p3A_2022, %max3A_2025 : vector<512xf32>
    %add3A_2027 = arith.addf %add3A_2009, %add3A_2026 : vector<512xf32>
    %eq3A_2028 = arith.constant 20 : i32
    %eq3A_2029 = vector.broadcast %eq3A_2028 : i32 to vector<512xi32>
    %eq3A_2030 = arith.cmpi eq, %convert_element_type3A_1119, %eq3A_2029 : vector<512xi32>
    %jit3A_2031 = arith.constant 0.000000e+00 : f32
    %broadcast_in_dim3A_2032 = vector.broadcast %jit3A_2031 : f32 to vector<512xf32>
    %select_n3A_2033 = arith.select %eq3A_2030, %reduce_sum3A_1608, %broadcast_in_dim3A_2032 : vector<512xi1>, vector<512xf32>
    %add3A_2034 = arith.addf %add3A_2016, %select_n3A_2033 : vector<512xf32>
    %abs3A_2035 = math.absf %reduce_sum3A_1619 : vector<512xf32>
    %neg3A_2036 = arith.constant 0.000000e+00 : f32
    %neg3A_2037 = vector.broadcast %neg3A_2036 : f32 to vector<512xf32>
    %neg3A_2038 = arith.subf %neg3A_2037, %abs3A_2035 : vector<512xf32>
    %exp3A_2039 = math.exp %neg3A_2038 : vector<512xf32>
    %log1p3A_2040 = math.log1p %exp3A_2039 : vector<512xf32>
    %max3A_2041 = arith.constant 0.000000e+00 : f32
    %max3A_2042 = vector.broadcast %max3A_2041 : f32 to vector<512xf32>
    %max3A_2043 = arith.maximumf %reduce_sum3A_1619, %max3A_2042 : vector<512xf32>
    %add3A_2044 = arith.addf %log1p3A_2040, %max3A_2043 : vector<512xf32>
    %add3A_2045 = arith.addf %add3A_2027, %add3A_2044 : vector<512xf32>
    %eq3A_2046 = arith.constant 21 : i32
    %eq3A_2047 = vector.broadcast %eq3A_2046 : i32 to vector<512xi32>
    %eq3A_2048 = arith.cmpi eq, %convert_element_type3A_1119, %eq3A_2047 : vector<512xi32>
    %jit3A_2049 = arith.constant 0.000000e+00 : f32
    %broadcast_in_dim3A_2050 = vector.broadcast %jit3A_2049 : f32 to vector<512xf32>
    %select_n3A_2051 = arith.select %eq3A_2048, %reduce_sum3A_1619, %broadcast_in_dim3A_2050 : vector<512xi1>, vector<512xf32>
    %add3A_2052 = arith.addf %add3A_2034, %select_n3A_2051 : vector<512xf32>
    %abs3A_2053 = math.absf %reduce_sum3A_1630 : vector<512xf32>
    %neg3A_2054 = arith.constant 0.000000e+00 : f32
    %neg3A_2055 = vector.broadcast %neg3A_2054 : f32 to vector<512xf32>
    %neg3A_2056 = arith.subf %neg3A_2055, %abs3A_2053 : vector<512xf32>
    %exp3A_2057 = math.exp %neg3A_2056 : vector<512xf32>
    %log1p3A_2058 = math.log1p %exp3A_2057 : vector<512xf32>
    %max3A_2059 = arith.constant 0.000000e+00 : f32
    %max3A_2060 = vector.broadcast %max3A_2059 : f32 to vector<512xf32>
    %max3A_2061 = arith.maximumf %reduce_sum3A_1630, %max3A_2060 : vector<512xf32>
    %add3A_2062 = arith.addf %log1p3A_2058, %max3A_2061 : vector<512xf32>
    %add3A_2063 = arith.addf %add3A_2045, %add3A_2062 : vector<512xf32>
    %eq3A_2064 = arith.constant 22 : i32
    %eq3A_2065 = vector.broadcast %eq3A_2064 : i32 to vector<512xi32>
    %eq3A_2066 = arith.cmpi eq, %convert_element_type3A_1119, %eq3A_2065 : vector<512xi32>
    %jit3A_2067 = arith.constant 0.000000e+00 : f32
    %broadcast_in_dim3A_2068 = vector.broadcast %jit3A_2067 : f32 to vector<512xf32>
    %select_n3A_2069 = arith.select %eq3A_2066, %reduce_sum3A_1630, %broadcast_in_dim3A_2068 : vector<512xi1>, vector<512xf32>
    %add3A_2070 = arith.addf %add3A_2052, %select_n3A_2069 : vector<512xf32>
    %abs3A_2071 = math.absf %reduce_sum3A_1641 : vector<512xf32>
    %neg3A_2072 = arith.constant 0.000000e+00 : f32
    %neg3A_2073 = vector.broadcast %neg3A_2072 : f32 to vector<512xf32>
    %neg3A_2074 = arith.subf %neg3A_2073, %abs3A_2071 : vector<512xf32>
    %exp3A_2075 = math.exp %neg3A_2074 : vector<512xf32>
    %log1p3A_2076 = math.log1p %exp3A_2075 : vector<512xf32>
    %max3A_2077 = arith.constant 0.000000e+00 : f32
    %max3A_2078 = vector.broadcast %max3A_2077 : f32 to vector<512xf32>
    %max3A_2079 = arith.maximumf %reduce_sum3A_1641, %max3A_2078 : vector<512xf32>
    %add3A_2080 = arith.addf %log1p3A_2076, %max3A_2079 : vector<512xf32>
    %add3A_2081 = arith.addf %add3A_2063, %add3A_2080 : vector<512xf32>
    %eq3A_2082 = arith.constant 23 : i32
    %eq3A_2083 = vector.broadcast %eq3A_2082 : i32 to vector<512xi32>
    %eq3A_2084 = arith.cmpi eq, %convert_element_type3A_1119, %eq3A_2083 : vector<512xi32>
    %jit3A_2085 = arith.constant 0.000000e+00 : f32
    %broadcast_in_dim3A_2086 = vector.broadcast %jit3A_2085 : f32 to vector<512xf32>
    %select_n3A_2087 = arith.select %eq3A_2084, %reduce_sum3A_1641, %broadcast_in_dim3A_2086 : vector<512xi1>, vector<512xf32>
    %add3A_2088 = arith.addf %add3A_2070, %select_n3A_2087 : vector<512xf32>
    %abs3A_2089 = math.absf %reduce_sum3A_1652 : vector<512xf32>
    %neg3A_2090 = arith.constant 0.000000e+00 : f32
    %neg3A_2091 = vector.broadcast %neg3A_2090 : f32 to vector<512xf32>
    %neg3A_2092 = arith.subf %neg3A_2091, %abs3A_2089 : vector<512xf32>
    %exp3A_2093 = math.exp %neg3A_2092 : vector<512xf32>
    %log1p3A_2094 = math.log1p %exp3A_2093 : vector<512xf32>
    %max3A_2095 = arith.constant 0.000000e+00 : f32
    %max3A_2096 = vector.broadcast %max3A_2095 : f32 to vector<512xf32>
    %max3A_2097 = arith.maximumf %reduce_sum3A_1652, %max3A_2096 : vector<512xf32>
    %add3A_2098 = arith.addf %log1p3A_2094, %max3A_2097 : vector<512xf32>
    %add3A_2099 = arith.addf %add3A_2081, %add3A_2098 : vector<512xf32>
    %eq3A_2100 = arith.constant 24 : i32
    %eq3A_2101 = vector.broadcast %eq3A_2100 : i32 to vector<512xi32>
    %eq3A_2102 = arith.cmpi eq, %convert_element_type3A_1119, %eq3A_2101 : vector<512xi32>
    %jit3A_2103 = arith.constant 0.000000e+00 : f32
    %broadcast_in_dim3A_2104 = vector.broadcast %jit3A_2103 : f32 to vector<512xf32>
    %select_n3A_2105 = arith.select %eq3A_2102, %reduce_sum3A_1652, %broadcast_in_dim3A_2104 : vector<512xi1>, vector<512xf32>
    %add3A_2106 = arith.addf %add3A_2088, %select_n3A_2105 : vector<512xf32>
    %neg3A_2107 = arith.constant 0.000000e+00 : f32
    %neg3A_2108 = vector.broadcast %neg3A_2107 : f32 to vector<512xf32>
    %neg3A_2109 = arith.subf %neg3A_2108, %reduce_sum3A_1333 : vector<512xf32>
    %abs3A_2110 = math.absf %neg3A_2109 : vector<512xf32>
    %neg3A_2111 = arith.constant 0.000000e+00 : f32
    %neg3A_2112 = vector.broadcast %neg3A_2111 : f32 to vector<512xf32>
    %neg3A_2113 = arith.subf %neg3A_2112, %abs3A_2110 : vector<512xf32>
    %exp3A_2114 = math.exp %neg3A_2113 : vector<512xf32>
    %log1p3A_2115 = math.log1p %exp3A_2114 : vector<512xf32>
    %max3A_2116 = arith.constant 0.000000e+00 : f32
    %max3A_2117 = vector.broadcast %max3A_2116 : f32 to vector<512xf32>
    %max3A_2118 = arith.maximumf %neg3A_2109, %max3A_2117 : vector<512xf32>
    %add3A_2119 = arith.addf %log1p3A_2115, %max3A_2118 : vector<512xf32>
    %mul3A_2120 = arith.mulf %sub3A_1303, %add3A_2119 : vector<512xf32>
    %sub3A_2121 = arith.constant 1.000000e+00 : f32
    %sub3A_2122 = vector.broadcast %sub3A_2121 : f32 to vector<512xf32>
    %sub3A_2123 = arith.subf %sub3A_2122, %sub3A_1303 : vector<512xf32>
    %abs3A_2124 = math.absf %reduce_sum3A_1333 : vector<512xf32>
    %neg3A_2125 = arith.constant 0.000000e+00 : f32
    %neg3A_2126 = vector.broadcast %neg3A_2125 : f32 to vector<512xf32>
    %neg3A_2127 = arith.subf %neg3A_2126, %abs3A_2124 : vector<512xf32>
    %exp3A_2128 = math.exp %neg3A_2127 : vector<512xf32>
    %log1p3A_2129 = math.log1p %exp3A_2128 : vector<512xf32>
    %max3A_2130 = arith.constant 0.000000e+00 : f32
    %max3A_2131 = vector.broadcast %max3A_2130 : f32 to vector<512xf32>
    %max3A_2132 = arith.maximumf %reduce_sum3A_1333, %max3A_2131 : vector<512xf32>
    %add3A_2133 = arith.addf %log1p3A_2129, %max3A_2132 : vector<512xf32>
    %mul3A_2134 = arith.mulf %sub3A_2123, %add3A_2133 : vector<512xf32>
    %add3A_2135 = arith.addf %mul3A_2120, %mul3A_2134 : vector<512xf32>
    %neg3A_2136 = arith.constant 0.000000e+00 : f32
    %neg3A_2137 = vector.broadcast %neg3A_2136 : f32 to vector<512xf32>
    %neg3A_2138 = arith.subf %neg3A_2137, %reduce_sum3A_1344 : vector<512xf32>
    %abs3A_2139 = math.absf %neg3A_2138 : vector<512xf32>
    %neg3A_2140 = arith.constant 0.000000e+00 : f32
    %neg3A_2141 = vector.broadcast %neg3A_2140 : f32 to vector<512xf32>
    %neg3A_2142 = arith.subf %neg3A_2141, %abs3A_2139 : vector<512xf32>
    %exp3A_2143 = math.exp %neg3A_2142 : vector<512xf32>
    %log1p3A_2144 = math.log1p %exp3A_2143 : vector<512xf32>
    %max3A_2145 = arith.constant 0.000000e+00 : f32
    %max3A_2146 = vector.broadcast %max3A_2145 : f32 to vector<512xf32>
    %max3A_2147 = arith.maximumf %neg3A_2138, %max3A_2146 : vector<512xf32>
    %add3A_2148 = arith.addf %log1p3A_2144, %max3A_2147 : vector<512xf32>
    %mul3A_2149 = arith.mulf %sub3A_1305, %add3A_2148 : vector<512xf32>
    %sub3A_2150 = arith.constant 1.000000e+00 : f32
    %sub3A_2151 = vector.broadcast %sub3A_2150 : f32 to vector<512xf32>
    %sub3A_2152 = arith.subf %sub3A_2151, %sub3A_1305 : vector<512xf32>
    %abs3A_2153 = math.absf %reduce_sum3A_1344 : vector<512xf32>
    %neg3A_2154 = arith.constant 0.000000e+00 : f32
    %neg3A_2155 = vector.broadcast %neg3A_2154 : f32 to vector<512xf32>
    %neg3A_2156 = arith.subf %neg3A_2155, %abs3A_2153 : vector<512xf32>
    %exp3A_2157 = math.exp %neg3A_2156 : vector<512xf32>
    %log1p3A_2158 = math.log1p %exp3A_2157 : vector<512xf32>
    %max3A_2159 = arith.constant 0.000000e+00 : f32
    %max3A_2160 = vector.broadcast %max3A_2159 : f32 to vector<512xf32>
    %max3A_2161 = arith.maximumf %reduce_sum3A_1344, %max3A_2160 : vector<512xf32>
    %add3A_2162 = arith.addf %log1p3A_2158, %max3A_2161 : vector<512xf32>
    %mul3A_2163 = arith.mulf %sub3A_2152, %add3A_2162 : vector<512xf32>
    %add3A_2164 = arith.addf %mul3A_2149, %mul3A_2163 : vector<512xf32>
    %add3A_2165 = arith.addf %add3A_2135, %add3A_2164 : vector<512xf32>
    %sub3A_2166 = arith.subf %reduce_sum3A_1355, %log3A_1310 : vector<512xf32>
    %integer_pow3A_2167 = arith.mulf %sub3A_2166, %sub3A_2166 : vector<512xf32>
    %add3A_2168 = arith.addf %add3A_2165, %integer_pow3A_2167 : vector<512xf32>
    %sub3A_2169 = arith.subf %reduce_sum3A_1366, %log3A_1315 : vector<512xf32>
    %integer_pow3A_2170 = arith.mulf %sub3A_2169, %sub3A_2169 : vector<512xf32>
    %add3A_2171 = arith.addf %add3A_2168, %integer_pow3A_2170 : vector<512xf32>
    %mul3A_2172 = arith.constant 5.000000e+00 : f32
    %mul3A_2173 = vector.broadcast %mul3A_2172 : f32 to vector<512xf32>
    %mul3A_2174 = arith.mulf %mul3A_2173, %add3A_2171 : vector<512xf32>
    %neg3A_2175 = arith.constant 0.000000e+00 : f32
    %neg3A_2176 = vector.broadcast %neg3A_2175 : f32 to vector<512xf32>
    %neg3A_2177 = arith.subf %neg3A_2176, %reduce_sum3A_1377 : vector<512xf32>
    %abs3A_2178 = math.absf %neg3A_2177 : vector<512xf32>
    %neg3A_2179 = arith.constant 0.000000e+00 : f32
    %neg3A_2180 = vector.broadcast %neg3A_2179 : f32 to vector<512xf32>
    %neg3A_2181 = arith.subf %neg3A_2180, %abs3A_2178 : vector<512xf32>
    %exp3A_2182 = math.exp %neg3A_2181 : vector<512xf32>
    %log1p3A_2183 = math.log1p %exp3A_2182 : vector<512xf32>
    %max3A_2184 = arith.constant 0.000000e+00 : f32
    %max3A_2185 = vector.broadcast %max3A_2184 : f32 to vector<512xf32>
    %max3A_2186 = arith.maximumf %neg3A_2177, %max3A_2185 : vector<512xf32>
    %add3A_2187 = arith.addf %log1p3A_2183, %max3A_2186 : vector<512xf32>
    %add3A_2188 = arith.addf %mul3A_2174, %add3A_2187 : vector<512xf32>
    %abs3A_2189 = math.absf %reduce_sum3A_1377 : vector<512xf32>
    %neg3A_2190 = arith.constant 0.000000e+00 : f32
    %neg3A_2191 = vector.broadcast %neg3A_2190 : f32 to vector<512xf32>
    %neg3A_2192 = arith.subf %neg3A_2191, %abs3A_2189 : vector<512xf32>
    %exp3A_2193 = math.exp %neg3A_2192 : vector<512xf32>
    %log1p3A_2194 = math.log1p %exp3A_2193 : vector<512xf32>
    %max3A_2195 = arith.constant 0.000000e+00 : f32
    %max3A_2196 = vector.broadcast %max3A_2195 : f32 to vector<512xf32>
    %max3A_2197 = arith.maximumf %reduce_sum3A_1377, %max3A_2196 : vector<512xf32>
    %add3A_2198 = arith.addf %log1p3A_2194, %max3A_2197 : vector<512xf32>
    %mul3A_2199 = arith.constant 5.000000e-01 : f32
    %mul3A_2200 = vector.broadcast %mul3A_2199 : f32 to vector<512xf32>
    %mul3A_2201 = arith.mulf %mul3A_2200, %add3A_2198 : vector<512xf32>
    %sub3A_2202 = arith.subf %add3A_2188, %mul3A_2201 : vector<512xf32>
    %add3A_2203 = arith.addf %sub3A_2202, %add3A_2099 : vector<512xf32>
    %neg3A_2204 = arith.constant 0.000000e+00 : f32
    %neg3A_2205 = vector.broadcast %neg3A_2204 : f32 to vector<512xf32>
    %neg3A_2206 = arith.subf %neg3A_2205, %add3A_2106 : vector<512xf32>
    %abs3A_2207 = math.absf %neg3A_2206 : vector<512xf32>
    %neg3A_2208 = arith.constant 0.000000e+00 : f32
    %neg3A_2209 = vector.broadcast %neg3A_2208 : f32 to vector<512xf32>
    %neg3A_2210 = arith.subf %neg3A_2209, %abs3A_2207 : vector<512xf32>
    %exp3A_2211 = math.exp %neg3A_2210 : vector<512xf32>
    %log1p3A_2212 = math.log1p %exp3A_2211 : vector<512xf32>
    %max3A_2213 = arith.constant 0.000000e+00 : f32
    %max3A_2214 = vector.broadcast %max3A_2213 : f32 to vector<512xf32>
    %max3A_2215 = arith.maximumf %neg3A_2206, %max3A_2214 : vector<512xf32>
    %add3A_2216 = arith.addf %log1p3A_2212, %max3A_2215 : vector<512xf32>
    %abs3A_2217 = math.absf %add3A_2106 : vector<512xf32>
    %neg3A_2218 = arith.constant 0.000000e+00 : f32
    %neg3A_2219 = vector.broadcast %neg3A_2218 : f32 to vector<512xf32>
    %neg3A_2220 = arith.subf %neg3A_2219, %abs3A_2217 : vector<512xf32>
    %exp3A_2221 = math.exp %neg3A_2220 : vector<512xf32>
    %log1p3A_2222 = math.log1p %exp3A_2221 : vector<512xf32>
    %max3A_2223 = arith.constant 0.000000e+00 : f32
    %max3A_2224 = vector.broadcast %max3A_2223 : f32 to vector<512xf32>
    %max3A_2225 = arith.maximumf %add3A_2106, %max3A_2224 : vector<512xf32>
    %add3A_2226 = arith.addf %log1p3A_2222, %max3A_2225 : vector<512xf32>
    %sub3A_2227 = arith.subf %add3A_2216, %add3A_2226 : vector<512xf32>
    %jit3A_2228 = arith.constant 0.000000e+00 : f32
    %broadcast_in_dim3A_2229 = vector.broadcast %jit3A_2228 : f32 to vector<512xf32>
    %select_n3A_2230 = arith.select %not3A_1279, %add3A_2203, %broadcast_in_dim3A_2229 : vector<512xi1>, vector<512xf32>
    %reduce_sum3A_2231 = vector.shape_cast %select_n3A_2230 : vector<512xf32> to vector<1x512xf32>
    %reduce_sum3A_2232 = arith.constant dense<0.000000e+00> : vector<1xf32>
    %reduce_sum3A_2233 = vector.multi_reduction <add>, %reduce_sum3A_2231, %reduce_sum3A_2232 [1] : vector<1x512xf32> to vector<1xf32>
    %reduce_sum3A_2234 = vector.shape_cast %reduce_sum3A_2233 : vector<1xf32> to vector<1x1xf32>
    %reduce_sum3A_2235 = vector.extract %reduce_sum3A_2234[0, 0] : f32 from vector<1x1xf32>
    %jit3A_2236 = arith.constant 0.000000e+00 : f32
    %broadcast_in_dim3A_2237 = vector.broadcast %jit3A_2236 : f32 to vector<512xf32>
    %select_n3A_2238 = arith.select %not3A_1301, %sub3A_2227, %broadcast_in_dim3A_2237 : vector<512xi1>, vector<512xf32>
    %reduce_sum3A_2239 = vector.shape_cast %select_n3A_2238 : vector<512xf32> to vector<1x512xf32>
    %reduce_sum3A_2240 = arith.constant dense<0.000000e+00> : vector<1xf32>
    %reduce_sum3A_2241 = vector.multi_reduction <add>, %reduce_sum3A_2239, %reduce_sum3A_2240 [1] : vector<1x512xf32> to vector<1xf32>
    %reduce_sum3A_2242 = vector.shape_cast %reduce_sum3A_2241 : vector<1xf32> to vector<1x1xf32>
    %reduce_sum3A_2243 = vector.extract %reduce_sum3A_2242[0, 0] : f32 from vector<1x1xf32>
    %add3A_2244 = arith.addf %reduce_sum3A_2235, %reduce_sum3A_2243 : f32
    %add3A_2245 = arith.addf %add3A_1110, %add3A_2244 : f32
    %get3A_2246 = arith.constant 0 : index
    %get3A_2247 = arith.constant 0 : index
    %get3A_2248 = vector.load %arg3[%get3A_2246, %get3A_2247] : memref<512x256xf32, #tpu.memory_space<vmem>>, vector<512x256xf32>
    %slice3A_2249 = vector.extract_strided_slice %get3A_1 {offsets = [0, 0], sizes = [1, 512], strides = [1, 1]} : vector<6x512xf32> to vector<1x512xf32>
    %squeeze3A_2250 = vector.shape_cast %slice3A_2249 : vector<1x512xf32> to vector<512xf32>
    %convert_element_type3A_2251 = arith.fptosi %squeeze3A_2250 : vector<512xf32> to vector<512xi32>
    %slice3A_2252 = vector.extract_strided_slice %get3A_1 {offsets = [1, 0], sizes = [1, 512], strides = [1, 1]} : vector<6x512xf32> to vector<1x512xf32>
    %squeeze3A_2253 = vector.shape_cast %slice3A_2252 : vector<1x512xf32> to vector<512xf32>
    %convert_element_type3A_2254 = arith.fptosi %squeeze3A_2253 : vector<512xf32> to vector<512xi32>
    %slice3A_2255 = vector.extract_strided_slice %get3A_1 {offsets = [2, 0], sizes = [1, 512], strides = [1, 1]} : vector<6x512xf32> to vector<1x512xf32>
    %squeeze3A_2256 = vector.shape_cast %slice3A_2255 : vector<1x512xf32> to vector<512xf32>
    %mul3A_2257 = arith.constant 5.200000e+01 : f32
    %mul3A_2258 = vector.broadcast %mul3A_2257 : f32 to vector<512xf32>
    %mul3A_2259 = arith.mulf %squeeze3A_2256, %mul3A_2258 : vector<512xf32>
    %slice3A_2260 = vector.extract_strided_slice %get3A_1 {offsets = [3, 0], sizes = [1, 512], strides = [1, 1]} : vector<6x512xf32> to vector<1x512xf32>
    %squeeze3A_2261 = vector.shape_cast %slice3A_2260 : vector<1x512xf32> to vector<512xf32>
    %mul3A_2262 = arith.constant 5.200000e+01 : f32
    %mul3A_2263 = vector.broadcast %mul3A_2262 : f32 to vector<512xf32>
    %mul3A_2264 = arith.mulf %squeeze3A_2261, %mul3A_2263 : vector<512xf32>
    %slice3A_2265 = vector.extract_strided_slice %get3A_1 {offsets = [4, 0], sizes = [1, 512], strides = [1, 1]} : vector<6x512xf32> to vector<1x512xf32>
    %squeeze3A_2266 = vector.shape_cast %slice3A_2265 : vector<1x512xf32> to vector<512xf32>
    %mul3A_2267 = arith.constant 5.200000e+01 : f32
    %mul3A_2268 = vector.broadcast %mul3A_2267 : f32 to vector<512xf32>
    %mul3A_2269 = arith.mulf %squeeze3A_2266, %mul3A_2268 : vector<512xf32>
    %slice3A_2270 = vector.extract_strided_slice %get3A_1 {offsets = [5, 0], sizes = [1, 512], strides = [1, 1]} : vector<6x512xf32> to vector<1x512xf32>
    %squeeze3A_2271 = vector.shape_cast %slice3A_2270 : vector<1x512xf32> to vector<512xf32>
    %mul3A_2272 = arith.constant 5.200000e+01 : f32
    %mul3A_2273 = vector.broadcast %mul3A_2272 : f32 to vector<512xf32>
    %mul3A_2274 = arith.mulf %squeeze3A_2271, %mul3A_2273 : vector<512xf32>
    %convert_element_type3A_2275 = arith.fptosi %mul3A_2259 : vector<512xf32> to vector<512xi32>
    %jit3A_2276 = arith.constant 0 : i32
    %jit3A_2277 = arith.constant 51 : i32
    %max3A_2278 = vector.broadcast %jit3A_2276 : i32 to vector<512xi32>
    %max3A_2279 = arith.maxsi %max3A_2278, %convert_element_type3A_2275 : vector<512xi32>
    %min3A_2280 = vector.broadcast %jit3A_2277 : i32 to vector<512xi32>
    %min3A_2281 = arith.minsi %min3A_2280, %max3A_2279 : vector<512xi32>
    %convert_element_type3A_2282 = arith.fptosi %mul3A_2264 : vector<512xf32> to vector<512xi32>
    %jit3A_2283 = arith.constant 0 : i32
    %jit3A_2284 = arith.constant 51 : i32
    %max3A_2285 = vector.broadcast %jit3A_2283 : i32 to vector<512xi32>
    %max3A_2286 = arith.maxsi %max3A_2285, %convert_element_type3A_2282 : vector<512xi32>
    %min3A_2287 = vector.broadcast %jit3A_2284 : i32 to vector<512xi32>
    %min3A_2288 = arith.minsi %min3A_2287, %max3A_2286 : vector<512xi32>
    %min3A_2289 = arith.constant 0.192307696 : f32
    %min3A_2290 = vector.broadcast %min3A_2289 : f32 to vector<512xf32>
    %min3A_2291 = arith.minimumf %mul3A_2269, %min3A_2290 : vector<512xf32>
    %min3A_2292 = arith.constant 2.500000e-01 : f32
    %min3A_2293 = vector.broadcast %min3A_2292 : f32 to vector<512xf32>
    %min3A_2294 = arith.minimumf %mul3A_2274, %min3A_2293 : vector<512xf32>
    %mul3A_2295 = arith.mulf %min3A_2291, %min3A_2294 : vector<512xf32>
    %mul3A_2296 = arith.mulf %mul3A_2269, %mul3A_2274 : vector<512xf32>
    %mul3A_2297 = arith.constant 0.192307696 : f32
    %mul3A_2298 = arith.constant 2.500000e-01 : f32
    %mul3A_2299 = arith.mulf %mul3A_2297, %mul3A_2298 : f32
    %add3A_2300 = vector.broadcast %mul3A_2299 : f32 to vector<512xf32>
    %add3A_2301 = arith.addf %mul3A_2296, %add3A_2300 : vector<512xf32>
    %sub3A_2302 = arith.subf %add3A_2301, %mul3A_2295 : vector<512xf32>
    %add3A_2303 = arith.constant 9.99999971E-10 : f32
    %add3A_2304 = vector.broadcast %add3A_2303 : f32 to vector<512xf32>
    %add3A_2305 = arith.addf %sub3A_2302, %add3A_2304 : vector<512xf32>
    %div3A_2306 = arith.divf %mul3A_2295, %add3A_2305 : vector<512xf32>
    %min3A_2307 = arith.constant 0.307692319 : f32
    %min3A_2308 = vector.broadcast %min3A_2307 : f32 to vector<512xf32>
    %min3A_2309 = arith.minimumf %mul3A_2269, %min3A_2308 : vector<512xf32>
    %min3A_2310 = arith.constant 0.576923072 : f32
    %min3A_2311 = vector.broadcast %min3A_2310 : f32 to vector<512xf32>
    %min3A_2312 = arith.minimumf %mul3A_2274, %min3A_2311 : vector<512xf32>
    %mul3A_2313 = arith.mulf %min3A_2309, %min3A_2312 : vector<512xf32>
    %mul3A_2314 = arith.mulf %mul3A_2269, %mul3A_2274 : vector<512xf32>
    %mul3A_2315 = arith.constant 0.307692319 : f32
    %mul3A_2316 = arith.constant 0.576923072 : f32
    %mul3A_2317 = arith.mulf %mul3A_2315, %mul3A_2316 : f32
    %add3A_2318 = vector.broadcast %mul3A_2317 : f32 to vector<512xf32>
    %add3A_2319 = arith.addf %mul3A_2314, %add3A_2318 : vector<512xf32>
    %sub3A_2320 = arith.subf %add3A_2319, %mul3A_2313 : vector<512xf32>
    %add3A_2321 = arith.constant 9.99999971E-10 : f32
    %add3A_2322 = vector.broadcast %add3A_2321 : f32 to vector<512xf32>
    %add3A_2323 = arith.addf %sub3A_2320, %add3A_2322 : vector<512xf32>
    %div3A_2324 = arith.divf %mul3A_2313, %add3A_2323 : vector<512xf32>
    %min3A_2325 = arith.constant 0.634615361 : f32
    %min3A_2326 = vector.broadcast %min3A_2325 : f32 to vector<512xf32>
    %min3A_2327 = arith.minimumf %mul3A_2269, %min3A_2326 : vector<512xf32>
    %min3A_2328 = arith.constant 0.442307681 : f32
    %min3A_2329 = vector.broadcast %min3A_2328 : f32 to vector<512xf32>
    %min3A_2330 = arith.minimumf %mul3A_2274, %min3A_2329 : vector<512xf32>
    %mul3A_2331 = arith.mulf %min3A_2327, %min3A_2330 : vector<512xf32>
    %mul3A_2332 = arith.mulf %mul3A_2269, %mul3A_2274 : vector<512xf32>
    %mul3A_2333 = arith.constant 0.634615361 : f32
    %mul3A_2334 = arith.constant 0.442307681 : f32
    %mul3A_2335 = arith.mulf %mul3A_2333, %mul3A_2334 : f32
    %add3A_2336 = vector.broadcast %mul3A_2335 : f32 to vector<512xf32>
    %add3A_2337 = arith.addf %mul3A_2332, %add3A_2336 : vector<512xf32>
    %sub3A_2338 = arith.subf %add3A_2337, %mul3A_2331 : vector<512xf32>
    %add3A_2339 = arith.constant 9.99999971E-10 : f32
    %add3A_2340 = vector.broadcast %add3A_2339 : f32 to vector<512xf32>
    %add3A_2341 = arith.addf %sub3A_2338, %add3A_2340 : vector<512xf32>
    %div3A_2342 = arith.divf %mul3A_2331, %add3A_2341 : vector<512xf32>
    %gt3A_2343 = arith.cmpf ogt, %div3A_2324, %div3A_2306 : vector<512xf32>
    %jit3A_2344 = arith.constant 1 : i32
    %jit3A_2345 = arith.constant 0 : i32
    %broadcast_in_dim3A_2346 = vector.broadcast %jit3A_2344 : i32 to vector<512xi32>
    %broadcast_in_dim3A_2347 = vector.broadcast %jit3A_2345 : i32 to vector<512xi32>
    %select_n3A_2348 = arith.select %gt3A_2343, %broadcast_in_dim3A_2346, %broadcast_in_dim3A_2347 : vector<512xi1>, vector<512xi32>
    %max3A_2349 = arith.maximumf %div3A_2306, %div3A_2324 : vector<512xf32>
    %gt3A_2350 = arith.cmpf ogt, %div3A_2342, %max3A_2349 : vector<512xf32>
    %jit3A_2351 = arith.constant 2 : i32
    %broadcast_in_dim3A_2352 = vector.broadcast %jit3A_2351 : i32 to vector<512xi32>
    %select_n3A_2353 = arith.select %gt3A_2350, %broadcast_in_dim3A_2352, %select_n3A_2348 : vector<512xi1>, vector<512xi32>
    %eq3A_2354 = arith.constant 0 : i32
    %eq3A_2355 = vector.broadcast %eq3A_2354 : i32 to vector<512xi32>
    %eq3A_2356 = arith.cmpi eq, %select_n3A_2353, %eq3A_2355 : vector<512xi32>
    %eq3A_2357 = arith.constant 1 : i32
    %eq3A_2358 = vector.broadcast %eq3A_2357 : i32 to vector<512xi32>
    %eq3A_2359 = arith.cmpi eq, %select_n3A_2353, %eq3A_2358 : vector<512xi32>
    %jit3A_2360 = arith.constant 0.307692319 : f32
    %jit3A_2361 = arith.constant 0.634615361 : f32
    %broadcast_in_dim3A_2362 = vector.broadcast %jit3A_2360 : f32 to vector<512xf32>
    %broadcast_in_dim3A_2363 = vector.broadcast %jit3A_2361 : f32 to vector<512xf32>
    %select_n3A_2364 = arith.select %eq3A_2359, %broadcast_in_dim3A_2362, %broadcast_in_dim3A_2363 : vector<512xi1>, vector<512xf32>
    %jit3A_2365 = arith.constant 0.192307696 : f32
    %broadcast_in_dim3A_2366 = vector.broadcast %jit3A_2365 : f32 to vector<512xf32>
    %select_n3A_2367 = arith.select %eq3A_2356, %broadcast_in_dim3A_2366, %select_n3A_2364 : vector<512xi1>, vector<512xf32>
    %eq3A_2368 = arith.constant 0 : i32
    %eq3A_2369 = vector.broadcast %eq3A_2368 : i32 to vector<512xi32>
    %eq3A_2370 = arith.cmpi eq, %select_n3A_2353, %eq3A_2369 : vector<512xi32>
    %eq3A_2371 = arith.constant 1 : i32
    %eq3A_2372 = vector.broadcast %eq3A_2371 : i32 to vector<512xi32>
    %eq3A_2373 = arith.cmpi eq, %select_n3A_2353, %eq3A_2372 : vector<512xi32>
    %jit3A_2374 = arith.constant 0.576923072 : f32
    %jit3A_2375 = arith.constant 0.442307681 : f32
    %broadcast_in_dim3A_2376 = vector.broadcast %jit3A_2374 : f32 to vector<512xf32>
    %broadcast_in_dim3A_2377 = vector.broadcast %jit3A_2375 : f32 to vector<512xf32>
    %select_n3A_2378 = arith.select %eq3A_2373, %broadcast_in_dim3A_2376, %broadcast_in_dim3A_2377 : vector<512xi1>, vector<512xf32>
    %jit3A_2379 = arith.constant 2.500000e-01 : f32
    %broadcast_in_dim3A_2380 = vector.broadcast %jit3A_2379 : f32 to vector<512xf32>
    %select_n3A_2381 = arith.select %eq3A_2370, %broadcast_in_dim3A_2380, %select_n3A_2378 : vector<512xi1>, vector<512xf32>
    %mul3A_2382 = arith.constant 3 : i32
    %mul3A_2383 = vector.broadcast %mul3A_2382 : i32 to vector<512xi32>
    %mul3A_2384 = arith.muli %convert_element_type3A_2251, %mul3A_2383 : vector<512xi32>
    %add3A_2385 = arith.addi %mul3A_2384, %select_n3A_2353 : vector<512xi32>
    %mul3A_2386 = arith.constant 52 : i32
    %mul3A_2387 = vector.broadcast %mul3A_2386 : i32 to vector<512xi32>
    %mul3A_2388 = arith.muli %add3A_2385, %mul3A_2387 : vector<512xi32>
    %add3A_2389 = arith.addi %mul3A_2388, %min3A_2288 : vector<512xi32>
    %mul3A_2390 = arith.constant 52 : i32
    %mul3A_2391 = vector.broadcast %mul3A_2390 : i32 to vector<512xi32>
    %mul3A_2392 = arith.muli %add3A_2389, %mul3A_2391 : vector<512xi32>
    %add3A_2393 = arith.addi %mul3A_2392, %min3A_2281 : vector<512xi32>
    %iota3A_2394 = tpu.iota {dimensions = array<i32: 0>} : vector<512x512xi32>
    %iota3A_2395 = tpu.iota {dimensions = array<i32: 1>} : vector<512x512xi32>
    %gt3A_2396 = arith.cmpi sgt, %iota3A_2395, %iota3A_2394 : vector<512x512xi32>
    %broadcast_in_dim3A_2397 = vector.shape_cast %add3A_2393 : vector<512xi32> to vector<512x1xi32>
    %broadcast_in_dim3A_2398 = vector.shape_cast %add3A_2393 : vector<512xi32> to vector<1x512xi32>
    %eq3A_2399 = vector.broadcast %broadcast_in_dim3A_2397 : vector<512x1xi32> to vector<512x512xi32>
    %eq3A_2400 = vector.broadcast %broadcast_in_dim3A_2398 : vector<1x512xi32> to vector<512x512xi32>
    %eq3A_2401 = arith.cmpi eq, %eq3A_2399, %eq3A_2400 : vector<512x512xi32>
    %and3A_2402 = arith.andi %eq3A_2401, %gt3A_2396 : vector<512x512xi1>
    %reduce_or3A_2403 = arith.constant 1.000000e+00 : f32
    %reduce_or3A_2404 = arith.constant 0.000000e+00 : f32
    %reduce_or3A_2405 = vector.broadcast %reduce_or3A_2403 : f32 to vector<512x512xf32>
    %reduce_or3A_2406 = vector.broadcast %reduce_or3A_2404 : f32 to vector<512x512xf32>
    %reduce_or3A_2407 = arith.select %and3A_2402, %reduce_or3A_2405, %reduce_or3A_2406 : vector<512x512xi1>, vector<512x512xf32>
    %reduce_or3A_2408 = arith.constant dense<0xFF800000> : vector<512xf32>
    %reduce_or3A_2409 = vector.multi_reduction <maximumf>, %reduce_or3A_2407, %reduce_or3A_2408 [1] : vector<512x512xf32> to vector<512xf32>
    %reduce_or3A_2410 = arith.constant 0.000000e+00 : f32
    %reduce_or3A_2411 = vector.broadcast %reduce_or3A_2410 : f32 to vector<512xf32>
    %reduce_or3A_2412 = arith.cmpf ogt, %reduce_or3A_2409, %reduce_or3A_2411 : vector<512xf32>
    %not3A_2413 = arith.constant dense<true> : vector<512xi1>
    %not3A_2414 = arith.xori %reduce_or3A_2412, %not3A_2413 : vector<512xi1>
    %mul3A_2415 = arith.constant 32 : i32
    %mul3A_2416 = vector.broadcast %mul3A_2415 : i32 to vector<512xi32>
    %mul3A_2417 = arith.muli %add3A_2393, %mul3A_2416 : vector<512xi32>
    %add3A_2418 = arith.addi %mul3A_2417, %convert_element_type3A_2254 : vector<512xi32>
    %broadcast_in_dim3A_2419 = vector.shape_cast %add3A_2418 : vector<512xi32> to vector<512x1xi32>
    %broadcast_in_dim3A_2420 = vector.shape_cast %add3A_2418 : vector<512xi32> to vector<1x512xi32>
    %eq3A_2421 = vector.broadcast %broadcast_in_dim3A_2419 : vector<512x1xi32> to vector<512x512xi32>
    %eq3A_2422 = vector.broadcast %broadcast_in_dim3A_2420 : vector<1x512xi32> to vector<512x512xi32>
    %eq3A_2423 = arith.cmpi eq, %eq3A_2421, %eq3A_2422 : vector<512x512xi32>
    %and3A_2424 = arith.andi %eq3A_2423, %gt3A_2396 : vector<512x512xi1>
    %reduce_or3A_2425 = arith.constant 1.000000e+00 : f32
    %reduce_or3A_2426 = arith.constant 0.000000e+00 : f32
    %reduce_or3A_2427 = vector.broadcast %reduce_or3A_2425 : f32 to vector<512x512xf32>
    %reduce_or3A_2428 = vector.broadcast %reduce_or3A_2426 : f32 to vector<512x512xf32>
    %reduce_or3A_2429 = arith.select %and3A_2424, %reduce_or3A_2427, %reduce_or3A_2428 : vector<512x512xi1>, vector<512x512xf32>
    %reduce_or3A_2430 = arith.constant dense<0xFF800000> : vector<512xf32>
    %reduce_or3A_2431 = vector.multi_reduction <maximumf>, %reduce_or3A_2429, %reduce_or3A_2430 [1] : vector<512x512xf32> to vector<512xf32>
    %reduce_or3A_2432 = arith.constant 0.000000e+00 : f32
    %reduce_or3A_2433 = vector.broadcast %reduce_or3A_2432 : f32 to vector<512xf32>
    %reduce_or3A_2434 = arith.cmpf ogt, %reduce_or3A_2431, %reduce_or3A_2433 : vector<512xf32>
    %not3A_2435 = arith.constant dense<true> : vector<512xi1>
    %not3A_2436 = arith.xori %reduce_or3A_2434, %not3A_2435 : vector<512xi1>
    %convert_element_type3A_2437 = arith.sitofp %min3A_2281 : vector<512xi32> to vector<512xf32>
    %sub3A_2438 = arith.subf %mul3A_2259, %convert_element_type3A_2437 : vector<512xf32>
    %convert_element_type3A_2439 = arith.sitofp %min3A_2288 : vector<512xi32> to vector<512xf32>
    %sub3A_2440 = arith.subf %mul3A_2264, %convert_element_type3A_2439 : vector<512xf32>
    %div3A_2441 = arith.divf %mul3A_2269, %select_n3A_2367 : vector<512xf32>
    %add3A_2442 = arith.constant 1.000000e-16 : f32
    %add3A_2443 = vector.broadcast %add3A_2442 : f32 to vector<512xf32>
    %add3A_2444 = arith.addf %div3A_2441, %add3A_2443 : vector<512xf32>
    %log3A_2445 = math.log %add3A_2444 : vector<512xf32>
    %div3A_2446 = arith.divf %mul3A_2274, %select_n3A_2381 : vector<512xf32>
    %add3A_2447 = arith.constant 1.000000e-16 : f32
    %add3A_2448 = vector.broadcast %add3A_2447 : f32 to vector<512xf32>
    %add3A_2449 = arith.addf %div3A_2446, %add3A_2448 : vector<512xf32>
    %log3A_2450 = math.log %add3A_2449 : vector<512xf32>
    %mul3A_2451 = arith.constant 30 : i32
    %mul3A_2452 = vector.broadcast %mul3A_2451 : i32 to vector<512xi32>
    %mul3A_2453 = arith.muli %add3A_2393, %mul3A_2452 : vector<512xi32>
    %and3A_2454 = arith.constant 127 : i32
    %and3A_2455 = vector.broadcast %and3A_2454 : i32 to vector<512xi32>
    %and3A_2456 = arith.andi %mul3A_2453, %and3A_2455 : vector<512xi32>
    %iota3A_2457 = tpu.iota {dimensions = array<i32: 1>} : vector<512x256xi32>
    %add3A_2458 = arith.constant 0 : i32
    %add3A_2459 = vector.broadcast %add3A_2458 : i32 to vector<512xi32>
    %add3A_2460 = arith.addi %and3A_2456, %add3A_2459 : vector<512xi32>
    %broadcast_in_dim3A_2461 = vector.shape_cast %add3A_2460 : vector<512xi32> to vector<512x1xi32>
    %eq3A_2462 = vector.broadcast %broadcast_in_dim3A_2461 : vector<512x1xi32> to vector<512x256xi32>
    %eq3A_2463 = arith.cmpi eq, %iota3A_2457, %eq3A_2462 : vector<512x256xi32>
    %jit3A_2464 = arith.constant 0.000000e+00 : f32
    %broadcast_in_dim3A_2465 = vector.broadcast %jit3A_2464 : f32 to vector<512x256xf32>
    %select_n3A_2466 = arith.select %eq3A_2463, %get3A_2248, %broadcast_in_dim3A_2465 : vector<512x256xi1>, vector<512x256xf32>
    %reduce_sum3A_2467 = arith.constant dense<0.000000e+00> : vector<512xf32>
    %reduce_sum3A_2468 = vector.multi_reduction <add>, %select_n3A_2466, %reduce_sum3A_2467 [1] : vector<512x256xf32> to vector<512xf32>
    %add3A_2469 = arith.constant 1 : i32
    %add3A_2470 = vector.broadcast %add3A_2469 : i32 to vector<512xi32>
    %add3A_2471 = arith.addi %and3A_2456, %add3A_2470 : vector<512xi32>
    %broadcast_in_dim3A_2472 = vector.shape_cast %add3A_2471 : vector<512xi32> to vector<512x1xi32>
    %eq3A_2473 = vector.broadcast %broadcast_in_dim3A_2472 : vector<512x1xi32> to vector<512x256xi32>
    %eq3A_2474 = arith.cmpi eq, %iota3A_2457, %eq3A_2473 : vector<512x256xi32>
    %jit3A_2475 = arith.constant 0.000000e+00 : f32
    %broadcast_in_dim3A_2476 = vector.broadcast %jit3A_2475 : f32 to vector<512x256xf32>
    %select_n3A_2477 = arith.select %eq3A_2474, %get3A_2248, %broadcast_in_dim3A_2476 : vector<512x256xi1>, vector<512x256xf32>
    %reduce_sum3A_2478 = arith.constant dense<0.000000e+00> : vector<512xf32>
    %reduce_sum3A_2479 = vector.multi_reduction <add>, %select_n3A_2477, %reduce_sum3A_2478 [1] : vector<512x256xf32> to vector<512xf32>
    %add3A_2480 = arith.constant 2 : i32
    %add3A_2481 = vector.broadcast %add3A_2480 : i32 to vector<512xi32>
    %add3A_2482 = arith.addi %and3A_2456, %add3A_2481 : vector<512xi32>
    %broadcast_in_dim3A_2483 = vector.shape_cast %add3A_2482 : vector<512xi32> to vector<512x1xi32>
    %eq3A_2484 = vector.broadcast %broadcast_in_dim3A_2483 : vector<512x1xi32> to vector<512x256xi32>
    %eq3A_2485 = arith.cmpi eq, %iota3A_2457, %eq3A_2484 : vector<512x256xi32>
    %jit3A_2486 = arith.constant 0.000000e+00 : f32
    %broadcast_in_dim3A_2487 = vector.broadcast %jit3A_2486 : f32 to vector<512x256xf32>
    %select_n3A_2488 = arith.select %eq3A_2485, %get3A_2248, %broadcast_in_dim3A_2487 : vector<512x256xi1>, vector<512x256xf32>
    %reduce_sum3A_2489 = arith.constant dense<0.000000e+00> : vector<512xf32>
    %reduce_sum3A_2490 = vector.multi_reduction <add>, %select_n3A_2488, %reduce_sum3A_2489 [1] : vector<512x256xf32> to vector<512xf32>
    %add3A_2491 = arith.constant 3 : i32
    %add3A_2492 = vector.broadcast %add3A_2491 : i32 to vector<512xi32>
    %add3A_2493 = arith.addi %and3A_2456, %add3A_2492 : vector<512xi32>
    %broadcast_in_dim3A_2494 = vector.shape_cast %add3A_2493 : vector<512xi32> to vector<512x1xi32>
    %eq3A_2495 = vector.broadcast %broadcast_in_dim3A_2494 : vector<512x1xi32> to vector<512x256xi32>
    %eq3A_2496 = arith.cmpi eq, %iota3A_2457, %eq3A_2495 : vector<512x256xi32>
    %jit3A_2497 = arith.constant 0.000000e+00 : f32
    %broadcast_in_dim3A_2498 = vector.broadcast %jit3A_2497 : f32 to vector<512x256xf32>
    %select_n3A_2499 = arith.select %eq3A_2496, %get3A_2248, %broadcast_in_dim3A_2498 : vector<512x256xi1>, vector<512x256xf32>
    %reduce_sum3A_2500 = arith.constant dense<0.000000e+00> : vector<512xf32>
    %reduce_sum3A_2501 = vector.multi_reduction <add>, %select_n3A_2499, %reduce_sum3A_2500 [1] : vector<512x256xf32> to vector<512xf32>
    %add3A_2502 = arith.constant 4 : i32
    %add3A_2503 = vector.broadcast %add3A_2502 : i32 to vector<512xi32>
    %add3A_2504 = arith.addi %and3A_2456, %add3A_2503 : vector<512xi32>
    %broadcast_in_dim3A_2505 = vector.shape_cast %add3A_2504 : vector<512xi32> to vector<512x1xi32>
    %eq3A_2506 = vector.broadcast %broadcast_in_dim3A_2505 : vector<512x1xi32> to vector<512x256xi32>
    %eq3A_2507 = arith.cmpi eq, %iota3A_2457, %eq3A_2506 : vector<512x256xi32>
    %jit3A_2508 = arith.constant 0.000000e+00 : f32
    %broadcast_in_dim3A_2509 = vector.broadcast %jit3A_2508 : f32 to vector<512x256xf32>
    %select_n3A_2510 = arith.select %eq3A_2507, %get3A_2248, %broadcast_in_dim3A_2509 : vector<512x256xi1>, vector<512x256xf32>
    %reduce_sum3A_2511 = arith.constant dense<0.000000e+00> : vector<512xf32>
    %reduce_sum3A_2512 = vector.multi_reduction <add>, %select_n3A_2510, %reduce_sum3A_2511 [1] : vector<512x256xf32> to vector<512xf32>
    %add3A_2513 = arith.constant 5 : i32
    %add3A_2514 = vector.broadcast %add3A_2513 : i32 to vector<512xi32>
    %add3A_2515 = arith.addi %and3A_2456, %add3A_2514 : vector<512xi32>
    %broadcast_in_dim3A_2516 = vector.shape_cast %add3A_2515 : vector<512xi32> to vector<512x1xi32>
    %eq3A_2517 = vector.broadcast %broadcast_in_dim3A_2516 : vector<512x1xi32> to vector<512x256xi32>
    %eq3A_2518 = arith.cmpi eq, %iota3A_2457, %eq3A_2517 : vector<512x256xi32>
    %jit3A_2519 = arith.constant 0.000000e+00 : f32
    %broadcast_in_dim3A_2520 = vector.broadcast %jit3A_2519 : f32 to vector<512x256xf32>
    %select_n3A_2521 = arith.select %eq3A_2518, %get3A_2248, %broadcast_in_dim3A_2520 : vector<512x256xi1>, vector<512x256xf32>
    %reduce_sum3A_2522 = arith.constant dense<0.000000e+00> : vector<512xf32>
    %reduce_sum3A_2523 = vector.multi_reduction <add>, %select_n3A_2521, %reduce_sum3A_2522 [1] : vector<512x256xf32> to vector<512xf32>
    %add3A_2524 = arith.constant 6 : i32
    %add3A_2525 = vector.broadcast %add3A_2524 : i32 to vector<512xi32>
    %add3A_2526 = arith.addi %and3A_2456, %add3A_2525 : vector<512xi32>
    %broadcast_in_dim3A_2527 = vector.shape_cast %add3A_2526 : vector<512xi32> to vector<512x1xi32>
    %eq3A_2528 = vector.broadcast %broadcast_in_dim3A_2527 : vector<512x1xi32> to vector<512x256xi32>
    %eq3A_2529 = arith.cmpi eq, %iota3A_2457, %eq3A_2528 : vector<512x256xi32>
    %jit3A_2530 = arith.constant 0.000000e+00 : f32
    %broadcast_in_dim3A_2531 = vector.broadcast %jit3A_2530 : f32 to vector<512x256xf32>
    %select_n3A_2532 = arith.select %eq3A_2529, %get3A_2248, %broadcast_in_dim3A_2531 : vector<512x256xi1>, vector<512x256xf32>
    %reduce_sum3A_2533 = arith.constant dense<0.000000e+00> : vector<512xf32>
    %reduce_sum3A_2534 = vector.multi_reduction <add>, %select_n3A_2532, %reduce_sum3A_2533 [1] : vector<512x256xf32> to vector<512xf32>
    %add3A_2535 = arith.constant 7 : i32
    %add3A_2536 = vector.broadcast %add3A_2535 : i32 to vector<512xi32>
    %add3A_2537 = arith.addi %and3A_2456, %add3A_2536 : vector<512xi32>
    %broadcast_in_dim3A_2538 = vector.shape_cast %add3A_2537 : vector<512xi32> to vector<512x1xi32>
    %eq3A_2539 = vector.broadcast %broadcast_in_dim3A_2538 : vector<512x1xi32> to vector<512x256xi32>
    %eq3A_2540 = arith.cmpi eq, %iota3A_2457, %eq3A_2539 : vector<512x256xi32>
    %jit3A_2541 = arith.constant 0.000000e+00 : f32
    %broadcast_in_dim3A_2542 = vector.broadcast %jit3A_2541 : f32 to vector<512x256xf32>
    %select_n3A_2543 = arith.select %eq3A_2540, %get3A_2248, %broadcast_in_dim3A_2542 : vector<512x256xi1>, vector<512x256xf32>
    %reduce_sum3A_2544 = arith.constant dense<0.000000e+00> : vector<512xf32>
    %reduce_sum3A_2545 = vector.multi_reduction <add>, %select_n3A_2543, %reduce_sum3A_2544 [1] : vector<512x256xf32> to vector<512xf32>
    %add3A_2546 = arith.constant 8 : i32
    %add3A_2547 = vector.broadcast %add3A_2546 : i32 to vector<512xi32>
    %add3A_2548 = arith.addi %and3A_2456, %add3A_2547 : vector<512xi32>
    %broadcast_in_dim3A_2549 = vector.shape_cast %add3A_2548 : vector<512xi32> to vector<512x1xi32>
    %eq3A_2550 = vector.broadcast %broadcast_in_dim3A_2549 : vector<512x1xi32> to vector<512x256xi32>
    %eq3A_2551 = arith.cmpi eq, %iota3A_2457, %eq3A_2550 : vector<512x256xi32>
    %jit3A_2552 = arith.constant 0.000000e+00 : f32
    %broadcast_in_dim3A_2553 = vector.broadcast %jit3A_2552 : f32 to vector<512x256xf32>
    %select_n3A_2554 = arith.select %eq3A_2551, %get3A_2248, %broadcast_in_dim3A_2553 : vector<512x256xi1>, vector<512x256xf32>
    %reduce_sum3A_2555 = arith.constant dense<0.000000e+00> : vector<512xf32>
    %reduce_sum3A_2556 = vector.multi_reduction <add>, %select_n3A_2554, %reduce_sum3A_2555 [1] : vector<512x256xf32> to vector<512xf32>
    %add3A_2557 = arith.constant 9 : i32
    %add3A_2558 = vector.broadcast %add3A_2557 : i32 to vector<512xi32>
    %add3A_2559 = arith.addi %and3A_2456, %add3A_2558 : vector<512xi32>
    %broadcast_in_dim3A_2560 = vector.shape_cast %add3A_2559 : vector<512xi32> to vector<512x1xi32>
    %eq3A_2561 = vector.broadcast %broadcast_in_dim3A_2560 : vector<512x1xi32> to vector<512x256xi32>
    %eq3A_2562 = arith.cmpi eq, %iota3A_2457, %eq3A_2561 : vector<512x256xi32>
    %jit3A_2563 = arith.constant 0.000000e+00 : f32
    %broadcast_in_dim3A_2564 = vector.broadcast %jit3A_2563 : f32 to vector<512x256xf32>
    %select_n3A_2565 = arith.select %eq3A_2562, %get3A_2248, %broadcast_in_dim3A_2564 : vector<512x256xi1>, vector<512x256xf32>
    %reduce_sum3A_2566 = arith.constant dense<0.000000e+00> : vector<512xf32>
    %reduce_sum3A_2567 = vector.multi_reduction <add>, %select_n3A_2565, %reduce_sum3A_2566 [1] : vector<512x256xf32> to vector<512xf32>
    %add3A_2568 = arith.constant 10 : i32
    %add3A_2569 = vector.broadcast %add3A_2568 : i32 to vector<512xi32>
    %add3A_2570 = arith.addi %and3A_2456, %add3A_2569 : vector<512xi32>
    %broadcast_in_dim3A_2571 = vector.shape_cast %add3A_2570 : vector<512xi32> to vector<512x1xi32>
    %eq3A_2572 = vector.broadcast %broadcast_in_dim3A_2571 : vector<512x1xi32> to vector<512x256xi32>
    %eq3A_2573 = arith.cmpi eq, %iota3A_2457, %eq3A_2572 : vector<512x256xi32>
    %jit3A_2574 = arith.constant 0.000000e+00 : f32
    %broadcast_in_dim3A_2575 = vector.broadcast %jit3A_2574 : f32 to vector<512x256xf32>
    %select_n3A_2576 = arith.select %eq3A_2573, %get3A_2248, %broadcast_in_dim3A_2575 : vector<512x256xi1>, vector<512x256xf32>
    %reduce_sum3A_2577 = arith.constant dense<0.000000e+00> : vector<512xf32>
    %reduce_sum3A_2578 = vector.multi_reduction <add>, %select_n3A_2576, %reduce_sum3A_2577 [1] : vector<512x256xf32> to vector<512xf32>
    %add3A_2579 = arith.constant 11 : i32
    %add3A_2580 = vector.broadcast %add3A_2579 : i32 to vector<512xi32>
    %add3A_2581 = arith.addi %and3A_2456, %add3A_2580 : vector<512xi32>
    %broadcast_in_dim3A_2582 = vector.shape_cast %add3A_2581 : vector<512xi32> to vector<512x1xi32>
    %eq3A_2583 = vector.broadcast %broadcast_in_dim3A_2582 : vector<512x1xi32> to vector<512x256xi32>
    %eq3A_2584 = arith.cmpi eq, %iota3A_2457, %eq3A_2583 : vector<512x256xi32>
    %jit3A_2585 = arith.constant 0.000000e+00 : f32
    %broadcast_in_dim3A_2586 = vector.broadcast %jit3A_2585 : f32 to vector<512x256xf32>
    %select_n3A_2587 = arith.select %eq3A_2584, %get3A_2248, %broadcast_in_dim3A_2586 : vector<512x256xi1>, vector<512x256xf32>
    %reduce_sum3A_2588 = arith.constant dense<0.000000e+00> : vector<512xf32>
    %reduce_sum3A_2589 = vector.multi_reduction <add>, %select_n3A_2587, %reduce_sum3A_2588 [1] : vector<512x256xf32> to vector<512xf32>
    %add3A_2590 = arith.constant 12 : i32
    %add3A_2591 = vector.broadcast %add3A_2590 : i32 to vector<512xi32>
    %add3A_2592 = arith.addi %and3A_2456, %add3A_2591 : vector<512xi32>
    %broadcast_in_dim3A_2593 = vector.shape_cast %add3A_2592 : vector<512xi32> to vector<512x1xi32>
    %eq3A_2594 = vector.broadcast %broadcast_in_dim3A_2593 : vector<512x1xi32> to vector<512x256xi32>
    %eq3A_2595 = arith.cmpi eq, %iota3A_2457, %eq3A_2594 : vector<512x256xi32>
    %jit3A_2596 = arith.constant 0.000000e+00 : f32
    %broadcast_in_dim3A_2597 = vector.broadcast %jit3A_2596 : f32 to vector<512x256xf32>
    %select_n3A_2598 = arith.select %eq3A_2595, %get3A_2248, %broadcast_in_dim3A_2597 : vector<512x256xi1>, vector<512x256xf32>
    %reduce_sum3A_2599 = arith.constant dense<0.000000e+00> : vector<512xf32>
    %reduce_sum3A_2600 = vector.multi_reduction <add>, %select_n3A_2598, %reduce_sum3A_2599 [1] : vector<512x256xf32> to vector<512xf32>
    %add3A_2601 = arith.constant 13 : i32
    %add3A_2602 = vector.broadcast %add3A_2601 : i32 to vector<512xi32>
    %add3A_2603 = arith.addi %and3A_2456, %add3A_2602 : vector<512xi32>
    %broadcast_in_dim3A_2604 = vector.shape_cast %add3A_2603 : vector<512xi32> to vector<512x1xi32>
    %eq3A_2605 = vector.broadcast %broadcast_in_dim3A_2604 : vector<512x1xi32> to vector<512x256xi32>
    %eq3A_2606 = arith.cmpi eq, %iota3A_2457, %eq3A_2605 : vector<512x256xi32>
    %jit3A_2607 = arith.constant 0.000000e+00 : f32
    %broadcast_in_dim3A_2608 = vector.broadcast %jit3A_2607 : f32 to vector<512x256xf32>
    %select_n3A_2609 = arith.select %eq3A_2606, %get3A_2248, %broadcast_in_dim3A_2608 : vector<512x256xi1>, vector<512x256xf32>
    %reduce_sum3A_2610 = arith.constant dense<0.000000e+00> : vector<512xf32>
    %reduce_sum3A_2611 = vector.multi_reduction <add>, %select_n3A_2609, %reduce_sum3A_2610 [1] : vector<512x256xf32> to vector<512xf32>
    %add3A_2612 = arith.constant 14 : i32
    %add3A_2613 = vector.broadcast %add3A_2612 : i32 to vector<512xi32>
    %add3A_2614 = arith.addi %and3A_2456, %add3A_2613 : vector<512xi32>
    %broadcast_in_dim3A_2615 = vector.shape_cast %add3A_2614 : vector<512xi32> to vector<512x1xi32>
    %eq3A_2616 = vector.broadcast %broadcast_in_dim3A_2615 : vector<512x1xi32> to vector<512x256xi32>
    %eq3A_2617 = arith.cmpi eq, %iota3A_2457, %eq3A_2616 : vector<512x256xi32>
    %jit3A_2618 = arith.constant 0.000000e+00 : f32
    %broadcast_in_dim3A_2619 = vector.broadcast %jit3A_2618 : f32 to vector<512x256xf32>
    %select_n3A_2620 = arith.select %eq3A_2617, %get3A_2248, %broadcast_in_dim3A_2619 : vector<512x256xi1>, vector<512x256xf32>
    %reduce_sum3A_2621 = arith.constant dense<0.000000e+00> : vector<512xf32>
    %reduce_sum3A_2622 = vector.multi_reduction <add>, %select_n3A_2620, %reduce_sum3A_2621 [1] : vector<512x256xf32> to vector<512xf32>
    %add3A_2623 = arith.constant 15 : i32
    %add3A_2624 = vector.broadcast %add3A_2623 : i32 to vector<512xi32>
    %add3A_2625 = arith.addi %and3A_2456, %add3A_2624 : vector<512xi32>
    %broadcast_in_dim3A_2626 = vector.shape_cast %add3A_2625 : vector<512xi32> to vector<512x1xi32>
    %eq3A_2627 = vector.broadcast %broadcast_in_dim3A_2626 : vector<512x1xi32> to vector<512x256xi32>
    %eq3A_2628 = arith.cmpi eq, %iota3A_2457, %eq3A_2627 : vector<512x256xi32>
    %jit3A_2629 = arith.constant 0.000000e+00 : f32
    %broadcast_in_dim3A_2630 = vector.broadcast %jit3A_2629 : f32 to vector<512x256xf32>
    %select_n3A_2631 = arith.select %eq3A_2628, %get3A_2248, %broadcast_in_dim3A_2630 : vector<512x256xi1>, vector<512x256xf32>
    %reduce_sum3A_2632 = arith.constant dense<0.000000e+00> : vector<512xf32>
    %reduce_sum3A_2633 = vector.multi_reduction <add>, %select_n3A_2631, %reduce_sum3A_2632 [1] : vector<512x256xf32> to vector<512xf32>
    %add3A_2634 = arith.constant 16 : i32
    %add3A_2635 = vector.broadcast %add3A_2634 : i32 to vector<512xi32>
    %add3A_2636 = arith.addi %and3A_2456, %add3A_2635 : vector<512xi32>
    %broadcast_in_dim3A_2637 = vector.shape_cast %add3A_2636 : vector<512xi32> to vector<512x1xi32>
    %eq3A_2638 = vector.broadcast %broadcast_in_dim3A_2637 : vector<512x1xi32> to vector<512x256xi32>
    %eq3A_2639 = arith.cmpi eq, %iota3A_2457, %eq3A_2638 : vector<512x256xi32>
    %jit3A_2640 = arith.constant 0.000000e+00 : f32
    %broadcast_in_dim3A_2641 = vector.broadcast %jit3A_2640 : f32 to vector<512x256xf32>
    %select_n3A_2642 = arith.select %eq3A_2639, %get3A_2248, %broadcast_in_dim3A_2641 : vector<512x256xi1>, vector<512x256xf32>
    %reduce_sum3A_2643 = arith.constant dense<0.000000e+00> : vector<512xf32>
    %reduce_sum3A_2644 = vector.multi_reduction <add>, %select_n3A_2642, %reduce_sum3A_2643 [1] : vector<512x256xf32> to vector<512xf32>
    %add3A_2645 = arith.constant 17 : i32
    %add3A_2646 = vector.broadcast %add3A_2645 : i32 to vector<512xi32>
    %add3A_2647 = arith.addi %and3A_2456, %add3A_2646 : vector<512xi32>
    %broadcast_in_dim3A_2648 = vector.shape_cast %add3A_2647 : vector<512xi32> to vector<512x1xi32>
    %eq3A_2649 = vector.broadcast %broadcast_in_dim3A_2648 : vector<512x1xi32> to vector<512x256xi32>
    %eq3A_2650 = arith.cmpi eq, %iota3A_2457, %eq3A_2649 : vector<512x256xi32>
    %jit3A_2651 = arith.constant 0.000000e+00 : f32
    %broadcast_in_dim3A_2652 = vector.broadcast %jit3A_2651 : f32 to vector<512x256xf32>
    %select_n3A_2653 = arith.select %eq3A_2650, %get3A_2248, %broadcast_in_dim3A_2652 : vector<512x256xi1>, vector<512x256xf32>
    %reduce_sum3A_2654 = arith.constant dense<0.000000e+00> : vector<512xf32>
    %reduce_sum3A_2655 = vector.multi_reduction <add>, %select_n3A_2653, %reduce_sum3A_2654 [1] : vector<512x256xf32> to vector<512xf32>
    %add3A_2656 = arith.constant 18 : i32
    %add3A_2657 = vector.broadcast %add3A_2656 : i32 to vector<512xi32>
    %add3A_2658 = arith.addi %and3A_2456, %add3A_2657 : vector<512xi32>
    %broadcast_in_dim3A_2659 = vector.shape_cast %add3A_2658 : vector<512xi32> to vector<512x1xi32>
    %eq3A_2660 = vector.broadcast %broadcast_in_dim3A_2659 : vector<512x1xi32> to vector<512x256xi32>
    %eq3A_2661 = arith.cmpi eq, %iota3A_2457, %eq3A_2660 : vector<512x256xi32>
    %jit3A_2662 = arith.constant 0.000000e+00 : f32
    %broadcast_in_dim3A_2663 = vector.broadcast %jit3A_2662 : f32 to vector<512x256xf32>
    %select_n3A_2664 = arith.select %eq3A_2661, %get3A_2248, %broadcast_in_dim3A_2663 : vector<512x256xi1>, vector<512x256xf32>
    %reduce_sum3A_2665 = arith.constant dense<0.000000e+00> : vector<512xf32>
    %reduce_sum3A_2666 = vector.multi_reduction <add>, %select_n3A_2664, %reduce_sum3A_2665 [1] : vector<512x256xf32> to vector<512xf32>
    %add3A_2667 = arith.constant 19 : i32
    %add3A_2668 = vector.broadcast %add3A_2667 : i32 to vector<512xi32>
    %add3A_2669 = arith.addi %and3A_2456, %add3A_2668 : vector<512xi32>
    %broadcast_in_dim3A_2670 = vector.shape_cast %add3A_2669 : vector<512xi32> to vector<512x1xi32>
    %eq3A_2671 = vector.broadcast %broadcast_in_dim3A_2670 : vector<512x1xi32> to vector<512x256xi32>
    %eq3A_2672 = arith.cmpi eq, %iota3A_2457, %eq3A_2671 : vector<512x256xi32>
    %jit3A_2673 = arith.constant 0.000000e+00 : f32
    %broadcast_in_dim3A_2674 = vector.broadcast %jit3A_2673 : f32 to vector<512x256xf32>
    %select_n3A_2675 = arith.select %eq3A_2672, %get3A_2248, %broadcast_in_dim3A_2674 : vector<512x256xi1>, vector<512x256xf32>
    %reduce_sum3A_2676 = arith.constant dense<0.000000e+00> : vector<512xf32>
    %reduce_sum3A_2677 = vector.multi_reduction <add>, %select_n3A_2675, %reduce_sum3A_2676 [1] : vector<512x256xf32> to vector<512xf32>
    %add3A_2678 = arith.constant 20 : i32
    %add3A_2679 = vector.broadcast %add3A_2678 : i32 to vector<512xi32>
    %add3A_2680 = arith.addi %and3A_2456, %add3A_2679 : vector<512xi32>
    %broadcast_in_dim3A_2681 = vector.shape_cast %add3A_2680 : vector<512xi32> to vector<512x1xi32>
    %eq3A_2682 = vector.broadcast %broadcast_in_dim3A_2681 : vector<512x1xi32> to vector<512x256xi32>
    %eq3A_2683 = arith.cmpi eq, %iota3A_2457, %eq3A_2682 : vector<512x256xi32>
    %jit3A_2684 = arith.constant 0.000000e+00 : f32
    %broadcast_in_dim3A_2685 = vector.broadcast %jit3A_2684 : f32 to vector<512x256xf32>
    %select_n3A_2686 = arith.select %eq3A_2683, %get3A_2248, %broadcast_in_dim3A_2685 : vector<512x256xi1>, vector<512x256xf32>
    %reduce_sum3A_2687 = arith.constant dense<0.000000e+00> : vector<512xf32>
    %reduce_sum3A_2688 = vector.multi_reduction <add>, %select_n3A_2686, %reduce_sum3A_2687 [1] : vector<512x256xf32> to vector<512xf32>
    %add3A_2689 = arith.constant 21 : i32
    %add3A_2690 = vector.broadcast %add3A_2689 : i32 to vector<512xi32>
    %add3A_2691 = arith.addi %and3A_2456, %add3A_2690 : vector<512xi32>
    %broadcast_in_dim3A_2692 = vector.shape_cast %add3A_2691 : vector<512xi32> to vector<512x1xi32>
    %eq3A_2693 = vector.broadcast %broadcast_in_dim3A_2692 : vector<512x1xi32> to vector<512x256xi32>
    %eq3A_2694 = arith.cmpi eq, %iota3A_2457, %eq3A_2693 : vector<512x256xi32>
    %jit3A_2695 = arith.constant 0.000000e+00 : f32
    %broadcast_in_dim3A_2696 = vector.broadcast %jit3A_2695 : f32 to vector<512x256xf32>
    %select_n3A_2697 = arith.select %eq3A_2694, %get3A_2248, %broadcast_in_dim3A_2696 : vector<512x256xi1>, vector<512x256xf32>
    %reduce_sum3A_2698 = arith.constant dense<0.000000e+00> : vector<512xf32>
    %reduce_sum3A_2699 = vector.multi_reduction <add>, %select_n3A_2697, %reduce_sum3A_2698 [1] : vector<512x256xf32> to vector<512xf32>
    %add3A_2700 = arith.constant 22 : i32
    %add3A_2701 = vector.broadcast %add3A_2700 : i32 to vector<512xi32>
    %add3A_2702 = arith.addi %and3A_2456, %add3A_2701 : vector<512xi32>
    %broadcast_in_dim3A_2703 = vector.shape_cast %add3A_2702 : vector<512xi32> to vector<512x1xi32>
    %eq3A_2704 = vector.broadcast %broadcast_in_dim3A_2703 : vector<512x1xi32> to vector<512x256xi32>
    %eq3A_2705 = arith.cmpi eq, %iota3A_2457, %eq3A_2704 : vector<512x256xi32>
    %jit3A_2706 = arith.constant 0.000000e+00 : f32
    %broadcast_in_dim3A_2707 = vector.broadcast %jit3A_2706 : f32 to vector<512x256xf32>
    %select_n3A_2708 = arith.select %eq3A_2705, %get3A_2248, %broadcast_in_dim3A_2707 : vector<512x256xi1>, vector<512x256xf32>
    %reduce_sum3A_2709 = arith.constant dense<0.000000e+00> : vector<512xf32>
    %reduce_sum3A_2710 = vector.multi_reduction <add>, %select_n3A_2708, %reduce_sum3A_2709 [1] : vector<512x256xf32> to vector<512xf32>
    %add3A_2711 = arith.constant 23 : i32
    %add3A_2712 = vector.broadcast %add3A_2711 : i32 to vector<512xi32>
    %add3A_2713 = arith.addi %and3A_2456, %add3A_2712 : vector<512xi32>
    %broadcast_in_dim3A_2714 = vector.shape_cast %add3A_2713 : vector<512xi32> to vector<512x1xi32>
    %eq3A_2715 = vector.broadcast %broadcast_in_dim3A_2714 : vector<512x1xi32> to vector<512x256xi32>
    %eq3A_2716 = arith.cmpi eq, %iota3A_2457, %eq3A_2715 : vector<512x256xi32>
    %jit3A_2717 = arith.constant 0.000000e+00 : f32
    %broadcast_in_dim3A_2718 = vector.broadcast %jit3A_2717 : f32 to vector<512x256xf32>
    %select_n3A_2719 = arith.select %eq3A_2716, %get3A_2248, %broadcast_in_dim3A_2718 : vector<512x256xi1>, vector<512x256xf32>
    %reduce_sum3A_2720 = arith.constant dense<0.000000e+00> : vector<512xf32>
    %reduce_sum3A_2721 = vector.multi_reduction <add>, %select_n3A_2719, %reduce_sum3A_2720 [1] : vector<512x256xf32> to vector<512xf32>
    %add3A_2722 = arith.constant 24 : i32
    %add3A_2723 = vector.broadcast %add3A_2722 : i32 to vector<512xi32>
    %add3A_2724 = arith.addi %and3A_2456, %add3A_2723 : vector<512xi32>
    %broadcast_in_dim3A_2725 = vector.shape_cast %add3A_2724 : vector<512xi32> to vector<512x1xi32>
    %eq3A_2726 = vector.broadcast %broadcast_in_dim3A_2725 : vector<512x1xi32> to vector<512x256xi32>
    %eq3A_2727 = arith.cmpi eq, %iota3A_2457, %eq3A_2726 : vector<512x256xi32>
    %jit3A_2728 = arith.constant 0.000000e+00 : f32
    %broadcast_in_dim3A_2729 = vector.broadcast %jit3A_2728 : f32 to vector<512x256xf32>
    %select_n3A_2730 = arith.select %eq3A_2727, %get3A_2248, %broadcast_in_dim3A_2729 : vector<512x256xi1>, vector<512x256xf32>
    %reduce_sum3A_2731 = arith.constant dense<0.000000e+00> : vector<512xf32>
    %reduce_sum3A_2732 = vector.multi_reduction <add>, %select_n3A_2730, %reduce_sum3A_2731 [1] : vector<512x256xf32> to vector<512xf32>
    %add3A_2733 = arith.constant 25 : i32
    %add3A_2734 = vector.broadcast %add3A_2733 : i32 to vector<512xi32>
    %add3A_2735 = arith.addi %and3A_2456, %add3A_2734 : vector<512xi32>
    %broadcast_in_dim3A_2736 = vector.shape_cast %add3A_2735 : vector<512xi32> to vector<512x1xi32>
    %eq3A_2737 = vector.broadcast %broadcast_in_dim3A_2736 : vector<512x1xi32> to vector<512x256xi32>
    %eq3A_2738 = arith.cmpi eq, %iota3A_2457, %eq3A_2737 : vector<512x256xi32>
    %jit3A_2739 = arith.constant 0.000000e+00 : f32
    %broadcast_in_dim3A_2740 = vector.broadcast %jit3A_2739 : f32 to vector<512x256xf32>
    %select_n3A_2741 = arith.select %eq3A_2738, %get3A_2248, %broadcast_in_dim3A_2740 : vector<512x256xi1>, vector<512x256xf32>
    %reduce_sum3A_2742 = arith.constant dense<0.000000e+00> : vector<512xf32>
    %reduce_sum3A_2743 = vector.multi_reduction <add>, %select_n3A_2741, %reduce_sum3A_2742 [1] : vector<512x256xf32> to vector<512xf32>
    %add3A_2744 = arith.constant 26 : i32
    %add3A_2745 = vector.broadcast %add3A_2744 : i32 to vector<512xi32>
    %add3A_2746 = arith.addi %and3A_2456, %add3A_2745 : vector<512xi32>
    %broadcast_in_dim3A_2747 = vector.shape_cast %add3A_2746 : vector<512xi32> to vector<512x1xi32>
    %eq3A_2748 = vector.broadcast %broadcast_in_dim3A_2747 : vector<512x1xi32> to vector<512x256xi32>
    %eq3A_2749 = arith.cmpi eq, %iota3A_2457, %eq3A_2748 : vector<512x256xi32>
    %jit3A_2750 = arith.constant 0.000000e+00 : f32
    %broadcast_in_dim3A_2751 = vector.broadcast %jit3A_2750 : f32 to vector<512x256xf32>
    %select_n3A_2752 = arith.select %eq3A_2749, %get3A_2248, %broadcast_in_dim3A_2751 : vector<512x256xi1>, vector<512x256xf32>
    %reduce_sum3A_2753 = arith.constant dense<0.000000e+00> : vector<512xf32>
    %reduce_sum3A_2754 = vector.multi_reduction <add>, %select_n3A_2752, %reduce_sum3A_2753 [1] : vector<512x256xf32> to vector<512xf32>
    %add3A_2755 = arith.constant 27 : i32
    %add3A_2756 = vector.broadcast %add3A_2755 : i32 to vector<512xi32>
    %add3A_2757 = arith.addi %and3A_2456, %add3A_2756 : vector<512xi32>
    %broadcast_in_dim3A_2758 = vector.shape_cast %add3A_2757 : vector<512xi32> to vector<512x1xi32>
    %eq3A_2759 = vector.broadcast %broadcast_in_dim3A_2758 : vector<512x1xi32> to vector<512x256xi32>
    %eq3A_2760 = arith.cmpi eq, %iota3A_2457, %eq3A_2759 : vector<512x256xi32>
    %jit3A_2761 = arith.constant 0.000000e+00 : f32
    %broadcast_in_dim3A_2762 = vector.broadcast %jit3A_2761 : f32 to vector<512x256xf32>
    %select_n3A_2763 = arith.select %eq3A_2760, %get3A_2248, %broadcast_in_dim3A_2762 : vector<512x256xi1>, vector<512x256xf32>
    %reduce_sum3A_2764 = arith.constant dense<0.000000e+00> : vector<512xf32>
    %reduce_sum3A_2765 = vector.multi_reduction <add>, %select_n3A_2763, %reduce_sum3A_2764 [1] : vector<512x256xf32> to vector<512xf32>
    %add3A_2766 = arith.constant 28 : i32
    %add3A_2767 = vector.broadcast %add3A_2766 : i32 to vector<512xi32>
    %add3A_2768 = arith.addi %and3A_2456, %add3A_2767 : vector<512xi32>
    %broadcast_in_dim3A_2769 = vector.shape_cast %add3A_2768 : vector<512xi32> to vector<512x1xi32>
    %eq3A_2770 = vector.broadcast %broadcast_in_dim3A_2769 : vector<512x1xi32> to vector<512x256xi32>
    %eq3A_2771 = arith.cmpi eq, %iota3A_2457, %eq3A_2770 : vector<512x256xi32>
    %jit3A_2772 = arith.constant 0.000000e+00 : f32
    %broadcast_in_dim3A_2773 = vector.broadcast %jit3A_2772 : f32 to vector<512x256xf32>
    %select_n3A_2774 = arith.select %eq3A_2771, %get3A_2248, %broadcast_in_dim3A_2773 : vector<512x256xi1>, vector<512x256xf32>
    %reduce_sum3A_2775 = arith.constant dense<0.000000e+00> : vector<512xf32>
    %reduce_sum3A_2776 = vector.multi_reduction <add>, %select_n3A_2774, %reduce_sum3A_2775 [1] : vector<512x256xf32> to vector<512xf32>
    %add3A_2777 = arith.constant 29 : i32
    %add3A_2778 = vector.broadcast %add3A_2777 : i32 to vector<512xi32>
    %add3A_2779 = arith.addi %and3A_2456, %add3A_2778 : vector<512xi32>
    %broadcast_in_dim3A_2780 = vector.shape_cast %add3A_2779 : vector<512xi32> to vector<512x1xi32>
    %eq3A_2781 = vector.broadcast %broadcast_in_dim3A_2780 : vector<512x1xi32> to vector<512x256xi32>
    %eq3A_2782 = arith.cmpi eq, %iota3A_2457, %eq3A_2781 : vector<512x256xi32>
    %jit3A_2783 = arith.constant 0.000000e+00 : f32
    %broadcast_in_dim3A_2784 = vector.broadcast %jit3A_2783 : f32 to vector<512x256xf32>
    %select_n3A_2785 = arith.select %eq3A_2782, %get3A_2248, %broadcast_in_dim3A_2784 : vector<512x256xi1>, vector<512x256xf32>
    %reduce_sum3A_2786 = arith.constant dense<0.000000e+00> : vector<512xf32>
    %reduce_sum3A_2787 = vector.multi_reduction <add>, %select_n3A_2785, %reduce_sum3A_2786 [1] : vector<512x256xf32> to vector<512xf32>
    %broadcast_in_dim3A_2788 = arith.constant 0.000000e+00 : f32
    %broadcast_in_dim3A_2789 = vector.broadcast %broadcast_in_dim3A_2788 : f32 to vector<512xf32>
    %broadcast_in_dim3A_2790 = arith.constant 0.000000e+00 : f32
    %broadcast_in_dim3A_2791 = vector.broadcast %broadcast_in_dim3A_2790 : f32 to vector<512xf32>
    %abs3A_2792 = math.absf %reduce_sum3A_2523 : vector<512xf32>
    %neg3A_2793 = arith.constant 0.000000e+00 : f32
    %neg3A_2794 = vector.broadcast %neg3A_2793 : f32 to vector<512xf32>
    %neg3A_2795 = arith.subf %neg3A_2794, %abs3A_2792 : vector<512xf32>
    %exp3A_2796 = math.exp %neg3A_2795 : vector<512xf32>
    %log1p3A_2797 = math.log1p %exp3A_2796 : vector<512xf32>
    %max3A_2798 = arith.constant 0.000000e+00 : f32
    %max3A_2799 = vector.broadcast %max3A_2798 : f32 to vector<512xf32>
    %max3A_2800 = arith.maximumf %reduce_sum3A_2523, %max3A_2799 : vector<512xf32>
    %add3A_2801 = arith.addf %log1p3A_2797, %max3A_2800 : vector<512xf32>
    %add3A_2802 = arith.addf %broadcast_in_dim3A_2789, %add3A_2801 : vector<512xf32>
    %eq3A_2803 = arith.constant 0 : i32
    %eq3A_2804 = vector.broadcast %eq3A_2803 : i32 to vector<512xi32>
    %eq3A_2805 = arith.cmpi eq, %convert_element_type3A_2254, %eq3A_2804 : vector<512xi32>
    %jit3A_2806 = arith.constant 0.000000e+00 : f32
    %broadcast_in_dim3A_2807 = vector.broadcast %jit3A_2806 : f32 to vector<512xf32>
    %select_n3A_2808 = arith.select %eq3A_2805, %reduce_sum3A_2523, %broadcast_in_dim3A_2807 : vector<512xi1>, vector<512xf32>
    %add3A_2809 = arith.addf %broadcast_in_dim3A_2791, %select_n3A_2808 : vector<512xf32>
    %abs3A_2810 = math.absf %reduce_sum3A_2534 : vector<512xf32>
    %neg3A_2811 = arith.constant 0.000000e+00 : f32
    %neg3A_2812 = vector.broadcast %neg3A_2811 : f32 to vector<512xf32>
    %neg3A_2813 = arith.subf %neg3A_2812, %abs3A_2810 : vector<512xf32>
    %exp3A_2814 = math.exp %neg3A_2813 : vector<512xf32>
    %log1p3A_2815 = math.log1p %exp3A_2814 : vector<512xf32>
    %max3A_2816 = arith.constant 0.000000e+00 : f32
    %max3A_2817 = vector.broadcast %max3A_2816 : f32 to vector<512xf32>
    %max3A_2818 = arith.maximumf %reduce_sum3A_2534, %max3A_2817 : vector<512xf32>
    %add3A_2819 = arith.addf %log1p3A_2815, %max3A_2818 : vector<512xf32>
    %add3A_2820 = arith.addf %add3A_2802, %add3A_2819 : vector<512xf32>
    %eq3A_2821 = arith.constant 1 : i32
    %eq3A_2822 = vector.broadcast %eq3A_2821 : i32 to vector<512xi32>
    %eq3A_2823 = arith.cmpi eq, %convert_element_type3A_2254, %eq3A_2822 : vector<512xi32>
    %jit3A_2824 = arith.constant 0.000000e+00 : f32
    %broadcast_in_dim3A_2825 = vector.broadcast %jit3A_2824 : f32 to vector<512xf32>
    %select_n3A_2826 = arith.select %eq3A_2823, %reduce_sum3A_2534, %broadcast_in_dim3A_2825 : vector<512xi1>, vector<512xf32>
    %add3A_2827 = arith.addf %add3A_2809, %select_n3A_2826 : vector<512xf32>
    %abs3A_2828 = math.absf %reduce_sum3A_2545 : vector<512xf32>
    %neg3A_2829 = arith.constant 0.000000e+00 : f32
    %neg3A_2830 = vector.broadcast %neg3A_2829 : f32 to vector<512xf32>
    %neg3A_2831 = arith.subf %neg3A_2830, %abs3A_2828 : vector<512xf32>
    %exp3A_2832 = math.exp %neg3A_2831 : vector<512xf32>
    %log1p3A_2833 = math.log1p %exp3A_2832 : vector<512xf32>
    %max3A_2834 = arith.constant 0.000000e+00 : f32
    %max3A_2835 = vector.broadcast %max3A_2834 : f32 to vector<512xf32>
    %max3A_2836 = arith.maximumf %reduce_sum3A_2545, %max3A_2835 : vector<512xf32>
    %add3A_2837 = arith.addf %log1p3A_2833, %max3A_2836 : vector<512xf32>
    %add3A_2838 = arith.addf %add3A_2820, %add3A_2837 : vector<512xf32>
    %eq3A_2839 = arith.constant 2 : i32
    %eq3A_2840 = vector.broadcast %eq3A_2839 : i32 to vector<512xi32>
    %eq3A_2841 = arith.cmpi eq, %convert_element_type3A_2254, %eq3A_2840 : vector<512xi32>
    %jit3A_2842 = arith.constant 0.000000e+00 : f32
    %broadcast_in_dim3A_2843 = vector.broadcast %jit3A_2842 : f32 to vector<512xf32>
    %select_n3A_2844 = arith.select %eq3A_2841, %reduce_sum3A_2545, %broadcast_in_dim3A_2843 : vector<512xi1>, vector<512xf32>
    %add3A_2845 = arith.addf %add3A_2827, %select_n3A_2844 : vector<512xf32>
    %abs3A_2846 = math.absf %reduce_sum3A_2556 : vector<512xf32>
    %neg3A_2847 = arith.constant 0.000000e+00 : f32
    %neg3A_2848 = vector.broadcast %neg3A_2847 : f32 to vector<512xf32>
    %neg3A_2849 = arith.subf %neg3A_2848, %abs3A_2846 : vector<512xf32>
    %exp3A_2850 = math.exp %neg3A_2849 : vector<512xf32>
    %log1p3A_2851 = math.log1p %exp3A_2850 : vector<512xf32>
    %max3A_2852 = arith.constant 0.000000e+00 : f32
    %max3A_2853 = vector.broadcast %max3A_2852 : f32 to vector<512xf32>
    %max3A_2854 = arith.maximumf %reduce_sum3A_2556, %max3A_2853 : vector<512xf32>
    %add3A_2855 = arith.addf %log1p3A_2851, %max3A_2854 : vector<512xf32>
    %add3A_2856 = arith.addf %add3A_2838, %add3A_2855 : vector<512xf32>
    %eq3A_2857 = arith.constant 3 : i32
    %eq3A_2858 = vector.broadcast %eq3A_2857 : i32 to vector<512xi32>
    %eq3A_2859 = arith.cmpi eq, %convert_element_type3A_2254, %eq3A_2858 : vector<512xi32>
    %jit3A_2860 = arith.constant 0.000000e+00 : f32
    %broadcast_in_dim3A_2861 = vector.broadcast %jit3A_2860 : f32 to vector<512xf32>
    %select_n3A_2862 = arith.select %eq3A_2859, %reduce_sum3A_2556, %broadcast_in_dim3A_2861 : vector<512xi1>, vector<512xf32>
    %add3A_2863 = arith.addf %add3A_2845, %select_n3A_2862 : vector<512xf32>
    %abs3A_2864 = math.absf %reduce_sum3A_2567 : vector<512xf32>
    %neg3A_2865 = arith.constant 0.000000e+00 : f32
    %neg3A_2866 = vector.broadcast %neg3A_2865 : f32 to vector<512xf32>
    %neg3A_2867 = arith.subf %neg3A_2866, %abs3A_2864 : vector<512xf32>
    %exp3A_2868 = math.exp %neg3A_2867 : vector<512xf32>
    %log1p3A_2869 = math.log1p %exp3A_2868 : vector<512xf32>
    %max3A_2870 = arith.constant 0.000000e+00 : f32
    %max3A_2871 = vector.broadcast %max3A_2870 : f32 to vector<512xf32>
    %max3A_2872 = arith.maximumf %reduce_sum3A_2567, %max3A_2871 : vector<512xf32>
    %add3A_2873 = arith.addf %log1p3A_2869, %max3A_2872 : vector<512xf32>
    %add3A_2874 = arith.addf %add3A_2856, %add3A_2873 : vector<512xf32>
    %eq3A_2875 = arith.constant 4 : i32
    %eq3A_2876 = vector.broadcast %eq3A_2875 : i32 to vector<512xi32>
    %eq3A_2877 = arith.cmpi eq, %convert_element_type3A_2254, %eq3A_2876 : vector<512xi32>
    %jit3A_2878 = arith.constant 0.000000e+00 : f32
    %broadcast_in_dim3A_2879 = vector.broadcast %jit3A_2878 : f32 to vector<512xf32>
    %select_n3A_2880 = arith.select %eq3A_2877, %reduce_sum3A_2567, %broadcast_in_dim3A_2879 : vector<512xi1>, vector<512xf32>
    %add3A_2881 = arith.addf %add3A_2863, %select_n3A_2880 : vector<512xf32>
    %abs3A_2882 = math.absf %reduce_sum3A_2578 : vector<512xf32>
    %neg3A_2883 = arith.constant 0.000000e+00 : f32
    %neg3A_2884 = vector.broadcast %neg3A_2883 : f32 to vector<512xf32>
    %neg3A_2885 = arith.subf %neg3A_2884, %abs3A_2882 : vector<512xf32>
    %exp3A_2886 = math.exp %neg3A_2885 : vector<512xf32>
    %log1p3A_2887 = math.log1p %exp3A_2886 : vector<512xf32>
    %max3A_2888 = arith.constant 0.000000e+00 : f32
    %max3A_2889 = vector.broadcast %max3A_2888 : f32 to vector<512xf32>
    %max3A_2890 = arith.maximumf %reduce_sum3A_2578, %max3A_2889 : vector<512xf32>
    %add3A_2891 = arith.addf %log1p3A_2887, %max3A_2890 : vector<512xf32>
    %add3A_2892 = arith.addf %add3A_2874, %add3A_2891 : vector<512xf32>
    %eq3A_2893 = arith.constant 5 : i32
    %eq3A_2894 = vector.broadcast %eq3A_2893 : i32 to vector<512xi32>
    %eq3A_2895 = arith.cmpi eq, %convert_element_type3A_2254, %eq3A_2894 : vector<512xi32>
    %jit3A_2896 = arith.constant 0.000000e+00 : f32
    %broadcast_in_dim3A_2897 = vector.broadcast %jit3A_2896 : f32 to vector<512xf32>
    %select_n3A_2898 = arith.select %eq3A_2895, %reduce_sum3A_2578, %broadcast_in_dim3A_2897 : vector<512xi1>, vector<512xf32>
    %add3A_2899 = arith.addf %add3A_2881, %select_n3A_2898 : vector<512xf32>
    %abs3A_2900 = math.absf %reduce_sum3A_2589 : vector<512xf32>
    %neg3A_2901 = arith.constant 0.000000e+00 : f32
    %neg3A_2902 = vector.broadcast %neg3A_2901 : f32 to vector<512xf32>
    %neg3A_2903 = arith.subf %neg3A_2902, %abs3A_2900 : vector<512xf32>
    %exp3A_2904 = math.exp %neg3A_2903 : vector<512xf32>
    %log1p3A_2905 = math.log1p %exp3A_2904 : vector<512xf32>
    %max3A_2906 = arith.constant 0.000000e+00 : f32
    %max3A_2907 = vector.broadcast %max3A_2906 : f32 to vector<512xf32>
    %max3A_2908 = arith.maximumf %reduce_sum3A_2589, %max3A_2907 : vector<512xf32>
    %add3A_2909 = arith.addf %log1p3A_2905, %max3A_2908 : vector<512xf32>
    %add3A_2910 = arith.addf %add3A_2892, %add3A_2909 : vector<512xf32>
    %eq3A_2911 = arith.constant 6 : i32
    %eq3A_2912 = vector.broadcast %eq3A_2911 : i32 to vector<512xi32>
    %eq3A_2913 = arith.cmpi eq, %convert_element_type3A_2254, %eq3A_2912 : vector<512xi32>
    %jit3A_2914 = arith.constant 0.000000e+00 : f32
    %broadcast_in_dim3A_2915 = vector.broadcast %jit3A_2914 : f32 to vector<512xf32>
    %select_n3A_2916 = arith.select %eq3A_2913, %reduce_sum3A_2589, %broadcast_in_dim3A_2915 : vector<512xi1>, vector<512xf32>
    %add3A_2917 = arith.addf %add3A_2899, %select_n3A_2916 : vector<512xf32>
    %abs3A_2918 = math.absf %reduce_sum3A_2600 : vector<512xf32>
    %neg3A_2919 = arith.constant 0.000000e+00 : f32
    %neg3A_2920 = vector.broadcast %neg3A_2919 : f32 to vector<512xf32>
    %neg3A_2921 = arith.subf %neg3A_2920, %abs3A_2918 : vector<512xf32>
    %exp3A_2922 = math.exp %neg3A_2921 : vector<512xf32>
    %log1p3A_2923 = math.log1p %exp3A_2922 : vector<512xf32>
    %max3A_2924 = arith.constant 0.000000e+00 : f32
    %max3A_2925 = vector.broadcast %max3A_2924 : f32 to vector<512xf32>
    %max3A_2926 = arith.maximumf %reduce_sum3A_2600, %max3A_2925 : vector<512xf32>
    %add3A_2927 = arith.addf %log1p3A_2923, %max3A_2926 : vector<512xf32>
    %add3A_2928 = arith.addf %add3A_2910, %add3A_2927 : vector<512xf32>
    %eq3A_2929 = arith.constant 7 : i32
    %eq3A_2930 = vector.broadcast %eq3A_2929 : i32 to vector<512xi32>
    %eq3A_2931 = arith.cmpi eq, %convert_element_type3A_2254, %eq3A_2930 : vector<512xi32>
    %jit3A_2932 = arith.constant 0.000000e+00 : f32
    %broadcast_in_dim3A_2933 = vector.broadcast %jit3A_2932 : f32 to vector<512xf32>
    %select_n3A_2934 = arith.select %eq3A_2931, %reduce_sum3A_2600, %broadcast_in_dim3A_2933 : vector<512xi1>, vector<512xf32>
    %add3A_2935 = arith.addf %add3A_2917, %select_n3A_2934 : vector<512xf32>
    %abs3A_2936 = math.absf %reduce_sum3A_2611 : vector<512xf32>
    %neg3A_2937 = arith.constant 0.000000e+00 : f32
    %neg3A_2938 = vector.broadcast %neg3A_2937 : f32 to vector<512xf32>
    %neg3A_2939 = arith.subf %neg3A_2938, %abs3A_2936 : vector<512xf32>
    %exp3A_2940 = math.exp %neg3A_2939 : vector<512xf32>
    %log1p3A_2941 = math.log1p %exp3A_2940 : vector<512xf32>
    %max3A_2942 = arith.constant 0.000000e+00 : f32
    %max3A_2943 = vector.broadcast %max3A_2942 : f32 to vector<512xf32>
    %max3A_2944 = arith.maximumf %reduce_sum3A_2611, %max3A_2943 : vector<512xf32>
    %add3A_2945 = arith.addf %log1p3A_2941, %max3A_2944 : vector<512xf32>
    %add3A_2946 = arith.addf %add3A_2928, %add3A_2945 : vector<512xf32>
    %eq3A_2947 = arith.constant 8 : i32
    %eq3A_2948 = vector.broadcast %eq3A_2947 : i32 to vector<512xi32>
    %eq3A_2949 = arith.cmpi eq, %convert_element_type3A_2254, %eq3A_2948 : vector<512xi32>
    %jit3A_2950 = arith.constant 0.000000e+00 : f32
    %broadcast_in_dim3A_2951 = vector.broadcast %jit3A_2950 : f32 to vector<512xf32>
    %select_n3A_2952 = arith.select %eq3A_2949, %reduce_sum3A_2611, %broadcast_in_dim3A_2951 : vector<512xi1>, vector<512xf32>
    %add3A_2953 = arith.addf %add3A_2935, %select_n3A_2952 : vector<512xf32>
    %abs3A_2954 = math.absf %reduce_sum3A_2622 : vector<512xf32>
    %neg3A_2955 = arith.constant 0.000000e+00 : f32
    %neg3A_2956 = vector.broadcast %neg3A_2955 : f32 to vector<512xf32>
    %neg3A_2957 = arith.subf %neg3A_2956, %abs3A_2954 : vector<512xf32>
    %exp3A_2958 = math.exp %neg3A_2957 : vector<512xf32>
    %log1p3A_2959 = math.log1p %exp3A_2958 : vector<512xf32>
    %max3A_2960 = arith.constant 0.000000e+00 : f32
    %max3A_2961 = vector.broadcast %max3A_2960 : f32 to vector<512xf32>
    %max3A_2962 = arith.maximumf %reduce_sum3A_2622, %max3A_2961 : vector<512xf32>
    %add3A_2963 = arith.addf %log1p3A_2959, %max3A_2962 : vector<512xf32>
    %add3A_2964 = arith.addf %add3A_2946, %add3A_2963 : vector<512xf32>
    %eq3A_2965 = arith.constant 9 : i32
    %eq3A_2966 = vector.broadcast %eq3A_2965 : i32 to vector<512xi32>
    %eq3A_2967 = arith.cmpi eq, %convert_element_type3A_2254, %eq3A_2966 : vector<512xi32>
    %jit3A_2968 = arith.constant 0.000000e+00 : f32
    %broadcast_in_dim3A_2969 = vector.broadcast %jit3A_2968 : f32 to vector<512xf32>
    %select_n3A_2970 = arith.select %eq3A_2967, %reduce_sum3A_2622, %broadcast_in_dim3A_2969 : vector<512xi1>, vector<512xf32>
    %add3A_2971 = arith.addf %add3A_2953, %select_n3A_2970 : vector<512xf32>
    %abs3A_2972 = math.absf %reduce_sum3A_2633 : vector<512xf32>
    %neg3A_2973 = arith.constant 0.000000e+00 : f32
    %neg3A_2974 = vector.broadcast %neg3A_2973 : f32 to vector<512xf32>
    %neg3A_2975 = arith.subf %neg3A_2974, %abs3A_2972 : vector<512xf32>
    %exp3A_2976 = math.exp %neg3A_2975 : vector<512xf32>
    %log1p3A_2977 = math.log1p %exp3A_2976 : vector<512xf32>
    %max3A_2978 = arith.constant 0.000000e+00 : f32
    %max3A_2979 = vector.broadcast %max3A_2978 : f32 to vector<512xf32>
    %max3A_2980 = arith.maximumf %reduce_sum3A_2633, %max3A_2979 : vector<512xf32>
    %add3A_2981 = arith.addf %log1p3A_2977, %max3A_2980 : vector<512xf32>
    %add3A_2982 = arith.addf %add3A_2964, %add3A_2981 : vector<512xf32>
    %eq3A_2983 = arith.constant 10 : i32
    %eq3A_2984 = vector.broadcast %eq3A_2983 : i32 to vector<512xi32>
    %eq3A_2985 = arith.cmpi eq, %convert_element_type3A_2254, %eq3A_2984 : vector<512xi32>
    %jit3A_2986 = arith.constant 0.000000e+00 : f32
    %broadcast_in_dim3A_2987 = vector.broadcast %jit3A_2986 : f32 to vector<512xf32>
    %select_n3A_2988 = arith.select %eq3A_2985, %reduce_sum3A_2633, %broadcast_in_dim3A_2987 : vector<512xi1>, vector<512xf32>
    %add3A_2989 = arith.addf %add3A_2971, %select_n3A_2988 : vector<512xf32>
    %abs3A_2990 = math.absf %reduce_sum3A_2644 : vector<512xf32>
    %neg3A_2991 = arith.constant 0.000000e+00 : f32
    %neg3A_2992 = vector.broadcast %neg3A_2991 : f32 to vector<512xf32>
    %neg3A_2993 = arith.subf %neg3A_2992, %abs3A_2990 : vector<512xf32>
    %exp3A_2994 = math.exp %neg3A_2993 : vector<512xf32>
    %log1p3A_2995 = math.log1p %exp3A_2994 : vector<512xf32>
    %max3A_2996 = arith.constant 0.000000e+00 : f32
    %max3A_2997 = vector.broadcast %max3A_2996 : f32 to vector<512xf32>
    %max3A_2998 = arith.maximumf %reduce_sum3A_2644, %max3A_2997 : vector<512xf32>
    %add3A_2999 = arith.addf %log1p3A_2995, %max3A_2998 : vector<512xf32>
    %add3A_3000 = arith.addf %add3A_2982, %add3A_2999 : vector<512xf32>
    %eq3A_3001 = arith.constant 11 : i32
    %eq3A_3002 = vector.broadcast %eq3A_3001 : i32 to vector<512xi32>
    %eq3A_3003 = arith.cmpi eq, %convert_element_type3A_2254, %eq3A_3002 : vector<512xi32>
    %jit3A_3004 = arith.constant 0.000000e+00 : f32
    %broadcast_in_dim3A_3005 = vector.broadcast %jit3A_3004 : f32 to vector<512xf32>
    %select_n3A_3006 = arith.select %eq3A_3003, %reduce_sum3A_2644, %broadcast_in_dim3A_3005 : vector<512xi1>, vector<512xf32>
    %add3A_3007 = arith.addf %add3A_2989, %select_n3A_3006 : vector<512xf32>
    %abs3A_3008 = math.absf %reduce_sum3A_2655 : vector<512xf32>
    %neg3A_3009 = arith.constant 0.000000e+00 : f32
    %neg3A_3010 = vector.broadcast %neg3A_3009 : f32 to vector<512xf32>
    %neg3A_3011 = arith.subf %neg3A_3010, %abs3A_3008 : vector<512xf32>
    %exp3A_3012 = math.exp %neg3A_3011 : vector<512xf32>
    %log1p3A_3013 = math.log1p %exp3A_3012 : vector<512xf32>
    %max3A_3014 = arith.constant 0.000000e+00 : f32
    %max3A_3015 = vector.broadcast %max3A_3014 : f32 to vector<512xf32>
    %max3A_3016 = arith.maximumf %reduce_sum3A_2655, %max3A_3015 : vector<512xf32>
    %add3A_3017 = arith.addf %log1p3A_3013, %max3A_3016 : vector<512xf32>
    %add3A_3018 = arith.addf %add3A_3000, %add3A_3017 : vector<512xf32>
    %eq3A_3019 = arith.constant 12 : i32
    %eq3A_3020 = vector.broadcast %eq3A_3019 : i32 to vector<512xi32>
    %eq3A_3021 = arith.cmpi eq, %convert_element_type3A_2254, %eq3A_3020 : vector<512xi32>
    %jit3A_3022 = arith.constant 0.000000e+00 : f32
    %broadcast_in_dim3A_3023 = vector.broadcast %jit3A_3022 : f32 to vector<512xf32>
    %select_n3A_3024 = arith.select %eq3A_3021, %reduce_sum3A_2655, %broadcast_in_dim3A_3023 : vector<512xi1>, vector<512xf32>
    %add3A_3025 = arith.addf %add3A_3007, %select_n3A_3024 : vector<512xf32>
    %abs3A_3026 = math.absf %reduce_sum3A_2666 : vector<512xf32>
    %neg3A_3027 = arith.constant 0.000000e+00 : f32
    %neg3A_3028 = vector.broadcast %neg3A_3027 : f32 to vector<512xf32>
    %neg3A_3029 = arith.subf %neg3A_3028, %abs3A_3026 : vector<512xf32>
    %exp3A_3030 = math.exp %neg3A_3029 : vector<512xf32>
    %log1p3A_3031 = math.log1p %exp3A_3030 : vector<512xf32>
    %max3A_3032 = arith.constant 0.000000e+00 : f32
    %max3A_3033 = vector.broadcast %max3A_3032 : f32 to vector<512xf32>
    %max3A_3034 = arith.maximumf %reduce_sum3A_2666, %max3A_3033 : vector<512xf32>
    %add3A_3035 = arith.addf %log1p3A_3031, %max3A_3034 : vector<512xf32>
    %add3A_3036 = arith.addf %add3A_3018, %add3A_3035 : vector<512xf32>
    %eq3A_3037 = arith.constant 13 : i32
    %eq3A_3038 = vector.broadcast %eq3A_3037 : i32 to vector<512xi32>
    %eq3A_3039 = arith.cmpi eq, %convert_element_type3A_2254, %eq3A_3038 : vector<512xi32>
    %jit3A_3040 = arith.constant 0.000000e+00 : f32
    %broadcast_in_dim3A_3041 = vector.broadcast %jit3A_3040 : f32 to vector<512xf32>
    %select_n3A_3042 = arith.select %eq3A_3039, %reduce_sum3A_2666, %broadcast_in_dim3A_3041 : vector<512xi1>, vector<512xf32>
    %add3A_3043 = arith.addf %add3A_3025, %select_n3A_3042 : vector<512xf32>
    %abs3A_3044 = math.absf %reduce_sum3A_2677 : vector<512xf32>
    %neg3A_3045 = arith.constant 0.000000e+00 : f32
    %neg3A_3046 = vector.broadcast %neg3A_3045 : f32 to vector<512xf32>
    %neg3A_3047 = arith.subf %neg3A_3046, %abs3A_3044 : vector<512xf32>
    %exp3A_3048 = math.exp %neg3A_3047 : vector<512xf32>
    %log1p3A_3049 = math.log1p %exp3A_3048 : vector<512xf32>
    %max3A_3050 = arith.constant 0.000000e+00 : f32
    %max3A_3051 = vector.broadcast %max3A_3050 : f32 to vector<512xf32>
    %max3A_3052 = arith.maximumf %reduce_sum3A_2677, %max3A_3051 : vector<512xf32>
    %add3A_3053 = arith.addf %log1p3A_3049, %max3A_3052 : vector<512xf32>
    %add3A_3054 = arith.addf %add3A_3036, %add3A_3053 : vector<512xf32>
    %eq3A_3055 = arith.constant 14 : i32
    %eq3A_3056 = vector.broadcast %eq3A_3055 : i32 to vector<512xi32>
    %eq3A_3057 = arith.cmpi eq, %convert_element_type3A_2254, %eq3A_3056 : vector<512xi32>
    %jit3A_3058 = arith.constant 0.000000e+00 : f32
    %broadcast_in_dim3A_3059 = vector.broadcast %jit3A_3058 : f32 to vector<512xf32>
    %select_n3A_3060 = arith.select %eq3A_3057, %reduce_sum3A_2677, %broadcast_in_dim3A_3059 : vector<512xi1>, vector<512xf32>
    %add3A_3061 = arith.addf %add3A_3043, %select_n3A_3060 : vector<512xf32>
    %abs3A_3062 = math.absf %reduce_sum3A_2688 : vector<512xf32>
    %neg3A_3063 = arith.constant 0.000000e+00 : f32
    %neg3A_3064 = vector.broadcast %neg3A_3063 : f32 to vector<512xf32>
    %neg3A_3065 = arith.subf %neg3A_3064, %abs3A_3062 : vector<512xf32>
    %exp3A_3066 = math.exp %neg3A_3065 : vector<512xf32>
    %log1p3A_3067 = math.log1p %exp3A_3066 : vector<512xf32>
    %max3A_3068 = arith.constant 0.000000e+00 : f32
    %max3A_3069 = vector.broadcast %max3A_3068 : f32 to vector<512xf32>
    %max3A_3070 = arith.maximumf %reduce_sum3A_2688, %max3A_3069 : vector<512xf32>
    %add3A_3071 = arith.addf %log1p3A_3067, %max3A_3070 : vector<512xf32>
    %add3A_3072 = arith.addf %add3A_3054, %add3A_3071 : vector<512xf32>
    %eq3A_3073 = arith.constant 15 : i32
    %eq3A_3074 = vector.broadcast %eq3A_3073 : i32 to vector<512xi32>
    %eq3A_3075 = arith.cmpi eq, %convert_element_type3A_2254, %eq3A_3074 : vector<512xi32>
    %jit3A_3076 = arith.constant 0.000000e+00 : f32
    %broadcast_in_dim3A_3077 = vector.broadcast %jit3A_3076 : f32 to vector<512xf32>
    %select_n3A_3078 = arith.select %eq3A_3075, %reduce_sum3A_2688, %broadcast_in_dim3A_3077 : vector<512xi1>, vector<512xf32>
    %add3A_3079 = arith.addf %add3A_3061, %select_n3A_3078 : vector<512xf32>
    %abs3A_3080 = math.absf %reduce_sum3A_2699 : vector<512xf32>
    %neg3A_3081 = arith.constant 0.000000e+00 : f32
    %neg3A_3082 = vector.broadcast %neg3A_3081 : f32 to vector<512xf32>
    %neg3A_3083 = arith.subf %neg3A_3082, %abs3A_3080 : vector<512xf32>
    %exp3A_3084 = math.exp %neg3A_3083 : vector<512xf32>
    %log1p3A_3085 = math.log1p %exp3A_3084 : vector<512xf32>
    %max3A_3086 = arith.constant 0.000000e+00 : f32
    %max3A_3087 = vector.broadcast %max3A_3086 : f32 to vector<512xf32>
    %max3A_3088 = arith.maximumf %reduce_sum3A_2699, %max3A_3087 : vector<512xf32>
    %add3A_3089 = arith.addf %log1p3A_3085, %max3A_3088 : vector<512xf32>
    %add3A_3090 = arith.addf %add3A_3072, %add3A_3089 : vector<512xf32>
    %eq3A_3091 = arith.constant 16 : i32
    %eq3A_3092 = vector.broadcast %eq3A_3091 : i32 to vector<512xi32>
    %eq3A_3093 = arith.cmpi eq, %convert_element_type3A_2254, %eq3A_3092 : vector<512xi32>
    %jit3A_3094 = arith.constant 0.000000e+00 : f32
    %broadcast_in_dim3A_3095 = vector.broadcast %jit3A_3094 : f32 to vector<512xf32>
    %select_n3A_3096 = arith.select %eq3A_3093, %reduce_sum3A_2699, %broadcast_in_dim3A_3095 : vector<512xi1>, vector<512xf32>
    %add3A_3097 = arith.addf %add3A_3079, %select_n3A_3096 : vector<512xf32>
    %abs3A_3098 = math.absf %reduce_sum3A_2710 : vector<512xf32>
    %neg3A_3099 = arith.constant 0.000000e+00 : f32
    %neg3A_3100 = vector.broadcast %neg3A_3099 : f32 to vector<512xf32>
    %neg3A_3101 = arith.subf %neg3A_3100, %abs3A_3098 : vector<512xf32>
    %exp3A_3102 = math.exp %neg3A_3101 : vector<512xf32>
    %log1p3A_3103 = math.log1p %exp3A_3102 : vector<512xf32>
    %max3A_3104 = arith.constant 0.000000e+00 : f32
    %max3A_3105 = vector.broadcast %max3A_3104 : f32 to vector<512xf32>
    %max3A_3106 = arith.maximumf %reduce_sum3A_2710, %max3A_3105 : vector<512xf32>
    %add3A_3107 = arith.addf %log1p3A_3103, %max3A_3106 : vector<512xf32>
    %add3A_3108 = arith.addf %add3A_3090, %add3A_3107 : vector<512xf32>
    %eq3A_3109 = arith.constant 17 : i32
    %eq3A_3110 = vector.broadcast %eq3A_3109 : i32 to vector<512xi32>
    %eq3A_3111 = arith.cmpi eq, %convert_element_type3A_2254, %eq3A_3110 : vector<512xi32>
    %jit3A_3112 = arith.constant 0.000000e+00 : f32
    %broadcast_in_dim3A_3113 = vector.broadcast %jit3A_3112 : f32 to vector<512xf32>
    %select_n3A_3114 = arith.select %eq3A_3111, %reduce_sum3A_2710, %broadcast_in_dim3A_3113 : vector<512xi1>, vector<512xf32>
    %add3A_3115 = arith.addf %add3A_3097, %select_n3A_3114 : vector<512xf32>
    %abs3A_3116 = math.absf %reduce_sum3A_2721 : vector<512xf32>
    %neg3A_3117 = arith.constant 0.000000e+00 : f32
    %neg3A_3118 = vector.broadcast %neg3A_3117 : f32 to vector<512xf32>
    %neg3A_3119 = arith.subf %neg3A_3118, %abs3A_3116 : vector<512xf32>
    %exp3A_3120 = math.exp %neg3A_3119 : vector<512xf32>
    %log1p3A_3121 = math.log1p %exp3A_3120 : vector<512xf32>
    %max3A_3122 = arith.constant 0.000000e+00 : f32
    %max3A_3123 = vector.broadcast %max3A_3122 : f32 to vector<512xf32>
    %max3A_3124 = arith.maximumf %reduce_sum3A_2721, %max3A_3123 : vector<512xf32>
    %add3A_3125 = arith.addf %log1p3A_3121, %max3A_3124 : vector<512xf32>
    %add3A_3126 = arith.addf %add3A_3108, %add3A_3125 : vector<512xf32>
    %eq3A_3127 = arith.constant 18 : i32
    %eq3A_3128 = vector.broadcast %eq3A_3127 : i32 to vector<512xi32>
    %eq3A_3129 = arith.cmpi eq, %convert_element_type3A_2254, %eq3A_3128 : vector<512xi32>
    %jit3A_3130 = arith.constant 0.000000e+00 : f32
    %broadcast_in_dim3A_3131 = vector.broadcast %jit3A_3130 : f32 to vector<512xf32>
    %select_n3A_3132 = arith.select %eq3A_3129, %reduce_sum3A_2721, %broadcast_in_dim3A_3131 : vector<512xi1>, vector<512xf32>
    %add3A_3133 = arith.addf %add3A_3115, %select_n3A_3132 : vector<512xf32>
    %abs3A_3134 = math.absf %reduce_sum3A_2732 : vector<512xf32>
    %neg3A_3135 = arith.constant 0.000000e+00 : f32
    %neg3A_3136 = vector.broadcast %neg3A_3135 : f32 to vector<512xf32>
    %neg3A_3137 = arith.subf %neg3A_3136, %abs3A_3134 : vector<512xf32>
    %exp3A_3138 = math.exp %neg3A_3137 : vector<512xf32>
    %log1p3A_3139 = math.log1p %exp3A_3138 : vector<512xf32>
    %max3A_3140 = arith.constant 0.000000e+00 : f32
    %max3A_3141 = vector.broadcast %max3A_3140 : f32 to vector<512xf32>
    %max3A_3142 = arith.maximumf %reduce_sum3A_2732, %max3A_3141 : vector<512xf32>
    %add3A_3143 = arith.addf %log1p3A_3139, %max3A_3142 : vector<512xf32>
    %add3A_3144 = arith.addf %add3A_3126, %add3A_3143 : vector<512xf32>
    %eq3A_3145 = arith.constant 19 : i32
    %eq3A_3146 = vector.broadcast %eq3A_3145 : i32 to vector<512xi32>
    %eq3A_3147 = arith.cmpi eq, %convert_element_type3A_2254, %eq3A_3146 : vector<512xi32>
    %jit3A_3148 = arith.constant 0.000000e+00 : f32
    %broadcast_in_dim3A_3149 = vector.broadcast %jit3A_3148 : f32 to vector<512xf32>
    %select_n3A_3150 = arith.select %eq3A_3147, %reduce_sum3A_2732, %broadcast_in_dim3A_3149 : vector<512xi1>, vector<512xf32>
    %add3A_3151 = arith.addf %add3A_3133, %select_n3A_3150 : vector<512xf32>
    %abs3A_3152 = math.absf %reduce_sum3A_2743 : vector<512xf32>
    %neg3A_3153 = arith.constant 0.000000e+00 : f32
    %neg3A_3154 = vector.broadcast %neg3A_3153 : f32 to vector<512xf32>
    %neg3A_3155 = arith.subf %neg3A_3154, %abs3A_3152 : vector<512xf32>
    %exp3A_3156 = math.exp %neg3A_3155 : vector<512xf32>
    %log1p3A_3157 = math.log1p %exp3A_3156 : vector<512xf32>
    %max3A_3158 = arith.constant 0.000000e+00 : f32
    %max3A_3159 = vector.broadcast %max3A_3158 : f32 to vector<512xf32>
    %max3A_3160 = arith.maximumf %reduce_sum3A_2743, %max3A_3159 : vector<512xf32>
    %add3A_3161 = arith.addf %log1p3A_3157, %max3A_3160 : vector<512xf32>
    %add3A_3162 = arith.addf %add3A_3144, %add3A_3161 : vector<512xf32>
    %eq3A_3163 = arith.constant 20 : i32
    %eq3A_3164 = vector.broadcast %eq3A_3163 : i32 to vector<512xi32>
    %eq3A_3165 = arith.cmpi eq, %convert_element_type3A_2254, %eq3A_3164 : vector<512xi32>
    %jit3A_3166 = arith.constant 0.000000e+00 : f32
    %broadcast_in_dim3A_3167 = vector.broadcast %jit3A_3166 : f32 to vector<512xf32>
    %select_n3A_3168 = arith.select %eq3A_3165, %reduce_sum3A_2743, %broadcast_in_dim3A_3167 : vector<512xi1>, vector<512xf32>
    %add3A_3169 = arith.addf %add3A_3151, %select_n3A_3168 : vector<512xf32>
    %abs3A_3170 = math.absf %reduce_sum3A_2754 : vector<512xf32>
    %neg3A_3171 = arith.constant 0.000000e+00 : f32
    %neg3A_3172 = vector.broadcast %neg3A_3171 : f32 to vector<512xf32>
    %neg3A_3173 = arith.subf %neg3A_3172, %abs3A_3170 : vector<512xf32>
    %exp3A_3174 = math.exp %neg3A_3173 : vector<512xf32>
    %log1p3A_3175 = math.log1p %exp3A_3174 : vector<512xf32>
    %max3A_3176 = arith.constant 0.000000e+00 : f32
    %max3A_3177 = vector.broadcast %max3A_3176 : f32 to vector<512xf32>
    %max3A_3178 = arith.maximumf %reduce_sum3A_2754, %max3A_3177 : vector<512xf32>
    %add3A_3179 = arith.addf %log1p3A_3175, %max3A_3178 : vector<512xf32>
    %add3A_3180 = arith.addf %add3A_3162, %add3A_3179 : vector<512xf32>
    %eq3A_3181 = arith.constant 21 : i32
    %eq3A_3182 = vector.broadcast %eq3A_3181 : i32 to vector<512xi32>
    %eq3A_3183 = arith.cmpi eq, %convert_element_type3A_2254, %eq3A_3182 : vector<512xi32>
    %jit3A_3184 = arith.constant 0.000000e+00 : f32
    %broadcast_in_dim3A_3185 = vector.broadcast %jit3A_3184 : f32 to vector<512xf32>
    %select_n3A_3186 = arith.select %eq3A_3183, %reduce_sum3A_2754, %broadcast_in_dim3A_3185 : vector<512xi1>, vector<512xf32>
    %add3A_3187 = arith.addf %add3A_3169, %select_n3A_3186 : vector<512xf32>
    %abs3A_3188 = math.absf %reduce_sum3A_2765 : vector<512xf32>
    %neg3A_3189 = arith.constant 0.000000e+00 : f32
    %neg3A_3190 = vector.broadcast %neg3A_3189 : f32 to vector<512xf32>
    %neg3A_3191 = arith.subf %neg3A_3190, %abs3A_3188 : vector<512xf32>
    %exp3A_3192 = math.exp %neg3A_3191 : vector<512xf32>
    %log1p3A_3193 = math.log1p %exp3A_3192 : vector<512xf32>
    %max3A_3194 = arith.constant 0.000000e+00 : f32
    %max3A_3195 = vector.broadcast %max3A_3194 : f32 to vector<512xf32>
    %max3A_3196 = arith.maximumf %reduce_sum3A_2765, %max3A_3195 : vector<512xf32>
    %add3A_3197 = arith.addf %log1p3A_3193, %max3A_3196 : vector<512xf32>
    %add3A_3198 = arith.addf %add3A_3180, %add3A_3197 : vector<512xf32>
    %eq3A_3199 = arith.constant 22 : i32
    %eq3A_3200 = vector.broadcast %eq3A_3199 : i32 to vector<512xi32>
    %eq3A_3201 = arith.cmpi eq, %convert_element_type3A_2254, %eq3A_3200 : vector<512xi32>
    %jit3A_3202 = arith.constant 0.000000e+00 : f32
    %broadcast_in_dim3A_3203 = vector.broadcast %jit3A_3202 : f32 to vector<512xf32>
    %select_n3A_3204 = arith.select %eq3A_3201, %reduce_sum3A_2765, %broadcast_in_dim3A_3203 : vector<512xi1>, vector<512xf32>
    %add3A_3205 = arith.addf %add3A_3187, %select_n3A_3204 : vector<512xf32>
    %abs3A_3206 = math.absf %reduce_sum3A_2776 : vector<512xf32>
    %neg3A_3207 = arith.constant 0.000000e+00 : f32
    %neg3A_3208 = vector.broadcast %neg3A_3207 : f32 to vector<512xf32>
    %neg3A_3209 = arith.subf %neg3A_3208, %abs3A_3206 : vector<512xf32>
    %exp3A_3210 = math.exp %neg3A_3209 : vector<512xf32>
    %log1p3A_3211 = math.log1p %exp3A_3210 : vector<512xf32>
    %max3A_3212 = arith.constant 0.000000e+00 : f32
    %max3A_3213 = vector.broadcast %max3A_3212 : f32 to vector<512xf32>
    %max3A_3214 = arith.maximumf %reduce_sum3A_2776, %max3A_3213 : vector<512xf32>
    %add3A_3215 = arith.addf %log1p3A_3211, %max3A_3214 : vector<512xf32>
    %add3A_3216 = arith.addf %add3A_3198, %add3A_3215 : vector<512xf32>
    %eq3A_3217 = arith.constant 23 : i32
    %eq3A_3218 = vector.broadcast %eq3A_3217 : i32 to vector<512xi32>
    %eq3A_3219 = arith.cmpi eq, %convert_element_type3A_2254, %eq3A_3218 : vector<512xi32>
    %jit3A_3220 = arith.constant 0.000000e+00 : f32
    %broadcast_in_dim3A_3221 = vector.broadcast %jit3A_3220 : f32 to vector<512xf32>
    %select_n3A_3222 = arith.select %eq3A_3219, %reduce_sum3A_2776, %broadcast_in_dim3A_3221 : vector<512xi1>, vector<512xf32>
    %add3A_3223 = arith.addf %add3A_3205, %select_n3A_3222 : vector<512xf32>
    %abs3A_3224 = math.absf %reduce_sum3A_2787 : vector<512xf32>
    %neg3A_3225 = arith.constant 0.000000e+00 : f32
    %neg3A_3226 = vector.broadcast %neg3A_3225 : f32 to vector<512xf32>
    %neg3A_3227 = arith.subf %neg3A_3226, %abs3A_3224 : vector<512xf32>
    %exp3A_3228 = math.exp %neg3A_3227 : vector<512xf32>
    %log1p3A_3229 = math.log1p %exp3A_3228 : vector<512xf32>
    %max3A_3230 = arith.constant 0.000000e+00 : f32
    %max3A_3231 = vector.broadcast %max3A_3230 : f32 to vector<512xf32>
    %max3A_3232 = arith.maximumf %reduce_sum3A_2787, %max3A_3231 : vector<512xf32>
    %add3A_3233 = arith.addf %log1p3A_3229, %max3A_3232 : vector<512xf32>
    %add3A_3234 = arith.addf %add3A_3216, %add3A_3233 : vector<512xf32>
    %eq3A_3235 = arith.constant 24 : i32
    %eq3A_3236 = vector.broadcast %eq3A_3235 : i32 to vector<512xi32>
    %eq3A_3237 = arith.cmpi eq, %convert_element_type3A_2254, %eq3A_3236 : vector<512xi32>
    %jit3A_3238 = arith.constant 0.000000e+00 : f32
    %broadcast_in_dim3A_3239 = vector.broadcast %jit3A_3238 : f32 to vector<512xf32>
    %select_n3A_3240 = arith.select %eq3A_3237, %reduce_sum3A_2787, %broadcast_in_dim3A_3239 : vector<512xi1>, vector<512xf32>
    %add3A_3241 = arith.addf %add3A_3223, %select_n3A_3240 : vector<512xf32>
    %neg3A_3242 = arith.constant 0.000000e+00 : f32
    %neg3A_3243 = vector.broadcast %neg3A_3242 : f32 to vector<512xf32>
    %neg3A_3244 = arith.subf %neg3A_3243, %reduce_sum3A_2468 : vector<512xf32>
    %abs3A_3245 = math.absf %neg3A_3244 : vector<512xf32>
    %neg3A_3246 = arith.constant 0.000000e+00 : f32
    %neg3A_3247 = vector.broadcast %neg3A_3246 : f32 to vector<512xf32>
    %neg3A_3248 = arith.subf %neg3A_3247, %abs3A_3245 : vector<512xf32>
    %exp3A_3249 = math.exp %neg3A_3248 : vector<512xf32>
    %log1p3A_3250 = math.log1p %exp3A_3249 : vector<512xf32>
    %max3A_3251 = arith.constant 0.000000e+00 : f32
    %max3A_3252 = vector.broadcast %max3A_3251 : f32 to vector<512xf32>
    %max3A_3253 = arith.maximumf %neg3A_3244, %max3A_3252 : vector<512xf32>
    %add3A_3254 = arith.addf %log1p3A_3250, %max3A_3253 : vector<512xf32>
    %mul3A_3255 = arith.mulf %sub3A_2438, %add3A_3254 : vector<512xf32>
    %sub3A_3256 = arith.constant 1.000000e+00 : f32
    %sub3A_3257 = vector.broadcast %sub3A_3256 : f32 to vector<512xf32>
    %sub3A_3258 = arith.subf %sub3A_3257, %sub3A_2438 : vector<512xf32>
    %abs3A_3259 = math.absf %reduce_sum3A_2468 : vector<512xf32>
    %neg3A_3260 = arith.constant 0.000000e+00 : f32
    %neg3A_3261 = vector.broadcast %neg3A_3260 : f32 to vector<512xf32>
    %neg3A_3262 = arith.subf %neg3A_3261, %abs3A_3259 : vector<512xf32>
    %exp3A_3263 = math.exp %neg3A_3262 : vector<512xf32>
    %log1p3A_3264 = math.log1p %exp3A_3263 : vector<512xf32>
    %max3A_3265 = arith.constant 0.000000e+00 : f32
    %max3A_3266 = vector.broadcast %max3A_3265 : f32 to vector<512xf32>
    %max3A_3267 = arith.maximumf %reduce_sum3A_2468, %max3A_3266 : vector<512xf32>
    %add3A_3268 = arith.addf %log1p3A_3264, %max3A_3267 : vector<512xf32>
    %mul3A_3269 = arith.mulf %sub3A_3258, %add3A_3268 : vector<512xf32>
    %add3A_3270 = arith.addf %mul3A_3255, %mul3A_3269 : vector<512xf32>
    %neg3A_3271 = arith.constant 0.000000e+00 : f32
    %neg3A_3272 = vector.broadcast %neg3A_3271 : f32 to vector<512xf32>
    %neg3A_3273 = arith.subf %neg3A_3272, %reduce_sum3A_2479 : vector<512xf32>
    %abs3A_3274 = math.absf %neg3A_3273 : vector<512xf32>
    %neg3A_3275 = arith.constant 0.000000e+00 : f32
    %neg3A_3276 = vector.broadcast %neg3A_3275 : f32 to vector<512xf32>
    %neg3A_3277 = arith.subf %neg3A_3276, %abs3A_3274 : vector<512xf32>
    %exp3A_3278 = math.exp %neg3A_3277 : vector<512xf32>
    %log1p3A_3279 = math.log1p %exp3A_3278 : vector<512xf32>
    %max3A_3280 = arith.constant 0.000000e+00 : f32
    %max3A_3281 = vector.broadcast %max3A_3280 : f32 to vector<512xf32>
    %max3A_3282 = arith.maximumf %neg3A_3273, %max3A_3281 : vector<512xf32>
    %add3A_3283 = arith.addf %log1p3A_3279, %max3A_3282 : vector<512xf32>
    %mul3A_3284 = arith.mulf %sub3A_2440, %add3A_3283 : vector<512xf32>
    %sub3A_3285 = arith.constant 1.000000e+00 : f32
    %sub3A_3286 = vector.broadcast %sub3A_3285 : f32 to vector<512xf32>
    %sub3A_3287 = arith.subf %sub3A_3286, %sub3A_2440 : vector<512xf32>
    %abs3A_3288 = math.absf %reduce_sum3A_2479 : vector<512xf32>
    %neg3A_3289 = arith.constant 0.000000e+00 : f32
    %neg3A_3290 = vector.broadcast %neg3A_3289 : f32 to vector<512xf32>
    %neg3A_3291 = arith.subf %neg3A_3290, %abs3A_3288 : vector<512xf32>
    %exp3A_3292 = math.exp %neg3A_3291 : vector<512xf32>
    %log1p3A_3293 = math.log1p %exp3A_3292 : vector<512xf32>
    %max3A_3294 = arith.constant 0.000000e+00 : f32
    %max3A_3295 = vector.broadcast %max3A_3294 : f32 to vector<512xf32>
    %max3A_3296 = arith.maximumf %reduce_sum3A_2479, %max3A_3295 : vector<512xf32>
    %add3A_3297 = arith.addf %log1p3A_3293, %max3A_3296 : vector<512xf32>
    %mul3A_3298 = arith.mulf %sub3A_3287, %add3A_3297 : vector<512xf32>
    %add3A_3299 = arith.addf %mul3A_3284, %mul3A_3298 : vector<512xf32>
    %add3A_3300 = arith.addf %add3A_3270, %add3A_3299 : vector<512xf32>
    %sub3A_3301 = arith.subf %reduce_sum3A_2490, %log3A_2445 : vector<512xf32>
    %integer_pow3A_3302 = arith.mulf %sub3A_3301, %sub3A_3301 : vector<512xf32>
    %add3A_3303 = arith.addf %add3A_3300, %integer_pow3A_3302 : vector<512xf32>
    %sub3A_3304 = arith.subf %reduce_sum3A_2501, %log3A_2450 : vector<512xf32>
    %integer_pow3A_3305 = arith.mulf %sub3A_3304, %sub3A_3304 : vector<512xf32>
    %add3A_3306 = arith.addf %add3A_3303, %integer_pow3A_3305 : vector<512xf32>
    %mul3A_3307 = arith.constant 5.000000e+00 : f32
    %mul3A_3308 = vector.broadcast %mul3A_3307 : f32 to vector<512xf32>
    %mul3A_3309 = arith.mulf %mul3A_3308, %add3A_3306 : vector<512xf32>
    %neg3A_3310 = arith.constant 0.000000e+00 : f32
    %neg3A_3311 = vector.broadcast %neg3A_3310 : f32 to vector<512xf32>
    %neg3A_3312 = arith.subf %neg3A_3311, %reduce_sum3A_2512 : vector<512xf32>
    %abs3A_3313 = math.absf %neg3A_3312 : vector<512xf32>
    %neg3A_3314 = arith.constant 0.000000e+00 : f32
    %neg3A_3315 = vector.broadcast %neg3A_3314 : f32 to vector<512xf32>
    %neg3A_3316 = arith.subf %neg3A_3315, %abs3A_3313 : vector<512xf32>
    %exp3A_3317 = math.exp %neg3A_3316 : vector<512xf32>
    %log1p3A_3318 = math.log1p %exp3A_3317 : vector<512xf32>
    %max3A_3319 = arith.constant 0.000000e+00 : f32
    %max3A_3320 = vector.broadcast %max3A_3319 : f32 to vector<512xf32>
    %max3A_3321 = arith.maximumf %neg3A_3312, %max3A_3320 : vector<512xf32>
    %add3A_3322 = arith.addf %log1p3A_3318, %max3A_3321 : vector<512xf32>
    %add3A_3323 = arith.addf %mul3A_3309, %add3A_3322 : vector<512xf32>
    %abs3A_3324 = math.absf %reduce_sum3A_2512 : vector<512xf32>
    %neg3A_3325 = arith.constant 0.000000e+00 : f32
    %neg3A_3326 = vector.broadcast %neg3A_3325 : f32 to vector<512xf32>
    %neg3A_3327 = arith.subf %neg3A_3326, %abs3A_3324 : vector<512xf32>
    %exp3A_3328 = math.exp %neg3A_3327 : vector<512xf32>
    %log1p3A_3329 = math.log1p %exp3A_3328 : vector<512xf32>
    %max3A_3330 = arith.constant 0.000000e+00 : f32
    %max3A_3331 = vector.broadcast %max3A_3330 : f32 to vector<512xf32>
    %max3A_3332 = arith.maximumf %reduce_sum3A_2512, %max3A_3331 : vector<512xf32>
    %add3A_3333 = arith.addf %log1p3A_3329, %max3A_3332 : vector<512xf32>
    %mul3A_3334 = arith.constant 5.000000e-01 : f32
    %mul3A_3335 = vector.broadcast %mul3A_3334 : f32 to vector<512xf32>
    %mul3A_3336 = arith.mulf %mul3A_3335, %add3A_3333 : vector<512xf32>
    %sub3A_3337 = arith.subf %add3A_3323, %mul3A_3336 : vector<512xf32>
    %add3A_3338 = arith.addf %sub3A_3337, %add3A_3234 : vector<512xf32>
    %neg3A_3339 = arith.constant 0.000000e+00 : f32
    %neg3A_3340 = vector.broadcast %neg3A_3339 : f32 to vector<512xf32>
    %neg3A_3341 = arith.subf %neg3A_3340, %add3A_3241 : vector<512xf32>
    %abs3A_3342 = math.absf %neg3A_3341 : vector<512xf32>
    %neg3A_3343 = arith.constant 0.000000e+00 : f32
    %neg3A_3344 = vector.broadcast %neg3A_3343 : f32 to vector<512xf32>
    %neg3A_3345 = arith.subf %neg3A_3344, %abs3A_3342 : vector<512xf32>
    %exp3A_3346 = math.exp %neg3A_3345 : vector<512xf32>
    %log1p3A_3347 = math.log1p %exp3A_3346 : vector<512xf32>
    %max3A_3348 = arith.constant 0.000000e+00 : f32
    %max3A_3349 = vector.broadcast %max3A_3348 : f32 to vector<512xf32>
    %max3A_3350 = arith.maximumf %neg3A_3341, %max3A_3349 : vector<512xf32>
    %add3A_3351 = arith.addf %log1p3A_3347, %max3A_3350 : vector<512xf32>
    %abs3A_3352 = math.absf %add3A_3241 : vector<512xf32>
    %neg3A_3353 = arith.constant 0.000000e+00 : f32
    %neg3A_3354 = vector.broadcast %neg3A_3353 : f32 to vector<512xf32>
    %neg3A_3355 = arith.subf %neg3A_3354, %abs3A_3352 : vector<512xf32>
    %exp3A_3356 = math.exp %neg3A_3355 : vector<512xf32>
    %log1p3A_3357 = math.log1p %exp3A_3356 : vector<512xf32>
    %max3A_3358 = arith.constant 0.000000e+00 : f32
    %max3A_3359 = vector.broadcast %max3A_3358 : f32 to vector<512xf32>
    %max3A_3360 = arith.maximumf %add3A_3241, %max3A_3359 : vector<512xf32>
    %add3A_3361 = arith.addf %log1p3A_3357, %max3A_3360 : vector<512xf32>
    %sub3A_3362 = arith.subf %add3A_3351, %add3A_3361 : vector<512xf32>
    %jit3A_3363 = arith.constant 0.000000e+00 : f32
    %broadcast_in_dim3A_3364 = vector.broadcast %jit3A_3363 : f32 to vector<512xf32>
    %select_n3A_3365 = arith.select %not3A_2414, %add3A_3338, %broadcast_in_dim3A_3364 : vector<512xi1>, vector<512xf32>
    %reduce_sum3A_3366 = vector.shape_cast %select_n3A_3365 : vector<512xf32> to vector<1x512xf32>
    %reduce_sum3A_3367 = arith.constant dense<0.000000e+00> : vector<1xf32>
    %reduce_sum3A_3368 = vector.multi_reduction <add>, %reduce_sum3A_3366, %reduce_sum3A_3367 [1] : vector<1x512xf32> to vector<1xf32>
    %reduce_sum3A_3369 = vector.shape_cast %reduce_sum3A_3368 : vector<1xf32> to vector<1x1xf32>
    %reduce_sum3A_3370 = vector.extract %reduce_sum3A_3369[0, 0] : f32 from vector<1x1xf32>
    %jit3A_3371 = arith.constant 0.000000e+00 : f32
    %broadcast_in_dim3A_3372 = vector.broadcast %jit3A_3371 : f32 to vector<512xf32>
    %select_n3A_3373 = arith.select %not3A_2436, %sub3A_3362, %broadcast_in_dim3A_3372 : vector<512xi1>, vector<512xf32>
    %reduce_sum3A_3374 = vector.shape_cast %select_n3A_3373 : vector<512xf32> to vector<1x512xf32>
    %reduce_sum3A_3375 = arith.constant dense<0.000000e+00> : vector<1xf32>
    %reduce_sum3A_3376 = vector.multi_reduction <add>, %reduce_sum3A_3374, %reduce_sum3A_3375 [1] : vector<1x512xf32> to vector<1xf32>
    %reduce_sum3A_3377 = vector.shape_cast %reduce_sum3A_3376 : vector<1xf32> to vector<1x1xf32>
    %reduce_sum3A_3378 = vector.extract %reduce_sum3A_3377[0, 0] : f32 from vector<1x1xf32>
    %add3A_3379 = arith.addf %reduce_sum3A_3370, %reduce_sum3A_3378 : f32
    %add3A_3380 = arith.addf %add3A_2245, %add3A_3379 : f32
    %swap3A = arith.constant 0 : index
    %swap3A_3381 = arith.constant 0 : index
    %swap3A_3382 = memref.load %arg4[%swap3A, %swap3A_3381] : memref<1x1xf32, #tpu.memory_space<smem>>
    memref.store %add3A_3380, %arg4[%swap3A, %swap3A_3381] : memref<1x1xf32, #tpu.memory_space<smem>>
    return
  }
}

</mosaic_0001>

<sc_bundles>
// kernel: kernel.7.cloned.1.call-start
scs
__scs_entry_jumppad:
0x0: {  	(pc) =	sbr.rel $0x88, $3  }
0x1: {  	(tag) =	ssettag $0x0;
	lr =	simm.s32 $0x1  }
0x2: {  	[smem:$0x3F9D] =	sst lr;
	_ =	strace $0xD0000000  }
0x3: {  	_ = 	snop  }
0x4: {  	_ = 	snop  }
0x5: {  	_ = 	snop  }
0x6: {  	_ = 	snop  }
0x7: {  	_ = 	snop  }
__scs_overlays_trampoline_lowered:
0x8: {  	[smem:$0x3FAC] =	sst s0  }
0x9: {  	[smem:$0x3FAD] =	sst s1  }
0xa: {  	[smem:$0x3FAE] =	sst s2  }
0xb: {  	[smem:$0x3FAF] =	sst s3  }
0xc: {  	[smem:$0x3FB0] =	sst s4  }
0xd: {  	[smem:$0x3FB1] =	sst s5  }
0xe: {  	[smem:$0x3FB2] =	sst s6  }
0xf: {  	[smem:$0x3FB3] =	sst s7  }
0x10: {  	[smem:$0x3FB4] =	sst s8  }
0x11: {  	[smem:$0x3FB5] =	sst s9;
	s0 =	simm.s32 @!p0 $0x0  }
0x12: {  	s1 =	sld [smem:$0x3F9B];
	s0 =	simm.s32 @p0 $0x1  }
0x13: {  	[smem:$0x3FB6] =	sst s0;
	s0 =	simm.s32 @!p1 $0x0  }
0x14: {  	s2 =	sld [smem:$0x3F9A];
	s0 =	simm.s32 @p1 $0x1  }
0x15: {  	[smem:$0x3FB7] =	sst s0;
	s0 =	simm.s32 @!p2 $0x0  }
0x16: {  	s3 =	sld [smem:$0x3FDB];
	s0 =	simm.s32 @p2 $0x1  }
0x17: {  	s4 =	simm.s32 $0x1BF5;
	[smem:$0x3FB9] =	sst s0  }
0x18: {  	s0 =	sld [smem:$0x3F9C];
	_ =	swait.ge [sflag:s4], $0x0  }
0x19: {  	s7 =	sld [smem:$0x3F9D]  }
0x1a: {  	s8 =	sadd.s32 $0xFFFFE003, lr  }
0x1b: {  	s9 =	sadd.s32 $0xFFFFFEF7, lr;
	s5 =	simm.s32 $0xFFFFFFFF;
	p2 =	slt.u32 s8, $0xFFFFF086  }
0x1c: {  	p1 =	slt.u32 s9, $0xF7A;
	s5 =	simm.s32 @!p2 $0x0  }
0x1d: {  	s5 =	simm.s32 @p1 $0x1;
	p0 =	seq.s32 s7, s2  }
0x1e: {  	s7 =	smul.u32 @!p0 $0xF7A, s2;
	p2 =	seq.s32 @!p0 s5, $0x0  }
0x1f: {  	s9 =	smul.u32 $0xF7A, s1;
	s8 =	simm.s32 @!p0 $0x1BF5;
	p2 =	por !p2, p0  }
0x20: {  	[sflag:s8] =	ssyncset.s32 @!p0 $0xFFFFF086;
	s6 =	sadd.s32 @!p0 s3, s7;
	s7 =	simm.s32 @!p0 $0x108  }
0x21: {  	s3 =	sadd.s32 s3, s9;
	s6 =	sadd.s32 @!p0 $0x88, s6;
	s7 =	simm.s32 @p2 $0x1082  }
0x22: {  	[simem:s7], [sflag:s8] =	dma.local @!p0 [hbm:s6], $0xF7A  }
0x23: {  	s9 =	sor.u32 $0xD0000000, s2;
	s6 =	simm.s32 $0x108;
	_ =	swait.ge @!p0 [sflag:s8], $0x0  }
0x24: {  	s3 =	sadd.s32 $0x88, s3;
	s6 =	simm.s32 @!p1 $0x1082;
	[sflag:s4] =	ssyncset.s32 $0xFFFFF086  }
0x25: {  	[simem:s6], [sflag:s4] =	dma.local [hbm:s3], $0xF7A  }
0x26: {  	[smem:$0x3F9D] =	sst s1;
	(tag) =	ssettag s2;
	_ =	strace s9  }
0x27: {  	s1 =	sld [smem:$0x3FAD]  }
0x28: {  	s2 =	sld [smem:$0x3FAE]  }
0x29: {  	s4 =	sld [smem:$0x3FB0]  }
0x2a: {  	p0 =	seq.s32 s5, $0x0;
	s5 =	sld [smem:$0x3FB1]  }
0x2b: {  	s6 =	sld [smem:$0x3FB2]  }
0x2c: {  	s7 =	sld [smem:$0x3FB3]  }
0x2d: {  	s3 =	simm.s32 $0x108;
	s8 =	sld [smem:$0x3FB4]  }
0x2e: {  	s3 =	simm.s32 @!p0 $0x1082;
	s9 =	sld [smem:$0x3FB5]  }
0x2f: {  	lr =	sadd.s32 s0, s3;
	s0 =	sld [smem:$0x3FAC]  }
0x30: {  	s3 =	sld [smem:$0x3FAF]  }
0x31: {  	[smem:$0x3FB8] =	sst s10  }
0x32: {  	s10 =	sld [smem:$0x3FB6];
	_ =	sdelay $0x3  }
0x33: {  	p0 =	seq.s32 s10, $0x1;
	s10 =	sld [smem:$0x3FB8];
	_ =	sdelay $0x3  }
0x34: {  	[smem:$0x3FB8] =	sst s10  }
0x35: {  	s10 =	sld [smem:$0x3FB7];
	_ =	sdelay $0x3  }
0x36: {  	p1 =	seq.s32 s10, $0x1;
	s10 =	sld [smem:$0x3FB8];
	_ =	sdelay $0x3  }
0x37: {  	[smem:$0x3FB8] =	sst s10  }
0x38: {  	s10 =	sld [smem:$0x3FB9]  }
0x39: {  	_ = 	snop;
	(pc) =	sbr.ind lr, $3  }
0x3a: {  	_ = 	snop  }
0x3b: {  	_ = 	snop  }
0x3c: {  	p2 =	seq.s32 s10, $0x1;
	s10 =	sld [smem:$0x3FB8]  }
0x3d: {  	_ =	shalt  }
0x3e: {  	_ =	shalt  }
0x3f: {  	_ =	shalt  }
0x40: {  	_ =	shalt  }
0x41: {  	_ =	shalt  }
0x42: {  	_ =	shalt  }
0x43: {  	_ =	shalt  }
0x44: {  	_ =	shalt  }
0x45: {  	_ =	shalt  }
0x46: {  	_ =	shalt  }
0x47: {  	_ =	shalt  }
0x48: {  	_ =	shalt  }
0x49: {  	_ =	shalt  }
0x4a: {  	_ =	shalt  }
0x4b: {  	_ =	shalt  }
0x4c: {  	_ =	shalt  }
0x4d: {  	_ =	shalt  }
0x4e: {  	_ =	shalt  }
0x4f: {  	_ =	shalt  }
0x50: {  	_ =	shalt  }
0x51: {  	_ =	shalt  }
0x52: {  	_ =	shalt  }
0x53: {  	_ =	shalt  }
0x54: {  	_ =	shalt  }
0x55: {  	_ =	shalt  }
0x56: {  	_ =	shalt  }
0x57: {  	_ =	shalt  }
0x58: {  	_ =	shalt  }
0x59: {  	_ =	shalt  }
0x5a: {  	_ =	shalt  }
0x5b: {  	_ =	shalt  }
0x5c: {  	_ =	shalt  }
0x5d: {  	_ =	shalt  }
0x5e: {  	_ =	shalt  }
0x5f: {  	_ =	shalt  }
0x60: {  	_ =	shalt  }
0x61: {  	_ =	shalt  }
0x62: {  	_ =	shalt  }
0x63: {  	_ =	shalt  }
0x64: {  	_ =	shalt  }
0x65: {  	_ =	shalt  }
0x66: {  	_ =	shalt  }
0x67: {  	_ =	shalt  }
0x68: {  	_ =	shalt  }
0x69: {  	_ =	shalt  }
0x6a: {  	_ =	shalt  }
0x6b: {  	_ =	shalt  }
0x6c: {  	_ =	shalt  }
0x6d: {  	_ =	shalt  }
0x6e: {  	_ =	shalt  }
0x6f: {  	_ =	shalt  }
0x70: {  	_ =	shalt  }
0x71: {  	_ =	shalt  }
0x72: {  	_ =	shalt  }
0x73: {  	_ =	shalt  }
0x74: {  	_ =	shalt  }
0x75: {  	_ =	shalt  }
0x76: {  	_ =	shalt  }
0x77: {  	_ =	shalt  }
0x78: {  	_ =	shalt  }
0x79: {  	_ =	shalt  }
0x7a: {  	_ =	shalt  }
0x7b: {  	_ =	shalt  }
0x7c: {  	_ =	shalt  }
0x7d: {  	_ =	shalt  }
0x7e: {  	_ =	shalt  }
0x7f: {  	_ =	shalt  }
0x80: {  	_ =	shalt  }
0x81: {  	_ =	shalt  }
0x82: {  	_ =	shalt  }
0x83: {  	_ =	shalt  }
0x84: {  	_ =	shalt  }
0x85: {  	_ =	shalt  }
0x86: {  	_ =	shalt  }
0x87: {  	_ =	shalt  }
.Lfunc_end0:
.L_simem_size_0:
called_computation_lowered:
.L_overlay_start_0:
0x88: {  	s2 =	sld [smem:$0x3FD9]  }
0x89: {  	s3 =	sld [smem:$0x3FFE];
	_ =	sdelay $0x1  }
0x8a: {  	s1 =	srdreg.scid  }
0x8b: {  	s0 =	sand.u32 $0x1, s1  }
0x8c: {  	s17 =	sshll.u32 s0, $0xA;
	s2 =	sadd.s32 s3, s2  }
0x8d: {  	s2 =	sadd.s32 s2, s17  }
0x8e: {  	[smem:$0x3FC4] =	sst s2  }
0x8f: {  	_ = 	snop  }
0x90: {  	s2 =	sld [smem:$0x3FC6];
	(tm) =	ssettm $0x1  }
0x91: {  	s18 =	sld [smem:$0x3FFB];
	_ =	sdelay $0x3  }
0x92: {  	_ =	strace s18  }
0x93: {  	s3 =	sld [smem:$0x3FFC];
	_ =	sdelay $0x3  }
0x94: {  	_ =	strace s3  }
0x95: {  	s3 =	sld [smem:$0x3FFD];
	_ =	sdelay $0x3  }
0x96: {  	_ =	strace s3  }
0x97: {  	_ =	strace $0x8FFFFFFF  }
0x98: {  	s19 =	sld [smem:$0x3FDB];
	_ =	sdelay $0x1  }
0x99: {  	s4 =	simm.s32 $_scs_section_size  }
0x9a: {  	s5 =	simm.s32 $_size__tile_overlayer_lowered;
	s6 =	simm.s32 $_tile_overlayer_lowered  }
0x9b: {  	s22 =	simm.s32 $0x1BFF;
	s21 =	sshll.u32 s6, $0x1;
	s3 =	sadd.s32 s4, s19  }
0x9c: {  	s7 =	simm.s32 $0x0;
	s20 =	sshll.u32 s5, $0x1;
	s5 =	sadd.s32 s21, s3  }
0x9d: {  	[timem:s7], [sflag:s22] =	dma.local [hbm:s5], s20  }
0x9e: {  	_ =	swait.ge [sflag:s22], s20  }
0x9f: {  	s4 =	ssub.s32 $0x0, s20;
	[sflag:s22] =	ssyncset.done $0x0  }
0xa0: {  	[sflag:s22] =	ssyncadd.s32 s4;
	_ =	sdelay $0x1  }
0xa1: {  	s23 =	simm.s32 $0x1B8B  }
0xa2: {  	_ =	swait.ge [sflag:s23], $0x1  }
0xa3: {  	[sflag:s23] =	ssyncset.done $0x0  }
0xa4: {  	s25 =	simm.s32 $0x1B8E;
	s24 =	sld [smem:$0x3FFE];
	[sflag:s23] =	ssyncadd.s32 $0xFFFFFFFF  }
0xa5: {  	s26 =	simm.s32 $execute0_lowered;
	[smem:$0x3FD2] =	sst s25  }
0xa6: {  	s5 =	sshll.u32 s26, $0x1;
	_ =	strace $0x80000046;
	[dreg:$0x1] =	wrdreg $0xFFFFFFFF  }
0xa7: {  	s28 =	simm.s32 $_size_execute0_lowered;
	s3 =	sadd.s32 s3, s5;
	[dreg:$0x0] =	wrdreg $0x0  }
0xa8: {  	s5 =	sshll.u32 s28, $0x1;
	[dreg:$0x2] =	wrdreg s3  }
0xa9: {  	[dreg:$0x3] =	wrdreg s5  }
0xaa: {  	[dreg:$0x4] =	wrdreg $0xC0  }
0xab: {  	_ =	task [dreg:s7], $0x5FFFF  }
0xac: {  	[dreg:$0x1] =	wrdreg $0xFFFFFFFF  }
0xad: {  	[dreg:$0x0] =	wrdreg $0x60  }
0xae: {  	[dreg:$0x2] =	wrdreg s2  }
0xaf: {  	[dreg:$0x3] =	wrdreg s24  }
0xb0: {  	[dreg:$0x4] =	wrdreg $0x9  }
0xb1: {  	_ =	task.clear_ibuf [dreg:s7], $0x5FFFF;
	_ =	strace $0x90000046  }
0xb2: {  	s29 =	simm.s32 $0x9;
	_ =	strace $0x80000048  }
0xb3: {  	_ =	swait.ge [sflag:s29], $0x1  }
0xb4: {  	[sflag:s29] =	ssyncadd.s32 $0xFFFFFFFF  }
0xb5: {  	_ =	strace $0x90000048  }
0xb6: {  	_ =	sfence  }
0xb7: {  	s30 =	sld [smem:$0x0];
	_ =	sdelay $0x2  }
0xb8: {  	s31 =	sshll.u32 s1, $0xD;
	s1 =	sshrl.u32 s1, $0x2  }
0xb9: {  	s3 =	sand.u32 $0x4000, s31;
	s1 =	sadd.s32 s1, s30  }
0xba: {  	s0 =	sor.u32 s3, s0;
	s1 =	sshll.u32 s1, $0x11  }
0xbb: {  	s0 =	sor.u32 s1, s0  }
0xbc: {  	s0 =	sadd.s32 $0x8F2B, s0  }
0xbd: {  	[sflag:s0] =	ssyncadd.remote.s32 $0x1  }
0xbe: {  	_ =	sfence.sel $0xFFFF  }
0xbf: {  	[dreg:$0x0] =	wrdreg $0xFFFFFFFF;
	(pc) =	sbr.abs _section_cstart, $3  }
0xc0: {  	[dreg:$0x1] =	wrdreg $0xFFFFFFFF  }
0xc1: {  	_ =	task.clear_ibuf [dreg:s7], $0x2FFFF;
	_ =	strace $0x9FFFFFFF  }
0xc2: {  	(tm) =	ssettm $0x7FFFFFFF  }
0xc3: {  	_ =	shalt  }
tec
execute0_lowered:
.L_overlay_start_1:
0x0: {  	(tag) =	ssettag $0x1  }
0x1: {  	s1 =	srdreg.scid;
	s0 =	stileid.u32  }
0x2: {  	s24 =	sand.u32 $0x1, s1;
	s31 =	sshll.u32 s0, $0x1  }
0x3: {  	s3 =	rddreg [dreg:$0x0];
	s20 =	sor.u32 s24, s31  }
0x4: {  	s23 =	rddreg [dreg:$0x1];
	s5 =	sshll.u32 s0, $0x5;
	s4 =	sshll.u32 s20, $0x1  }
0x5: {  	s2 =	simm.s32 $0x0;
	s1 =	rddreg [dreg:$0x2];
	s4 =	sor.u32 s5, s4  }
0x6: {  	[smem:$0x7FF] =	sst s2;
	s4 =	sand.u32 $0x18E, s4  }
0x7: {  	_ =	strace $0x80000047;
	s4 =	sadd.s32 s3, s4;
	s3 =	simm.s32 $0x2  }
0x8: {  	[tilespmem:s2], [sflag:$0x2] =	stream.linear.gather [hbm4b:s4+s2], $0x10, $0x38;
	[tilespmem:$0x1480] =	vst v63  }
0x9: {  	_ =	swait.ge [sflag:s3], $0x10  }
0xa: {  	[sflag:s3] =	ssyncset.done $0x0  }
0xb: {  	s6 =	simm.s32 $0x80;
	s5 =	sadd.s32 $0x10, s4;
	[sflag:s3] =	ssyncadd.s32 $0xFFFFFFF0  }
0xc: {  	[tilespmem:s6], [sflag:$0x2] =	stream.linear.gather [hbm4b:s5+s2], $0x10, $0x38;
	[tilespmem:$0x1480] =	vst v63  }
0xd: {  	_ =	swait.ge [sflag:s3], $0x10  }
0xe: {  	[sflag:s3] =	ssyncset.done $0x0  }
0xf: {  	s8 =	simm.s32 $0x100;
	s7 =	sadd.s32 $0x20, s4;
	[sflag:s3] =	ssyncadd.s32 $0xFFFFFFF0  }
0x10: {  	[tilespmem:s8], [sflag:$0x2] =	stream.linear.gather [hbm4b:s7+s2], $0x10, $0x38;
	[tilespmem:$0x1480] =	vst v63  }
0x11: {  	_ =	swait.ge [sflag:s3], $0x10  }
0x12: {  	[sflag:s3] =	ssyncset.done $0x0  }
0x13: {  	s10 =	simm.s32 $0x180;
	s9 =	sadd.s32 $0x30, s4;
	[sflag:s3] =	ssyncadd.s32 $0xFFFFFFF0  }
0x14: {  	[tilespmem:s10], [sflag:$0x2] =	stream.linear.gather [hbm4b:s9+s2], $0x10, $0x38;
	[tilespmem:$0x1480] =	vst v63  }
0x15: {  	_ =	swait.ge [sflag:s3], $0x10  }
0x16: {  	[sflag:s3] =	ssyncset.done $0x0  }
0x17: {  	s12 =	simm.s32 $0x200;
	s11 =	sadd.s32 $0x40, s4;
	[sflag:s3] =	ssyncadd.s32 $0xFFFFFFF0  }
0x18: {  	[tilespmem:s12], [sflag:$0x2] =	stream.linear.gather [hbm4b:s11+s2], $0x10, $0x38;
	[tilespmem:$0x1480] =	vst v63  }
0x19: {  	_ =	swait.ge [sflag:s3], $0x10  }
0x1a: {  	[sflag:s3] =	ssyncset.done $0x0  }
0x1b: {  	s14 =	simm.s32 $0x280;
	s13 =	sadd.s32 $0x50, s4;
	[sflag:s3] =	ssyncadd.s32 $0xFFFFFFF0  }
0x1c: {  	[tilespmem:s14], [sflag:$0x2] =	stream.linear.gather [hbm4b:s13+s2], $0x10, $0x38;
	[tilespmem:$0x1480] =	vst v63  }
0x1d: {  	_ =	swait.ge [sflag:s3], $0x10  }
0x1e: {  	[sflag:s3] =	ssyncset.done $0x0  }
0x1f: {  	[sflag:s3] =	ssyncadd.s32 $0xFFFFFFF0  }
0x20: {  	v0 =	vld [tilespmem:$0x200]  }
0x21: {  	v1 =	vld [tilespmem:$0x280];
	_ =	sdelay $0x4  }
0x22: {  	v0 =	vmul.f32 $1.300000000e+01, v0;
	v1 =	vmul.f32 $1.300000000e+01, v1;
	_ =	sdelay $0x1  }
0x23: {  	v2 =	vmin.f32 v0, $8.923076630e+00;
	v3 =	vmul.f32 v1, v0  }
0x24: {  	v4 =	vmin.f32 v0, $1.200000000e+01;
	v0 =	vmin.f32 v0, $2.869230840e+01;
	v5 =	vmin.f32 v1, $1.523076920e+01  }
0x25: {  	v6 =	vmin.f32 v1, $6.923077110e+00;
	v4 =	vmul.f32 v5, v4;
	v33 =	vadd.f32 $1.827692260e+02, v3  }
0x26: {  	v1 =	vmin.f32 v1, $2.507692340e+01;
	v2 =	vmul.f32 v6, v2;
	v34 =	vadd.f32 $6.177514650e+01, v3  }
0x27: {  	v1 =	vmul.f32 v1, v0;
	v3 =	vadd.f32 $7.195148320e+02, v3;
	v0 =	vsub.f32 v33, v4  }
0x28: {  	v35 =	vsub.f32 v34, v2  }
0x29: {  	v3 =	vsub.f32 v3, v1;
	v0 =	vadd.f32 $9.999999710e-10, v0  }
0x2a: {  	v5 =	vadd.f32 $9.999999710e-10, v35  }
0x2b: {  	v3 =	vadd.f32 $9.999999710e-10, v3;
	(erf) = vrcp.f32 v0  }
0x2c: {  	v0 =	vld [tilespmem:$0x180];
	(erf) = vrcp.f32 v5  }
0x2d: {  	(erf) = vrcp.f32 v3  }
0x2e: {  	v36 =	vld [tilespmem:$0x100]  }
0x2f: {  	v3 =	vld [tilespmem:$0x0];
	_ =	sdelay $0x1  }
0x30: {  	v0 =	vmul.f32 $1.300000000e+01, v0;
	_ =	sdelay $0x2  }
0x31: {  	v5 =	vmul.f32 $1.300000000e+01, v36;
	v3 =	vtrunc.f32 v3;
	v37 =	vpop (erf)  }
0x32: {  	v7 =	vtrunc.f32 v0;
	v3 =	vcvt.f32.s32 v3;
	v0 =	vpop (erf)  }
0x33: {  	v4 =	vmul.f32 v37, v4;
	v2 =	vmul.f32 v0, v2;
	v38 =	vpop (erf)  }
0x34: {  	v39 =	vcvt.f32.s32 v7;
	v1 =	vmul.f32 v38, v1  }
0x35: {  	v0 =	vimm.s32 $0x0;
	vm0 =	vgt.f32 v4, v2;
	v2 =	vmax.f32 v2, v4  }
0x36: {  	v40 =	vsel vm0, $0x1, v0;
	vm5 =	vgt.f32 v1, v2;
	v1 =	vmul.u32 $0x3, v3  }
0x37: {  	v2 =	vsel vm5, $0x2, v40  }
0x38: {  	vm6 =	vgt.s32 v39, $0x0;
	v3 =	vtrunc.f32 v5;
	v1 =	vadd.s32 v1, v2  }
0x39: {  	v2 =	vcvt.f32.s32 v3;
	v3 =	vnsel vm6, $0x0, v39;
	v1 =	vmul.u32 $0xD, v1  }
0x3a: {  	v3 =	vmin.u32 v3, $0xC  }
0x3b: {  	vm7 =	vgt.s32 v2, $0x0;
	v1 =	vadd.s32 v3, v1  }
0x3c: {  	v2 =	vnsel vm7, $0x0, v2;
	v1 =	vmul.u32 $0xD, v1  }
0x3d: {  	v2 =	vmin.u32 v2, $0xC  }
0x3e: {  	v1 =	vadd.s32 v2, v1  }
0x3f: {  	v1 =	vmul.u32 $0x1E, v1;
	_ =	sdelay $0x1  }
0x40: {  	v2 =	vshrl.u32 v1, $0x7;
	v1 =	vadd.s32 $0x1C, v1  }
0x41: {  	s15 =	simm.s32 $0x20;
	s18 =	simm.s32 $0x400;
	v1 =	vshrl.u32 v1, $0x7;
	[tilespmem:$0x400] =	vst v2  }
0x42: {  	s16 =	simm.s32 $0x480;
	s17 =	simm.s32 $0x1;
	s19 =	sadd.s32 $0x9D400, s23;
	[tilespmem:$0x410] =	vst v1  }
0x43: {  	[tilespmem:s16], [sflag:$0x1] =	stream.indirect.gather [hbm4b:s19+s15], $0x80, s18, s15, $0xb8;
	[tilespmem:$0x1480] =	vst v63  }
0x44: {  	s20 =	sshll.u32 s20, $0x9;
	_ =	swait.ge [sflag:s17], $0x1000  }
0x45: {  	s25 =	sadd.s32 s20, s23;
	[sflag:s17] =	ssyncset.done $0x0  }
0x46: {  	s20 =	sadd.s32 $0xE05400, s25;
	[sflag:s17] =	ssyncadd.s32 $0xFFFFF000  }
0x47: {  	[hbm4b:s20+s2] =	stream.linear.scatter [tilespmem:s16], [sflag:$0x2], $0x1000, $0x38;
	[tilespmem:$0x1480] =	vst v63  }
0x48: {  	_ =	swait.ge [sflag:s3], $0x1000  }
0x49: {  	[sflag:s3] =	ssyncset.done $0x0  }
0x4a: {  	[sflag:s3] =	ssyncadd.s32 $0xFFFFF000  }
0x4b: {  	v1 =	vld [tilespmem:$0x200]  }
0x4c: {  	v2 =	vld [tilespmem:$0x280];
	_ =	sdelay $0x4  }
0x4d: {  	v1 =	vmul.f32 $2.600000000e+01, v1;
	v2 =	vmul.f32 $2.600000000e+01, v2;
	_ =	sdelay $0x1  }
0x4e: {  	v3 =	vmin.f32 v1, $1.153846140e+00;
	v41 =	vmul.f32 v2, v1  }
0x4f: {  	v42 =	vmin.f32 v2, $2.346153740e+00;
	v43 =	vmin.f32 v1, $2.384615420e+00;
	v44 =	vmin.f32 v2, $1.730769280e+00  }
0x50: {  	v1 =	vmin.f32 v1, $2.269230840e+00;
	v3 =	vmul.f32 v42, v3;
	v45 =	vadd.f32 $2.707100390e+00, v41  }
0x51: {  	v2 =	vmin.f32 v2, $4.576922890e+00;
	v6 =	vmul.f32 v44, v43;
	v46 =	vadd.f32 $4.127219200e+00, v41  }
0x52: {  	v1 =	vmul.f32 v2, v1;
	v4 =	vadd.f32 $1.038609500e+01, v41;
	v5 =	vsub.f32 v45, v3  }
0x53: {  	v2 =	vsub.f32 v46, v6  }
0x54: {  	v4 =	vsub.f32 v4, v1;
	v5 =	vadd.f32 $9.999999710e-10, v5  }
0x55: {  	v2 =	vadd.f32 $9.999999710e-10, v2  }
0x56: {  	v4 =	vadd.f32 $9.999999710e-10, v4;
	(erf) = vrcp.f32 v5  }
0x57: {  	(erf) = vrcp.f32 v2  }
0x58: {  	(erf) = vrcp.f32 v4  }
0x59: {  	v47 =	vld [tilespmem:$0x180]  }
0x5a: {  	v48 =	vld [tilespmem:$0x100]  }
0x5b: {  	v2 =	vld [tilespmem:$0x0];
	_ =	sdelay $0x2  }
0x5c: {  	v4 =	vmul.f32 $2.600000000e+01, v47  }
0x5d: {  	v5 =	vmul.f32 $2.600000000e+01, v48;
	v49 =	vpop (erf)  }
0x5e: {  	v4 =	vtrunc.f32 v4;
	v2 =	vtrunc.f32 v2;
	v8 =	vpop (erf)  }
0x5f: {  	v3 =	vmul.f32 v49, v3;
	v6 =	vmul.f32 v8, v6;
	v50 =	vpop (erf)  }
0x60: {  	v2 =	vcvt.f32.s32 v2;
	v1 =	vmul.f32 v50, v1  }
0x61: {  	v4 =	vcvt.f32.s32 v4;
	vm8 =	vgt.f32 v6, v3;
	v3 =	vmax.f32 v3, v6  }
0x62: {  	v51 =	vsel vm8, $0x1, v0;
	vm9 =	vgt.f32 v1, v3;
	v1 =	vmul.u32 $0x3, v2  }
0x63: {  	v2 =	vsel vm9, $0x2, v51  }
0x64: {  	vm10 =	vgt.s32 v4, $0x0;
	v3 =	vtrunc.f32 v5;
	v1 =	vadd.s32 v1, v2  }
0x65: {  	v2 =	vcvt.f32.s32 v3;
	v3 =	vnsel vm10, $0x0, v4;
	v1 =	vmul.u32 $0x1A, v1  }
0x66: {  	v3 =	vmin.u32 v3, $0x19  }
0x67: {  	vm11 =	vgt.s32 v2, $0x0;
	v1 =	vadd.s32 v3, v1  }
0x68: {  	v2 =	vnsel vm11, $0x0, v2;
	v1 =	vmul.u32 $0x1A, v1  }
0x69: {  	v2 =	vmin.u32 v2, $0x19  }
0x6a: {  	v1 =	vadd.s32 v2, v1  }
0x6b: {  	v1 =	vmul.u32 $0x1E, v1;
	_ =	sdelay $0x1  }
0x6c: {  	v2 =	vshrl.u32 v1, $0x7;
	v1 =	vadd.s32 $0x1C, v1  }
0x6d: {  	v1 =	vshrl.u32 v1, $0x7;
	[tilespmem:$0x400] =	vst v2  }
0x6e: {  	s21 =	sadd.s32 $0x32B000, s23;
	[tilespmem:$0x410] =	vst v1  }
0x6f: {  	[tilespmem:s16], [sflag:$0x1] =	stream.indirect.gather [hbm4b:s21+s15], $0x80, s18, s15, $0xb8;
	[tilespmem:$0x1480] =	vst v63  }
0x70: {  	_ =	swait.ge [sflag:s17], $0x1000  }
0x71: {  	[sflag:s17] =	ssyncset.done $0x0  }
0x72: {  	s22 =	sadd.s32 $0xE09400, s25;
	[sflag:s17] =	ssyncadd.s32 $0xFFFFF000  }
0x73: {  	[hbm4b:s22+s2] =	stream.linear.scatter [tilespmem:s16], [sflag:$0x2], $0x1000, $0x38;
	[tilespmem:$0x1480] =	vst v63  }
0x74: {  	_ =	swait.ge [sflag:s3], $0x1000  }
0x75: {  	[sflag:s3] =	ssyncset.done $0x0  }
0x76: {  	[sflag:s3] =	ssyncadd.s32 $0xFFFFF000  }
0x77: {  	v1 =	vld [tilespmem:$0x200]  }
0x78: {  	v2 =	vld [tilespmem:$0x280];
	_ =	sdelay $0x4  }
0x79: {  	v1 =	vmul.f32 $5.200000000e+01, v1;
	v2 =	vmul.f32 $5.200000000e+01, v2;
	_ =	sdelay $0x1  }
0x7a: {  	v3 =	vmin.f32 v1, $1.923076960e-01;
	v52 =	vmul.f32 v2, v1  }
0x7b: {  	v53 =	vmin.f32 v2, $2.500000000e-01;
	v54 =	vmin.f32 v1, $3.076923190e-01;
	v55 =	vmin.f32 v2, $5.769230720e-01  }
0x7c: {  	v1 =	vmin.f32 v1, $6.346153610e-01;
	v3 =	vmul.f32 v53, v3;
	v56 =	vadd.f32 $4.807692390e-02, v52  }
0x7d: {  	v2 =	vmin.f32 v2, $4.423076810e-01;
	v6 =	vmul.f32 v55, v54;
	v57 =	vadd.f32 $1.775147910e-01, v52  }
0x7e: {  	v1 =	vmul.f32 v2, v1;
	v4 =	vadd.f32 $2.806952600e-01, v52;
	v5 =	vsub.f32 v56, v3  }
0x7f: {  	v2 =	vsub.f32 v57, v6  }
0x80: {  	v4 =	vsub.f32 v4, v1;
	v5 =	vadd.f32 $9.999999710e-10, v5  }
0x81: {  	v2 =	vadd.f32 $9.999999710e-10, v2  }
0x82: {  	v4 =	vadd.f32 $9.999999710e-10, v4;
	(erf) = vrcp.f32 v5  }
0x83: {  	(erf) = vrcp.f32 v2  }
0x84: {  	(erf) = vrcp.f32 v4  }
0x85: {  	v58 =	vld [tilespmem:$0x180]  }
0x86: {  	v59 =	vld [tilespmem:$0x100]  }
0x87: {  	v2 =	vld [tilespmem:$0x0];
	_ =	sdelay $0x2  }
0x88: {  	v4 =	vmul.f32 $5.200000000e+01, v58  }
0x89: {  	v5 =	vmul.f32 $5.200000000e+01, v59;
	v60 =	vpop (erf)  }
0x8a: {  	v4 =	vtrunc.f32 v4;
	v2 =	vtrunc.f32 v2;
	v61 =	vpop (erf)  }
0x8b: {  	v3 =	vmul.f32 v60, v3;
	v6 =	vmul.f32 v61, v6;
	v62 =	vpop (erf)  }
0x8c: {  	v2 =	vcvt.f32.s32 v2;
	v1 =	vmul.f32 v62, v1  }
0x8d: {  	s24 =	ssub.s32 $0x2, s24;
	v4 =	vcvt.f32.s32 v4;
	vm12 =	vgt.f32 v6, v3;
	v3 =	vmax.f32 v3, v6  }
0x8e: {  	s26 =	sshrl.u32 s24, $0x1;
	v63 =	vsel vm12, $0x1, v0;
	vm13 =	vgt.f32 v1, v3;
	v1 =	vmul.u32 $0x3, v2  }
0x8f: {  	s24 =	ssub.s32 s24, s26;
	v2 =	vsel vm13, $0x2, v63  }
0x90: {  	s26 =	smax.u32 s24, $0x1;
	vm14 =	vgt.s32 v4, $0x0;
	v3 =	vtrunc.f32 v5;
	v1 =	vadd.s32 v1, v2  }
0x91: {  	p0 =	sne.s32 s26, $0x1;
	v2 =	vcvt.f32.s32 v3;
	v3 =	vnsel vm14, $0x0, v4;
	v1 =	vmul.u32 $0x34, v1  }
.Ltmp0:
0x92: {  	v3 =	vmin.u32 v3, $0x33;
	(pc) =	sbr.rel @!p0 .LBB2_2-.Ltmp0, $4  }
0x93: {  	vm15 =	vgt.s32 v2, $0x0;
	v1 =	vadd.s32 v3, v1  }
0x94: {  	v2 =	vnsel vm15, $0x0, v2;
	v1 =	vmul.u32 $0x34, v1  }
0x95: {  	v2 =	vmin.u32 v2, $0x33  }
0x96: {  	s24 =	sadd.s32 $0xC29E00, s23;
	s23 =	sadd.s32 $0xE0D400, s25;
	s25 =	sadd.s32 $0xFFFFFFFF, s26;
	v1 =	vadd.s32 v2, v1  }
.LBB2_1:
0x97: {  	p0 =	sne.s32 s25, $0x1;
	s25 =	sadd.s32 $0xFFFFFFFF, s25;
	v1 =	vmul.u32 $0x1E, v1;
	_ =	sdelay $0x1  }
0x98: {  	v2 =	vshrl.u32 v1, $0x7;
	v1 =	vadd.s32 $0x1C, v1  }
0x99: {  	v1 =	vshrl.u32 v1, $0x7;
	[tilespmem:$0x400] =	vst v2  }
0x9a: {  	[tilespmem:$0x410] =	vst v1  }
0x9b: {  	[tilespmem:s16], [sflag:$0x1] =	stream.indirect.gather [hbm4b:s24+s15], $0x80, s18, s15, $0xb8;
	[tilespmem:$0x1480] =	vst v63  }
0x9c: {  	_ =	swait.ge [sflag:s17], $0x1000  }
0x9d: {  	[sflag:s17] =	ssyncset.done $0x0  }
0x9e: {  	[sflag:s17] =	ssyncadd.s32 $0xFFFFF000  }
0x9f: {  	[hbm4b:s23+s2] =	stream.linear.scatter [tilespmem:s16], [sflag:$0x2], $0x1000, $0x38;
	[tilespmem:$0x1480] =	vst v63  }
0xa0: {  	_ =	swait.ge [sflag:s3], $0x1000  }
0xa1: {  	[sflag:s3] =	ssyncset.done $0x0  }
0xa2: {  	[sflag:s3] =	ssyncadd.s32 $0xFFFFF000  }
0xa3: {  	[tilespmem:s2], [sflag:$0x2] =	stream.linear.gather [hbm4b:s4+s2], $0x10, $0x38;
	[tilespmem:$0x1480] =	vst v63  }
0xa4: {  	_ =	swait.ge [sflag:s3], $0x10  }
0xa5: {  	[sflag:s3] =	ssyncset.done $0x0  }
0xa6: {  	[sflag:s3] =	ssyncadd.s32 $0xFFFFFFF0  }
0xa7: {  	[tilespmem:s6], [sflag:$0x2] =	stream.linear.gather [hbm4b:s5+s2], $0x10, $0x38;
	[tilespmem:$0x1480] =	vst v63  }
0xa8: {  	_ =	swait.ge [sflag:s3], $0x10  }
0xa9: {  	[sflag:s3] =	ssyncset.done $0x0  }
0xaa: {  	[sflag:s3] =	ssyncadd.s32 $0xFFFFFFF0  }
0xab: {  	[tilespmem:s8], [sflag:$0x2] =	stream.linear.gather [hbm4b:s7+s2], $0x10, $0x38;
	[tilespmem:$0x1480] =	vst v63  }
0xac: {  	_ =	swait.ge [sflag:s3], $0x10  }
0xad: {  	[sflag:s3] =	ssyncset.done $0x0  }
0xae: {  	[sflag:s3] =	ssyncadd.s32 $0xFFFFFFF0  }
0xaf: {  	[tilespmem:s10], [sflag:$0x2] =	stream.linear.gather [hbm4b:s9+s2], $0x10, $0x38;
	[tilespmem:$0x1480] =	vst v63  }
0xb0: {  	_ =	swait.ge [sflag:s3], $0x10  }
0xb1: {  	[sflag:s3] =	ssyncset.done $0x0  }
0xb2: {  	[sflag:s3] =	ssyncadd.s32 $0xFFFFFFF0  }
0xb3: {  	[tilespmem:s12], [sflag:$0x2] =	stream.linear.gather [hbm4b:s11+s2], $0x10, $0x38;
	[tilespmem:$0x1480] =	vst v63  }
0xb4: {  	_ =	swait.ge [sflag:s3], $0x10  }
0xb5: {  	[sflag:s3] =	ssyncset.done $0x0  }
0xb6: {  	[sflag:s3] =	ssyncadd.s32 $0xFFFFFFF0  }
0xb7: {  	[tilespmem:s14], [sflag:$0x2] =	stream.linear.gather [hbm4b:s13+s2], $0x10, $0x38;
	[tilespmem:$0x1480] =	vst v63  }
0xb8: {  	_ =	swait.ge [sflag:s3], $0x10  }
0xb9: {  	[sflag:s3] =	ssyncset.done $0x0  }
0xba: {  	[sflag:s3] =	ssyncadd.s32 $0xFFFFFFF0  }
0xbb: {  	v1 =	vld [tilespmem:$0x200]  }
0xbc: {  	v2 =	vld [tilespmem:$0x280]  }
0xbd: {  	v3 =	vld [tilespmem:$0x180]  }
0xbe: {  	v4 =	vld [tilespmem:$0x0]  }
0xbf: {  	v5 =	vld [tilespmem:$0x100]  }
0xc0: {  	v1 =	vmul.f32 $1.300000000e+01, v1  }
0xc1: {  	v2 =	vmul.f32 $1.300000000e+01, v2  }
0xc2: {  	v6 =	vmin.f32 v1, $8.923076630e+00;
	v7 =	vmin.f32 v1, $1.200000000e+01;
	v8 =	vmin.f32 v1, $2.869230840e+01  }
0xc3: {  	v4 =	vtrunc.f32 v4;
	v1 =	vmul.f32 v2, v1;
	v9 =	vmin.f32 v2, $1.523076920e+01  }
0xc4: {  	v10 =	vmin.f32 v2, $6.923077110e+00;
	v2 =	vmin.f32 v2, $2.507692340e+01;
	v7 =	vmul.f32 v9, v7  }
0xc5: {  	v3 =	vmul.f32 $1.300000000e+01, v3;
	v9 =	vadd.f32 $1.827692260e+02, v1;
	v11 =	vadd.f32 $7.195148320e+02, v1  }
0xc6: {  	v6 =	vmul.f32 v10, v6;
	v2 =	vmul.f32 v2, v8;
	v1 =	vadd.f32 $6.177514650e+01, v1  }
0xc7: {  	v5 =	vmul.f32 $1.300000000e+01, v5;
	v3 =	vtrunc.f32 v3;
	v8 =	vsub.f32 v9, v7  }
0xc8: {  	v3 =	vcvt.f32.s32 v3;
	v1 =	vsub.f32 v1, v6;
	v9 =	vsub.f32 v11, v2  }
0xc9: {  	v5 =	vtrunc.f32 v5;
	v8 =	vadd.f32 $9.999999710e-10, v8  }
0xca: {  	vm0 =	vgt.s32 v3, $0x0;
	v1 =	vadd.f32 $9.999999710e-10, v1;
	v9 =	vadd.f32 $9.999999710e-10, v9  }
0xcb: {  	v5 =	vcvt.f32.s32 v5;
	v3 =	vnsel vm0, $0x0, v3;
	(erf) = vrcp.f32 v8  }
0xcc: {  	(erf) = vrcp.f32 v1  }
0xcd: {  	vm0 =	vgt.s32 v5, $0x0;
	(erf) = vrcp.f32 v9  }
0xce: {  	v1 =	vnsel vm0, $0x0, v5;
	_ =	sdelay $0x5  }
0xcf: {  	v5 =	vpop (erf)  }
0xd0: {  	v5 =	vmul.f32 v5, v7;
	v7 =	vpop (erf)  }
0xd1: {  	v4 =	vcvt.f32.s32 v4;
	v6 =	vmul.f32 v7, v6;
	v7 =	vpop (erf)  }
0xd2: {  	v2 =	vmul.f32 v7, v2  }
0xd3: {  	vm0 =	vgt.f32 v5, v6;
	v5 =	vmax.f32 v6, v5  }
0xd4: {  	v6 =	vsel vm0, $0x1, v0;
	vm0 =	vgt.f32 v2, v5;
	v2 =	vmul.u32 $0x3, v4  }
0xd5: {  	v4 =	vsel vm0, $0x2, v6  }
0xd6: {  	v2 =	vadd.s32 v2, v4  }
0xd7: {  	v2 =	vmul.u32 $0xD, v2  }
0xd8: {  	v3 =	vmin.u32 v3, $0xC  }
0xd9: {  	v2 =	vadd.s32 v3, v2  }
0xda: {  	v2 =	vmul.u32 $0xD, v2  }
0xdb: {  	v1 =	vmin.u32 v1, $0xC  }
0xdc: {  	v1 =	vadd.s32 v1, v2  }
0xdd: {  	v1 =	vmul.u32 $0x1E, v1;
	_ =	sdelay $0x1  }
0xde: {  	v2 =	vshrl.u32 v1, $0x7;
	v1 =	vadd.s32 $0x1C, v1  }
0xdf: {  	v1 =	vshrl.u32 v1, $0x7;
	[tilespmem:$0x400] =	vst v2  }
0xe0: {  	[tilespmem:$0x410] =	vst v1  }
0xe1: {  	[tilespmem:s16], [sflag:$0x1] =	stream.indirect.gather [hbm4b:s19+s15], $0x80, s18, s15, $0xb8;
	[tilespmem:$0x1480] =	vst v63  }
0xe2: {  	_ =	swait.ge [sflag:s17], $0x1000  }
0xe3: {  	[sflag:s17] =	ssyncset.done $0x0  }
0xe4: {  	[sflag:s17] =	ssyncadd.s32 $0xFFFFF000  }
0xe5: {  	[hbm4b:s20+s2] =	stream.linear.scatter [tilespmem:s16], [sflag:$0x2], $0x1000, $0x38;
	[tilespmem:$0x1480] =	vst v63  }
0xe6: {  	_ =	swait.ge [sflag:s3], $0x1000  }
0xe7: {  	[sflag:s3] =	ssyncset.done $0x0  }
0xe8: {  	[sflag:s3] =	ssyncadd.s32 $0xFFFFF000  }
0xe9: {  	v1 =	vld [tilespmem:$0x200]  }
0xea: {  	v2 =	vld [tilespmem:$0x280]  }
0xeb: {  	v3 =	vld [tilespmem:$0x0]  }
0xec: {  	v4 =	vld [tilespmem:$0x180]  }
0xed: {  	v5 =	vld [tilespmem:$0x100];
	_ =	sdelay $0x1  }
0xee: {  	v1 =	vmul.f32 $2.600000000e+01, v1;
	v2 =	vmul.f32 $2.600000000e+01, v2  }
0xef: {  	v3 =	vtrunc.f32 v3  }
0xf0: {  	v6 =	vmin.f32 v1, $1.153846140e+00;
	v7 =	vmin.f32 v2, $2.346153740e+00;
	v8 =	vmul.f32 v2, v1  }
0xf1: {  	v9 =	vmin.f32 v2, $1.730769280e+00;
	v6 =	vmul.f32 v7, v6;
	v7 =	vmin.f32 v1, $2.384615420e+00  }
0xf2: {  	v10 =	vadd.f32 $2.707100390e+00, v8;
	v7 =	vmul.f32 v9, v7;
	v9 =	vadd.f32 $4.127219200e+00, v8  }
0xf3: {  	v2 =	vmin.f32 v2, $4.576922890e+00;
	v1 =	vmin.f32 v1, $2.269230840e+00;
	v8 =	vadd.f32 $1.038609500e+01, v8  }
0xf4: {  	v1 =	vmul.f32 v2, v1;
	v10 =	vsub.f32 v10, v6;
	v9 =	vsub.f32 v9, v7  }
0xf5: {  	v2 =	vcvt.f32.s32 v3;
	v3 =	vmul.f32 $2.600000000e+01, v4  }
0xf6: {  	v4 =	vmul.f32 $2.600000000e+01, v5;
	v5 =	vadd.f32 $9.999999710e-10, v10;
	v9 =	vadd.f32 $9.999999710e-10, v9  }
0xf7: {  	v3 =	vtrunc.f32 v3;
	v8 =	vsub.f32 v8, v1  }
0xf8: {  	v3 =	vcvt.f32.s32 v3;
	(erf) = vrcp.f32 v5  }
0xf9: {  	v4 =	vtrunc.f32 v4;
	v5 =	vadd.f32 $9.999999710e-10, v8;
	(erf) = vrcp.f32 v9  }
0xfa: {  	v4 =	vcvt.f32.s32 v4;
	vm0 =	vgt.s32 v3, $0x0  }
0xfb: {  	v3 =	vnsel vm0, $0x0, v3;
	(erf) = vrcp.f32 v5  }
0xfc: {  	vm0 =	vgt.s32 v4, $0x0  }
0xfd: {  	v4 =	vnsel vm0, $0x0, v4;
	_ =	sdelay $0x3  }
0xfe: {  	v5 =	vpop (erf)  }
0xff: {  	v5 =	vmul.f32 v5, v6;
	v6 =	vpop (erf)  }
0x100: {  	v6 =	vmul.f32 v6, v7  }
0x101: {  	v7 =	vpop (erf)  }
0x102: {  	v1 =	vmul.f32 v7, v1;
	vm0 =	vgt.f32 v6, v5;
	v5 =	vmax.f32 v5, v6;
	_ =	sdelay $0x1  }
0x103: {  	v6 =	vsel vm0, $0x1, v0;
	vm0 =	vgt.f32 v1, v5;
	v1 =	vmul.u32 $0x3, v2  }
0x104: {  	v2 =	vsel vm0, $0x2, v6  }
0x105: {  	v1 =	vadd.s32 v1, v2  }
0x106: {  	v1 =	vmul.u32 $0x1A, v1  }
0x107: {  	v2 =	vmin.u32 v3, $0x19  }
0x108: {  	v1 =	vadd.s32 v2, v1  }
0x109: {  	v1 =	vmul.u32 $0x1A, v1  }
0x10a: {  	v2 =	vmin.u32 v4, $0x19  }
0x10b: {  	v1 =	vadd.s32 v2, v1  }
0x10c: {  	v1 =	vmul.u32 $0x1E, v1;
	_ =	sdelay $0x1  }
0x10d: {  	v2 =	vshrl.u32 v1, $0x7;
	v1 =	vadd.s32 $0x1C, v1  }
0x10e: {  	v1 =	vshrl.u32 v1, $0x7;
	[tilespmem:$0x400] =	vst v2  }
0x10f: {  	[tilespmem:$0x410] =	vst v1  }
0x110: {  	[tilespmem:s16], [sflag:$0x1] =	stream.indirect.gather [hbm4b:s21+s15], $0x80, s18, s15, $0xb8;
	[tilespmem:$0x1480] =	vst v63  }
0x111: {  	_ =	swait.ge [sflag:s17], $0x1000  }
0x112: {  	[sflag:s17] =	ssyncset.done $0x0  }
0x113: {  	[sflag:s17] =	ssyncadd.s32 $0xFFFFF000  }
0x114: {  	[hbm4b:s22+s2] =	stream.linear.scatter [tilespmem:s16], [sflag:$0x2], $0x1000, $0x38;
	[tilespmem:$0x1480] =	vst v63  }
0x115: {  	_ =	swait.ge [sflag:s3], $0x1000  }
0x116: {  	[sflag:s3] =	ssyncset.done $0x0  }
0x117: {  	[sflag:s3] =	ssyncadd.s32 $0xFFFFF000  }
0x118: {  	v1 =	vld [tilespmem:$0x200]  }
0x119: {  	v2 =	vld [tilespmem:$0x280]  }
0x11a: {  	v3 =	vld [tilespmem:$0x0]  }
0x11b: {  	v4 =	vld [tilespmem:$0x180]  }
0x11c: {  	v5 =	vld [tilespmem:$0x100]  }
0x11d: {  	v1 =	vmul.f32 $5.200000000e+01, v1  }
0x11e: {  	v2 =	vmul.f32 $5.200000000e+01, v2  }
0x11f: {  	v3 =	vtrunc.f32 v3  }
0x120: {  	v6 =	vmin.f32 v1, $1.923076960e-01;
	v7 =	vmin.f32 v2, $2.500000000e-01;
	v8 =	vmul.f32 v2, v1  }
0x121: {  	v9 =	vmin.f32 v2, $5.769230720e-01;
	v6 =	vmul.f32 v7, v6;
	v7 =	vmin.f32 v1, $3.076923190e-01  }
0x122: {  	v10 =	vadd.f32 $4.807692390e-02, v8;
	v7 =	vmul.f32 v9, v7;
	v9 =	vadd.f32 $1.775147910e-01, v8  }
0x123: {  	v3 =	vcvt.f32.s32 v3;
	v1 =	vmin.f32 v1, $6.346153610e-01;
	v8 =	vadd.f32 $2.806952600e-01, v8  }
0x124: {  	v2 =	vmin.f32 v2, $4.423076810e-01;
	v10 =	vsub.f32 v10, v6;
	v9 =	vsub.f32 v9, v7  }
0x125: {  	v4 =	vmul.f32 $5.200000000e+01, v4;
	v1 =	vmul.f32 v2, v1  }
0x126: {  	v2 =	vmul.f32 $5.200000000e+01, v5;
	v5 =	vadd.f32 $9.999999710e-10, v10;
	v9 =	vadd.f32 $9.999999710e-10, v9  }
0x127: {  	v4 =	vtrunc.f32 v4;
	v8 =	vsub.f32 v8, v1  }
0x128: {  	v4 =	vcvt.f32.s32 v4;
	(erf) = vrcp.f32 v5  }
0x129: {  	v2 =	vtrunc.f32 v2;
	v5 =	vadd.f32 $9.999999710e-10, v8;
	(erf) = vrcp.f32 v9  }
0x12a: {  	v2 =	vcvt.f32.s32 v2;
	vm0 =	vgt.s32 v4, $0x0  }
0x12b: {  	v4 =	vnsel vm0, $0x0, v4;
	(erf) = vrcp.f32 v5  }
0x12c: {  	vm0 =	vgt.s32 v2, $0x0  }
0x12d: {  	v2 =	vnsel vm0, $0x0, v2;
	_ =	sdelay $0x3  }
0x12e: {  	v5 =	vpop (erf)  }
0x12f: {  	v8 =	vpop (erf)  }
0x130: {  	v5 =	vmul.f32 v5, v6;
	v6 =	vmul.f32 v8, v7  }
0x131: {  	v7 =	vpop (erf)  }
0x132: {  	v1 =	vmul.f32 v7, v1;
	vm0 =	vgt.f32 v6, v5  }
0x133: {  	v5 =	vmax.f32 v5, v6  }
0x134: {  	v6 =	vsel vm0, $0x1, v0;
	vm0 =	vgt.f32 v1, v5;
	v1 =	vmul.u32 $0x3, v3  }
0x135: {  	v3 =	vsel vm0, $0x2, v6  }
0x136: {  	v1 =	vadd.s32 v1, v3  }
0x137: {  	v1 =	vmul.u32 $0x34, v1  }
.Ltmp1:
0x138: {  	v3 =	vmin.u32 v4, $0x33;
	(pc) =	sbr.rel @p0 .LBB2_1-.Ltmp1, $4  }
0x139: {  	v1 =	vadd.s32 v3, v1  }
0x13a: {  	v1 =	vmul.u32 $0x34, v1  }
0x13b: {  	v2 =	vmin.u32 v2, $0x33  }
0x13c: {  	v1 =	vadd.s32 v2, v1  }
.LBB2_2:
0x13d: {  	v0 =	vmul.u32 $0x1E, v1;
	_ =	sdelay $0x1  }
0x13e: {  	v1 =	vshrl.u32 v0, $0x7;
	v0 =	vadd.s32 $0x1C, v0  }
0x13f: {  	v0 =	vshrl.u32 v0, $0x7;
	[tilespmem:$0x400] =	vst v1  }
0x140: {  	[tilespmem:$0x410] =	vst v0  }
0x141: {  	[tilespmem:s16], [sflag:$0x1] =	stream.indirect.gather [hbm4b:s24+s15], $0x80, s18, s15, $0xb8;
	[tilespmem:$0x1480] =	vst v63  }
0x142: {  	_ =	swait.ge [sflag:s17], $0x1000  }
0x143: {  	[sflag:s17] =	ssyncset.done $0x0  }
0x144: {  	[sflag:s17] =	ssyncadd.s32 $0xFFFFF000  }
0x145: {  	[hbm4b:s23+s2] =	stream.linear.scatter [tilespmem:s16], [sflag:$0x2], $0x1000, $0x38;
	[tilespmem:$0x1480] =	vst v63  }
0x146: {  	_ =	swait.ge [sflag:s3], $0x1000  }
0x147: {  	[sflag:s3] =	ssyncset.done $0x0  }
0x148: {  	[sflag:s3] =	ssyncadd.s32 $0xFFFFF000  }
0x149: {  	_ =	sfence.sel $0x180000  }
0x14a: {  	[bflag:$0x0] =	sbarrier.arrive $0xFFFF  }
0x14b: {  	p0 =	sne.s32 s0, $0x0;
	_ =	strace $0x90000047  }
0x14c: {  	s0 =	sadd.s32 @!p0 $0x100000, s1;
	[bflag:$0x2] =	sbarrier.arrive $0xFFFF  }
0x14d: {  	[sflag:s0] =	ssyncadd.tile.s32 @!p0 $0x1;
	_ =	shalt  }
.Lfunc_end2:
_tile_overlayer_lowered:
.L_overlay_start_2:
0x14e: {  	(tag) =	ssettag $0x2  }
0x14f: {  	s0 =	rddreg [dreg:$0x0];
	s2 =	stileid.u32  }
0x150: {  	s1 =	rddreg [dreg:$0x1];
	p0 =	sne.s32 s2, $0x0  }
0x151: {  	s3 =	rddreg [dreg:$0x2];
	[bflag:$0x3] =	sbarrier.arrive $0xFFFF;
	s2 =	simm.s32 @!p0 $0x1C02  }
0x152: {  	[timem:s3], [sflag:s2] =	dma.local @!p0 [hbm:s0], s1  }
0x153: {  	s0 =	simm.s32 @!p0 $0x2  }
0x154: {  	_ =	swait.ge @!p0 [sflag:s0], s1  }
0x155: {  	s1 =	ssub.s32 @!p0 $0x0, s1;
	[sflag:s0] =	ssyncset.done @!p0 $0x0  }
0x156: {  	[sflag:s0] =	ssyncadd.s32 @!p0 s1  }
0x157: {  	[bflag:$0x3] =	sbarrier.arrive $0xFFFF  }
0x158: {  	_ =	shalt  }

</sc_bundles>
